<compile_context>
chip_gen: v7x
topology: tpu7x:2x2x1
jax: 0.10.2.dev20260603
libtpu: 0.0.44.dev20260713+nightly
codegen_flags: <defaults>
</compile_context>

<pallas_src>
import functools

import jax
import jax.numpy as jnp
from jax import lax
from jax.experimental import pallas as pl
from jax.experimental.pallas import tpu as pltpu
from jax.experimental.pallas import tpu_sc as plsc

F32 = jnp.float32


def _dot(a, b, precision=None):
    return jnp.dot(a, b, preferred_element_type=F32, precision=precision)




def _lra_call(x, lw, pre_w=None):
    n, d = x.shape
    k = lw['u'].shape[1]

    def body(x_ref, u_ref, v_ref, z_ref, t_ref, *rest):
        x_ = x_ref[...]
        u = _dot(x_, u_ref[...])
        v = _dot(x_, v_ref[...])
        z = _dot(x_, z_ref[...])
        t = _dot(x_, t_ref[...])
        m = lax.dot_general(v, z, (((0,), (0,)), ((), ())),
                            preferred_element_type=F32)
        dm = _dot(u, m) * (1.0 / n)
        if pre_w is None:
            (att_ref,) = rest
        else:
            w_ref, att_ref, pre_ref = rest
            pre_ref[...] = _dot(x_, w_ref[...])
        att_ref[...] = jnp.concatenate([dm, t], axis=1)

    out_shape = [jax.ShapeDtypeStruct((n, 2 * k), F32)]
    operands = [x, lw['u'], lw['v'], lw['z'], lw['t']]
    if pre_w is not None:
        operands.append(pre_w)
        out_shape.append(jax.ShapeDtypeStruct((n, pre_w.shape[1]), F32))
    outs = pl.pallas_call(body, out_shape=out_shape)(*operands)
    return outs if pre_w is not None else outs[0]


def _mm_call(a, w, br=1000):
    n, ka = a.shape

    def body(a_ref, w_ref, o_ref):
        o_ref[...] = _dot(a_ref[...], w_ref[...])

    return pl.pallas_call(
        body, grid=(n // br,),
        in_specs=[pl.BlockSpec((br, ka), lambda i: (i, 0)),
                  pl.BlockSpec(w.shape, lambda i: (0, 0))],
        out_specs=pl.BlockSpec((br, w.shape[1]), lambda i: (i, 0)),
        out_shape=jax.ShapeDtypeStruct((n, w.shape[1]), F32))(a, w)


def _layer_call(kind, hd, hp, s, att, wdd, wpp=None, wdp=None, wpdn=None,
                br=1000):
    n, dd = hd.shape
    grid = (n // br,)
    nc = s.shape[0]
    ko = 0 if kind == 'last' else 2
    d1 = dd + att.shape[1]
    d1pad = (-(-d1 // 128) * 128) if kind == 'last' else d1

    def body(*refs):
        if kind == 'first':
            (hd_ref, hp_ref, s_ref, att_ref, wdd_ref, wpp_ref,
             wdp_ref, wpdn_ref, hdo_ref, hpo_ref, x_ref) = refs
        elif kind == 'mid':
            (hd_ref, hp_ref, s_ref, att_ref, wdd_ref, wpp_ref,
             wpdn_ref, hdo_ref, x_ref) = refs
        else:
            hd_ref, s_ref, att_ref, wdd_ref, hdo_ref = refs
        hd_ = hd_ref[...]
        msg_d = jnp.concatenate([s_ref[i] for i in range(ko, nc)],
                                axis=1)[:, :dd]
        hd_c = _dot(hd_, wdd_ref[...]) + msg_d
        if kind != 'first':
            hd_c = hd_c + hd_
        parts = [jnp.maximum(hd_c, 0.0), jnp.maximum(att_ref[...], 0.0)]
        if kind == 'last' and d1pad > d1:
            parts.append(jnp.zeros((hd_.shape[0], d1pad - d1), F32))
        h = jnp.concatenate(parts, axis=1)
        hdo_ref[...] = h
        if kind != 'last':
            hp_ = hp_ref[...]
            hp_c = (_dot(hp_, wpp_ref[...])
                    + jnp.concatenate([s_ref[0], s_ref[1]], axis=1))
            if kind != 'first':
                hp_c = hp_c + hp_
            hpr = jnp.maximum(hp_c, 0.0)
            q = 0
            if kind == 'first':
                hpo_ref[...] = hpr
                xp = _dot(h, wdp_ref[...])
                x_ref[0] = xp[:, :128]
                x_ref[1] = xp[:, 128:]
                q = 2
            xn = _dot(hpr, wpdn_ref[...])
            wn = xn.shape[1]
            if wn % 128:
                xn = jnp.concatenate(
                    [xn, jnp.zeros((xn.shape[0], 128 - wn % 128), F32)],
                    axis=1)
            for j in range(xn.shape[1] // 128):
                x_ref[q + j] = xn[:, 128 * j:128 * (j + 1)]

    row = lambda w: pl.BlockSpec((br, w), lambda i: (i, 0))
    full = lambda a: pl.BlockSpec(a.shape, lambda i: tuple(0 for _ in a.shape))
    s_spec = pl.BlockSpec((nc, br, 128), lambda i: (0, i, 0))
    if kind != 'last':
        nx = (2 if kind == 'first' else 0) + -(-wpdn.shape[1] // 128)
        x_spec = pl.BlockSpec((nx, br, 128), lambda i: (0, i, 0))

    if kind == 'first':
        operands = [hd, hp, s, att, wdd, wpp, wdp, wpdn]
        in_specs = [row(dd), row(256), s_spec, row(att.shape[1]),
                    full(wdd), full(wpp), full(wdp), full(wpdn)]
        out_shape = [jax.ShapeDtypeStruct((n, d1), F32),
                     jax.ShapeDtypeStruct((n, 256), F32),
                     jax.ShapeDtypeStruct((nx, n, 128), F32)]
        out_specs = [row(d1), row(256), x_spec]
    elif kind == 'mid':
        operands = [hd, hp, s, att, wdd, wpp, wpdn]
        in_specs = [row(dd), row(256), s_spec, row(att.shape[1]),
                    full(wdd), full(wpp), full(wpdn)]
        out_shape = [jax.ShapeDtypeStruct((n, d1), F32),
                     jax.ShapeDtypeStruct((nx, n, 128), F32)]
        out_specs = [row(d1), x_spec]
    else:
        operands = [hd, s, att, wdd]
        in_specs = [row(dd), s_spec, row(att.shape[1]), full(wdd)]
        out_shape = jax.ShapeDtypeStruct((n, d1pad), F32)
        out_specs = row(d1pad)

    return pl.pallas_call(body, grid=grid, in_specs=in_specs,
                          out_specs=out_specs, out_shape=out_shape)(*operands)


def _pred_call(g, attr, w1a, w1b, w1c, b1, w2, b2, br=512):
    nb, aw = attr.shape
    dcols = g.shape[1]
    grid = (nb // br,)

    def body(hi_ref, hj_ref, at_ref, w1a_ref, w1b_ref, w1c_ref, b1_ref,
             w2_ref, b2_ref, o_ref):
        z = (_dot(hi_ref[...], w1a_ref[...])
             + _dot(hj_ref[...], w1b_ref[...])
             + _dot(at_ref[...], w1c_ref[...]) + b1_ref[...])
        z = jnp.maximum(z, 0.0)
        o_ref[...] = _dot(z, w2_ref[...]) + b2_ref[...]

    off = nb // br
    full = lambda a: pl.BlockSpec(a.shape, lambda i: tuple(0 for _ in a.shape))
    in_specs = [
        pl.BlockSpec((br, dcols), lambda i: (i, 0)),
        pl.BlockSpec((br, dcols), lambda i: (i + off, 0)),
        pl.BlockSpec((br, aw), lambda i: (i, 0)),
        full(w1a), full(w1b), full(w1c), full(b1), full(w2), full(b2),
    ]
    out = pl.pallas_call(
        body, grid=grid, in_specs=in_specs,
        out_specs=pl.BlockSpec((br, 1), lambda i: (i, 0)),
        out_shape=jax.ShapeDtypeStruct((nb, 1), F32),
    )(g, g, attr, w1a, w1b, w1c, b1, w2, b2)
    return out[:, 0]



_NC, _NS = 2, 16


def _sc_scatter(x, ei, zeros_slice, nchunk):
    _, n, _ = x.shape
    nbt = ei.shape[0]
    nblk = nbt // _NS
    assert nbt % _NS == 0 and nblk % 2 == 0
    nhalf = nblk // 2
    rpt = (-(-n // _NS) + 7) // 8 * 8
    passes = -(-nchunk // _NC)
    mesh = plsc.VectorSubcoreMesh(core_axis_name="c", subcore_axis_name="s")

    @functools.partial(
        pl.kernel,
        out_type=jax.ShapeDtypeStruct((nchunk, n, 128), F32),
        mesh=mesh,
        scratch_types=[
            pltpu.VMEM((2, 128), jnp.int32),
            pltpu.VMEM((2, 128), jnp.int32),
            pltpu.VMEM((128, 128), F32),
            pltpu.VMEM((128, 128), F32),
            pltpu.VMEM_SHARED((n + 8, 128), F32),
            pltpu.SemaphoreType.DMA,
            pltpu.SemaphoreType.DMA,
            pltpu.SemaphoreType.DMA,
            pltpu.SemaphoreType.DMA,
        ],
    )
    def k(x_hbm, ei_hbm, z_hbm, out_hbm, ib0, ib1, rows0, rows1, acc,
          semi0, semi1, semg0, semg1):
        c = lax.axis_index("c")
        s = lax.axis_index("s")
        r0 = pl.multiple_of(jnp.minimum(s * rpt, n - rpt), 8)
        base = s * nblk
        for p in range(passes):
            chunk = p * _NC + c

            def run_pass(chunk=chunk):
                pltpu.sync_copy(z_hbm, acc.at[pl.ds(r0, rpt)])
                plsc.subcore_barrier()
                xc = x_hbm.at[chunk]
                pltpu.async_copy(ei_hbm.at[base], ib0, semi0)

                def body(i, _):
                    g0 = base + 2 * i
                    pltpu.make_async_copy(ei_hbm.at[base], ib0, semi0).wait()
                    pltpu.async_copy(xc.at[ib0.at[0]], rows0, semg0)

                    @pl.when(i > 0)
                    def _prev():
                        pltpu.make_async_copy(xc.at[ib1.at[0]], rows1,
                                              semg1).wait()
                        pltpu.sync_copy(rows1, acc.at[ib1.at[1]], add=True)

                    pltpu.async_copy(ei_hbm.at[g0 + 1], ib1, semi1)
                    pltpu.make_async_copy(ei_hbm.at[base], ib1, semi1).wait()
                    pltpu.make_async_copy(xc.at[ib0.at[0]], rows0,
                                          semg0).wait()
                    pltpu.async_copy(xc.at[ib1.at[0]], rows1, semg1)
                    pltpu.sync_copy(rows0, acc.at[ib0.at[1]], add=True)

                    @pl.when(i + 1 < nhalf)
                    def _next():
                        pltpu.async_copy(ei_hbm.at[g0 + 2], ib0, semi0)

                    return _

                lax.fori_loop(0, nhalf, body, None)
                pltpu.make_async_copy(xc.at[ib1.at[0]], rows1, semg1).wait()
                pltpu.sync_copy(rows1, acc.at[ib1.at[1]], add=True)
                plsc.subcore_barrier()
                pltpu.sync_copy(acc.at[pl.ds(r0, rpt)],
                                out_hbm.at[chunk, pl.ds(r0, rpt)])
                plsc.subcore_barrier()

            if p * _NC + _NC <= nchunk:
                run_pass()
            else:
                pl.when(chunk < nchunk)(run_pass)

    return k(x, ei, zeros_slice)


def _sc_gather(tab, idx):
    n, dcols = tab.shape
    ni = idx.shape[0]
    per_w = ni // (_NC * _NS)
    nb = per_w // 128
    mesh = plsc.VectorSubcoreMesh(core_axis_name="c", subcore_axis_name="s")

    @functools.partial(
        pl.kernel,
        out_type=jax.ShapeDtypeStruct((ni, dcols), F32),
        mesh=mesh,
        scratch_types=[
            pltpu.VMEM((128,), jnp.int32),
            pltpu.VMEM((128, dcols), F32),
            pltpu.SemaphoreType.DMA,
        ],
    )
    def k(tab_hbm, idx_hbm, out_hbm, ibuf, rows, sem):
        c = lax.axis_index("c")
        s = lax.axis_index("s")
        wid = s * _NC + c
        for b in range(nb):
            o = pl.multiple_of(wid * per_w + b * 128, 128)
            pltpu.sync_copy(idx_hbm.at[pl.ds(o, 128)], ibuf)
            pltpu.async_copy(tab_hbm.at[ibuf], rows, sem).wait()
            pltpu.sync_copy(rows, out_hbm.at[pl.ds(o, 128)])

    return k(tab, idx)




def kernel(x_drugs, ddi_edge_attr, params, edge_index, ddi_edge_idx):
    nd, d = x_drugs.shape
    prot = params['prot_emb']
    npr = prot.shape[0]
    n = nd + npr
    c1, r0, r1 = params['conv1'], params['res0'], params['res1']
    zeros_slice = jnp.zeros(((-(-n // _NS) + 7) // 8 * 8, 128), F32)

    e = edge_index.shape[1]
    epad = -(-e // (_NS * 256)) * (_NS * 256)
    if epad != e:
        pn = epad - e
        pad_edges = jnp.stack([
            jnp.zeros((pn,), jnp.int32),
            n + (jnp.arange(pn, dtype=jnp.int32) % 8)])
        edge_index = jnp.concatenate([edge_index, pad_edges], axis=1)
    edge_index = edge_index.reshape(2, epad // 128, 128).transpose(1, 0, 2)

    def pad(a):
        return jnp.concatenate(
            [a, jnp.zeros((n - a.shape[0], a.shape[1]), F32)], axis=0)

    hd0 = pad(x_drugs)
    hp0 = jnp.concatenate([jnp.zeros((nd, d), F32), prot], axis=0)

    att0, xdp1 = _lra_call(x_drugs, params['lra0'], pre_w=c1['dp'])
    xdp1p = pad(xdp1)
    pw = _mm_call(prot, c1['pd'])
    pwp = jnp.concatenate([jnp.zeros((nd, d), F32), pw], axis=0)
    x1 = jnp.stack([xdp1p[:, :128], xdp1p[:, 128:],
                    pwp[:, :128], pwp[:, 128:]])
    s1 = _sc_scatter(x1, edge_index, zeros_slice, 4)
    hd1, hp1, x2 = _layer_call('first', hd0, hp0, s1, pad(att0),
                               wdd=c1['dd'], wpp=c1['pp'],
                               wdp=r0['dp'], wpdn=r0['pd'])

    s2 = _sc_scatter(x2, edge_index, zeros_slice, 5)
    att1 = _lra_call(hd1[:nd], params['lra1'])
    hd2, x3 = _layer_call('mid', hd1, hp1, s2, pad(att1),
                          wdd=r0['dd'], wpp=r0['pp'], wpdn=r1['pd'])

    s3 = _sc_scatter(x3, edge_index, zeros_slice, 3)
    att2 = _lra_call(hd2[:nd], params['lra2'])
    hd3 = _layer_call('last', hd2, None, s3, pad(att2), wdd=r1['dd'])

    idx_flat = jnp.concatenate([ddi_edge_idx[:, 0], ddi_edge_idx[:, 1]])
    g = _sc_gather(hd3, idx_flat)
    w1 = params['pred']['W1']
    d3 = hd2.shape[1] + 2 * params['lra2']['u'].shape[1]
    dpad = hd3.shape[1] - d3
    wpad = lambda w: jnp.concatenate(
        [w, jnp.zeros((dpad, w.shape[1]), F32)], axis=0)
    return _pred_call(g, ddi_edge_attr,
                      wpad(w1[:d3]), wpad(w1[d3:2 * d3]), w1[2 * d3:],
                      params['pred']['b1'].reshape(1, -1),
                      params['pred']['W2'],
                      params['pred']['b2'].reshape(1, 1))

# --- scband reference (transcript-rebuilt; emitter-appended) ---
"""Pipeline reference for scband-giant-graph-gcn-16295105921278 (READ-ONLY COPY).

The authoritative reference and input builder live on the scoring server;
editing this copy changes nothing except your own understanding.
"""

import jax, jax.numpy as jnp
import numpy as np

N_DRUGS = 2000
N_PROTS = 8000
D = 256
K = 32
E = 160000
B = 4096
ATTR = 16
D1 = D + 2 * K
D2 = D1 + 2 * K
D3 = D2 + 2 * K
PIN = 2 * D3 + ATTR

def _mk(key, i, shape, s=0.05):
    return s * jax.random.normal(jax.random.fold_in(key, i), shape, dtype=jnp.float32)

def setup_inputs(seed: int = 0):
    key = jax.random.key(seed)
    x_drugs = jax.random.normal(jax.random.fold_in(key, 100), (N_DRUGS, D), dtype=jnp.float32)
    edge_index = jax.random.randint(jax.random.fold_in(key, 101), (2, E), 0, N_DRUGS + N_PROTS, dtype=jnp.int32)
    ddi_edge_idx = jax.random.randint(jax.random.fold_in(key, 102), (B, 2), 0, N_DRUGS, dtype=jnp.int32)
    ddi_edge_attr = jax.random.normal(jax.random.fold_in(key, 103), (B, ATTR), dtype=jnp.float32)
    params = {
        'prot_emb': _mk(key, 0, (N_PROTS, D), 0.01),
        'conv1': {'dd': _mk(key, 1, (D, D)), 'pd': _mk(key, 2, (D, D)), 'dp': _mk(key, 3, (D, D)), 'pp': _mk(key, 4, (D, D))},
        'lra0': {'u': _mk(key, 5, (D, K)), 'v': _mk(key, 6, (D, K)), 'z': _mk(key, 7, (D, K)), 't': _mk(key, 8, (D, K))},
        'res0': {'dd': _mk(key, 9, (D1, D1)), 'pd': _mk(key, 10, (D, D1)), 'dp': _mk(key, 11, (D1, D)), 'pp': _mk(key, 12, (D, D))},
        'lra1': {'u': _mk(key, 13, (D1, K)), 'v': _mk(key, 14, (D1, K)), 'z': _mk(key, 15, (D1, K)), 't': _mk(key, 16, (D1, K))},
        'res1': {'dd': _mk(key, 17, (D2, D2)), 'pd': _mk(key, 18, (D, D2)), 'dp': _mk(key, 19, (D2, D)), 'pp': _mk(key, 20, (D, D))},
        'lra2': {'u': _mk(key, 21, (D2, K)), 'v': _mk(key, 22, (D2, K)), 'z': _mk(key, 23, (D2, K)), 't': _mk(key, 24, (D2, K))},
        'pred': {'W1': _mk(key, 25, (PIN, 512)), 'b1': jnp.zeros((512,), jnp.float32), 'W2': _mk(key, 26, (512, 1)), 'b2': jnp.zeros((1,), jnp.float32)},
    }
    return {'x_drugs': x_drugs, 'ddi_edge_attr': ddi_edge_attr, 'params': params, 'edge_index': edge_index, 'ddi_edge_idx': ddi_edge_idx}

def _forward(x_drugs, ddi_edge_attr, params, edge_index, ddi_edge_idx):
    n_drugs = x_drugs.shape[0]
    prot_emb = params['prot_emb']
    n_prots = prot_emb.shape[0]
    N = n_drugs + n_prots
    src = edge_index[0]
    dst = edge_index[1]
    h_drug = jnp.concatenate([x_drugs, jnp.zeros((n_prots, x_drugs.shape[1]), x_drugs.dtype)], axis=0)
    h_prot = jnp.concatenate([jnp.zeros((n_drugs, prot_emb.shape[1]), prot_emb.dtype), prot_emb], axis=0)

    def conv(hd, hp, W):
        msg_d = jax.ops.segment_sum(jnp.take(hp, src, axis=0) @ W['pd'], dst, num_segments=N)
        msg_p = jax.ops.segment_sum(jnp.take(hd, src, axis=0) @ W['dp'], dst, num_segments=N)
        return hd @ W['dd'] + msg_d, hp @ W['pp'] + msg_p

    def lra(x, W):
        U = x @ W['u']
        V = x @ W['v']
        Z = x @ W['z']
        T = x @ W['t']
        Dm = (U @ (V.T @ Z)) / x.shape[0]
        return jnp.concatenate([Dm, T], axis=1)

    hd_n, hp_n = conv(h_drug, h_prot, params['conv1'])
    att = lra(h_drug[:n_drugs], params['lra0'])
    att = jnp.concatenate([att, jnp.zeros((n_prots, att.shape[1]), att.dtype)], axis=0)
    hd_n = jnp.concatenate([hd_n, att], axis=1)
    h_drug = jax.nn.relu(hd_n)
    h_prot = jax.nn.relu(hp_n)
    for i in range(2):
        W = params['res%d' % i]
        hd_c, hp_c = conv(h_drug, h_prot, W)
        hd_c = hd_c + h_drug
        hp_c = hp_c + h_prot
        att = lra(h_drug[:n_drugs], params['lra%d' % (i + 1)])
        att = jnp.concatenate([att, jnp.zeros((n_prots, att.shape[1]), att.dtype)], axis=0)
        hd_n = jnp.concatenate([hd_c, att], axis=1)
        h_drug = jax.nn.relu(hd_n)
        h_prot = jax.nn.relu(hp_c)
    hi = jnp.take(h_drug, ddi_edge_idx[:, 0], axis=0)
    hj = jnp.take(h_drug, ddi_edge_idx[:, 1], axis=0)
    z = jnp.concatenate([hi, hj, ddi_edge_attr], axis=1)
    z = jax.nn.relu(z @ params['pred']['W1'] + params['pred']['b1'])
    out = z @ params['pred']['W2'] + params['pred']['b2']
    return out[:, 0]

def reference(x_drugs, ddi_edge_attr, params, edge_index, ddi_edge_idx):
    return _forward(x_drugs, ddi_edge_attr, params, edge_index, ddi_edge_idx)

if __name__ == "__main__":
    import jax
    _d = setup_inputs()
    print(jax.jit(kernel)(*tuple(_d.values())))

</pallas_src>

<mosaic_0001>
#map = affine_map<(d0, d1) -> (0, 0, 0)>
#map1 = affine_map<(d0, d1) -> (0, 0)>
module attributes {stable_mosaic.version = 14 : i64} {
  func.func @k(%arg0: i32, %arg1: i32, %arg2: memref<4x10000x128xf32, #tpu.memory_space<hbm>>, %arg3: memref<1280x2x128xi32, #tpu.memory_space<hbm>>, %arg4: memref<632x128xf32, #tpu.memory_space<hbm>>, %arg5: memref<4x10000x128xf32, #tpu.memory_space<hbm>>, %arg6: memref<2x128xi32, #tpu.memory_space<vmem>>, %arg7: memref<2x128xi32, #tpu.memory_space<vmem>>, %arg8: memref<128x128xf32, #tpu.memory_space<vmem>>, %arg9: memref<128x128xf32, #tpu.memory_space<vmem>>, %arg10: memref<10008x128xf32, #tpu.memory_space<vmem_shared>>, %arg11: memref<!tpu.dma_semaphore, #tpu.memory_space<semaphore_mem>>, %arg12: memref<!tpu.dma_semaphore, #tpu.memory_space<semaphore_mem>>, %arg13: memref<!tpu.dma_semaphore, #tpu.memory_space<semaphore_mem>>, %arg14: memref<!tpu.dma_semaphore, #tpu.memory_space<semaphore_mem>>) attributes {dimension_semantics = [#tpu.dimension_semantics<core_parallel>, #tpu.dimension_semantics<subcore_parallel>], iteration_bounds = array<i64: 2, 16>, scalar_prefetch = 0 : i64, scratch_operands = 9 : i64, tpu.core_type = #tpu.core_type<sc_vector_subcore>, window_params = [{transform_indices = #map}, {transform_indices = #map}, {transform_indices = #map1}, {transform_indices = #map}]} {
    %mul3A = arith.constant 632 : i32
    %mul3A_0 = arith.muli %arg1, %mul3A : i32
    %min3A = arith.constant 9368 : i32
    %min3A_1 = arith.minsi %mul3A_0, %min3A : i32
    %multiple_of3A = tpu.assume_multiple %min3A_1, 8 : i32
    %mul3A_2 = arith.constant 80 : i32
    %mul3A_3 = arith.muli %arg1, %mul3A_2 : i32
    %add3A = arith.constant 0 : i32
    %add3A_4 = arith.addi %add3A, %arg0 : i32
    "tpu.region"() ({
      %run_scoped3A_58 = tpu.sem_alloc : memref<!tpu.dma_semaphore, #tpu.memory_space<semaphore_mem>>
      %dma_start3A_59 = arith.constant 0 : i32
      %dma_start3A_60 = tpu.memref_slice %arg10[%multiple_of3A, %dma_start3A_59] : memref<10008x128xf32, #tpu.memory_space<vmem_shared>> -> memref<632x128xf32, #tpu.memory_space<vmem_shared>>
      tpu.enqueue_dma source(%arg4 : memref<632x128xf32, #tpu.memory_space<hbm>>) target(%dma_start3A_60 : memref<632x128xf32, #tpu.memory_space<vmem_shared>>) target_semaphore(%run_scoped3A_58 : memref<!tpu.dma_semaphore, #tpu.memory_space<semaphore_mem>>)
      %dma_wait3A_61 = arith.constant 0 : i32
      %dma_wait3A_62 = tpu.memref_slice %arg10[%multiple_of3A, %dma_wait3A_61] : memref<10008x128xf32, #tpu.memory_space<vmem_shared>> -> memref<632x128xf32, #tpu.memory_space<vmem_shared>>
      tpu.wait_dma2 semaphore(%run_scoped3A_58 : memref<!tpu.dma_semaphore, #tpu.memory_space<semaphore_mem>>) src(%arg4 : memref<632x128xf32, #tpu.memory_space<hbm>>) dst(%dma_wait3A_62 : memref<632x128xf32, #tpu.memory_space<vmem_shared>>)
      tpu.yield
    }) : () -> ()
    %barrier3A = arith.constant 0 : index
    tpu.barrier barrier_id(%barrier3A)
    %dma_start3A = arith.constant 0 : i32
    %dma_start3A_5 = arith.constant 0 : i32
    %dma_start3A_6 = tpu.memref_slice %arg3[%mul3A_3, %dma_start3A, %dma_start3A_5] : memref<1280x2x128xi32, #tpu.memory_space<hbm>> -> memref<1x2x128xi32, #tpu.memory_space<hbm>>
    %dma_start3A_7 = tpu.memref_squeeze %dma_start3A_6 : memref<1x2x128xi32, #tpu.memory_space<hbm>> -> memref<2x128xi32, #tpu.memory_space<hbm>>
    %dma_start3A_8 = arith.constant 0 : i32
    %dma_start3A_9 = arith.constant 0 : i32
    %dma_start3A_10 = tpu.memref_slice %arg3[%mul3A_3, %dma_start3A_8, %dma_start3A_9] : memref<1280x2x128xi32, #tpu.memory_space<hbm>> -> memref<1x2x128xi32, #tpu.memory_space<hbm>>
    %dma_start3A_11 = tpu.memref_squeeze %dma_start3A_10 : memref<1x2x128xi32, #tpu.memory_space<hbm>> -> memref<2x128xi32, #tpu.memory_space<hbm>>
    tpu.enqueue_dma source(%dma_start3A_11 : memref<2x128xi32, #tpu.memory_space<hbm>>) target(%arg6 : memref<2x128xi32, #tpu.memory_space<vmem>>) target_semaphore(%arg11 : memref<!tpu.dma_semaphore, #tpu.memory_space<semaphore_mem>>)
    %scan3A = arith.constant 0 : i32
    %scan3A_12 = arith.constant 40 : i32
    %scan3A_13 = arith.addi %scan3A, %scan3A_12 : i32
    %scan3A_14 = arith.constant 1 : i32
    scf.for %scan3A_58 = %scan3A to %scan3A_13 step %scan3A_14  : i32 {
      %mul3A_59 = arith.constant 2 : i32
      %mul3A_60 = arith.muli %mul3A_59, %scan3A_58 : i32
      %add3A_61 = arith.addi %mul3A_3, %mul3A_60 : i32
      %dma_wait3A_62 = arith.constant 0 : i32
      %dma_wait3A_63 = arith.constant 0 : i32
      %dma_wait3A_64 = tpu.memref_slice %arg3[%mul3A_3, %dma_wait3A_62, %dma_wait3A_63] : memref<1280x2x128xi32, #tpu.memory_space<hbm>> -> memref<1x2x128xi32, #tpu.memory_space<hbm>>
      %dma_wait3A_65 = tpu.memref_squeeze %dma_wait3A_64 : memref<1x2x128xi32, #tpu.memory_space<hbm>> -> memref<2x128xi32, #tpu.memory_space<hbm>>
      %dma_wait3A_66 = arith.constant 0 : i32
      %dma_wait3A_67 = arith.constant 0 : i32
      %dma_wait3A_68 = tpu.memref_slice %arg3[%mul3A_3, %dma_wait3A_66, %dma_wait3A_67] : memref<1280x2x128xi32, #tpu.memory_space<hbm>> -> memref<1x2x128xi32, #tpu.memory_space<hbm>>
      %dma_wait3A_69 = tpu.memref_squeeze %dma_wait3A_68 : memref<1x2x128xi32, #tpu.memory_space<hbm>> -> memref<2x128xi32, #tpu.memory_space<hbm>>
      tpu.wait_dma2 semaphore(%arg11 : memref<!tpu.dma_semaphore, #tpu.memory_space<semaphore_mem>>) src(%dma_wait3A_69 : memref<2x128xi32, #tpu.memory_space<hbm>>) dst(%arg6 : memref<2x128xi32, #tpu.memory_space<vmem>>)
      %dma_start3A_70 = arith.constant 0 : i32
      %dma_start3A_71 = arith.constant 0 : i32
      %dma_start3A_72 = tpu.memref_slice %arg6[%dma_start3A_70, %dma_start3A_71] : memref<2x128xi32, #tpu.memory_space<vmem>> -> memref<1x128xi32, #tpu.memory_space<vmem>>
      %dma_start3A_73 = tpu.memref_squeeze %dma_start3A_72 : memref<1x128xi32, #tpu.memory_space<vmem>> -> memref<128xi32, #tpu.memory_space<vmem>>
      %dma_start3A_74 = arith.constant 0 : i32
      %dma_start3A_75 = arith.constant 0 : i32
      %dma_start3A_76 = tpu.memref_slice %arg2[%add3A_4, %dma_start3A_74, %dma_start3A_75] : memref<4x10000x128xf32, #tpu.memory_space<hbm>> -> memref<1x10000x128xf32, #tpu.memory_space<hbm>>
      %dma_start3A_77 = tpu.memref_squeeze %dma_start3A_76 : memref<1x10000x128xf32, #tpu.memory_space<hbm>> -> memref<10000x128xf32, #tpu.memory_space<hbm>>
      %dma_start3A_78 = arith.constant 0 : i32
      %dma_start3A_79 = arith.constant 0 : i32
      %dma_start3A_80 = tpu.memref_slice %dma_start3A_77[%dma_start3A_78, %dma_start3A_79] : memref<10000x128xf32, #tpu.memory_space<hbm>> -> memref<10000x128xf32, #tpu.memory_space<hbm>>
      tpu.enqueue_indirect_dma source(%dma_start3A_80 : memref<10000x128xf32, #tpu.memory_space<hbm>>) target(%arg8 : memref<128x128xf32, #tpu.memory_space<vmem>>) offsets(%dma_start3A_73 : memref<128xi32, #tpu.memory_space<vmem>>) semaphore(%arg13 : memref<!tpu.dma_semaphore, #tpu.memory_space<semaphore_mem>>)
      %gt3A = arith.constant 0 : i32
      %gt3A_81 = arith.cmpi sgt, %scan3A_58, %gt3A : i32
      %convert_element_type3A = arith.extui %gt3A_81 : i1 to i32
      %cond3A = arith.constant 0 : i32
      %cond3A_82 = arith.cmpi ne, %convert_element_type3A, %cond3A : i32
      scf.if %cond3A_82 {
        %dma_wait3A_130 = arith.constant 0 : i32
        %dma_wait3A_131 = arith.constant 0 : i32
        %dma_wait3A_132 = tpu.memref_slice %arg7[%dma_wait3A_130, %dma_wait3A_131] : memref<2x128xi32, #tpu.memory_space<vmem>> -> memref<1x128xi32, #tpu.memory_space<vmem>>
        %dma_wait3A_133 = tpu.memref_squeeze %dma_wait3A_132 : memref<1x128xi32, #tpu.memory_space<vmem>> -> memref<128xi32, #tpu.memory_space<vmem>>
        %dma_wait3A_134 = arith.constant 0 : i32
        %dma_wait3A_135 = arith.constant 0 : i32
        %dma_wait3A_136 = tpu.memref_slice %arg2[%add3A_4, %dma_wait3A_134, %dma_wait3A_135] : memref<4x10000x128xf32, #tpu.memory_space<hbm>> -> memref<1x10000x128xf32, #tpu.memory_space<hbm>>
        %dma_wait3A_137 = tpu.memref_squeeze %dma_wait3A_136 : memref<1x10000x128xf32, #tpu.memory_space<hbm>> -> memref<10000x128xf32, #tpu.memory_space<hbm>>
        %dma_wait3A_138 = arith.constant 0 : i32
        %dma_wait3A_139 = arith.constant 0 : i32
        %dma_wait3A_140 = tpu.memref_slice %dma_wait3A_137[%dma_wait3A_138, %dma_wait3A_139] : memref<10000x128xf32, #tpu.memory_space<hbm>> -> memref<10000x128xf32, #tpu.memory_space<hbm>>
        tpu.wait_indirect_dma semaphore(%arg14 : memref<!tpu.dma_semaphore, #tpu.memory_space<semaphore_mem>>) src(%dma_wait3A_140 : memref<10000x128xf32, #tpu.memory_space<hbm>>) dst(%arg9 : memref<128x128xf32, #tpu.memory_space<vmem>>)
        %run_scoped3A_141 = arith.constant 1 : i32
        "tpu.region"() ({
          %run_scoped3A_142 = tpu.sem_alloc : memref<!tpu.dma_semaphore, #tpu.memory_space<semaphore_mem>>
          %dma_start3A_143 = arith.constant 0 : i32
          %dma_start3A_144 = tpu.memref_slice %arg7[%run_scoped3A_141, %dma_start3A_143] : memref<2x128xi32, #tpu.memory_space<vmem>> -> memref<1x128xi32, #tpu.memory_space<vmem>>
          %dma_start3A_145 = tpu.memref_squeeze %dma_start3A_144 : memref<1x128xi32, #tpu.memory_space<vmem>> -> memref<128xi32, #tpu.memory_space<vmem>>
          %dma_start3A_146 = arith.constant 0 : i32
          %dma_start3A_147 = arith.constant 0 : i32
          %dma_start3A_148 = tpu.memref_slice %arg10[%dma_start3A_146, %dma_start3A_147] : memref<10008x128xf32, #tpu.memory_space<vmem_shared>> -> memref<10008x128xf32, #tpu.memory_space<vmem_shared>>
          tpu.enqueue_indirect_dma source(%arg9 : memref<128x128xf32, #tpu.memory_space<vmem>>) target(%dma_start3A_148 : memref<10008x128xf32, #tpu.memory_space<vmem_shared>>) offsets(%dma_start3A_145 : memref<128xi32, #tpu.memory_space<vmem>>) semaphore(%run_scoped3A_142 : memref<!tpu.dma_semaphore, #tpu.memory_space<semaphore_mem>>) {add = true}
          %dma_wait3A_149 = arith.constant 0 : i32
          %dma_wait3A_150 = tpu.memref_slice %arg7[%run_scoped3A_141, %dma_wait3A_149] : memref<2x128xi32, #tpu.memory_space<vmem>> -> memref<1x128xi32, #tpu.memory_space<vmem>>
          %dma_wait3A_151 = tpu.memref_squeeze %dma_wait3A_150 : memref<1x128xi32, #tpu.memory_space<vmem>> -> memref<128xi32, #tpu.memory_space<vmem>>
          %dma_wait3A_152 = arith.constant 0 : i32
          %dma_wait3A_153 = arith.constant 0 : i32
          %dma_wait3A_154 = tpu.memref_slice %arg10[%dma_wait3A_152, %dma_wait3A_153] : memref<10008x128xf32, #tpu.memory_space<vmem_shared>> -> memref<10008x128xf32, #tpu.memory_space<vmem_shared>>
          tpu.wait_indirect_dma semaphore(%run_scoped3A_142 : memref<!tpu.dma_semaphore, #tpu.memory_space<semaphore_mem>>) src(%arg9 : memref<128x128xf32, #tpu.memory_space<vmem>>) dst(%dma_wait3A_154 : memref<10008x128xf32, #tpu.memory_space<vmem_shared>>)
          tpu.yield
        }) : () -> ()
      } else {
      }
      %add3A_83 = arith.constant 1 : i32
      %add3A_84 = arith.addi %add3A_61, %add3A_83 : i32
      %dma_start3A_85 = arith.constant 0 : i32
      %dma_start3A_86 = arith.constant 0 : i32
      %dma_start3A_87 = tpu.memref_slice %arg3[%add3A_84, %dma_start3A_85, %dma_start3A_86] : memref<1280x2x128xi32, #tpu.memory_space<hbm>> -> memref<1x2x128xi32, #tpu.memory_space<hbm>>
      %dma_start3A_88 = tpu.memref_squeeze %dma_start3A_87 : memref<1x2x128xi32, #tpu.memory_space<hbm>> -> memref<2x128xi32, #tpu.memory_space<hbm>>
      %dma_start3A_89 = arith.constant 0 : i32
      %dma_start3A_90 = arith.constant 0 : i32
      %dma_start3A_91 = tpu.memref_slice %arg3[%add3A_84, %dma_start3A_89, %dma_start3A_90] : memref<1280x2x128xi32, #tpu.memory_space<hbm>> -> memref<1x2x128xi32, #tpu.memory_space<hbm>>
      %dma_start3A_92 = tpu.memref_squeeze %dma_start3A_91 : memref<1x2x128xi32, #tpu.memory_space<hbm>> -> memref<2x128xi32, #tpu.memory_space<hbm>>
      tpu.enqueue_dma source(%dma_start3A_92 : memref<2x128xi32, #tpu.memory_space<hbm>>) target(%arg7 : memref<2x128xi32, #tpu.memory_space<vmem>>) target_semaphore(%arg12 : memref<!tpu.dma_semaphore, #tpu.memory_space<semaphore_mem>>)
      %dma_wait3A_93 = arith.constant 0 : i32
      %dma_wait3A_94 = arith.constant 0 : i32
      %dma_wait3A_95 = tpu.memref_slice %arg3[%mul3A_3, %dma_wait3A_93, %dma_wait3A_94] : memref<1280x2x128xi32, #tpu.memory_space<hbm>> -> memref<1x2x128xi32, #tpu.memory_space<hbm>>
      %dma_wait3A_96 = tpu.memref_squeeze %dma_wait3A_95 : memref<1x2x128xi32, #tpu.memory_space<hbm>> -> memref<2x128xi32, #tpu.memory_space<hbm>>
      %dma_wait3A_97 = arith.constant 0 : i32
      %dma_wait3A_98 = arith.constant 0 : i32
      %dma_wait3A_99 = tpu.memref_slice %arg3[%mul3A_3, %dma_wait3A_97, %dma_wait3A_98] : memref<1280x2x128xi32, #tpu.memory_space<hbm>> -> memref<1x2x128xi32, #tpu.memory_space<hbm>>
      %dma_wait3A_100 = tpu.memref_squeeze %dma_wait3A_99 : memref<1x2x128xi32, #tpu.memory_space<hbm>> -> memref<2x128xi32, #tpu.memory_space<hbm>>
      tpu.wait_dma2 semaphore(%arg12 : memref<!tpu.dma_semaphore, #tpu.memory_space<semaphore_mem>>) src(%dma_wait3A_100 : memref<2x128xi32, #tpu.memory_space<hbm>>) dst(%arg7 : memref<2x128xi32, #tpu.memory_space<vmem>>)
      %dma_wait3A_101 = arith.constant 0 : i32
      %dma_wait3A_102 = arith.constant 0 : i32
      %dma_wait3A_103 = tpu.memref_slice %arg6[%dma_wait3A_101, %dma_wait3A_102] : memref<2x128xi32, #tpu.memory_space<vmem>> -> memref<1x128xi32, #tpu.memory_space<vmem>>
      %dma_wait3A_104 = tpu.memref_squeeze %dma_wait3A_103 : memref<1x128xi32, #tpu.memory_space<vmem>> -> memref<128xi32, #tpu.memory_space<vmem>>
      %dma_wait3A_105 = arith.constant 0 : i32
      %dma_wait3A_106 = arith.constant 0 : i32
      %dma_wait3A_107 = tpu.memref_slice %arg2[%add3A_4, %dma_wait3A_105, %dma_wait3A_106] : memref<4x10000x128xf32, #tpu.memory_space<hbm>> -> memref<1x10000x128xf32, #tpu.memory_space<hbm>>
      %dma_wait3A_108 = tpu.memref_squeeze %dma_wait3A_107 : memref<1x10000x128xf32, #tpu.memory_space<hbm>> -> memref<10000x128xf32, #tpu.memory_space<hbm>>
      %dma_wait3A_109 = arith.constant 0 : i32
      %dma_wait3A_110 = arith.constant 0 : i32
      %dma_wait3A_111 = tpu.memref_slice %dma_wait3A_108[%dma_wait3A_109, %dma_wait3A_110] : memref<10000x128xf32, #tpu.memory_space<hbm>> -> memref<10000x128xf32, #tpu.memory_space<hbm>>
      tpu.wait_indirect_dma semaphore(%arg13 : memref<!tpu.dma_semaphore, #tpu.memory_space<semaphore_mem>>) src(%dma_wait3A_111 : memref<10000x128xf32, #tpu.memory_space<hbm>>) dst(%arg8 : memref<128x128xf32, #tpu.memory_space<vmem>>)
      %dma_start3A_112 = arith.constant 0 : i32
      %dma_start3A_113 = arith.constant 0 : i32
      %dma_start3A_114 = tpu.memref_slice %arg7[%dma_start3A_112, %dma_start3A_113] : memref<2x128xi32, #tpu.memory_space<vmem>> -> memref<1x128xi32, #tpu.memory_space<vmem>>
      %dma_start3A_115 = tpu.memref_squeeze %dma_start3A_114 : memref<1x128xi32, #tpu.memory_space<vmem>> -> memref<128xi32, #tpu.memory_space<vmem>>
      %dma_start3A_116 = arith.constant 0 : i32
      %dma_start3A_117 = arith.constant 0 : i32
      %dma_start3A_118 = tpu.memref_slice %arg2[%add3A_4, %dma_start3A_116, %dma_start3A_117] : memref<4x10000x128xf32, #tpu.memory_space<hbm>> -> memref<1x10000x128xf32, #tpu.memory_space<hbm>>
      %dma_start3A_119 = tpu.memref_squeeze %dma_start3A_118 : memref<1x10000x128xf32, #tpu.memory_space<hbm>> -> memref<10000x128xf32, #tpu.memory_space<hbm>>
      %dma_start3A_120 = arith.constant 0 : i32
      %dma_start3A_121 = arith.constant 0 : i32
      %dma_start3A_122 = tpu.memref_slice %dma_start3A_119[%dma_start3A_120, %dma_start3A_121] : memref<10000x128xf32, #tpu.memory_space<hbm>> -> memref<10000x128xf32, #tpu.memory_space<hbm>>
      tpu.enqueue_indirect_dma source(%dma_start3A_122 : memref<10000x128xf32, #tpu.memory_space<hbm>>) target(%arg9 : memref<128x128xf32, #tpu.memory_space<vmem>>) offsets(%dma_start3A_115 : memref<128xi32, #tpu.memory_space<vmem>>) semaphore(%arg14 : memref<!tpu.dma_semaphore, #tpu.memory_space<semaphore_mem>>)
      %run_scoped3A_123 = arith.constant 1 : i32
      "tpu.region"() ({
        %run_scoped3A_130 = tpu.sem_alloc : memref<!tpu.dma_semaphore, #tpu.memory_space<semaphore_mem>>
        %dma_start3A_131 = arith.constant 0 : i32
        %dma_start3A_132 = tpu.memref_slice %arg6[%run_scoped3A_123, %dma_start3A_131] : memref<2x128xi32, #tpu.memory_space<vmem>> -> memref<1x128xi32, #tpu.memory_space<vmem>>
        %dma_start3A_133 = tpu.memref_squeeze %dma_start3A_132 : memref<1x128xi32, #tpu.memory_space<vmem>> -> memref<128xi32, #tpu.memory_space<vmem>>
        %dma_start3A_134 = arith.constant 0 : i32
        %dma_start3A_135 = arith.constant 0 : i32
        %dma_start3A_136 = tpu.memref_slice %arg10[%dma_start3A_134, %dma_start3A_135] : memref<10008x128xf32, #tpu.memory_space<vmem_shared>> -> memref<10008x128xf32, #tpu.memory_space<vmem_shared>>
        tpu.enqueue_indirect_dma source(%arg8 : memref<128x128xf32, #tpu.memory_space<vmem>>) target(%dma_start3A_136 : memref<10008x128xf32, #tpu.memory_space<vmem_shared>>) offsets(%dma_start3A_133 : memref<128xi32, #tpu.memory_space<vmem>>) semaphore(%run_scoped3A_130 : memref<!tpu.dma_semaphore, #tpu.memory_space<semaphore_mem>>) {add = true}
        %dma_wait3A_137 = arith.constant 0 : i32
        %dma_wait3A_138 = tpu.memref_slice %arg6[%run_scoped3A_123, %dma_wait3A_137] : memref<2x128xi32, #tpu.memory_space<vmem>> -> memref<1x128xi32, #tpu.memory_space<vmem>>
        %dma_wait3A_139 = tpu.memref_squeeze %dma_wait3A_138 : memref<1x128xi32, #tpu.memory_space<vmem>> -> memref<128xi32, #tpu.memory_space<vmem>>
        %dma_wait3A_140 = arith.constant 0 : i32
        %dma_wait3A_141 = arith.constant 0 : i32
        %dma_wait3A_142 = tpu.memref_slice %arg10[%dma_wait3A_140, %dma_wait3A_141] : memref<10008x128xf32, #tpu.memory_space<vmem_shared>> -> memref<10008x128xf32, #tpu.memory_space<vmem_shared>>
        tpu.wait_indirect_dma semaphore(%run_scoped3A_130 : memref<!tpu.dma_semaphore, #tpu.memory_space<semaphore_mem>>) src(%arg8 : memref<128x128xf32, #tpu.memory_space<vmem>>) dst(%dma_wait3A_142 : memref<10008x128xf32, #tpu.memory_space<vmem_shared>>)
        tpu.yield
      }) : () -> ()
      %add3A_124 = arith.constant 1 : i32
      %add3A_125 = arith.addi %scan3A_58, %add3A_124 : i32
      %lt3A = arith.constant 40 : i32
      %lt3A_126 = arith.cmpi slt, %add3A_125, %lt3A : i32
      %convert_element_type3A_127 = arith.extui %lt3A_126 : i1 to i32
      %cond3A_128 = arith.constant 0 : i32
      %cond3A_129 = arith.cmpi ne, %convert_element_type3A_127, %cond3A_128 : i32
      scf.if %cond3A_129 {
        %add3A_130 = arith.constant 2 : i32
        %add3A_131 = arith.addi %add3A_61, %add3A_130 : i32
        %dma_start3A_132 = arith.constant 0 : i32
        %dma_start3A_133 = arith.constant 0 : i32
        %dma_start3A_134 = tpu.memref_slice %arg3[%add3A_131, %dma_start3A_132, %dma_start3A_133] : memref<1280x2x128xi32, #tpu.memory_space<hbm>> -> memref<1x2x128xi32, #tpu.memory_space<hbm>>
        %dma_start3A_135 = tpu.memref_squeeze %dma_start3A_134 : memref<1x2x128xi32, #tpu.memory_space<hbm>> -> memref<2x128xi32, #tpu.memory_space<hbm>>
        %dma_start3A_136 = arith.constant 0 : i32
        %dma_start3A_137 = arith.constant 0 : i32
        %dma_start3A_138 = tpu.memref_slice %arg3[%add3A_131, %dma_start3A_136, %dma_start3A_137] : memref<1280x2x128xi32, #tpu.memory_space<hbm>> -> memref<1x2x128xi32, #tpu.memory_space<hbm>>
        %dma_start3A_139 = tpu.memref_squeeze %dma_start3A_138 : memref<1x2x128xi32, #tpu.memory_space<hbm>> -> memref<2x128xi32, #tpu.memory_space<hbm>>
        tpu.enqueue_dma source(%dma_start3A_139 : memref<2x128xi32, #tpu.memory_space<hbm>>) target(%arg6 : memref<2x128xi32, #tpu.memory_space<vmem>>) target_semaphore(%arg11 : memref<!tpu.dma_semaphore, #tpu.memory_space<semaphore_mem>>)
      } else {
      }
    }
    %scan3A_15 = arith.constant 40 : i32
    %dma_wait3A = arith.constant 0 : i32
    %dma_wait3A_16 = arith.constant 0 : i32
    %dma_wait3A_17 = tpu.memref_slice %arg7[%dma_wait3A, %dma_wait3A_16] : memref<2x128xi32, #tpu.memory_space<vmem>> -> memref<1x128xi32, #tpu.memory_space<vmem>>
    %dma_wait3A_18 = tpu.memref_squeeze %dma_wait3A_17 : memref<1x128xi32, #tpu.memory_space<vmem>> -> memref<128xi32, #tpu.memory_space<vmem>>
    %dma_wait3A_19 = arith.constant 0 : i32
    %dma_wait3A_20 = arith.constant 0 : i32
    %dma_wait3A_21 = tpu.memref_slice %arg2[%add3A_4, %dma_wait3A_19, %dma_wait3A_20] : memref<4x10000x128xf32, #tpu.memory_space<hbm>> -> memref<1x10000x128xf32, #tpu.memory_space<hbm>>
    %dma_wait3A_22 = tpu.memref_squeeze %dma_wait3A_21 : memref<1x10000x128xf32, #tpu.memory_space<hbm>> -> memref<10000x128xf32, #tpu.memory_space<hbm>>
    %dma_wait3A_23 = arith.constant 0 : i32
    %dma_wait3A_24 = arith.constant 0 : i32
    %dma_wait3A_25 = tpu.memref_slice %dma_wait3A_22[%dma_wait3A_23, %dma_wait3A_24] : memref<10000x128xf32, #tpu.memory_space<hbm>> -> memref<10000x128xf32, #tpu.memory_space<hbm>>
    tpu.wait_indirect_dma semaphore(%arg14 : memref<!tpu.dma_semaphore, #tpu.memory_space<semaphore_mem>>) src(%dma_wait3A_25 : memref<10000x128xf32, #tpu.memory_space<hbm>>) dst(%arg9 : memref<128x128xf32, #tpu.memory_space<vmem>>)
    %run_scoped3A = arith.constant 1 : i32
    "tpu.region"() ({
      %run_scoped3A_58 = tpu.sem_alloc : memref<!tpu.dma_semaphore, #tpu.memory_space<semaphore_mem>>
      %dma_start3A_59 = arith.constant 0 : i32
      %dma_start3A_60 = tpu.memref_slice %arg7[%run_scoped3A, %dma_start3A_59] : memref<2x128xi32, #tpu.memory_space<vmem>> -> memref<1x128xi32, #tpu.memory_space<vmem>>
      %dma_start3A_61 = tpu.memref_squeeze %dma_start3A_60 : memref<1x128xi32, #tpu.memory_space<vmem>> -> memref<128xi32, #tpu.memory_space<vmem>>
      %dma_start3A_62 = arith.constant 0 : i32
      %dma_start3A_63 = arith.constant 0 : i32
      %dma_start3A_64 = tpu.memref_slice %arg10[%dma_start3A_62, %dma_start3A_63] : memref<10008x128xf32, #tpu.memory_space<vmem_shared>> -> memref<10008x128xf32, #tpu.memory_space<vmem_shared>>
      tpu.enqueue_indirect_dma source(%arg9 : memref<128x128xf32, #tpu.memory_space<vmem>>) target(%dma_start3A_64 : memref<10008x128xf32, #tpu.memory_space<vmem_shared>>) offsets(%dma_start3A_61 : memref<128xi32, #tpu.memory_space<vmem>>) semaphore(%run_scoped3A_58 : memref<!tpu.dma_semaphore, #tpu.memory_space<semaphore_mem>>) {add = true}
      %dma_wait3A_65 = arith.constant 0 : i32
      %dma_wait3A_66 = tpu.memref_slice %arg7[%run_scoped3A, %dma_wait3A_65] : memref<2x128xi32, #tpu.memory_space<vmem>> -> memref<1x128xi32, #tpu.memory_space<vmem>>
      %dma_wait3A_67 = tpu.memref_squeeze %dma_wait3A_66 : memref<1x128xi32, #tpu.memory_space<vmem>> -> memref<128xi32, #tpu.memory_space<vmem>>
      %dma_wait3A_68 = arith.constant 0 : i32
      %dma_wait3A_69 = arith.constant 0 : i32
      %dma_wait3A_70 = tpu.memref_slice %arg10[%dma_wait3A_68, %dma_wait3A_69] : memref<10008x128xf32, #tpu.memory_space<vmem_shared>> -> memref<10008x128xf32, #tpu.memory_space<vmem_shared>>
      tpu.wait_indirect_dma semaphore(%run_scoped3A_58 : memref<!tpu.dma_semaphore, #tpu.memory_space<semaphore_mem>>) src(%arg9 : memref<128x128xf32, #tpu.memory_space<vmem>>) dst(%dma_wait3A_70 : memref<10008x128xf32, #tpu.memory_space<vmem_shared>>)
      tpu.yield
    }) : () -> ()
    %barrier3A_26 = arith.constant 0 : index
    tpu.barrier barrier_id(%barrier3A_26)
    "tpu.region"() ({
      %run_scoped3A_58 = tpu.sem_alloc : memref<!tpu.dma_semaphore, #tpu.memory_space<semaphore_mem>>
      %dma_start3A_59 = arith.constant 0 : i32
      %dma_start3A_60 = tpu.memref_slice %arg5[%add3A_4, %multiple_of3A, %dma_start3A_59] : memref<4x10000x128xf32, #tpu.memory_space<hbm>> -> memref<1x632x128xf32, #tpu.memory_space<hbm>>
      %dma_start3A_61 = tpu.memref_squeeze %dma_start3A_60 : memref<1x632x128xf32, #tpu.memory_space<hbm>> -> memref<632x128xf32, #tpu.memory_space<hbm>>
      %dma_start3A_62 = arith.constant 0 : i32
      %dma_start3A_63 = tpu.memref_slice %arg10[%multiple_of3A, %dma_start3A_62] : memref<10008x128xf32, #tpu.memory_space<vmem_shared>> -> memref<632x128xf32, #tpu.memory_space<vmem_shared>>
      tpu.enqueue_dma source(%dma_start3A_63 : memref<632x128xf32, #tpu.memory_space<vmem_shared>>) target(%dma_start3A_61 : memref<632x128xf32, #tpu.memory_space<hbm>>) target_semaphore(%run_scoped3A_58 : memref<!tpu.dma_semaphore, #tpu.memory_space<semaphore_mem>>)
      %dma_wait3A_64 = arith.constant 0 : i32
      %dma_wait3A_65 = tpu.memref_slice %arg5[%add3A_4, %multiple_of3A, %dma_wait3A_64] : memref<4x10000x128xf32, #tpu.memory_space<hbm>> -> memref<1x632x128xf32, #tpu.memory_space<hbm>>
      %dma_wait3A_66 = tpu.memref_squeeze %dma_wait3A_65 : memref<1x632x128xf32, #tpu.memory_space<hbm>> -> memref<632x128xf32, #tpu.memory_space<hbm>>
      %dma_wait3A_67 = arith.constant 0 : i32
      %dma_wait3A_68 = tpu.memref_slice %arg10[%multiple_of3A, %dma_wait3A_67] : memref<10008x128xf32, #tpu.memory_space<vmem_shared>> -> memref<632x128xf32, #tpu.memory_space<vmem_shared>>
      tpu.wait_dma2 semaphore(%run_scoped3A_58 : memref<!tpu.dma_semaphore, #tpu.memory_space<semaphore_mem>>) src(%dma_wait3A_68 : memref<632x128xf32, #tpu.memory_space<vmem_shared>>) dst(%dma_wait3A_66 : memref<632x128xf32, #tpu.memory_space<hbm>>)
      tpu.yield
    }) : () -> ()
    %barrier3A_27 = arith.constant 0 : index
    tpu.barrier barrier_id(%barrier3A_27)
    %add3A_28 = arith.constant 2 : i32
    %add3A_29 = arith.addi %add3A_28, %arg0 : i32
    "tpu.region"() ({
      %run_scoped3A_58 = tpu.sem_alloc : memref<!tpu.dma_semaphore, #tpu.memory_space<semaphore_mem>>
      %dma_start3A_59 = arith.constant 0 : i32
      %dma_start3A_60 = tpu.memref_slice %arg10[%multiple_of3A, %dma_start3A_59] : memref<10008x128xf32, #tpu.memory_space<vmem_shared>> -> memref<632x128xf32, #tpu.memory_space<vmem_shared>>
      tpu.enqueue_dma source(%arg4 : memref<632x128xf32, #tpu.memory_space<hbm>>) target(%dma_start3A_60 : memref<632x128xf32, #tpu.memory_space<vmem_shared>>) target_semaphore(%run_scoped3A_58 : memref<!tpu.dma_semaphore, #tpu.memory_space<semaphore_mem>>)
      %dma_wait3A_61 = arith.constant 0 : i32
      %dma_wait3A_62 = tpu.memref_slice %arg10[%multiple_of3A, %dma_wait3A_61] : memref<10008x128xf32, #tpu.memory_space<vmem_shared>> -> memref<632x128xf32, #tpu.memory_space<vmem_shared>>
      tpu.wait_dma2 semaphore(%run_scoped3A_58 : memref<!tpu.dma_semaphore, #tpu.memory_space<semaphore_mem>>) src(%arg4 : memref<632x128xf32, #tpu.memory_space<hbm>>) dst(%dma_wait3A_62 : memref<632x128xf32, #tpu.memory_space<vmem_shared>>)
      tpu.yield
    }) : () -> ()
    %barrier3A_30 = arith.constant 0 : index
    tpu.barrier barrier_id(%barrier3A_30)
    %dma_start3A_31 = arith.constant 0 : i32
    %dma_start3A_32 = arith.constant 0 : i32
    %dma_start3A_33 = tpu.memref_slice %arg3[%mul3A_3, %dma_start3A_31, %dma_start3A_32] : memref<1280x2x128xi32, #tpu.memory_space<hbm>> -> memref<1x2x128xi32, #tpu.memory_space<hbm>>
    %dma_start3A_34 = tpu.memref_squeeze %dma_start3A_33 : memref<1x2x128xi32, #tpu.memory_space<hbm>> -> memref<2x128xi32, #tpu.memory_space<hbm>>
    %dma_start3A_35 = arith.constant 0 : i32
    %dma_start3A_36 = arith.constant 0 : i32
    %dma_start3A_37 = tpu.memref_slice %arg3[%mul3A_3, %dma_start3A_35, %dma_start3A_36] : memref<1280x2x128xi32, #tpu.memory_space<hbm>> -> memref<1x2x128xi32, #tpu.memory_space<hbm>>
    %dma_start3A_38 = tpu.memref_squeeze %dma_start3A_37 : memref<1x2x128xi32, #tpu.memory_space<hbm>> -> memref<2x128xi32, #tpu.memory_space<hbm>>
    tpu.enqueue_dma source(%dma_start3A_38 : memref<2x128xi32, #tpu.memory_space<hbm>>) target(%arg6 : memref<2x128xi32, #tpu.memory_space<vmem>>) target_semaphore(%arg11 : memref<!tpu.dma_semaphore, #tpu.memory_space<semaphore_mem>>)
    %scan3A_39 = arith.constant 0 : i32
    %scan3A_40 = arith.constant 40 : i32
    %scan3A_41 = arith.addi %scan3A_39, %scan3A_40 : i32
    %scan3A_42 = arith.constant 1 : i32
    scf.for %scan3A_58 = %scan3A_39 to %scan3A_41 step %scan3A_42  : i32 {
      %mul3A_59 = arith.constant 2 : i32
      %mul3A_60 = arith.muli %mul3A_59, %scan3A_58 : i32
      %add3A_61 = arith.addi %mul3A_3, %mul3A_60 : i32
      %dma_wait3A_62 = arith.constant 0 : i32
      %dma_wait3A_63 = arith.constant 0 : i32
      %dma_wait3A_64 = tpu.memref_slice %arg3[%mul3A_3, %dma_wait3A_62, %dma_wait3A_63] : memref<1280x2x128xi32, #tpu.memory_space<hbm>> -> memref<1x2x128xi32, #tpu.memory_space<hbm>>
      %dma_wait3A_65 = tpu.memref_squeeze %dma_wait3A_64 : memref<1x2x128xi32, #tpu.memory_space<hbm>> -> memref<2x128xi32, #tpu.memory_space<hbm>>
      %dma_wait3A_66 = arith.constant 0 : i32
      %dma_wait3A_67 = arith.constant 0 : i32
      %dma_wait3A_68 = tpu.memref_slice %arg3[%mul3A_3, %dma_wait3A_66, %dma_wait3A_67] : memref<1280x2x128xi32, #tpu.memory_space<hbm>> -> memref<1x2x128xi32, #tpu.memory_space<hbm>>
      %dma_wait3A_69 = tpu.memref_squeeze %dma_wait3A_68 : memref<1x2x128xi32, #tpu.memory_space<hbm>> -> memref<2x128xi32, #tpu.memory_space<hbm>>
      tpu.wait_dma2 semaphore(%arg11 : memref<!tpu.dma_semaphore, #tpu.memory_space<semaphore_mem>>) src(%dma_wait3A_69 : memref<2x128xi32, #tpu.memory_space<hbm>>) dst(%arg6 : memref<2x128xi32, #tpu.memory_space<vmem>>)
      %dma_start3A_70 = arith.constant 0 : i32
      %dma_start3A_71 = arith.constant 0 : i32
      %dma_start3A_72 = tpu.memref_slice %arg6[%dma_start3A_70, %dma_start3A_71] : memref<2x128xi32, #tpu.memory_space<vmem>> -> memref<1x128xi32, #tpu.memory_space<vmem>>
      %dma_start3A_73 = tpu.memref_squeeze %dma_start3A_72 : memref<1x128xi32, #tpu.memory_space<vmem>> -> memref<128xi32, #tpu.memory_space<vmem>>
      %dma_start3A_74 = arith.constant 0 : i32
      %dma_start3A_75 = arith.constant 0 : i32
      %dma_start3A_76 = tpu.memref_slice %arg2[%add3A_29, %dma_start3A_74, %dma_start3A_75] : memref<4x10000x128xf32, #tpu.memory_space<hbm>> -> memref<1x10000x128xf32, #tpu.memory_space<hbm>>
      %dma_start3A_77 = tpu.memref_squeeze %dma_start3A_76 : memref<1x10000x128xf32, #tpu.memory_space<hbm>> -> memref<10000x128xf32, #tpu.memory_space<hbm>>
      %dma_start3A_78 = arith.constant 0 : i32
      %dma_start3A_79 = arith.constant 0 : i32
      %dma_start3A_80 = tpu.memref_slice %dma_start3A_77[%dma_start3A_78, %dma_start3A_79] : memref<10000x128xf32, #tpu.memory_space<hbm>> -> memref<10000x128xf32, #tpu.memory_space<hbm>>
      tpu.enqueue_indirect_dma source(%dma_start3A_80 : memref<10000x128xf32, #tpu.memory_space<hbm>>) target(%arg8 : memref<128x128xf32, #tpu.memory_space<vmem>>) offsets(%dma_start3A_73 : memref<128xi32, #tpu.memory_space<vmem>>) semaphore(%arg13 : memref<!tpu.dma_semaphore, #tpu.memory_space<semaphore_mem>>)
      %gt3A = arith.constant 0 : i32
      %gt3A_81 = arith.cmpi sgt, %scan3A_58, %gt3A : i32
      %convert_element_type3A = arith.extui %gt3A_81 : i1 to i32
      %cond3A = arith.constant 0 : i32
      %cond3A_82 = arith.cmpi ne, %convert_element_type3A, %cond3A : i32
      scf.if %cond3A_82 {
        %dma_wait3A_130 = arith.constant 0 : i32
        %dma_wait3A_131 = arith.constant 0 : i32
        %dma_wait3A_132 = tpu.memref_slice %arg7[%dma_wait3A_130, %dma_wait3A_131] : memref<2x128xi32, #tpu.memory_space<vmem>> -> memref<1x128xi32, #tpu.memory_space<vmem>>
        %dma_wait3A_133 = tpu.memref_squeeze %dma_wait3A_132 : memref<1x128xi32, #tpu.memory_space<vmem>> -> memref<128xi32, #tpu.memory_space<vmem>>
        %dma_wait3A_134 = arith.constant 0 : i32
        %dma_wait3A_135 = arith.constant 0 : i32
        %dma_wait3A_136 = tpu.memref_slice %arg2[%add3A_29, %dma_wait3A_134, %dma_wait3A_135] : memref<4x10000x128xf32, #tpu.memory_space<hbm>> -> memref<1x10000x128xf32, #tpu.memory_space<hbm>>
        %dma_wait3A_137 = tpu.memref_squeeze %dma_wait3A_136 : memref<1x10000x128xf32, #tpu.memory_space<hbm>> -> memref<10000x128xf32, #tpu.memory_space<hbm>>
        %dma_wait3A_138 = arith.constant 0 : i32
        %dma_wait3A_139 = arith.constant 0 : i32
        %dma_wait3A_140 = tpu.memref_slice %dma_wait3A_137[%dma_wait3A_138, %dma_wait3A_139] : memref<10000x128xf32, #tpu.memory_space<hbm>> -> memref<10000x128xf32, #tpu.memory_space<hbm>>
        tpu.wait_indirect_dma semaphore(%arg14 : memref<!tpu.dma_semaphore, #tpu.memory_space<semaphore_mem>>) src(%dma_wait3A_140 : memref<10000x128xf32, #tpu.memory_space<hbm>>) dst(%arg9 : memref<128x128xf32, #tpu.memory_space<vmem>>)
        %run_scoped3A_141 = arith.constant 1 : i32
        "tpu.region"() ({
          %run_scoped3A_142 = tpu.sem_alloc : memref<!tpu.dma_semaphore, #tpu.memory_space<semaphore_mem>>
          %dma_start3A_143 = arith.constant 0 : i32
          %dma_start3A_144 = tpu.memref_slice %arg7[%run_scoped3A_141, %dma_start3A_143] : memref<2x128xi32, #tpu.memory_space<vmem>> -> memref<1x128xi32, #tpu.memory_space<vmem>>
          %dma_start3A_145 = tpu.memref_squeeze %dma_start3A_144 : memref<1x128xi32, #tpu.memory_space<vmem>> -> memref<128xi32, #tpu.memory_space<vmem>>
          %dma_start3A_146 = arith.constant 0 : i32
          %dma_start3A_147 = arith.constant 0 : i32
          %dma_start3A_148 = tpu.memref_slice %arg10[%dma_start3A_146, %dma_start3A_147] : memref<10008x128xf32, #tpu.memory_space<vmem_shared>> -> memref<10008x128xf32, #tpu.memory_space<vmem_shared>>
          tpu.enqueue_indirect_dma source(%arg9 : memref<128x128xf32, #tpu.memory_space<vmem>>) target(%dma_start3A_148 : memref<10008x128xf32, #tpu.memory_space<vmem_shared>>) offsets(%dma_start3A_145 : memref<128xi32, #tpu.memory_space<vmem>>) semaphore(%run_scoped3A_142 : memref<!tpu.dma_semaphore, #tpu.memory_space<semaphore_mem>>) {add = true}
          %dma_wait3A_149 = arith.constant 0 : i32
          %dma_wait3A_150 = tpu.memref_slice %arg7[%run_scoped3A_141, %dma_wait3A_149] : memref<2x128xi32, #tpu.memory_space<vmem>> -> memref<1x128xi32, #tpu.memory_space<vmem>>
          %dma_wait3A_151 = tpu.memref_squeeze %dma_wait3A_150 : memref<1x128xi32, #tpu.memory_space<vmem>> -> memref<128xi32, #tpu.memory_space<vmem>>
          %dma_wait3A_152 = arith.constant 0 : i32
          %dma_wait3A_153 = arith.constant 0 : i32
          %dma_wait3A_154 = tpu.memref_slice %arg10[%dma_wait3A_152, %dma_wait3A_153] : memref<10008x128xf32, #tpu.memory_space<vmem_shared>> -> memref<10008x128xf32, #tpu.memory_space<vmem_shared>>
          tpu.wait_indirect_dma semaphore(%run_scoped3A_142 : memref<!tpu.dma_semaphore, #tpu.memory_space<semaphore_mem>>) src(%arg9 : memref<128x128xf32, #tpu.memory_space<vmem>>) dst(%dma_wait3A_154 : memref<10008x128xf32, #tpu.memory_space<vmem_shared>>)
          tpu.yield
        }) : () -> ()
      } else {
      }
      %add3A_83 = arith.constant 1 : i32
      %add3A_84 = arith.addi %add3A_61, %add3A_83 : i32
      %dma_start3A_85 = arith.constant 0 : i32
      %dma_start3A_86 = arith.constant 0 : i32
      %dma_start3A_87 = tpu.memref_slice %arg3[%add3A_84, %dma_start3A_85, %dma_start3A_86] : memref<1280x2x128xi32, #tpu.memory_space<hbm>> -> memref<1x2x128xi32, #tpu.memory_space<hbm>>
      %dma_start3A_88 = tpu.memref_squeeze %dma_start3A_87 : memref<1x2x128xi32, #tpu.memory_space<hbm>> -> memref<2x128xi32, #tpu.memory_space<hbm>>
      %dma_start3A_89 = arith.constant 0 : i32
      %dma_start3A_90 = arith.constant 0 : i32
      %dma_start3A_91 = tpu.memref_slice %arg3[%add3A_84, %dma_start3A_89, %dma_start3A_90] : memref<1280x2x128xi32, #tpu.memory_space<hbm>> -> memref<1x2x128xi32, #tpu.memory_space<hbm>>
      %dma_start3A_92 = tpu.memref_squeeze %dma_start3A_91 : memref<1x2x128xi32, #tpu.memory_space<hbm>> -> memref<2x128xi32, #tpu.memory_space<hbm>>
      tpu.enqueue_dma source(%dma_start3A_92 : memref<2x128xi32, #tpu.memory_space<hbm>>) target(%arg7 : memref<2x128xi32, #tpu.memory_space<vmem>>) target_semaphore(%arg12 : memref<!tpu.dma_semaphore, #tpu.memory_space<semaphore_mem>>)
      %dma_wait3A_93 = arith.constant 0 : i32
      %dma_wait3A_94 = arith.constant 0 : i32
      %dma_wait3A_95 = tpu.memref_slice %arg3[%mul3A_3, %dma_wait3A_93, %dma_wait3A_94] : memref<1280x2x128xi32, #tpu.memory_space<hbm>> -> memref<1x2x128xi32, #tpu.memory_space<hbm>>
      %dma_wait3A_96 = tpu.memref_squeeze %dma_wait3A_95 : memref<1x2x128xi32, #tpu.memory_space<hbm>> -> memref<2x128xi32, #tpu.memory_space<hbm>>
      %dma_wait3A_97 = arith.constant 0 : i32
      %dma_wait3A_98 = arith.constant 0 : i32
      %dma_wait3A_99 = tpu.memref_slice %arg3[%mul3A_3, %dma_wait3A_97, %dma_wait3A_98] : memref<1280x2x128xi32, #tpu.memory_space<hbm>> -> memref<1x2x128xi32, #tpu.memory_space<hbm>>
      %dma_wait3A_100 = tpu.memref_squeeze %dma_wait3A_99 : memref<1x2x128xi32, #tpu.memory_space<hbm>> -> memref<2x128xi32, #tpu.memory_space<hbm>>
      tpu.wait_dma2 semaphore(%arg12 : memref<!tpu.dma_semaphore, #tpu.memory_space<semaphore_mem>>) src(%dma_wait3A_100 : memref<2x128xi32, #tpu.memory_space<hbm>>) dst(%arg7 : memref<2x128xi32, #tpu.memory_space<vmem>>)
      %dma_wait3A_101 = arith.constant 0 : i32
      %dma_wait3A_102 = arith.constant 0 : i32
      %dma_wait3A_103 = tpu.memref_slice %arg6[%dma_wait3A_101, %dma_wait3A_102] : memref<2x128xi32, #tpu.memory_space<vmem>> -> memref<1x128xi32, #tpu.memory_space<vmem>>
      %dma_wait3A_104 = tpu.memref_squeeze %dma_wait3A_103 : memref<1x128xi32, #tpu.memory_space<vmem>> -> memref<128xi32, #tpu.memory_space<vmem>>
      %dma_wait3A_105 = arith.constant 0 : i32
      %dma_wait3A_106 = arith.constant 0 : i32
      %dma_wait3A_107 = tpu.memref_slice %arg2[%add3A_29, %dma_wait3A_105, %dma_wait3A_106] : memref<4x10000x128xf32, #tpu.memory_space<hbm>> -> memref<1x10000x128xf32, #tpu.memory_space<hbm>>
      %dma_wait3A_108 = tpu.memref_squeeze %dma_wait3A_107 : memref<1x10000x128xf32, #tpu.memory_space<hbm>> -> memref<10000x128xf32, #tpu.memory_space<hbm>>
      %dma_wait3A_109 = arith.constant 0 : i32
      %dma_wait3A_110 = arith.constant 0 : i32
      %dma_wait3A_111 = tpu.memref_slice %dma_wait3A_108[%dma_wait3A_109, %dma_wait3A_110] : memref<10000x128xf32, #tpu.memory_space<hbm>> -> memref<10000x128xf32, #tpu.memory_space<hbm>>
      tpu.wait_indirect_dma semaphore(%arg13 : memref<!tpu.dma_semaphore, #tpu.memory_space<semaphore_mem>>) src(%dma_wait3A_111 : memref<10000x128xf32, #tpu.memory_space<hbm>>) dst(%arg8 : memref<128x128xf32, #tpu.memory_space<vmem>>)
      %dma_start3A_112 = arith.constant 0 : i32
      %dma_start3A_113 = arith.constant 0 : i32
      %dma_start3A_114 = tpu.memref_slice %arg7[%dma_start3A_112, %dma_start3A_113] : memref<2x128xi32, #tpu.memory_space<vmem>> -> memref<1x128xi32, #tpu.memory_space<vmem>>
      %dma_start3A_115 = tpu.memref_squeeze %dma_start3A_114 : memref<1x128xi32, #tpu.memory_space<vmem>> -> memref<128xi32, #tpu.memory_space<vmem>>
      %dma_start3A_116 = arith.constant 0 : i32
      %dma_start3A_117 = arith.constant 0 : i32
      %dma_start3A_118 = tpu.memref_slice %arg2[%add3A_29, %dma_start3A_116, %dma_start3A_117] : memref<4x10000x128xf32, #tpu.memory_space<hbm>> -> memref<1x10000x128xf32, #tpu.memory_space<hbm>>
      %dma_start3A_119 = tpu.memref_squeeze %dma_start3A_118 : memref<1x10000x128xf32, #tpu.memory_space<hbm>> -> memref<10000x128xf32, #tpu.memory_space<hbm>>
      %dma_start3A_120 = arith.constant 0 : i32
      %dma_start3A_121 = arith.constant 0 : i32
      %dma_start3A_122 = tpu.memref_slice %dma_start3A_119[%dma_start3A_120, %dma_start3A_121] : memref<10000x128xf32, #tpu.memory_space<hbm>> -> memref<10000x128xf32, #tpu.memory_space<hbm>>
      tpu.enqueue_indirect_dma source(%dma_start3A_122 : memref<10000x128xf32, #tpu.memory_space<hbm>>) target(%arg9 : memref<128x128xf32, #tpu.memory_space<vmem>>) offsets(%dma_start3A_115 : memref<128xi32, #tpu.memory_space<vmem>>) semaphore(%arg14 : memref<!tpu.dma_semaphore, #tpu.memory_space<semaphore_mem>>)
      %run_scoped3A_123 = arith.constant 1 : i32
      "tpu.region"() ({
        %run_scoped3A_130 = tpu.sem_alloc : memref<!tpu.dma_semaphore, #tpu.memory_space<semaphore_mem>>
        %dma_start3A_131 = arith.constant 0 : i32
        %dma_start3A_132 = tpu.memref_slice %arg6[%run_scoped3A_123, %dma_start3A_131] : memref<2x128xi32, #tpu.memory_space<vmem>> -> memref<1x128xi32, #tpu.memory_space<vmem>>
        %dma_start3A_133 = tpu.memref_squeeze %dma_start3A_132 : memref<1x128xi32, #tpu.memory_space<vmem>> -> memref<128xi32, #tpu.memory_space<vmem>>
        %dma_start3A_134 = arith.constant 0 : i32
        %dma_start3A_135 = arith.constant 0 : i32
        %dma_start3A_136 = tpu.memref_slice %arg10[%dma_start3A_134, %dma_start3A_135] : memref<10008x128xf32, #tpu.memory_space<vmem_shared>> -> memref<10008x128xf32, #tpu.memory_space<vmem_shared>>
        tpu.enqueue_indirect_dma source(%arg8 : memref<128x128xf32, #tpu.memory_space<vmem>>) target(%dma_start3A_136 : memref<10008x128xf32, #tpu.memory_space<vmem_shared>>) offsets(%dma_start3A_133 : memref<128xi32, #tpu.memory_space<vmem>>) semaphore(%run_scoped3A_130 : memref<!tpu.dma_semaphore, #tpu.memory_space<semaphore_mem>>) {add = true}
        %dma_wait3A_137 = arith.constant 0 : i32
        %dma_wait3A_138 = tpu.memref_slice %arg6[%run_scoped3A_123, %dma_wait3A_137] : memref<2x128xi32, #tpu.memory_space<vmem>> -> memref<1x128xi32, #tpu.memory_space<vmem>>
        %dma_wait3A_139 = tpu.memref_squeeze %dma_wait3A_138 : memref<1x128xi32, #tpu.memory_space<vmem>> -> memref<128xi32, #tpu.memory_space<vmem>>
        %dma_wait3A_140 = arith.constant 0 : i32
        %dma_wait3A_141 = arith.constant 0 : i32
        %dma_wait3A_142 = tpu.memref_slice %arg10[%dma_wait3A_140, %dma_wait3A_141] : memref<10008x128xf32, #tpu.memory_space<vmem_shared>> -> memref<10008x128xf32, #tpu.memory_space<vmem_shared>>
        tpu.wait_indirect_dma semaphore(%run_scoped3A_130 : memref<!tpu.dma_semaphore, #tpu.memory_space<semaphore_mem>>) src(%arg8 : memref<128x128xf32, #tpu.memory_space<vmem>>) dst(%dma_wait3A_142 : memref<10008x128xf32, #tpu.memory_space<vmem_shared>>)
        tpu.yield
      }) : () -> ()
      %add3A_124 = arith.constant 1 : i32
      %add3A_125 = arith.addi %scan3A_58, %add3A_124 : i32
      %lt3A = arith.constant 40 : i32
      %lt3A_126 = arith.cmpi slt, %add3A_125, %lt3A : i32
      %convert_element_type3A_127 = arith.extui %lt3A_126 : i1 to i32
      %cond3A_128 = arith.constant 0 : i32
      %cond3A_129 = arith.cmpi ne, %convert_element_type3A_127, %cond3A_128 : i32
      scf.if %cond3A_129 {
        %add3A_130 = arith.constant 2 : i32
        %add3A_131 = arith.addi %add3A_61, %add3A_130 : i32
        %dma_start3A_132 = arith.constant 0 : i32
        %dma_start3A_133 = arith.constant 0 : i32
        %dma_start3A_134 = tpu.memref_slice %arg3[%add3A_131, %dma_start3A_132, %dma_start3A_133] : memref<1280x2x128xi32, #tpu.memory_space<hbm>> -> memref<1x2x128xi32, #tpu.memory_space<hbm>>
        %dma_start3A_135 = tpu.memref_squeeze %dma_start3A_134 : memref<1x2x128xi32, #tpu.memory_space<hbm>> -> memref<2x128xi32, #tpu.memory_space<hbm>>
        %dma_start3A_136 = arith.constant 0 : i32
        %dma_start3A_137 = arith.constant 0 : i32
        %dma_start3A_138 = tpu.memref_slice %arg3[%add3A_131, %dma_start3A_136, %dma_start3A_137] : memref<1280x2x128xi32, #tpu.memory_space<hbm>> -> memref<1x2x128xi32, #tpu.memory_space<hbm>>
        %dma_start3A_139 = tpu.memref_squeeze %dma_start3A_138 : memref<1x2x128xi32, #tpu.memory_space<hbm>> -> memref<2x128xi32, #tpu.memory_space<hbm>>
        tpu.enqueue_dma source(%dma_start3A_139 : memref<2x128xi32, #tpu.memory_space<hbm>>) target(%arg6 : memref<2x128xi32, #tpu.memory_space<vmem>>) target_semaphore(%arg11 : memref<!tpu.dma_semaphore, #tpu.memory_space<semaphore_mem>>)
      } else {
      }
    }
    %scan3A_43 = arith.constant 40 : i32
    %dma_wait3A_44 = arith.constant 0 : i32
    %dma_wait3A_45 = arith.constant 0 : i32
    %dma_wait3A_46 = tpu.memref_slice %arg7[%dma_wait3A_44, %dma_wait3A_45] : memref<2x128xi32, #tpu.memory_space<vmem>> -> memref<1x128xi32, #tpu.memory_space<vmem>>
    %dma_wait3A_47 = tpu.memref_squeeze %dma_wait3A_46 : memref<1x128xi32, #tpu.memory_space<vmem>> -> memref<128xi32, #tpu.memory_space<vmem>>
    %dma_wait3A_48 = arith.constant 0 : i32
    %dma_wait3A_49 = arith.constant 0 : i32
    %dma_wait3A_50 = tpu.memref_slice %arg2[%add3A_29, %dma_wait3A_48, %dma_wait3A_49] : memref<4x10000x128xf32, #tpu.memory_space<hbm>> -> memref<1x10000x128xf32, #tpu.memory_space<hbm>>
    %dma_wait3A_51 = tpu.memref_squeeze %dma_wait3A_50 : memref<1x10000x128xf32, #tpu.memory_space<hbm>> -> memref<10000x128xf32, #tpu.memory_space<hbm>>
    %dma_wait3A_52 = arith.constant 0 : i32
    %dma_wait3A_53 = arith.constant 0 : i32
    %dma_wait3A_54 = tpu.memref_slice %dma_wait3A_51[%dma_wait3A_52, %dma_wait3A_53] : memref<10000x128xf32, #tpu.memory_space<hbm>> -> memref<10000x128xf32, #tpu.memory_space<hbm>>
    tpu.wait_indirect_dma semaphore(%arg14 : memref<!tpu.dma_semaphore, #tpu.memory_space<semaphore_mem>>) src(%dma_wait3A_54 : memref<10000x128xf32, #tpu.memory_space<hbm>>) dst(%arg9 : memref<128x128xf32, #tpu.memory_space<vmem>>)
    %run_scoped3A_55 = arith.constant 1 : i32
    "tpu.region"() ({
      %run_scoped3A_58 = tpu.sem_alloc : memref<!tpu.dma_semaphore, #tpu.memory_space<semaphore_mem>>
      %dma_start3A_59 = arith.constant 0 : i32
      %dma_start3A_60 = tpu.memref_slice %arg7[%run_scoped3A_55, %dma_start3A_59] : memref<2x128xi32, #tpu.memory_space<vmem>> -> memref<1x128xi32, #tpu.memory_space<vmem>>
      %dma_start3A_61 = tpu.memref_squeeze %dma_start3A_60 : memref<1x128xi32, #tpu.memory_space<vmem>> -> memref<128xi32, #tpu.memory_space<vmem>>
      %dma_start3A_62 = arith.constant 0 : i32
      %dma_start3A_63 = arith.constant 0 : i32
      %dma_start3A_64 = tpu.memref_slice %arg10[%dma_start3A_62, %dma_start3A_63] : memref<10008x128xf32, #tpu.memory_space<vmem_shared>> -> memref<10008x128xf32, #tpu.memory_space<vmem_shared>>
      tpu.enqueue_indirect_dma source(%arg9 : memref<128x128xf32, #tpu.memory_space<vmem>>) target(%dma_start3A_64 : memref<10008x128xf32, #tpu.memory_space<vmem_shared>>) offsets(%dma_start3A_61 : memref<128xi32, #tpu.memory_space<vmem>>) semaphore(%run_scoped3A_58 : memref<!tpu.dma_semaphore, #tpu.memory_space<semaphore_mem>>) {add = true}
      %dma_wait3A_65 = arith.constant 0 : i32
      %dma_wait3A_66 = tpu.memref_slice %arg7[%run_scoped3A_55, %dma_wait3A_65] : memref<2x128xi32, #tpu.memory_space<vmem>> -> memref<1x128xi32, #tpu.memory_space<vmem>>
      %dma_wait3A_67 = tpu.memref_squeeze %dma_wait3A_66 : memref<1x128xi32, #tpu.memory_space<vmem>> -> memref<128xi32, #tpu.memory_space<vmem>>
      %dma_wait3A_68 = arith.constant 0 : i32
      %dma_wait3A_69 = arith.constant 0 : i32
      %dma_wait3A_70 = tpu.memref_slice %arg10[%dma_wait3A_68, %dma_wait3A_69] : memref<10008x128xf32, #tpu.memory_space<vmem_shared>> -> memref<10008x128xf32, #tpu.memory_space<vmem_shared>>
      tpu.wait_indirect_dma semaphore(%run_scoped3A_58 : memref<!tpu.dma_semaphore, #tpu.memory_space<semaphore_mem>>) src(%arg9 : memref<128x128xf32, #tpu.memory_space<vmem>>) dst(%dma_wait3A_70 : memref<10008x128xf32, #tpu.memory_space<vmem_shared>>)
      tpu.yield
    }) : () -> ()
    %barrier3A_56 = arith.constant 0 : index
    tpu.barrier barrier_id(%barrier3A_56)
    "tpu.region"() ({
      %run_scoped3A_58 = tpu.sem_alloc : memref<!tpu.dma_semaphore, #tpu.memory_space<semaphore_mem>>
      %dma_start3A_59 = arith.constant 0 : i32
      %dma_start3A_60 = tpu.memref_slice %arg5[%add3A_29, %multiple_of3A, %dma_start3A_59] : memref<4x10000x128xf32, #tpu.memory_space<hbm>> -> memref<1x632x128xf32, #tpu.memory_space<hbm>>
      %dma_start3A_61 = tpu.memref_squeeze %dma_start3A_60 : memref<1x632x128xf32, #tpu.memory_space<hbm>> -> memref<632x128xf32, #tpu.memory_space<hbm>>
      %dma_start3A_62 = arith.constant 0 : i32
      %dma_start3A_63 = tpu.memref_slice %arg10[%multiple_of3A, %dma_start3A_62] : memref<10008x128xf32, #tpu.memory_space<vmem_shared>> -> memref<632x128xf32, #tpu.memory_space<vmem_shared>>
      tpu.enqueue_dma source(%dma_start3A_63 : memref<632x128xf32, #tpu.memory_space<vmem_shared>>) target(%dma_start3A_61 : memref<632x128xf32, #tpu.memory_space<hbm>>) target_semaphore(%run_scoped3A_58 : memref<!tpu.dma_semaphore, #tpu.memory_space<semaphore_mem>>)
      %dma_wait3A_64 = arith.constant 0 : i32
      %dma_wait3A_65 = tpu.memref_slice %arg5[%add3A_29, %multiple_of3A, %dma_wait3A_64] : memref<4x10000x128xf32, #tpu.memory_space<hbm>> -> memref<1x632x128xf32, #tpu.memory_space<hbm>>
      %dma_wait3A_66 = tpu.memref_squeeze %dma_wait3A_65 : memref<1x632x128xf32, #tpu.memory_space<hbm>> -> memref<632x128xf32, #tpu.memory_space<hbm>>
      %dma_wait3A_67 = arith.constant 0 : i32
      %dma_wait3A_68 = tpu.memref_slice %arg10[%multiple_of3A, %dma_wait3A_67] : memref<10008x128xf32, #tpu.memory_space<vmem_shared>> -> memref<632x128xf32, #tpu.memory_space<vmem_shared>>
      tpu.wait_dma2 semaphore(%run_scoped3A_58 : memref<!tpu.dma_semaphore, #tpu.memory_space<semaphore_mem>>) src(%dma_wait3A_68 : memref<632x128xf32, #tpu.memory_space<vmem_shared>>) dst(%dma_wait3A_66 : memref<632x128xf32, #tpu.memory_space<hbm>>)
      tpu.yield
    }) : () -> ()
    %barrier3A_57 = arith.constant 0 : index
    tpu.barrier barrier_id(%barrier3A_57)
    return
  }
}

#map = affine_map<(d0, d1) -> (0, 0, 0)>
#map1 = affine_map<(d0, d1) -> (0, 0)>
module attributes {stable_mosaic.version = 14 : i64} {
  func.func @k(%arg0: i32, %arg1: i32, %arg2: memref<5x10000x128xf32, #tpu.memory_space<hbm>>, %arg3: memref<1280x2x128xi32, #tpu.memory_space<hbm>>, %arg4: memref<632x128xf32, #tpu.memory_space<hbm>>, %arg5: memref<5x10000x128xf32, #tpu.memory_space<hbm>>, %arg6: memref<2x128xi32, #tpu.memory_space<vmem>>, %arg7: memref<2x128xi32, #tpu.memory_space<vmem>>, %arg8: memref<128x128xf32, #tpu.memory_space<vmem>>, %arg9: memref<128x128xf32, #tpu.memory_space<vmem>>, %arg10: memref<10008x128xf32, #tpu.memory_space<vmem_shared>>, %arg11: memref<!tpu.dma_semaphore, #tpu.memory_space<semaphore_mem>>, %arg12: memref<!tpu.dma_semaphore, #tpu.memory_space<semaphore_mem>>, %arg13: memref<!tpu.dma_semaphore, #tpu.memory_space<semaphore_mem>>, %arg14: memref<!tpu.dma_semaphore, #tpu.memory_space<semaphore_mem>>) attributes {dimension_semantics = [#tpu.dimension_semantics<core_parallel>, #tpu.dimension_semantics<subcore_parallel>], iteration_bounds = array<i64: 2, 16>, scalar_prefetch = 0 : i64, scratch_operands = 9 : i64, tpu.core_type = #tpu.core_type<sc_vector_subcore>, window_params = [{transform_indices = #map}, {transform_indices = #map}, {transform_indices = #map1}, {transform_indices = #map}]} {
    %mul3A = arith.constant 632 : i32
    %mul3A_0 = arith.muli %arg1, %mul3A : i32
    %min3A = arith.constant 9368 : i32
    %min3A_1 = arith.minsi %mul3A_0, %min3A : i32
    %multiple_of3A = tpu.assume_multiple %min3A_1, 8 : i32
    %mul3A_2 = arith.constant 80 : i32
    %mul3A_3 = arith.muli %arg1, %mul3A_2 : i32
    %add3A = arith.constant 0 : i32
    %add3A_4 = arith.addi %add3A, %arg0 : i32
    "tpu.region"() ({
      %run_scoped3A_62 = tpu.sem_alloc : memref<!tpu.dma_semaphore, #tpu.memory_space<semaphore_mem>>
      %dma_start3A_63 = arith.constant 0 : i32
      %dma_start3A_64 = tpu.memref_slice %arg10[%multiple_of3A, %dma_start3A_63] : memref<10008x128xf32, #tpu.memory_space<vmem_shared>> -> memref<632x128xf32, #tpu.memory_space<vmem_shared>>
      tpu.enqueue_dma source(%arg4 : memref<632x128xf32, #tpu.memory_space<hbm>>) target(%dma_start3A_64 : memref<632x128xf32, #tpu.memory_space<vmem_shared>>) target_semaphore(%run_scoped3A_62 : memref<!tpu.dma_semaphore, #tpu.memory_space<semaphore_mem>>)
      %dma_wait3A_65 = arith.constant 0 : i32
      %dma_wait3A_66 = tpu.memref_slice %arg10[%multiple_of3A, %dma_wait3A_65] : memref<10008x128xf32, #tpu.memory_space<vmem_shared>> -> memref<632x128xf32, #tpu.memory_space<vmem_shared>>
      tpu.wait_dma2 semaphore(%run_scoped3A_62 : memref<!tpu.dma_semaphore, #tpu.memory_space<semaphore_mem>>) src(%arg4 : memref<632x128xf32, #tpu.memory_space<hbm>>) dst(%dma_wait3A_66 : memref<632x128xf32, #tpu.memory_space<vmem_shared>>)
      tpu.yield
    }) : () -> ()
    %barrier3A = arith.constant 0 : index
    tpu.barrier barrier_id(%barrier3A)
    %dma_start3A = arith.constant 0 : i32
    %dma_start3A_5 = arith.constant 0 : i32
    %dma_start3A_6 = tpu.memref_slice %arg3[%mul3A_3, %dma_start3A, %dma_start3A_5] : memref<1280x2x128xi32, #tpu.memory_space<hbm>> -> memref<1x2x128xi32, #tpu.memory_space<hbm>>
    %dma_start3A_7 = tpu.memref_squeeze %dma_start3A_6 : memref<1x2x128xi32, #tpu.memory_space<hbm>> -> memref<2x128xi32, #tpu.memory_space<hbm>>
    %dma_start3A_8 = arith.constant 0 : i32
    %dma_start3A_9 = arith.constant 0 : i32
    %dma_start3A_10 = tpu.memref_slice %arg3[%mul3A_3, %dma_start3A_8, %dma_start3A_9] : memref<1280x2x128xi32, #tpu.memory_space<hbm>> -> memref<1x2x128xi32, #tpu.memory_space<hbm>>
    %dma_start3A_11 = tpu.memref_squeeze %dma_start3A_10 : memref<1x2x128xi32, #tpu.memory_space<hbm>> -> memref<2x128xi32, #tpu.memory_space<hbm>>
    tpu.enqueue_dma source(%dma_start3A_11 : memref<2x128xi32, #tpu.memory_space<hbm>>) target(%arg6 : memref<2x128xi32, #tpu.memory_space<vmem>>) target_semaphore(%arg11 : memref<!tpu.dma_semaphore, #tpu.memory_space<semaphore_mem>>)
    %scan3A = arith.constant 0 : i32
    %scan3A_12 = arith.constant 40 : i32
    %scan3A_13 = arith.addi %scan3A, %scan3A_12 : i32
    %scan3A_14 = arith.constant 1 : i32
    scf.for %scan3A_62 = %scan3A to %scan3A_13 step %scan3A_14  : i32 {
      %mul3A_63 = arith.constant 2 : i32
      %mul3A_64 = arith.muli %mul3A_63, %scan3A_62 : i32
      %add3A_65 = arith.addi %mul3A_3, %mul3A_64 : i32
      %dma_wait3A_66 = arith.constant 0 : i32
      %dma_wait3A_67 = arith.constant 0 : i32
      %dma_wait3A_68 = tpu.memref_slice %arg3[%mul3A_3, %dma_wait3A_66, %dma_wait3A_67] : memref<1280x2x128xi32, #tpu.memory_space<hbm>> -> memref<1x2x128xi32, #tpu.memory_space<hbm>>
      %dma_wait3A_69 = tpu.memref_squeeze %dma_wait3A_68 : memref<1x2x128xi32, #tpu.memory_space<hbm>> -> memref<2x128xi32, #tpu.memory_space<hbm>>
      %dma_wait3A_70 = arith.constant 0 : i32
      %dma_wait3A_71 = arith.constant 0 : i32
      %dma_wait3A_72 = tpu.memref_slice %arg3[%mul3A_3, %dma_wait3A_70, %dma_wait3A_71] : memref<1280x2x128xi32, #tpu.memory_space<hbm>> -> memref<1x2x128xi32, #tpu.memory_space<hbm>>
      %dma_wait3A_73 = tpu.memref_squeeze %dma_wait3A_72 : memref<1x2x128xi32, #tpu.memory_space<hbm>> -> memref<2x128xi32, #tpu.memory_space<hbm>>
      tpu.wait_dma2 semaphore(%arg11 : memref<!tpu.dma_semaphore, #tpu.memory_space<semaphore_mem>>) src(%dma_wait3A_73 : memref<2x128xi32, #tpu.memory_space<hbm>>) dst(%arg6 : memref<2x128xi32, #tpu.memory_space<vmem>>)
      %dma_start3A_74 = arith.constant 0 : i32
      %dma_start3A_75 = arith.constant 0 : i32
      %dma_start3A_76 = tpu.memref_slice %arg6[%dma_start3A_74, %dma_start3A_75] : memref<2x128xi32, #tpu.memory_space<vmem>> -> memref<1x128xi32, #tpu.memory_space<vmem>>
      %dma_start3A_77 = tpu.memref_squeeze %dma_start3A_76 : memref<1x128xi32, #tpu.memory_space<vmem>> -> memref<128xi32, #tpu.memory_space<vmem>>
      %dma_start3A_78 = arith.constant 0 : i32
      %dma_start3A_79 = arith.constant 0 : i32
      %dma_start3A_80 = tpu.memref_slice %arg2[%add3A_4, %dma_start3A_78, %dma_start3A_79] : memref<5x10000x128xf32, #tpu.memory_space<hbm>> -> memref<1x10000x128xf32, #tpu.memory_space<hbm>>
      %dma_start3A_81 = tpu.memref_squeeze %dma_start3A_80 : memref<1x10000x128xf32, #tpu.memory_space<hbm>> -> memref<10000x128xf32, #tpu.memory_space<hbm>>
      %dma_start3A_82 = arith.constant 0 : i32
      %dma_start3A_83 = arith.constant 0 : i32
      %dma_start3A_84 = tpu.memref_slice %dma_start3A_81[%dma_start3A_82, %dma_start3A_83] : memref<10000x128xf32, #tpu.memory_space<hbm>> -> memref<10000x128xf32, #tpu.memory_space<hbm>>
      tpu.enqueue_indirect_dma source(%dma_start3A_84 : memref<10000x128xf32, #tpu.memory_space<hbm>>) target(%arg8 : memref<128x128xf32, #tpu.memory_space<vmem>>) offsets(%dma_start3A_77 : memref<128xi32, #tpu.memory_space<vmem>>) semaphore(%arg13 : memref<!tpu.dma_semaphore, #tpu.memory_space<semaphore_mem>>)
      %gt3A = arith.constant 0 : i32
      %gt3A_85 = arith.cmpi sgt, %scan3A_62, %gt3A : i32
      %convert_element_type3A_86 = arith.extui %gt3A_85 : i1 to i32
      %cond3A_87 = arith.constant 0 : i32
      %cond3A_88 = arith.cmpi ne, %convert_element_type3A_86, %cond3A_87 : i32
      scf.if %cond3A_88 {
        %dma_wait3A_137 = arith.constant 0 : i32
        %dma_wait3A_138 = arith.constant 0 : i32
        %dma_wait3A_139 = tpu.memref_slice %arg7[%dma_wait3A_137, %dma_wait3A_138] : memref<2x128xi32, #tpu.memory_space<vmem>> -> memref<1x128xi32, #tpu.memory_space<vmem>>
        %dma_wait3A_140 = tpu.memref_squeeze %dma_wait3A_139 : memref<1x128xi32, #tpu.memory_space<vmem>> -> memref<128xi32, #tpu.memory_space<vmem>>
        %dma_wait3A_141 = arith.constant 0 : i32
        %dma_wait3A_142 = arith.constant 0 : i32
        %dma_wait3A_143 = tpu.memref_slice %arg2[%add3A_4, %dma_wait3A_141, %dma_wait3A_142] : memref<5x10000x128xf32, #tpu.memory_space<hbm>> -> memref<1x10000x128xf32, #tpu.memory_space<hbm>>
        %dma_wait3A_144 = tpu.memref_squeeze %dma_wait3A_143 : memref<1x10000x128xf32, #tpu.memory_space<hbm>> -> memref<10000x128xf32, #tpu.memory_space<hbm>>
        %dma_wait3A_145 = arith.constant 0 : i32
        %dma_wait3A_146 = arith.constant 0 : i32
        %dma_wait3A_147 = tpu.memref_slice %dma_wait3A_144[%dma_wait3A_145, %dma_wait3A_146] : memref<10000x128xf32, #tpu.memory_space<hbm>> -> memref<10000x128xf32, #tpu.memory_space<hbm>>
        tpu.wait_indirect_dma semaphore(%arg14 : memref<!tpu.dma_semaphore, #tpu.memory_space<semaphore_mem>>) src(%dma_wait3A_147 : memref<10000x128xf32, #tpu.memory_space<hbm>>) dst(%arg9 : memref<128x128xf32, #tpu.memory_space<vmem>>)
        %run_scoped3A_148 = arith.constant 1 : i32
        "tpu.region"() ({
          %run_scoped3A_149 = tpu.sem_alloc : memref<!tpu.dma_semaphore, #tpu.memory_space<semaphore_mem>>
          %dma_start3A_150 = arith.constant 0 : i32
          %dma_start3A_151 = tpu.memref_slice %arg7[%run_scoped3A_148, %dma_start3A_150] : memref<2x128xi32, #tpu.memory_space<vmem>> -> memref<1x128xi32, #tpu.memory_space<vmem>>
          %dma_start3A_152 = tpu.memref_squeeze %dma_start3A_151 : memref<1x128xi32, #tpu.memory_space<vmem>> -> memref<128xi32, #tpu.memory_space<vmem>>
          %dma_start3A_153 = arith.constant 0 : i32
          %dma_start3A_154 = arith.constant 0 : i32
          %dma_start3A_155 = tpu.memref_slice %arg10[%dma_start3A_153, %dma_start3A_154] : memref<10008x128xf32, #tpu.memory_space<vmem_shared>> -> memref<10008x128xf32, #tpu.memory_space<vmem_shared>>
          tpu.enqueue_indirect_dma source(%arg9 : memref<128x128xf32, #tpu.memory_space<vmem>>) target(%dma_start3A_155 : memref<10008x128xf32, #tpu.memory_space<vmem_shared>>) offsets(%dma_start3A_152 : memref<128xi32, #tpu.memory_space<vmem>>) semaphore(%run_scoped3A_149 : memref<!tpu.dma_semaphore, #tpu.memory_space<semaphore_mem>>) {add = true}
          %dma_wait3A_156 = arith.constant 0 : i32
          %dma_wait3A_157 = tpu.memref_slice %arg7[%run_scoped3A_148, %dma_wait3A_156] : memref<2x128xi32, #tpu.memory_space<vmem>> -> memref<1x128xi32, #tpu.memory_space<vmem>>
          %dma_wait3A_158 = tpu.memref_squeeze %dma_wait3A_157 : memref<1x128xi32, #tpu.memory_space<vmem>> -> memref<128xi32, #tpu.memory_space<vmem>>
          %dma_wait3A_159 = arith.constant 0 : i32
          %dma_wait3A_160 = arith.constant 0 : i32
          %dma_wait3A_161 = tpu.memref_slice %arg10[%dma_wait3A_159, %dma_wait3A_160] : memref<10008x128xf32, #tpu.memory_space<vmem_shared>> -> memref<10008x128xf32, #tpu.memory_space<vmem_shared>>
          tpu.wait_indirect_dma semaphore(%run_scoped3A_149 : memref<!tpu.dma_semaphore, #tpu.memory_space<semaphore_mem>>) src(%arg9 : memref<128x128xf32, #tpu.memory_space<vmem>>) dst(%dma_wait3A_161 : memref<10008x128xf32, #tpu.memory_space<vmem_shared>>)
          tpu.yield
        }) : () -> ()
      } else {
      }
      %add3A_89 = arith.constant 1 : i32
      %add3A_90 = arith.addi %add3A_65, %add3A_89 : i32
      %dma_start3A_91 = arith.constant 0 : i32
      %dma_start3A_92 = arith.constant 0 : i32
      %dma_start3A_93 = tpu.memref_slice %arg3[%add3A_90, %dma_start3A_91, %dma_start3A_92] : memref<1280x2x128xi32, #tpu.memory_space<hbm>> -> memref<1x2x128xi32, #tpu.memory_space<hbm>>
      %dma_start3A_94 = tpu.memref_squeeze %dma_start3A_93 : memref<1x2x128xi32, #tpu.memory_space<hbm>> -> memref<2x128xi32, #tpu.memory_space<hbm>>
      %dma_start3A_95 = arith.constant 0 : i32
      %dma_start3A_96 = arith.constant 0 : i32
      %dma_start3A_97 = tpu.memref_slice %arg3[%add3A_90, %dma_start3A_95, %dma_start3A_96] : memref<1280x2x128xi32, #tpu.memory_space<hbm>> -> memref<1x2x128xi32, #tpu.memory_space<hbm>>
      %dma_start3A_98 = tpu.memref_squeeze %dma_start3A_97 : memref<1x2x128xi32, #tpu.memory_space<hbm>> -> memref<2x128xi32, #tpu.memory_space<hbm>>
      tpu.enqueue_dma source(%dma_start3A_98 : memref<2x128xi32, #tpu.memory_space<hbm>>) target(%arg7 : memref<2x128xi32, #tpu.memory_space<vmem>>) target_semaphore(%arg12 : memref<!tpu.dma_semaphore, #tpu.memory_space<semaphore_mem>>)
      %dma_wait3A_99 = arith.constant 0 : i32
      %dma_wait3A_100 = arith.constant 0 : i32
      %dma_wait3A_101 = tpu.memref_slice %arg3[%mul3A_3, %dma_wait3A_99, %dma_wait3A_100] : memref<1280x2x128xi32, #tpu.memory_space<hbm>> -> memref<1x2x128xi32, #tpu.memory_space<hbm>>
      %dma_wait3A_102 = tpu.memref_squeeze %dma_wait3A_101 : memref<1x2x128xi32, #tpu.memory_space<hbm>> -> memref<2x128xi32, #tpu.memory_space<hbm>>
      %dma_wait3A_103 = arith.constant 0 : i32
      %dma_wait3A_104 = arith.constant 0 : i32
      %dma_wait3A_105 = tpu.memref_slice %arg3[%mul3A_3, %dma_wait3A_103, %dma_wait3A_104] : memref<1280x2x128xi32, #tpu.memory_space<hbm>> -> memref<1x2x128xi32, #tpu.memory_space<hbm>>
      %dma_wait3A_106 = tpu.memref_squeeze %dma_wait3A_105 : memref<1x2x128xi32, #tpu.memory_space<hbm>> -> memref<2x128xi32, #tpu.memory_space<hbm>>
      tpu.wait_dma2 semaphore(%arg12 : memref<!tpu.dma_semaphore, #tpu.memory_space<semaphore_mem>>) src(%dma_wait3A_106 : memref<2x128xi32, #tpu.memory_space<hbm>>) dst(%arg7 : memref<2x128xi32, #tpu.memory_space<vmem>>)
      %dma_wait3A_107 = arith.constant 0 : i32
      %dma_wait3A_108 = arith.constant 0 : i32
      %dma_wait3A_109 = tpu.memref_slice %arg6[%dma_wait3A_107, %dma_wait3A_108] : memref<2x128xi32, #tpu.memory_space<vmem>> -> memref<1x128xi32, #tpu.memory_space<vmem>>
      %dma_wait3A_110 = tpu.memref_squeeze %dma_wait3A_109 : memref<1x128xi32, #tpu.memory_space<vmem>> -> memref<128xi32, #tpu.memory_space<vmem>>
      %dma_wait3A_111 = arith.constant 0 : i32
      %dma_wait3A_112 = arith.constant 0 : i32
      %dma_wait3A_113 = tpu.memref_slice %arg2[%add3A_4, %dma_wait3A_111, %dma_wait3A_112] : memref<5x10000x128xf32, #tpu.memory_space<hbm>> -> memref<1x10000x128xf32, #tpu.memory_space<hbm>>
      %dma_wait3A_114 = tpu.memref_squeeze %dma_wait3A_113 : memref<1x10000x128xf32, #tpu.memory_space<hbm>> -> memref<10000x128xf32, #tpu.memory_space<hbm>>
      %dma_wait3A_115 = arith.constant 0 : i32
      %dma_wait3A_116 = arith.constant 0 : i32
      %dma_wait3A_117 = tpu.memref_slice %dma_wait3A_114[%dma_wait3A_115, %dma_wait3A_116] : memref<10000x128xf32, #tpu.memory_space<hbm>> -> memref<10000x128xf32, #tpu.memory_space<hbm>>
      tpu.wait_indirect_dma semaphore(%arg13 : memref<!tpu.dma_semaphore, #tpu.memory_space<semaphore_mem>>) src(%dma_wait3A_117 : memref<10000x128xf32, #tpu.memory_space<hbm>>) dst(%arg8 : memref<128x128xf32, #tpu.memory_space<vmem>>)
      %dma_start3A_118 = arith.constant 0 : i32
      %dma_start3A_119 = arith.constant 0 : i32
      %dma_start3A_120 = tpu.memref_slice %arg7[%dma_start3A_118, %dma_start3A_119] : memref<2x128xi32, #tpu.memory_space<vmem>> -> memref<1x128xi32, #tpu.memory_space<vmem>>
      %dma_start3A_121 = tpu.memref_squeeze %dma_start3A_120 : memref<1x128xi32, #tpu.memory_space<vmem>> -> memref<128xi32, #tpu.memory_space<vmem>>
      %dma_start3A_122 = arith.constant 0 : i32
      %dma_start3A_123 = arith.constant 0 : i32
      %dma_start3A_124 = tpu.memref_slice %arg2[%add3A_4, %dma_start3A_122, %dma_start3A_123] : memref<5x10000x128xf32, #tpu.memory_space<hbm>> -> memref<1x10000x128xf32, #tpu.memory_space<hbm>>
      %dma_start3A_125 = tpu.memref_squeeze %dma_start3A_124 : memref<1x10000x128xf32, #tpu.memory_space<hbm>> -> memref<10000x128xf32, #tpu.memory_space<hbm>>
      %dma_start3A_126 = arith.constant 0 : i32
      %dma_start3A_127 = arith.constant 0 : i32
      %dma_start3A_128 = tpu.memref_slice %dma_start3A_125[%dma_start3A_126, %dma_start3A_127] : memref<10000x128xf32, #tpu.memory_space<hbm>> -> memref<10000x128xf32, #tpu.memory_space<hbm>>
      tpu.enqueue_indirect_dma source(%dma_start3A_128 : memref<10000x128xf32, #tpu.memory_space<hbm>>) target(%arg9 : memref<128x128xf32, #tpu.memory_space<vmem>>) offsets(%dma_start3A_121 : memref<128xi32, #tpu.memory_space<vmem>>) semaphore(%arg14 : memref<!tpu.dma_semaphore, #tpu.memory_space<semaphore_mem>>)
      %run_scoped3A_129 = arith.constant 1 : i32
      "tpu.region"() ({
        %run_scoped3A_137 = tpu.sem_alloc : memref<!tpu.dma_semaphore, #tpu.memory_space<semaphore_mem>>
        %dma_start3A_138 = arith.constant 0 : i32
        %dma_start3A_139 = tpu.memref_slice %arg6[%run_scoped3A_129, %dma_start3A_138] : memref<2x128xi32, #tpu.memory_space<vmem>> -> memref<1x128xi32, #tpu.memory_space<vmem>>
        %dma_start3A_140 = tpu.memref_squeeze %dma_start3A_139 : memref<1x128xi32, #tpu.memory_space<vmem>> -> memref<128xi32, #tpu.memory_space<vmem>>
        %dma_start3A_141 = arith.constant 0 : i32
        %dma_start3A_142 = arith.constant 0 : i32
        %dma_start3A_143 = tpu.memref_slice %arg10[%dma_start3A_141, %dma_start3A_142] : memref<10008x128xf32, #tpu.memory_space<vmem_shared>> -> memref<10008x128xf32, #tpu.memory_space<vmem_shared>>
        tpu.enqueue_indirect_dma source(%arg8 : memref<128x128xf32, #tpu.memory_space<vmem>>) target(%dma_start3A_143 : memref<10008x128xf32, #tpu.memory_space<vmem_shared>>) offsets(%dma_start3A_140 : memref<128xi32, #tpu.memory_space<vmem>>) semaphore(%run_scoped3A_137 : memref<!tpu.dma_semaphore, #tpu.memory_space<semaphore_mem>>) {add = true}
        %dma_wait3A_144 = arith.constant 0 : i32
        %dma_wait3A_145 = tpu.memref_slice %arg6[%run_scoped3A_129, %dma_wait3A_144] : memref<2x128xi32, #tpu.memory_space<vmem>> -> memref<1x128xi32, #tpu.memory_space<vmem>>
        %dma_wait3A_146 = tpu.memref_squeeze %dma_wait3A_145 : memref<1x128xi32, #tpu.memory_space<vmem>> -> memref<128xi32, #tpu.memory_space<vmem>>
        %dma_wait3A_147 = arith.constant 0 : i32
        %dma_wait3A_148 = arith.constant 0 : i32
        %dma_wait3A_149 = tpu.memref_slice %arg10[%dma_wait3A_147, %dma_wait3A_148] : memref<10008x128xf32, #tpu.memory_space<vmem_shared>> -> memref<10008x128xf32, #tpu.memory_space<vmem_shared>>
        tpu.wait_indirect_dma semaphore(%run_scoped3A_137 : memref<!tpu.dma_semaphore, #tpu.memory_space<semaphore_mem>>) src(%arg8 : memref<128x128xf32, #tpu.memory_space<vmem>>) dst(%dma_wait3A_149 : memref<10008x128xf32, #tpu.memory_space<vmem_shared>>)
        tpu.yield
      }) : () -> ()
      %add3A_130 = arith.constant 1 : i32
      %add3A_131 = arith.addi %scan3A_62, %add3A_130 : i32
      %lt3A_132 = arith.constant 40 : i32
      %lt3A_133 = arith.cmpi slt, %add3A_131, %lt3A_132 : i32
      %convert_element_type3A_134 = arith.extui %lt3A_133 : i1 to i32
      %cond3A_135 = arith.constant 0 : i32
      %cond3A_136 = arith.cmpi ne, %convert_element_type3A_134, %cond3A_135 : i32
      scf.if %cond3A_136 {
        %add3A_137 = arith.constant 2 : i32
        %add3A_138 = arith.addi %add3A_65, %add3A_137 : i32
        %dma_start3A_139 = arith.constant 0 : i32
        %dma_start3A_140 = arith.constant 0 : i32
        %dma_start3A_141 = tpu.memref_slice %arg3[%add3A_138, %dma_start3A_139, %dma_start3A_140] : memref<1280x2x128xi32, #tpu.memory_space<hbm>> -> memref<1x2x128xi32, #tpu.memory_space<hbm>>
        %dma_start3A_142 = tpu.memref_squeeze %dma_start3A_141 : memref<1x2x128xi32, #tpu.memory_space<hbm>> -> memref<2x128xi32, #tpu.memory_space<hbm>>
        %dma_start3A_143 = arith.constant 0 : i32
        %dma_start3A_144 = arith.constant 0 : i32
        %dma_start3A_145 = tpu.memref_slice %arg3[%add3A_138, %dma_start3A_143, %dma_start3A_144] : memref<1280x2x128xi32, #tpu.memory_space<hbm>> -> memref<1x2x128xi32, #tpu.memory_space<hbm>>
        %dma_start3A_146 = tpu.memref_squeeze %dma_start3A_145 : memref<1x2x128xi32, #tpu.memory_space<hbm>> -> memref<2x128xi32, #tpu.memory_space<hbm>>
        tpu.enqueue_dma source(%dma_start3A_146 : memref<2x128xi32, #tpu.memory_space<hbm>>) target(%arg6 : memref<2x128xi32, #tpu.memory_space<vmem>>) target_semaphore(%arg11 : memref<!tpu.dma_semaphore, #tpu.memory_space<semaphore_mem>>)
      } else {
      }
    }
    %scan3A_15 = arith.constant 40 : i32
    %dma_wait3A = arith.constant 0 : i32
    %dma_wait3A_16 = arith.constant 0 : i32
    %dma_wait3A_17 = tpu.memref_slice %arg7[%dma_wait3A, %dma_wait3A_16] : memref<2x128xi32, #tpu.memory_space<vmem>> -> memref<1x128xi32, #tpu.memory_space<vmem>>
    %dma_wait3A_18 = tpu.memref_squeeze %dma_wait3A_17 : memref<1x128xi32, #tpu.memory_space<vmem>> -> memref<128xi32, #tpu.memory_space<vmem>>
    %dma_wait3A_19 = arith.constant 0 : i32
    %dma_wait3A_20 = arith.constant 0 : i32
    %dma_wait3A_21 = tpu.memref_slice %arg2[%add3A_4, %dma_wait3A_19, %dma_wait3A_20] : memref<5x10000x128xf32, #tpu.memory_space<hbm>> -> memref<1x10000x128xf32, #tpu.memory_space<hbm>>
    %dma_wait3A_22 = tpu.memref_squeeze %dma_wait3A_21 : memref<1x10000x128xf32, #tpu.memory_space<hbm>> -> memref<10000x128xf32, #tpu.memory_space<hbm>>
    %dma_wait3A_23 = arith.constant 0 : i32
    %dma_wait3A_24 = arith.constant 0 : i32
    %dma_wait3A_25 = tpu.memref_slice %dma_wait3A_22[%dma_wait3A_23, %dma_wait3A_24] : memref<10000x128xf32, #tpu.memory_space<hbm>> -> memref<10000x128xf32, #tpu.memory_space<hbm>>
    tpu.wait_indirect_dma semaphore(%arg14 : memref<!tpu.dma_semaphore, #tpu.memory_space<semaphore_mem>>) src(%dma_wait3A_25 : memref<10000x128xf32, #tpu.memory_space<hbm>>) dst(%arg9 : memref<128x128xf32, #tpu.memory_space<vmem>>)
    %run_scoped3A = arith.constant 1 : i32
    "tpu.region"() ({
      %run_scoped3A_62 = tpu.sem_alloc : memref<!tpu.dma_semaphore, #tpu.memory_space<semaphore_mem>>
      %dma_start3A_63 = arith.constant 0 : i32
      %dma_start3A_64 = tpu.memref_slice %arg7[%run_scoped3A, %dma_start3A_63] : memref<2x128xi32, #tpu.memory_space<vmem>> -> memref<1x128xi32, #tpu.memory_space<vmem>>
      %dma_start3A_65 = tpu.memref_squeeze %dma_start3A_64 : memref<1x128xi32, #tpu.memory_space<vmem>> -> memref<128xi32, #tpu.memory_space<vmem>>
      %dma_start3A_66 = arith.constant 0 : i32
      %dma_start3A_67 = arith.constant 0 : i32
      %dma_start3A_68 = tpu.memref_slice %arg10[%dma_start3A_66, %dma_start3A_67] : memref<10008x128xf32, #tpu.memory_space<vmem_shared>> -> memref<10008x128xf32, #tpu.memory_space<vmem_shared>>
      tpu.enqueue_indirect_dma source(%arg9 : memref<128x128xf32, #tpu.memory_space<vmem>>) target(%dma_start3A_68 : memref<10008x128xf32, #tpu.memory_space<vmem_shared>>) offsets(%dma_start3A_65 : memref<128xi32, #tpu.memory_space<vmem>>) semaphore(%run_scoped3A_62 : memref<!tpu.dma_semaphore, #tpu.memory_space<semaphore_mem>>) {add = true}
      %dma_wait3A_69 = arith.constant 0 : i32
      %dma_wait3A_70 = tpu.memref_slice %arg7[%run_scoped3A, %dma_wait3A_69] : memref<2x128xi32, #tpu.memory_space<vmem>> -> memref<1x128xi32, #tpu.memory_space<vmem>>
      %dma_wait3A_71 = tpu.memref_squeeze %dma_wait3A_70 : memref<1x128xi32, #tpu.memory_space<vmem>> -> memref<128xi32, #tpu.memory_space<vmem>>
      %dma_wait3A_72 = arith.constant 0 : i32
      %dma_wait3A_73 = arith.constant 0 : i32
      %dma_wait3A_74 = tpu.memref_slice %arg10[%dma_wait3A_72, %dma_wait3A_73] : memref<10008x128xf32, #tpu.memory_space<vmem_shared>> -> memref<10008x128xf32, #tpu.memory_space<vmem_shared>>
      tpu.wait_indirect_dma semaphore(%run_scoped3A_62 : memref<!tpu.dma_semaphore, #tpu.memory_space<semaphore_mem>>) src(%arg9 : memref<128x128xf32, #tpu.memory_space<vmem>>) dst(%dma_wait3A_74 : memref<10008x128xf32, #tpu.memory_space<vmem_shared>>)
      tpu.yield
    }) : () -> ()
    %barrier3A_26 = arith.constant 0 : index
    tpu.barrier barrier_id(%barrier3A_26)
    "tpu.region"() ({
      %run_scoped3A_62 = tpu.sem_alloc : memref<!tpu.dma_semaphore, #tpu.memory_space<semaphore_mem>>
      %dma_start3A_63 = arith.constant 0 : i32
      %dma_start3A_64 = tpu.memref_slice %arg5[%add3A_4, %multiple_of3A, %dma_start3A_63] : memref<5x10000x128xf32, #tpu.memory_space<hbm>> -> memref<1x632x128xf32, #tpu.memory_space<hbm>>
      %dma_start3A_65 = tpu.memref_squeeze %dma_start3A_64 : memref<1x632x128xf32, #tpu.memory_space<hbm>> -> memref<632x128xf32, #tpu.memory_space<hbm>>
      %dma_start3A_66 = arith.constant 0 : i32
      %dma_start3A_67 = tpu.memref_slice %arg10[%multiple_of3A, %dma_start3A_66] : memref<10008x128xf32, #tpu.memory_space<vmem_shared>> -> memref<632x128xf32, #tpu.memory_space<vmem_shared>>
      tpu.enqueue_dma source(%dma_start3A_67 : memref<632x128xf32, #tpu.memory_space<vmem_shared>>) target(%dma_start3A_65 : memref<632x128xf32, #tpu.memory_space<hbm>>) target_semaphore(%run_scoped3A_62 : memref<!tpu.dma_semaphore, #tpu.memory_space<semaphore_mem>>)
      %dma_wait3A_68 = arith.constant 0 : i32
      %dma_wait3A_69 = tpu.memref_slice %arg5[%add3A_4, %multiple_of3A, %dma_wait3A_68] : memref<5x10000x128xf32, #tpu.memory_space<hbm>> -> memref<1x632x128xf32, #tpu.memory_space<hbm>>
      %dma_wait3A_70 = tpu.memref_squeeze %dma_wait3A_69 : memref<1x632x128xf32, #tpu.memory_space<hbm>> -> memref<632x128xf32, #tpu.memory_space<hbm>>
      %dma_wait3A_71 = arith.constant 0 : i32
      %dma_wait3A_72 = tpu.memref_slice %arg10[%multiple_of3A, %dma_wait3A_71] : memref<10008x128xf32, #tpu.memory_space<vmem_shared>> -> memref<632x128xf32, #tpu.memory_space<vmem_shared>>
      tpu.wait_dma2 semaphore(%run_scoped3A_62 : memref<!tpu.dma_semaphore, #tpu.memory_space<semaphore_mem>>) src(%dma_wait3A_72 : memref<632x128xf32, #tpu.memory_space<vmem_shared>>) dst(%dma_wait3A_70 : memref<632x128xf32, #tpu.memory_space<hbm>>)
      tpu.yield
    }) : () -> ()
    %barrier3A_27 = arith.constant 0 : index
    tpu.barrier barrier_id(%barrier3A_27)
    %add3A_28 = arith.constant 2 : i32
    %add3A_29 = arith.addi %add3A_28, %arg0 : i32
    "tpu.region"() ({
      %run_scoped3A_62 = tpu.sem_alloc : memref<!tpu.dma_semaphore, #tpu.memory_space<semaphore_mem>>
      %dma_start3A_63 = arith.constant 0 : i32
      %dma_start3A_64 = tpu.memref_slice %arg10[%multiple_of3A, %dma_start3A_63] : memref<10008x128xf32, #tpu.memory_space<vmem_shared>> -> memref<632x128xf32, #tpu.memory_space<vmem_shared>>
      tpu.enqueue_dma source(%arg4 : memref<632x128xf32, #tpu.memory_space<hbm>>) target(%dma_start3A_64 : memref<632x128xf32, #tpu.memory_space<vmem_shared>>) target_semaphore(%run_scoped3A_62 : memref<!tpu.dma_semaphore, #tpu.memory_space<semaphore_mem>>)
      %dma_wait3A_65 = arith.constant 0 : i32
      %dma_wait3A_66 = tpu.memref_slice %arg10[%multiple_of3A, %dma_wait3A_65] : memref<10008x128xf32, #tpu.memory_space<vmem_shared>> -> memref<632x128xf32, #tpu.memory_space<vmem_shared>>
      tpu.wait_dma2 semaphore(%run_scoped3A_62 : memref<!tpu.dma_semaphore, #tpu.memory_space<semaphore_mem>>) src(%arg4 : memref<632x128xf32, #tpu.memory_space<hbm>>) dst(%dma_wait3A_66 : memref<632x128xf32, #tpu.memory_space<vmem_shared>>)
      tpu.yield
    }) : () -> ()
    %barrier3A_30 = arith.constant 0 : index
    tpu.barrier barrier_id(%barrier3A_30)
    %dma_start3A_31 = arith.constant 0 : i32
    %dma_start3A_32 = arith.constant 0 : i32
    %dma_start3A_33 = tpu.memref_slice %arg3[%mul3A_3, %dma_start3A_31, %dma_start3A_32] : memref<1280x2x128xi32, #tpu.memory_space<hbm>> -> memref<1x2x128xi32, #tpu.memory_space<hbm>>
    %dma_start3A_34 = tpu.memref_squeeze %dma_start3A_33 : memref<1x2x128xi32, #tpu.memory_space<hbm>> -> memref<2x128xi32, #tpu.memory_space<hbm>>
    %dma_start3A_35 = arith.constant 0 : i32
    %dma_start3A_36 = arith.constant 0 : i32
    %dma_start3A_37 = tpu.memref_slice %arg3[%mul3A_3, %dma_start3A_35, %dma_start3A_36] : memref<1280x2x128xi32, #tpu.memory_space<hbm>> -> memref<1x2x128xi32, #tpu.memory_space<hbm>>
    %dma_start3A_38 = tpu.memref_squeeze %dma_start3A_37 : memref<1x2x128xi32, #tpu.memory_space<hbm>> -> memref<2x128xi32, #tpu.memory_space<hbm>>
    tpu.enqueue_dma source(%dma_start3A_38 : memref<2x128xi32, #tpu.memory_space<hbm>>) target(%arg6 : memref<2x128xi32, #tpu.memory_space<vmem>>) target_semaphore(%arg11 : memref<!tpu.dma_semaphore, #tpu.memory_space<semaphore_mem>>)
    %scan3A_39 = arith.constant 0 : i32
    %scan3A_40 = arith.constant 40 : i32
    %scan3A_41 = arith.addi %scan3A_39, %scan3A_40 : i32
    %scan3A_42 = arith.constant 1 : i32
    scf.for %scan3A_62 = %scan3A_39 to %scan3A_41 step %scan3A_42  : i32 {
      %mul3A_63 = arith.constant 2 : i32
      %mul3A_64 = arith.muli %mul3A_63, %scan3A_62 : i32
      %add3A_65 = arith.addi %mul3A_3, %mul3A_64 : i32
      %dma_wait3A_66 = arith.constant 0 : i32
      %dma_wait3A_67 = arith.constant 0 : i32
      %dma_wait3A_68 = tpu.memref_slice %arg3[%mul3A_3, %dma_wait3A_66, %dma_wait3A_67] : memref<1280x2x128xi32, #tpu.memory_space<hbm>> -> memref<1x2x128xi32, #tpu.memory_space<hbm>>
      %dma_wait3A_69 = tpu.memref_squeeze %dma_wait3A_68 : memref<1x2x128xi32, #tpu.memory_space<hbm>> -> memref<2x128xi32, #tpu.memory_space<hbm>>
      %dma_wait3A_70 = arith.constant 0 : i32
      %dma_wait3A_71 = arith.constant 0 : i32
      %dma_wait3A_72 = tpu.memref_slice %arg3[%mul3A_3, %dma_wait3A_70, %dma_wait3A_71] : memref<1280x2x128xi32, #tpu.memory_space<hbm>> -> memref<1x2x128xi32, #tpu.memory_space<hbm>>
      %dma_wait3A_73 = tpu.memref_squeeze %dma_wait3A_72 : memref<1x2x128xi32, #tpu.memory_space<hbm>> -> memref<2x128xi32, #tpu.memory_space<hbm>>
      tpu.wait_dma2 semaphore(%arg11 : memref<!tpu.dma_semaphore, #tpu.memory_space<semaphore_mem>>) src(%dma_wait3A_73 : memref<2x128xi32, #tpu.memory_space<hbm>>) dst(%arg6 : memref<2x128xi32, #tpu.memory_space<vmem>>)
      %dma_start3A_74 = arith.constant 0 : i32
      %dma_start3A_75 = arith.constant 0 : i32
      %dma_start3A_76 = tpu.memref_slice %arg6[%dma_start3A_74, %dma_start3A_75] : memref<2x128xi32, #tpu.memory_space<vmem>> -> memref<1x128xi32, #tpu.memory_space<vmem>>
      %dma_start3A_77 = tpu.memref_squeeze %dma_start3A_76 : memref<1x128xi32, #tpu.memory_space<vmem>> -> memref<128xi32, #tpu.memory_space<vmem>>
      %dma_start3A_78 = arith.constant 0 : i32
      %dma_start3A_79 = arith.constant 0 : i32
      %dma_start3A_80 = tpu.memref_slice %arg2[%add3A_29, %dma_start3A_78, %dma_start3A_79] : memref<5x10000x128xf32, #tpu.memory_space<hbm>> -> memref<1x10000x128xf32, #tpu.memory_space<hbm>>
      %dma_start3A_81 = tpu.memref_squeeze %dma_start3A_80 : memref<1x10000x128xf32, #tpu.memory_space<hbm>> -> memref<10000x128xf32, #tpu.memory_space<hbm>>
      %dma_start3A_82 = arith.constant 0 : i32
      %dma_start3A_83 = arith.constant 0 : i32
      %dma_start3A_84 = tpu.memref_slice %dma_start3A_81[%dma_start3A_82, %dma_start3A_83] : memref<10000x128xf32, #tpu.memory_space<hbm>> -> memref<10000x128xf32, #tpu.memory_space<hbm>>
      tpu.enqueue_indirect_dma source(%dma_start3A_84 : memref<10000x128xf32, #tpu.memory_space<hbm>>) target(%arg8 : memref<128x128xf32, #tpu.memory_space<vmem>>) offsets(%dma_start3A_77 : memref<128xi32, #tpu.memory_space<vmem>>) semaphore(%arg13 : memref<!tpu.dma_semaphore, #tpu.memory_space<semaphore_mem>>)
      %gt3A = arith.constant 0 : i32
      %gt3A_85 = arith.cmpi sgt, %scan3A_62, %gt3A : i32
      %convert_element_type3A_86 = arith.extui %gt3A_85 : i1 to i32
      %cond3A_87 = arith.constant 0 : i32
      %cond3A_88 = arith.cmpi ne, %convert_element_type3A_86, %cond3A_87 : i32
      scf.if %cond3A_88 {
        %dma_wait3A_137 = arith.constant 0 : i32
        %dma_wait3A_138 = arith.constant 0 : i32
        %dma_wait3A_139 = tpu.memref_slice %arg7[%dma_wait3A_137, %dma_wait3A_138] : memref<2x128xi32, #tpu.memory_space<vmem>> -> memref<1x128xi32, #tpu.memory_space<vmem>>
        %dma_wait3A_140 = tpu.memref_squeeze %dma_wait3A_139 : memref<1x128xi32, #tpu.memory_space<vmem>> -> memref<128xi32, #tpu.memory_space<vmem>>
        %dma_wait3A_141 = arith.constant 0 : i32
        %dma_wait3A_142 = arith.constant 0 : i32
        %dma_wait3A_143 = tpu.memref_slice %arg2[%add3A_29, %dma_wait3A_141, %dma_wait3A_142] : memref<5x10000x128xf32, #tpu.memory_space<hbm>> -> memref<1x10000x128xf32, #tpu.memory_space<hbm>>
        %dma_wait3A_144 = tpu.memref_squeeze %dma_wait3A_143 : memref<1x10000x128xf32, #tpu.memory_space<hbm>> -> memref<10000x128xf32, #tpu.memory_space<hbm>>
        %dma_wait3A_145 = arith.constant 0 : i32
        %dma_wait3A_146 = arith.constant 0 : i32
        %dma_wait3A_147 = tpu.memref_slice %dma_wait3A_144[%dma_wait3A_145, %dma_wait3A_146] : memref<10000x128xf32, #tpu.memory_space<hbm>> -> memref<10000x128xf32, #tpu.memory_space<hbm>>
        tpu.wait_indirect_dma semaphore(%arg14 : memref<!tpu.dma_semaphore, #tpu.memory_space<semaphore_mem>>) src(%dma_wait3A_147 : memref<10000x128xf32, #tpu.memory_space<hbm>>) dst(%arg9 : memref<128x128xf32, #tpu.memory_space<vmem>>)
        %run_scoped3A_148 = arith.constant 1 : i32
        "tpu.region"() ({
          %run_scoped3A_149 = tpu.sem_alloc : memref<!tpu.dma_semaphore, #tpu.memory_space<semaphore_mem>>
          %dma_start3A_150 = arith.constant 0 : i32
          %dma_start3A_151 = tpu.memref_slice %arg7[%run_scoped3A_148, %dma_start3A_150] : memref<2x128xi32, #tpu.memory_space<vmem>> -> memref<1x128xi32, #tpu.memory_space<vmem>>
          %dma_start3A_152 = tpu.memref_squeeze %dma_start3A_151 : memref<1x128xi32, #tpu.memory_space<vmem>> -> memref<128xi32, #tpu.memory_space<vmem>>
          %dma_start3A_153 = arith.constant 0 : i32
          %dma_start3A_154 = arith.constant 0 : i32
          %dma_start3A_155 = tpu.memref_slice %arg10[%dma_start3A_153, %dma_start3A_154] : memref<10008x128xf32, #tpu.memory_space<vmem_shared>> -> memref<10008x128xf32, #tpu.memory_space<vmem_shared>>
          tpu.enqueue_indirect_dma source(%arg9 : memref<128x128xf32, #tpu.memory_space<vmem>>) target(%dma_start3A_155 : memref<10008x128xf32, #tpu.memory_space<vmem_shared>>) offsets(%dma_start3A_152 : memref<128xi32, #tpu.memory_space<vmem>>) semaphore(%run_scoped3A_149 : memref<!tpu.dma_semaphore, #tpu.memory_space<semaphore_mem>>) {add = true}
          %dma_wait3A_156 = arith.constant 0 : i32
          %dma_wait3A_157 = tpu.memref_slice %arg7[%run_scoped3A_148, %dma_wait3A_156] : memref<2x128xi32, #tpu.memory_space<vmem>> -> memref<1x128xi32, #tpu.memory_space<vmem>>
          %dma_wait3A_158 = tpu.memref_squeeze %dma_wait3A_157 : memref<1x128xi32, #tpu.memory_space<vmem>> -> memref<128xi32, #tpu.memory_space<vmem>>
          %dma_wait3A_159 = arith.constant 0 : i32
          %dma_wait3A_160 = arith.constant 0 : i32
          %dma_wait3A_161 = tpu.memref_slice %arg10[%dma_wait3A_159, %dma_wait3A_160] : memref<10008x128xf32, #tpu.memory_space<vmem_shared>> -> memref<10008x128xf32, #tpu.memory_space<vmem_shared>>
          tpu.wait_indirect_dma semaphore(%run_scoped3A_149 : memref<!tpu.dma_semaphore, #tpu.memory_space<semaphore_mem>>) src(%arg9 : memref<128x128xf32, #tpu.memory_space<vmem>>) dst(%dma_wait3A_161 : memref<10008x128xf32, #tpu.memory_space<vmem_shared>>)
          tpu.yield
        }) : () -> ()
      } else {
      }
      %add3A_89 = arith.constant 1 : i32
      %add3A_90 = arith.addi %add3A_65, %add3A_89 : i32
      %dma_start3A_91 = arith.constant 0 : i32
      %dma_start3A_92 = arith.constant 0 : i32
      %dma_start3A_93 = tpu.memref_slice %arg3[%add3A_90, %dma_start3A_91, %dma_start3A_92] : memref<1280x2x128xi32, #tpu.memory_space<hbm>> -> memref<1x2x128xi32, #tpu.memory_space<hbm>>
      %dma_start3A_94 = tpu.memref_squeeze %dma_start3A_93 : memref<1x2x128xi32, #tpu.memory_space<hbm>> -> memref<2x128xi32, #tpu.memory_space<hbm>>
      %dma_start3A_95 = arith.constant 0 : i32
      %dma_start3A_96 = arith.constant 0 : i32
      %dma_start3A_97 = tpu.memref_slice %arg3[%add3A_90, %dma_start3A_95, %dma_start3A_96] : memref<1280x2x128xi32, #tpu.memory_space<hbm>> -> memref<1x2x128xi32, #tpu.memory_space<hbm>>
      %dma_start3A_98 = tpu.memref_squeeze %dma_start3A_97 : memref<1x2x128xi32, #tpu.memory_space<hbm>> -> memref<2x128xi32, #tpu.memory_space<hbm>>
      tpu.enqueue_dma source(%dma_start3A_98 : memref<2x128xi32, #tpu.memory_space<hbm>>) target(%arg7 : memref<2x128xi32, #tpu.memory_space<vmem>>) target_semaphore(%arg12 : memref<!tpu.dma_semaphore, #tpu.memory_space<semaphore_mem>>)
      %dma_wait3A_99 = arith.constant 0 : i32
      %dma_wait3A_100 = arith.constant 0 : i32
      %dma_wait3A_101 = tpu.memref_slice %arg3[%mul3A_3, %dma_wait3A_99, %dma_wait3A_100] : memref<1280x2x128xi32, #tpu.memory_space<hbm>> -> memref<1x2x128xi32, #tpu.memory_space<hbm>>
      %dma_wait3A_102 = tpu.memref_squeeze %dma_wait3A_101 : memref<1x2x128xi32, #tpu.memory_space<hbm>> -> memref<2x128xi32, #tpu.memory_space<hbm>>
      %dma_wait3A_103 = arith.constant 0 : i32
      %dma_wait3A_104 = arith.constant 0 : i32
      %dma_wait3A_105 = tpu.memref_slice %arg3[%mul3A_3, %dma_wait3A_103, %dma_wait3A_104] : memref<1280x2x128xi32, #tpu.memory_space<hbm>> -> memref<1x2x128xi32, #tpu.memory_space<hbm>>
      %dma_wait3A_106 = tpu.memref_squeeze %dma_wait3A_105 : memref<1x2x128xi32, #tpu.memory_space<hbm>> -> memref<2x128xi32, #tpu.memory_space<hbm>>
      tpu.wait_dma2 semaphore(%arg12 : memref<!tpu.dma_semaphore, #tpu.memory_space<semaphore_mem>>) src(%dma_wait3A_106 : memref<2x128xi32, #tpu.memory_space<hbm>>) dst(%arg7 : memref<2x128xi32, #tpu.memory_space<vmem>>)
      %dma_wait3A_107 = arith.constant 0 : i32
      %dma_wait3A_108 = arith.constant 0 : i32
      %dma_wait3A_109 = tpu.memref_slice %arg6[%dma_wait3A_107, %dma_wait3A_108] : memref<2x128xi32, #tpu.memory_space<vmem>> -> memref<1x128xi32, #tpu.memory_space<vmem>>
      %dma_wait3A_110 = tpu.memref_squeeze %dma_wait3A_109 : memref<1x128xi32, #tpu.memory_space<vmem>> -> memref<128xi32, #tpu.memory_space<vmem>>
      %dma_wait3A_111 = arith.constant 0 : i32
      %dma_wait3A_112 = arith.constant 0 : i32
      %dma_wait3A_113 = tpu.memref_slice %arg2[%add3A_29, %dma_wait3A_111, %dma_wait3A_112] : memref<5x10000x128xf32, #tpu.memory_space<hbm>> -> memref<1x10000x128xf32, #tpu.memory_space<hbm>>
      %dma_wait3A_114 = tpu.memref_squeeze %dma_wait3A_113 : memref<1x10000x128xf32, #tpu.memory_space<hbm>> -> memref<10000x128xf32, #tpu.memory_space<hbm>>
      %dma_wait3A_115 = arith.constant 0 : i32
      %dma_wait3A_116 = arith.constant 0 : i32
      %dma_wait3A_117 = tpu.memref_slice %dma_wait3A_114[%dma_wait3A_115, %dma_wait3A_116] : memref<10000x128xf32, #tpu.memory_space<hbm>> -> memref<10000x128xf32, #tpu.memory_space<hbm>>
      tpu.wait_indirect_dma semaphore(%arg13 : memref<!tpu.dma_semaphore, #tpu.memory_space<semaphore_mem>>) src(%dma_wait3A_117 : memref<10000x128xf32, #tpu.memory_space<hbm>>) dst(%arg8 : memref<128x128xf32, #tpu.memory_space<vmem>>)
      %dma_start3A_118 = arith.constant 0 : i32
      %dma_start3A_119 = arith.constant 0 : i32
      %dma_start3A_120 = tpu.memref_slice %arg7[%dma_start3A_118, %dma_start3A_119] : memref<2x128xi32, #tpu.memory_space<vmem>> -> memref<1x128xi32, #tpu.memory_space<vmem>>
      %dma_start3A_121 = tpu.memref_squeeze %dma_start3A_120 : memref<1x128xi32, #tpu.memory_space<vmem>> -> memref<128xi32, #tpu.memory_space<vmem>>
      %dma_start3A_122 = arith.constant 0 : i32
      %dma_start3A_123 = arith.constant 0 : i32
      %dma_start3A_124 = tpu.memref_slice %arg2[%add3A_29, %dma_start3A_122, %dma_start3A_123] : memref<5x10000x128xf32, #tpu.memory_space<hbm>> -> memref<1x10000x128xf32, #tpu.memory_space<hbm>>
      %dma_start3A_125 = tpu.memref_squeeze %dma_start3A_124 : memref<1x10000x128xf32, #tpu.memory_space<hbm>> -> memref<10000x128xf32, #tpu.memory_space<hbm>>
      %dma_start3A_126 = arith.constant 0 : i32
      %dma_start3A_127 = arith.constant 0 : i32
      %dma_start3A_128 = tpu.memref_slice %dma_start3A_125[%dma_start3A_126, %dma_start3A_127] : memref<10000x128xf32, #tpu.memory_space<hbm>> -> memref<10000x128xf32, #tpu.memory_space<hbm>>
      tpu.enqueue_indirect_dma source(%dma_start3A_128 : memref<10000x128xf32, #tpu.memory_space<hbm>>) target(%arg9 : memref<128x128xf32, #tpu.memory_space<vmem>>) offsets(%dma_start3A_121 : memref<128xi32, #tpu.memory_space<vmem>>) semaphore(%arg14 : memref<!tpu.dma_semaphore, #tpu.memory_space<semaphore_mem>>)
      %run_scoped3A_129 = arith.constant 1 : i32
      "tpu.region"() ({
        %run_scoped3A_137 = tpu.sem_alloc : memref<!tpu.dma_semaphore, #tpu.memory_space<semaphore_mem>>
        %dma_start3A_138 = arith.constant 0 : i32
        %dma_start3A_139 = tpu.memref_slice %arg6[%run_scoped3A_129, %dma_start3A_138] : memref<2x128xi32, #tpu.memory_space<vmem>> -> memref<1x128xi32, #tpu.memory_space<vmem>>
        %dma_start3A_140 = tpu.memref_squeeze %dma_start3A_139 : memref<1x128xi32, #tpu.memory_space<vmem>> -> memref<128xi32, #tpu.memory_space<vmem>>
        %dma_start3A_141 = arith.constant 0 : i32
        %dma_start3A_142 = arith.constant 0 : i32
        %dma_start3A_143 = tpu.memref_slice %arg10[%dma_start3A_141, %dma_start3A_142] : memref<10008x128xf32, #tpu.memory_space<vmem_shared>> -> memref<10008x128xf32, #tpu.memory_space<vmem_shared>>
        tpu.enqueue_indirect_dma source(%arg8 : memref<128x128xf32, #tpu.memory_space<vmem>>) target(%dma_start3A_143 : memref<10008x128xf32, #tpu.memory_space<vmem_shared>>) offsets(%dma_start3A_140 : memref<128xi32, #tpu.memory_space<vmem>>) semaphore(%run_scoped3A_137 : memref<!tpu.dma_semaphore, #tpu.memory_space<semaphore_mem>>) {add = true}
        %dma_wait3A_144 = arith.constant 0 : i32
        %dma_wait3A_145 = tpu.memref_slice %arg6[%run_scoped3A_129, %dma_wait3A_144] : memref<2x128xi32, #tpu.memory_space<vmem>> -> memref<1x128xi32, #tpu.memory_space<vmem>>
        %dma_wait3A_146 = tpu.memref_squeeze %dma_wait3A_145 : memref<1x128xi32, #tpu.memory_space<vmem>> -> memref<128xi32, #tpu.memory_space<vmem>>
        %dma_wait3A_147 = arith.constant 0 : i32
        %dma_wait3A_148 = arith.constant 0 : i32
        %dma_wait3A_149 = tpu.memref_slice %arg10[%dma_wait3A_147, %dma_wait3A_148] : memref<10008x128xf32, #tpu.memory_space<vmem_shared>> -> memref<10008x128xf32, #tpu.memory_space<vmem_shared>>
        tpu.wait_indirect_dma semaphore(%run_scoped3A_137 : memref<!tpu.dma_semaphore, #tpu.memory_space<semaphore_mem>>) src(%arg8 : memref<128x128xf32, #tpu.memory_space<vmem>>) dst(%dma_wait3A_149 : memref<10008x128xf32, #tpu.memory_space<vmem_shared>>)
        tpu.yield
      }) : () -> ()
      %add3A_130 = arith.constant 1 : i32
      %add3A_131 = arith.addi %scan3A_62, %add3A_130 : i32
      %lt3A_132 = arith.constant 40 : i32
      %lt3A_133 = arith.cmpi slt, %add3A_131, %lt3A_132 : i32
      %convert_element_type3A_134 = arith.extui %lt3A_133 : i1 to i32
      %cond3A_135 = arith.constant 0 : i32
      %cond3A_136 = arith.cmpi ne, %convert_element_type3A_134, %cond3A_135 : i32
      scf.if %cond3A_136 {
        %add3A_137 = arith.constant 2 : i32
        %add3A_138 = arith.addi %add3A_65, %add3A_137 : i32
        %dma_start3A_139 = arith.constant 0 : i32
        %dma_start3A_140 = arith.constant 0 : i32
        %dma_start3A_141 = tpu.memref_slice %arg3[%add3A_138, %dma_start3A_139, %dma_start3A_140] : memref<1280x2x128xi32, #tpu.memory_space<hbm>> -> memref<1x2x128xi32, #tpu.memory_space<hbm>>
        %dma_start3A_142 = tpu.memref_squeeze %dma_start3A_141 : memref<1x2x128xi32, #tpu.memory_space<hbm>> -> memref<2x128xi32, #tpu.memory_space<hbm>>
        %dma_start3A_143 = arith.constant 0 : i32
        %dma_start3A_144 = arith.constant 0 : i32
        %dma_start3A_145 = tpu.memref_slice %arg3[%add3A_138, %dma_start3A_143, %dma_start3A_144] : memref<1280x2x128xi32, #tpu.memory_space<hbm>> -> memref<1x2x128xi32, #tpu.memory_space<hbm>>
        %dma_start3A_146 = tpu.memref_squeeze %dma_start3A_145 : memref<1x2x128xi32, #tpu.memory_space<hbm>> -> memref<2x128xi32, #tpu.memory_space<hbm>>
        tpu.enqueue_dma source(%dma_start3A_146 : memref<2x128xi32, #tpu.memory_space<hbm>>) target(%arg6 : memref<2x128xi32, #tpu.memory_space<vmem>>) target_semaphore(%arg11 : memref<!tpu.dma_semaphore, #tpu.memory_space<semaphore_mem>>)
      } else {
      }
    }
    %scan3A_43 = arith.constant 40 : i32
    %dma_wait3A_44 = arith.constant 0 : i32
    %dma_wait3A_45 = arith.constant 0 : i32
    %dma_wait3A_46 = tpu.memref_slice %arg7[%dma_wait3A_44, %dma_wait3A_45] : memref<2x128xi32, #tpu.memory_space<vmem>> -> memref<1x128xi32, #tpu.memory_space<vmem>>
    %dma_wait3A_47 = tpu.memref_squeeze %dma_wait3A_46 : memref<1x128xi32, #tpu.memory_space<vmem>> -> memref<128xi32, #tpu.memory_space<vmem>>
    %dma_wait3A_48 = arith.constant 0 : i32
    %dma_wait3A_49 = arith.constant 0 : i32
    %dma_wait3A_50 = tpu.memref_slice %arg2[%add3A_29, %dma_wait3A_48, %dma_wait3A_49] : memref<5x10000x128xf32, #tpu.memory_space<hbm>> -> memref<1x10000x128xf32, #tpu.memory_space<hbm>>
    %dma_wait3A_51 = tpu.memref_squeeze %dma_wait3A_50 : memref<1x10000x128xf32, #tpu.memory_space<hbm>> -> memref<10000x128xf32, #tpu.memory_space<hbm>>
    %dma_wait3A_52 = arith.constant 0 : i32
    %dma_wait3A_53 = arith.constant 0 : i32
    %dma_wait3A_54 = tpu.memref_slice %dma_wait3A_51[%dma_wait3A_52, %dma_wait3A_53] : memref<10000x128xf32, #tpu.memory_space<hbm>> -> memref<10000x128xf32, #tpu.memory_space<hbm>>
    tpu.wait_indirect_dma semaphore(%arg14 : memref<!tpu.dma_semaphore, #tpu.memory_space<semaphore_mem>>) src(%dma_wait3A_54 : memref<10000x128xf32, #tpu.memory_space<hbm>>) dst(%arg9 : memref<128x128xf32, #tpu.memory_space<vmem>>)
    %run_scoped3A_55 = arith.constant 1 : i32
    "tpu.region"() ({
      %run_scoped3A_62 = tpu.sem_alloc : memref<!tpu.dma_semaphore, #tpu.memory_space<semaphore_mem>>
      %dma_start3A_63 = arith.constant 0 : i32
      %dma_start3A_64 = tpu.memref_slice %arg7[%run_scoped3A_55, %dma_start3A_63] : memref<2x128xi32, #tpu.memory_space<vmem>> -> memref<1x128xi32, #tpu.memory_space<vmem>>
      %dma_start3A_65 = tpu.memref_squeeze %dma_start3A_64 : memref<1x128xi32, #tpu.memory_space<vmem>> -> memref<128xi32, #tpu.memory_space<vmem>>
      %dma_start3A_66 = arith.constant 0 : i32
      %dma_start3A_67 = arith.constant 0 : i32
      %dma_start3A_68 = tpu.memref_slice %arg10[%dma_start3A_66, %dma_start3A_67] : memref<10008x128xf32, #tpu.memory_space<vmem_shared>> -> memref<10008x128xf32, #tpu.memory_space<vmem_shared>>
      tpu.enqueue_indirect_dma source(%arg9 : memref<128x128xf32, #tpu.memory_space<vmem>>) target(%dma_start3A_68 : memref<10008x128xf32, #tpu.memory_space<vmem_shared>>) offsets(%dma_start3A_65 : memref<128xi32, #tpu.memory_space<vmem>>) semaphore(%run_scoped3A_62 : memref<!tpu.dma_semaphore, #tpu.memory_space<semaphore_mem>>) {add = true}
      %dma_wait3A_69 = arith.constant 0 : i32
      %dma_wait3A_70 = tpu.memref_slice %arg7[%run_scoped3A_55, %dma_wait3A_69] : memref<2x128xi32, #tpu.memory_space<vmem>> -> memref<1x128xi32, #tpu.memory_space<vmem>>
      %dma_wait3A_71 = tpu.memref_squeeze %dma_wait3A_70 : memref<1x128xi32, #tpu.memory_space<vmem>> -> memref<128xi32, #tpu.memory_space<vmem>>
      %dma_wait3A_72 = arith.constant 0 : i32
      %dma_wait3A_73 = arith.constant 0 : i32
      %dma_wait3A_74 = tpu.memref_slice %arg10[%dma_wait3A_72, %dma_wait3A_73] : memref<10008x128xf32, #tpu.memory_space<vmem_shared>> -> memref<10008x128xf32, #tpu.memory_space<vmem_shared>>
      tpu.wait_indirect_dma semaphore(%run_scoped3A_62 : memref<!tpu.dma_semaphore, #tpu.memory_space<semaphore_mem>>) src(%arg9 : memref<128x128xf32, #tpu.memory_space<vmem>>) dst(%dma_wait3A_74 : memref<10008x128xf32, #tpu.memory_space<vmem_shared>>)
      tpu.yield
    }) : () -> ()
    %barrier3A_56 = arith.constant 0 : index
    tpu.barrier barrier_id(%barrier3A_56)
    "tpu.region"() ({
      %run_scoped3A_62 = tpu.sem_alloc : memref<!tpu.dma_semaphore, #tpu.memory_space<semaphore_mem>>
      %dma_start3A_63 = arith.constant 0 : i32
      %dma_start3A_64 = tpu.memref_slice %arg5[%add3A_29, %multiple_of3A, %dma_start3A_63] : memref<5x10000x128xf32, #tpu.memory_space<hbm>> -> memref<1x632x128xf32, #tpu.memory_space<hbm>>
      %dma_start3A_65 = tpu.memref_squeeze %dma_start3A_64 : memref<1x632x128xf32, #tpu.memory_space<hbm>> -> memref<632x128xf32, #tpu.memory_space<hbm>>
      %dma_start3A_66 = arith.constant 0 : i32
      %dma_start3A_67 = tpu.memref_slice %arg10[%multiple_of3A, %dma_start3A_66] : memref<10008x128xf32, #tpu.memory_space<vmem_shared>> -> memref<632x128xf32, #tpu.memory_space<vmem_shared>>
      tpu.enqueue_dma source(%dma_start3A_67 : memref<632x128xf32, #tpu.memory_space<vmem_shared>>) target(%dma_start3A_65 : memref<632x128xf32, #tpu.memory_space<hbm>>) target_semaphore(%run_scoped3A_62 : memref<!tpu.dma_semaphore, #tpu.memory_space<semaphore_mem>>)
      %dma_wait3A_68 = arith.constant 0 : i32
      %dma_wait3A_69 = tpu.memref_slice %arg5[%add3A_29, %multiple_of3A, %dma_wait3A_68] : memref<5x10000x128xf32, #tpu.memory_space<hbm>> -> memref<1x632x128xf32, #tpu.memory_space<hbm>>
      %dma_wait3A_70 = tpu.memref_squeeze %dma_wait3A_69 : memref<1x632x128xf32, #tpu.memory_space<hbm>> -> memref<632x128xf32, #tpu.memory_space<hbm>>
      %dma_wait3A_71 = arith.constant 0 : i32
      %dma_wait3A_72 = tpu.memref_slice %arg10[%multiple_of3A, %dma_wait3A_71] : memref<10008x128xf32, #tpu.memory_space<vmem_shared>> -> memref<632x128xf32, #tpu.memory_space<vmem_shared>>
      tpu.wait_dma2 semaphore(%run_scoped3A_62 : memref<!tpu.dma_semaphore, #tpu.memory_space<semaphore_mem>>) src(%dma_wait3A_72 : memref<632x128xf32, #tpu.memory_space<vmem_shared>>) dst(%dma_wait3A_70 : memref<632x128xf32, #tpu.memory_space<hbm>>)
      tpu.yield
    }) : () -> ()
    %barrier3A_57 = arith.constant 0 : index
    tpu.barrier barrier_id(%barrier3A_57)
    %add3A_58 = arith.constant 4 : i32
    %add3A_59 = arith.addi %add3A_58, %arg0 : i32
    %lt3A = arith.constant 5 : i32
    %lt3A_60 = arith.cmpi slt, %add3A_59, %lt3A : i32
    %convert_element_type3A = arith.extui %lt3A_60 : i1 to i32
    %cond3A = arith.constant 0 : i32
    %cond3A_61 = arith.cmpi ne, %convert_element_type3A, %cond3A : i32
    scf.if %cond3A_61 {
      "tpu.region"() ({
        %run_scoped3A_90 = tpu.sem_alloc : memref<!tpu.dma_semaphore, #tpu.memory_space<semaphore_mem>>
        %dma_start3A_91 = arith.constant 0 : i32
        %dma_start3A_92 = tpu.memref_slice %arg10[%multiple_of3A, %dma_start3A_91] : memref<10008x128xf32, #tpu.memory_space<vmem_shared>> -> memref<632x128xf32, #tpu.memory_space<vmem_shared>>
        tpu.enqueue_dma source(%arg4 : memref<632x128xf32, #tpu.memory_space<hbm>>) target(%dma_start3A_92 : memref<632x128xf32, #tpu.memory_space<vmem_shared>>) target_semaphore(%run_scoped3A_90 : memref<!tpu.dma_semaphore, #tpu.memory_space<semaphore_mem>>)
        %dma_wait3A_93 = arith.constant 0 : i32
        %dma_wait3A_94 = tpu.memref_slice %arg10[%multiple_of3A, %dma_wait3A_93] : memref<10008x128xf32, #tpu.memory_space<vmem_shared>> -> memref<632x128xf32, #tpu.memory_space<vmem_shared>>
        tpu.wait_dma2 semaphore(%run_scoped3A_90 : memref<!tpu.dma_semaphore, #tpu.memory_space<semaphore_mem>>) src(%arg4 : memref<632x128xf32, #tpu.memory_space<hbm>>) dst(%dma_wait3A_94 : memref<632x128xf32, #tpu.memory_space<vmem_shared>>)
        tpu.yield
      }) : () -> ()
      %barrier3A_62 = arith.constant 0 : index
      tpu.barrier barrier_id(%barrier3A_62)
      %dma_start3A_63 = arith.constant 0 : i32
      %dma_start3A_64 = arith.constant 0 : i32
      %dma_start3A_65 = tpu.memref_slice %arg3[%mul3A_3, %dma_start3A_63, %dma_start3A_64] : memref<1280x2x128xi32, #tpu.memory_space<hbm>> -> memref<1x2x128xi32, #tpu.memory_space<hbm>>
      %dma_start3A_66 = tpu.memref_squeeze %dma_start3A_65 : memref<1x2x128xi32, #tpu.memory_space<hbm>> -> memref<2x128xi32, #tpu.memory_space<hbm>>
      %dma_start3A_67 = arith.constant 0 : i32
      %dma_start3A_68 = arith.constant 0 : i32
      %dma_start3A_69 = tpu.memref_slice %arg3[%mul3A_3, %dma_start3A_67, %dma_start3A_68] : memref<1280x2x128xi32, #tpu.memory_space<hbm>> -> memref<1x2x128xi32, #tpu.memory_space<hbm>>
      %dma_start3A_70 = tpu.memref_squeeze %dma_start3A_69 : memref<1x2x128xi32, #tpu.memory_space<hbm>> -> memref<2x128xi32, #tpu.memory_space<hbm>>
      tpu.enqueue_dma source(%dma_start3A_70 : memref<2x128xi32, #tpu.memory_space<hbm>>) target(%arg6 : memref<2x128xi32, #tpu.memory_space<vmem>>) target_semaphore(%arg11 : memref<!tpu.dma_semaphore, #tpu.memory_space<semaphore_mem>>)
      %scan3A_71 = arith.constant 0 : i32
      %scan3A_72 = arith.constant 40 : i32
      %scan3A_73 = arith.addi %scan3A_71, %scan3A_72 : i32
      %scan3A_74 = arith.constant 1 : i32
      scf.for %scan3A_90 = %scan3A_71 to %scan3A_73 step %scan3A_74  : i32 {
        %mul3A_91 = arith.constant 2 : i32
        %mul3A_92 = arith.muli %mul3A_91, %scan3A_90 : i32
        %add3A_93 = arith.addi %mul3A_3, %mul3A_92 : i32
        %dma_wait3A_94 = arith.constant 0 : i32
        %dma_wait3A_95 = arith.constant 0 : i32
        %dma_wait3A_96 = tpu.memref_slice %arg3[%mul3A_3, %dma_wait3A_94, %dma_wait3A_95] : memref<1280x2x128xi32, #tpu.memory_space<hbm>> -> memref<1x2x128xi32, #tpu.memory_space<hbm>>
        %dma_wait3A_97 = tpu.memref_squeeze %dma_wait3A_96 : memref<1x2x128xi32, #tpu.memory_space<hbm>> -> memref<2x128xi32, #tpu.memory_space<hbm>>
        %dma_wait3A_98 = arith.constant 0 : i32
        %dma_wait3A_99 = arith.constant 0 : i32
        %dma_wait3A_100 = tpu.memref_slice %arg3[%mul3A_3, %dma_wait3A_98, %dma_wait3A_99] : memref<1280x2x128xi32, #tpu.memory_space<hbm>> -> memref<1x2x128xi32, #tpu.memory_space<hbm>>
        %dma_wait3A_101 = tpu.memref_squeeze %dma_wait3A_100 : memref<1x2x128xi32, #tpu.memory_space<hbm>> -> memref<2x128xi32, #tpu.memory_space<hbm>>
        tpu.wait_dma2 semaphore(%arg11 : memref<!tpu.dma_semaphore, #tpu.memory_space<semaphore_mem>>) src(%dma_wait3A_101 : memref<2x128xi32, #tpu.memory_space<hbm>>) dst(%arg6 : memref<2x128xi32, #tpu.memory_space<vmem>>)
        %dma_start3A_102 = arith.constant 0 : i32
        %dma_start3A_103 = arith.constant 0 : i32
        %dma_start3A_104 = tpu.memref_slice %arg6[%dma_start3A_102, %dma_start3A_103] : memref<2x128xi32, #tpu.memory_space<vmem>> -> memref<1x128xi32, #tpu.memory_space<vmem>>
        %dma_start3A_105 = tpu.memref_squeeze %dma_start3A_104 : memref<1x128xi32, #tpu.memory_space<vmem>> -> memref<128xi32, #tpu.memory_space<vmem>>
        %dma_start3A_106 = arith.constant 0 : i32
        %dma_start3A_107 = arith.constant 0 : i32
        %dma_start3A_108 = tpu.memref_slice %arg2[%add3A_59, %dma_start3A_106, %dma_start3A_107] : memref<5x10000x128xf32, #tpu.memory_space<hbm>> -> memref<1x10000x128xf32, #tpu.memory_space<hbm>>
        %dma_start3A_109 = tpu.memref_squeeze %dma_start3A_108 : memref<1x10000x128xf32, #tpu.memory_space<hbm>> -> memref<10000x128xf32, #tpu.memory_space<hbm>>
        %dma_start3A_110 = arith.constant 0 : i32
        %dma_start3A_111 = arith.constant 0 : i32
        %dma_start3A_112 = tpu.memref_slice %dma_start3A_109[%dma_start3A_110, %dma_start3A_111] : memref<10000x128xf32, #tpu.memory_space<hbm>> -> memref<10000x128xf32, #tpu.memory_space<hbm>>
        tpu.enqueue_indirect_dma source(%dma_start3A_112 : memref<10000x128xf32, #tpu.memory_space<hbm>>) target(%arg8 : memref<128x128xf32, #tpu.memory_space<vmem>>) offsets(%dma_start3A_105 : memref<128xi32, #tpu.memory_space<vmem>>) semaphore(%arg13 : memref<!tpu.dma_semaphore, #tpu.memory_space<semaphore_mem>>)
        %gt3A = arith.constant 0 : i32
        %gt3A_113 = arith.cmpi sgt, %scan3A_90, %gt3A : i32
        %convert_element_type3A_114 = arith.extui %gt3A_113 : i1 to i32
        %cond3A_115 = arith.constant 0 : i32
        %cond3A_116 = arith.cmpi ne, %convert_element_type3A_114, %cond3A_115 : i32
        scf.if %cond3A_116 {
          %dma_wait3A_165 = arith.constant 0 : i32
          %dma_wait3A_166 = arith.constant 0 : i32
          %dma_wait3A_167 = tpu.memref_slice %arg7[%dma_wait3A_165, %dma_wait3A_166] : memref<2x128xi32, #tpu.memory_space<vmem>> -> memref<1x128xi32, #tpu.memory_space<vmem>>
          %dma_wait3A_168 = tpu.memref_squeeze %dma_wait3A_167 : memref<1x128xi32, #tpu.memory_space<vmem>> -> memref<128xi32, #tpu.memory_space<vmem>>
          %dma_wait3A_169 = arith.constant 0 : i32
          %dma_wait3A_170 = arith.constant 0 : i32
          %dma_wait3A_171 = tpu.memref_slice %arg2[%add3A_59, %dma_wait3A_169, %dma_wait3A_170] : memref<5x10000x128xf32, #tpu.memory_space<hbm>> -> memref<1x10000x128xf32, #tpu.memory_space<hbm>>
          %dma_wait3A_172 = tpu.memref_squeeze %dma_wait3A_171 : memref<1x10000x128xf32, #tpu.memory_space<hbm>> -> memref<10000x128xf32, #tpu.memory_space<hbm>>
          %dma_wait3A_173 = arith.constant 0 : i32
          %dma_wait3A_174 = arith.constant 0 : i32
          %dma_wait3A_175 = tpu.memref_slice %dma_wait3A_172[%dma_wait3A_173, %dma_wait3A_174] : memref<10000x128xf32, #tpu.memory_space<hbm>> -> memref<10000x128xf32, #tpu.memory_space<hbm>>
          tpu.wait_indirect_dma semaphore(%arg14 : memref<!tpu.dma_semaphore, #tpu.memory_space<semaphore_mem>>) src(%dma_wait3A_175 : memref<10000x128xf32, #tpu.memory_space<hbm>>) dst(%arg9 : memref<128x128xf32, #tpu.memory_space<vmem>>)
          %run_scoped3A_176 = arith.constant 1 : i32
          "tpu.region"() ({
            %run_scoped3A_177 = tpu.sem_alloc : memref<!tpu.dma_semaphore, #tpu.memory_space<semaphore_mem>>
            %dma_start3A_178 = arith.constant 0 : i32
            %dma_start3A_179 = tpu.memref_slice %arg7[%run_scoped3A_176, %dma_start3A_178] : memref<2x128xi32, #tpu.memory_space<vmem>> -> memref<1x128xi32, #tpu.memory_space<vmem>>
            %dma_start3A_180 = tpu.memref_squeeze %dma_start3A_179 : memref<1x128xi32, #tpu.memory_space<vmem>> -> memref<128xi32, #tpu.memory_space<vmem>>
            %dma_start3A_181 = arith.constant 0 : i32
            %dma_start3A_182 = arith.constant 0 : i32
            %dma_start3A_183 = tpu.memref_slice %arg10[%dma_start3A_181, %dma_start3A_182] : memref<10008x128xf32, #tpu.memory_space<vmem_shared>> -> memref<10008x128xf32, #tpu.memory_space<vmem_shared>>
            tpu.enqueue_indirect_dma source(%arg9 : memref<128x128xf32, #tpu.memory_space<vmem>>) target(%dma_start3A_183 : memref<10008x128xf32, #tpu.memory_space<vmem_shared>>) offsets(%dma_start3A_180 : memref<128xi32, #tpu.memory_space<vmem>>) semaphore(%run_scoped3A_177 : memref<!tpu.dma_semaphore, #tpu.memory_space<semaphore_mem>>) {add = true}
            %dma_wait3A_184 = arith.constant 0 : i32
            %dma_wait3A_185 = tpu.memref_slice %arg7[%run_scoped3A_176, %dma_wait3A_184] : memref<2x128xi32, #tpu.memory_space<vmem>> -> memref<1x128xi32, #tpu.memory_space<vmem>>
            %dma_wait3A_186 = tpu.memref_squeeze %dma_wait3A_185 : memref<1x128xi32, #tpu.memory_space<vmem>> -> memref<128xi32, #tpu.memory_space<vmem>>
            %dma_wait3A_187 = arith.constant 0 : i32
            %dma_wait3A_188 = arith.constant 0 : i32
            %dma_wait3A_189 = tpu.memref_slice %arg10[%dma_wait3A_187, %dma_wait3A_188] : memref<10008x128xf32, #tpu.memory_space<vmem_shared>> -> memref<10008x128xf32, #tpu.memory_space<vmem_shared>>
            tpu.wait_indirect_dma semaphore(%run_scoped3A_177 : memref<!tpu.dma_semaphore, #tpu.memory_space<semaphore_mem>>) src(%arg9 : memref<128x128xf32, #tpu.memory_space<vmem>>) dst(%dma_wait3A_189 : memref<10008x128xf32, #tpu.memory_space<vmem_shared>>)
            tpu.yield
          }) : () -> ()
        } else {
        }
        %add3A_117 = arith.constant 1 : i32
        %add3A_118 = arith.addi %add3A_93, %add3A_117 : i32
        %dma_start3A_119 = arith.constant 0 : i32
        %dma_start3A_120 = arith.constant 0 : i32
        %dma_start3A_121 = tpu.memref_slice %arg3[%add3A_118, %dma_start3A_119, %dma_start3A_120] : memref<1280x2x128xi32, #tpu.memory_space<hbm>> -> memref<1x2x128xi32, #tpu.memory_space<hbm>>
        %dma_start3A_122 = tpu.memref_squeeze %dma_start3A_121 : memref<1x2x128xi32, #tpu.memory_space<hbm>> -> memref<2x128xi32, #tpu.memory_space<hbm>>
        %dma_start3A_123 = arith.constant 0 : i32
        %dma_start3A_124 = arith.constant 0 : i32
        %dma_start3A_125 = tpu.memref_slice %arg3[%add3A_118, %dma_start3A_123, %dma_start3A_124] : memref<1280x2x128xi32, #tpu.memory_space<hbm>> -> memref<1x2x128xi32, #tpu.memory_space<hbm>>
        %dma_start3A_126 = tpu.memref_squeeze %dma_start3A_125 : memref<1x2x128xi32, #tpu.memory_space<hbm>> -> memref<2x128xi32, #tpu.memory_space<hbm>>
        tpu.enqueue_dma source(%dma_start3A_126 : memref<2x128xi32, #tpu.memory_space<hbm>>) target(%arg7 : memref<2x128xi32, #tpu.memory_space<vmem>>) target_semaphore(%arg12 : memref<!tpu.dma_semaphore, #tpu.memory_space<semaphore_mem>>)
        %dma_wait3A_127 = arith.constant 0 : i32
        %dma_wait3A_128 = arith.constant 0 : i32
        %dma_wait3A_129 = tpu.memref_slice %arg3[%mul3A_3, %dma_wait3A_127, %dma_wait3A_128] : memref<1280x2x128xi32, #tpu.memory_space<hbm>> -> memref<1x2x128xi32, #tpu.memory_space<hbm>>
        %dma_wait3A_130 = tpu.memref_squeeze %dma_wait3A_129 : memref<1x2x128xi32, #tpu.memory_space<hbm>> -> memref<2x128xi32, #tpu.memory_space<hbm>>
        %dma_wait3A_131 = arith.constant 0 : i32
        %dma_wait3A_132 = arith.constant 0 : i32
        %dma_wait3A_133 = tpu.memref_slice %arg3[%mul3A_3, %dma_wait3A_131, %dma_wait3A_132] : memref<1280x2x128xi32, #tpu.memory_space<hbm>> -> memref<1x2x128xi32, #tpu.memory_space<hbm>>
        %dma_wait3A_134 = tpu.memref_squeeze %dma_wait3A_133 : memref<1x2x128xi32, #tpu.memory_space<hbm>> -> memref<2x128xi32, #tpu.memory_space<hbm>>
        tpu.wait_dma2 semaphore(%arg12 : memref<!tpu.dma_semaphore, #tpu.memory_space<semaphore_mem>>) src(%dma_wait3A_134 : memref<2x128xi32, #tpu.memory_space<hbm>>) dst(%arg7 : memref<2x128xi32, #tpu.memory_space<vmem>>)
        %dma_wait3A_135 = arith.constant 0 : i32
        %dma_wait3A_136 = arith.constant 0 : i32
        %dma_wait3A_137 = tpu.memref_slice %arg6[%dma_wait3A_135, %dma_wait3A_136] : memref<2x128xi32, #tpu.memory_space<vmem>> -> memref<1x128xi32, #tpu.memory_space<vmem>>
        %dma_wait3A_138 = tpu.memref_squeeze %dma_wait3A_137 : memref<1x128xi32, #tpu.memory_space<vmem>> -> memref<128xi32, #tpu.memory_space<vmem>>
        %dma_wait3A_139 = arith.constant 0 : i32
        %dma_wait3A_140 = arith.constant 0 : i32
        %dma_wait3A_141 = tpu.memref_slice %arg2[%add3A_59, %dma_wait3A_139, %dma_wait3A_140] : memref<5x10000x128xf32, #tpu.memory_space<hbm>> -> memref<1x10000x128xf32, #tpu.memory_space<hbm>>
        %dma_wait3A_142 = tpu.memref_squeeze %dma_wait3A_141 : memref<1x10000x128xf32, #tpu.memory_space<hbm>> -> memref<10000x128xf32, #tpu.memory_space<hbm>>
        %dma_wait3A_143 = arith.constant 0 : i32
        %dma_wait3A_144 = arith.constant 0 : i32
        %dma_wait3A_145 = tpu.memref_slice %dma_wait3A_142[%dma_wait3A_143, %dma_wait3A_144] : memref<10000x128xf32, #tpu.memory_space<hbm>> -> memref<10000x128xf32, #tpu.memory_space<hbm>>
        tpu.wait_indirect_dma semaphore(%arg13 : memref<!tpu.dma_semaphore, #tpu.memory_space<semaphore_mem>>) src(%dma_wait3A_145 : memref<10000x128xf32, #tpu.memory_space<hbm>>) dst(%arg8 : memref<128x128xf32, #tpu.memory_space<vmem>>)
        %dma_start3A_146 = arith.constant 0 : i32
        %dma_start3A_147 = arith.constant 0 : i32
        %dma_start3A_148 = tpu.memref_slice %arg7[%dma_start3A_146, %dma_start3A_147] : memref<2x128xi32, #tpu.memory_space<vmem>> -> memref<1x128xi32, #tpu.memory_space<vmem>>
        %dma_start3A_149 = tpu.memref_squeeze %dma_start3A_148 : memref<1x128xi32, #tpu.memory_space<vmem>> -> memref<128xi32, #tpu.memory_space<vmem>>
        %dma_start3A_150 = arith.constant 0 : i32
        %dma_start3A_151 = arith.constant 0 : i32
        %dma_start3A_152 = tpu.memref_slice %arg2[%add3A_59, %dma_start3A_150, %dma_start3A_151] : memref<5x10000x128xf32, #tpu.memory_space<hbm>> -> memref<1x10000x128xf32, #tpu.memory_space<hbm>>
        %dma_start3A_153 = tpu.memref_squeeze %dma_start3A_152 : memref<1x10000x128xf32, #tpu.memory_space<hbm>> -> memref<10000x128xf32, #tpu.memory_space<hbm>>
        %dma_start3A_154 = arith.constant 0 : i32
        %dma_start3A_155 = arith.constant 0 : i32
        %dma_start3A_156 = tpu.memref_slice %dma_start3A_153[%dma_start3A_154, %dma_start3A_155] : memref<10000x128xf32, #tpu.memory_space<hbm>> -> memref<10000x128xf32, #tpu.memory_space<hbm>>
        tpu.enqueue_indirect_dma source(%dma_start3A_156 : memref<10000x128xf32, #tpu.memory_space<hbm>>) target(%arg9 : memref<128x128xf32, #tpu.memory_space<vmem>>) offsets(%dma_start3A_149 : memref<128xi32, #tpu.memory_space<vmem>>) semaphore(%arg14 : memref<!tpu.dma_semaphore, #tpu.memory_space<semaphore_mem>>)
        %run_scoped3A_157 = arith.constant 1 : i32
        "tpu.region"() ({
          %run_scoped3A_165 = tpu.sem_alloc : memref<!tpu.dma_semaphore, #tpu.memory_space<semaphore_mem>>
          %dma_start3A_166 = arith.constant 0 : i32
          %dma_start3A_167 = tpu.memref_slice %arg6[%run_scoped3A_157, %dma_start3A_166] : memref<2x128xi32, #tpu.memory_space<vmem>> -> memref<1x128xi32, #tpu.memory_space<vmem>>
          %dma_start3A_168 = tpu.memref_squeeze %dma_start3A_167 : memref<1x128xi32, #tpu.memory_space<vmem>> -> memref<128xi32, #tpu.memory_space<vmem>>
          %dma_start3A_169 = arith.constant 0 : i32
          %dma_start3A_170 = arith.constant 0 : i32
          %dma_start3A_171 = tpu.memref_slice %arg10[%dma_start3A_169, %dma_start3A_170] : memref<10008x128xf32, #tpu.memory_space<vmem_shared>> -> memref<10008x128xf32, #tpu.memory_space<vmem_shared>>
          tpu.enqueue_indirect_dma source(%arg8 : memref<128x128xf32, #tpu.memory_space<vmem>>) target(%dma_start3A_171 : memref<10008x128xf32, #tpu.memory_space<vmem_shared>>) offsets(%dma_start3A_168 : memref<128xi32, #tpu.memory_space<vmem>>) semaphore(%run_scoped3A_165 : memref<!tpu.dma_semaphore, #tpu.memory_space<semaphore_mem>>) {add = true}
          %dma_wait3A_172 = arith.constant 0 : i32
          %dma_wait3A_173 = tpu.memref_slice %arg6[%run_scoped3A_157, %dma_wait3A_172] : memref<2x128xi32, #tpu.memory_space<vmem>> -> memref<1x128xi32, #tpu.memory_space<vmem>>
          %dma_wait3A_174 = tpu.memref_squeeze %dma_wait3A_173 : memref<1x128xi32, #tpu.memory_space<vmem>> -> memref<128xi32, #tpu.memory_space<vmem>>
          %dma_wait3A_175 = arith.constant 0 : i32
          %dma_wait3A_176 = arith.constant 0 : i32
          %dma_wait3A_177 = tpu.memref_slice %arg10[%dma_wait3A_175, %dma_wait3A_176] : memref<10008x128xf32, #tpu.memory_space<vmem_shared>> -> memref<10008x128xf32, #tpu.memory_space<vmem_shared>>
          tpu.wait_indirect_dma semaphore(%run_scoped3A_165 : memref<!tpu.dma_semaphore, #tpu.memory_space<semaphore_mem>>) src(%arg8 : memref<128x128xf32, #tpu.memory_space<vmem>>) dst(%dma_wait3A_177 : memref<10008x128xf32, #tpu.memory_space<vmem_shared>>)
          tpu.yield
        }) : () -> ()
        %add3A_158 = arith.constant 1 : i32
        %add3A_159 = arith.addi %scan3A_90, %add3A_158 : i32
        %lt3A_160 = arith.constant 40 : i32
        %lt3A_161 = arith.cmpi slt, %add3A_159, %lt3A_160 : i32
        %convert_element_type3A_162 = arith.extui %lt3A_161 : i1 to i32
        %cond3A_163 = arith.constant 0 : i32
        %cond3A_164 = arith.cmpi ne, %convert_element_type3A_162, %cond3A_163 : i32
        scf.if %cond3A_164 {
          %add3A_165 = arith.constant 2 : i32
          %add3A_166 = arith.addi %add3A_93, %add3A_165 : i32
          %dma_start3A_167 = arith.constant 0 : i32
          %dma_start3A_168 = arith.constant 0 : i32
          %dma_start3A_169 = tpu.memref_slice %arg3[%add3A_166, %dma_start3A_167, %dma_start3A_168] : memref<1280x2x128xi32, #tpu.memory_space<hbm>> -> memref<1x2x128xi32, #tpu.memory_space<hbm>>
          %dma_start3A_170 = tpu.memref_squeeze %dma_start3A_169 : memref<1x2x128xi32, #tpu.memory_space<hbm>> -> memref<2x128xi32, #tpu.memory_space<hbm>>
          %dma_start3A_171 = arith.constant 0 : i32
          %dma_start3A_172 = arith.constant 0 : i32
          %dma_start3A_173 = tpu.memref_slice %arg3[%add3A_166, %dma_start3A_171, %dma_start3A_172] : memref<1280x2x128xi32, #tpu.memory_space<hbm>> -> memref<1x2x128xi32, #tpu.memory_space<hbm>>
          %dma_start3A_174 = tpu.memref_squeeze %dma_start3A_173 : memref<1x2x128xi32, #tpu.memory_space<hbm>> -> memref<2x128xi32, #tpu.memory_space<hbm>>
          tpu.enqueue_dma source(%dma_start3A_174 : memref<2x128xi32, #tpu.memory_space<hbm>>) target(%arg6 : memref<2x128xi32, #tpu.memory_space<vmem>>) target_semaphore(%arg11 : memref<!tpu.dma_semaphore, #tpu.memory_space<semaphore_mem>>)
        } else {
        }
      }
      %scan3A_75 = arith.constant 40 : i32
      %dma_wait3A_76 = arith.constant 0 : i32
      %dma_wait3A_77 = arith.constant 0 : i32
      %dma_wait3A_78 = tpu.memref_slice %arg7[%dma_wait3A_76, %dma_wait3A_77] : memref<2x128xi32, #tpu.memory_space<vmem>> -> memref<1x128xi32, #tpu.memory_space<vmem>>
      %dma_wait3A_79 = tpu.memref_squeeze %dma_wait3A_78 : memref<1x128xi32, #tpu.memory_space<vmem>> -> memref<128xi32, #tpu.memory_space<vmem>>
      %dma_wait3A_80 = arith.constant 0 : i32
      %dma_wait3A_81 = arith.constant 0 : i32
      %dma_wait3A_82 = tpu.memref_slice %arg2[%add3A_59, %dma_wait3A_80, %dma_wait3A_81] : memref<5x10000x128xf32, #tpu.memory_space<hbm>> -> memref<1x10000x128xf32, #tpu.memory_space<hbm>>
      %dma_wait3A_83 = tpu.memref_squeeze %dma_wait3A_82 : memref<1x10000x128xf32, #tpu.memory_space<hbm>> -> memref<10000x128xf32, #tpu.memory_space<hbm>>
      %dma_wait3A_84 = arith.constant 0 : i32
      %dma_wait3A_85 = arith.constant 0 : i32
      %dma_wait3A_86 = tpu.memref_slice %dma_wait3A_83[%dma_wait3A_84, %dma_wait3A_85] : memref<10000x128xf32, #tpu.memory_space<hbm>> -> memref<10000x128xf32, #tpu.memory_space<hbm>>
      tpu.wait_indirect_dma semaphore(%arg14 : memref<!tpu.dma_semaphore, #tpu.memory_space<semaphore_mem>>) src(%dma_wait3A_86 : memref<10000x128xf32, #tpu.memory_space<hbm>>) dst(%arg9 : memref<128x128xf32, #tpu.memory_space<vmem>>)
      %run_scoped3A_87 = arith.constant 1 : i32
      "tpu.region"() ({
        %run_scoped3A_90 = tpu.sem_alloc : memref<!tpu.dma_semaphore, #tpu.memory_space<semaphore_mem>>
        %dma_start3A_91 = arith.constant 0 : i32
        %dma_start3A_92 = tpu.memref_slice %arg7[%run_scoped3A_87, %dma_start3A_91] : memref<2x128xi32, #tpu.memory_space<vmem>> -> memref<1x128xi32, #tpu.memory_space<vmem>>
        %dma_start3A_93 = tpu.memref_squeeze %dma_start3A_92 : memref<1x128xi32, #tpu.memory_space<vmem>> -> memref<128xi32, #tpu.memory_space<vmem>>
        %dma_start3A_94 = arith.constant 0 : i32
        %dma_start3A_95 = arith.constant 0 : i32
        %dma_start3A_96 = tpu.memref_slice %arg10[%dma_start3A_94, %dma_start3A_95] : memref<10008x128xf32, #tpu.memory_space<vmem_shared>> -> memref<10008x128xf32, #tpu.memory_space<vmem_shared>>
        tpu.enqueue_indirect_dma source(%arg9 : memref<128x128xf32, #tpu.memory_space<vmem>>) target(%dma_start3A_96 : memref<10008x128xf32, #tpu.memory_space<vmem_shared>>) offsets(%dma_start3A_93 : memref<128xi32, #tpu.memory_space<vmem>>) semaphore(%run_scoped3A_90 : memref<!tpu.dma_semaphore, #tpu.memory_space<semaphore_mem>>) {add = true}
        %dma_wait3A_97 = arith.constant 0 : i32
        %dma_wait3A_98 = tpu.memref_slice %arg7[%run_scoped3A_87, %dma_wait3A_97] : memref<2x128xi32, #tpu.memory_space<vmem>> -> memref<1x128xi32, #tpu.memory_space<vmem>>
        %dma_wait3A_99 = tpu.memref_squeeze %dma_wait3A_98 : memref<1x128xi32, #tpu.memory_space<vmem>> -> memref<128xi32, #tpu.memory_space<vmem>>
        %dma_wait3A_100 = arith.constant 0 : i32
        %dma_wait3A_101 = arith.constant 0 : i32
        %dma_wait3A_102 = tpu.memref_slice %arg10[%dma_wait3A_100, %dma_wait3A_101] : memref<10008x128xf32, #tpu.memory_space<vmem_shared>> -> memref<10008x128xf32, #tpu.memory_space<vmem_shared>>
        tpu.wait_indirect_dma semaphore(%run_scoped3A_90 : memref<!tpu.dma_semaphore, #tpu.memory_space<semaphore_mem>>) src(%arg9 : memref<128x128xf32, #tpu.memory_space<vmem>>) dst(%dma_wait3A_102 : memref<10008x128xf32, #tpu.memory_space<vmem_shared>>)
        tpu.yield
      }) : () -> ()
      %barrier3A_88 = arith.constant 0 : index
      tpu.barrier barrier_id(%barrier3A_88)
      "tpu.region"() ({
        %run_scoped3A_90 = tpu.sem_alloc : memref<!tpu.dma_semaphore, #tpu.memory_space<semaphore_mem>>
        %dma_start3A_91 = arith.constant 0 : i32
        %dma_start3A_92 = tpu.memref_slice %arg5[%add3A_59, %multiple_of3A, %dma_start3A_91] : memref<5x10000x128xf32, #tpu.memory_space<hbm>> -> memref<1x632x128xf32, #tpu.memory_space<hbm>>
        %dma_start3A_93 = tpu.memref_squeeze %dma_start3A_92 : memref<1x632x128xf32, #tpu.memory_space<hbm>> -> memref<632x128xf32, #tpu.memory_space<hbm>>
        %dma_start3A_94 = arith.constant 0 : i32
        %dma_start3A_95 = tpu.memref_slice %arg10[%multiple_of3A, %dma_start3A_94] : memref<10008x128xf32, #tpu.memory_space<vmem_shared>> -> memref<632x128xf32, #tpu.memory_space<vmem_shared>>
        tpu.enqueue_dma source(%dma_start3A_95 : memref<632x128xf32, #tpu.memory_space<vmem_shared>>) target(%dma_start3A_93 : memref<632x128xf32, #tpu.memory_space<hbm>>) target_semaphore(%run_scoped3A_90 : memref<!tpu.dma_semaphore, #tpu.memory_space<semaphore_mem>>)
        %dma_wait3A_96 = arith.constant 0 : i32
        %dma_wait3A_97 = tpu.memref_slice %arg5[%add3A_59, %multiple_of3A, %dma_wait3A_96] : memref<5x10000x128xf32, #tpu.memory_space<hbm>> -> memref<1x632x128xf32, #tpu.memory_space<hbm>>
        %dma_wait3A_98 = tpu.memref_squeeze %dma_wait3A_97 : memref<1x632x128xf32, #tpu.memory_space<hbm>> -> memref<632x128xf32, #tpu.memory_space<hbm>>
        %dma_wait3A_99 = arith.constant 0 : i32
        %dma_wait3A_100 = tpu.memref_slice %arg10[%multiple_of3A, %dma_wait3A_99] : memref<10008x128xf32, #tpu.memory_space<vmem_shared>> -> memref<632x128xf32, #tpu.memory_space<vmem_shared>>
        tpu.wait_dma2 semaphore(%run_scoped3A_90 : memref<!tpu.dma_semaphore, #tpu.memory_space<semaphore_mem>>) src(%dma_wait3A_100 : memref<632x128xf32, #tpu.memory_space<vmem_shared>>) dst(%dma_wait3A_98 : memref<632x128xf32, #tpu.memory_space<hbm>>)
        tpu.yield
      }) : () -> ()
      %barrier3A_89 = arith.constant 0 : index
      tpu.barrier barrier_id(%barrier3A_89)
    } else {
    }
    return
  }
}

#map = affine_map<(d0, d1) -> (0, 0, 0)>
#map1 = affine_map<(d0, d1) -> (0, 0)>
module attributes {stable_mosaic.version = 14 : i64} {
  func.func @k(%arg0: i32, %arg1: i32, %arg2: memref<3x10000x128xf32, #tpu.memory_space<hbm>>, %arg3: memref<1280x2x128xi32, #tpu.memory_space<hbm>>, %arg4: memref<632x128xf32, #tpu.memory_space<hbm>>, %arg5: memref<3x10000x128xf32, #tpu.memory_space<hbm>>, %arg6: memref<2x128xi32, #tpu.memory_space<vmem>>, %arg7: memref<2x128xi32, #tpu.memory_space<vmem>>, %arg8: memref<128x128xf32, #tpu.memory_space<vmem>>, %arg9: memref<128x128xf32, #tpu.memory_space<vmem>>, %arg10: memref<10008x128xf32, #tpu.memory_space<vmem_shared>>, %arg11: memref<!tpu.dma_semaphore, #tpu.memory_space<semaphore_mem>>, %arg12: memref<!tpu.dma_semaphore, #tpu.memory_space<semaphore_mem>>, %arg13: memref<!tpu.dma_semaphore, #tpu.memory_space<semaphore_mem>>, %arg14: memref<!tpu.dma_semaphore, #tpu.memory_space<semaphore_mem>>) attributes {dimension_semantics = [#tpu.dimension_semantics<core_parallel>, #tpu.dimension_semantics<subcore_parallel>], iteration_bounds = array<i64: 2, 16>, scalar_prefetch = 0 : i64, scratch_operands = 9 : i64, tpu.core_type = #tpu.core_type<sc_vector_subcore>, window_params = [{transform_indices = #map}, {transform_indices = #map}, {transform_indices = #map1}, {transform_indices = #map}]} {
    %mul3A = arith.constant 632 : i32
    %mul3A_0 = arith.muli %arg1, %mul3A : i32
    %min3A = arith.constant 9368 : i32
    %min3A_1 = arith.minsi %mul3A_0, %min3A : i32
    %multiple_of3A = tpu.assume_multiple %min3A_1, 8 : i32
    %mul3A_2 = arith.constant 80 : i32
    %mul3A_3 = arith.muli %arg1, %mul3A_2 : i32
    %add3A = arith.constant 0 : i32
    %add3A_4 = arith.addi %add3A, %arg0 : i32
    "tpu.region"() ({
      %run_scoped3A_32 = tpu.sem_alloc : memref<!tpu.dma_semaphore, #tpu.memory_space<semaphore_mem>>
      %dma_start3A_33 = arith.constant 0 : i32
      %dma_start3A_34 = tpu.memref_slice %arg10[%multiple_of3A, %dma_start3A_33] : memref<10008x128xf32, #tpu.memory_space<vmem_shared>> -> memref<632x128xf32, #tpu.memory_space<vmem_shared>>
      tpu.enqueue_dma source(%arg4 : memref<632x128xf32, #tpu.memory_space<hbm>>) target(%dma_start3A_34 : memref<632x128xf32, #tpu.memory_space<vmem_shared>>) target_semaphore(%run_scoped3A_32 : memref<!tpu.dma_semaphore, #tpu.memory_space<semaphore_mem>>)
      %dma_wait3A_35 = arith.constant 0 : i32
      %dma_wait3A_36 = tpu.memref_slice %arg10[%multiple_of3A, %dma_wait3A_35] : memref<10008x128xf32, #tpu.memory_space<vmem_shared>> -> memref<632x128xf32, #tpu.memory_space<vmem_shared>>
      tpu.wait_dma2 semaphore(%run_scoped3A_32 : memref<!tpu.dma_semaphore, #tpu.memory_space<semaphore_mem>>) src(%arg4 : memref<632x128xf32, #tpu.memory_space<hbm>>) dst(%dma_wait3A_36 : memref<632x128xf32, #tpu.memory_space<vmem_shared>>)
      tpu.yield
    }) : () -> ()
    %barrier3A = arith.constant 0 : index
    tpu.barrier barrier_id(%barrier3A)
    %dma_start3A = arith.constant 0 : i32
    %dma_start3A_5 = arith.constant 0 : i32
    %dma_start3A_6 = tpu.memref_slice %arg3[%mul3A_3, %dma_start3A, %dma_start3A_5] : memref<1280x2x128xi32, #tpu.memory_space<hbm>> -> memref<1x2x128xi32, #tpu.memory_space<hbm>>
    %dma_start3A_7 = tpu.memref_squeeze %dma_start3A_6 : memref<1x2x128xi32, #tpu.memory_space<hbm>> -> memref<2x128xi32, #tpu.memory_space<hbm>>
    %dma_start3A_8 = arith.constant 0 : i32
    %dma_start3A_9 = arith.constant 0 : i32
    %dma_start3A_10 = tpu.memref_slice %arg3[%mul3A_3, %dma_start3A_8, %dma_start3A_9] : memref<1280x2x128xi32, #tpu.memory_space<hbm>> -> memref<1x2x128xi32, #tpu.memory_space<hbm>>
    %dma_start3A_11 = tpu.memref_squeeze %dma_start3A_10 : memref<1x2x128xi32, #tpu.memory_space<hbm>> -> memref<2x128xi32, #tpu.memory_space<hbm>>
    tpu.enqueue_dma source(%dma_start3A_11 : memref<2x128xi32, #tpu.memory_space<hbm>>) target(%arg6 : memref<2x128xi32, #tpu.memory_space<vmem>>) target_semaphore(%arg11 : memref<!tpu.dma_semaphore, #tpu.memory_space<semaphore_mem>>)
    %scan3A = arith.constant 0 : i32
    %scan3A_12 = arith.constant 40 : i32
    %scan3A_13 = arith.addi %scan3A, %scan3A_12 : i32
    %scan3A_14 = arith.constant 1 : i32
    scf.for %scan3A_32 = %scan3A to %scan3A_13 step %scan3A_14  : i32 {
      %mul3A_33 = arith.constant 2 : i32
      %mul3A_34 = arith.muli %mul3A_33, %scan3A_32 : i32
      %add3A_35 = arith.addi %mul3A_3, %mul3A_34 : i32
      %dma_wait3A_36 = arith.constant 0 : i32
      %dma_wait3A_37 = arith.constant 0 : i32
      %dma_wait3A_38 = tpu.memref_slice %arg3[%mul3A_3, %dma_wait3A_36, %dma_wait3A_37] : memref<1280x2x128xi32, #tpu.memory_space<hbm>> -> memref<1x2x128xi32, #tpu.memory_space<hbm>>
      %dma_wait3A_39 = tpu.memref_squeeze %dma_wait3A_38 : memref<1x2x128xi32, #tpu.memory_space<hbm>> -> memref<2x128xi32, #tpu.memory_space<hbm>>
      %dma_wait3A_40 = arith.constant 0 : i32
      %dma_wait3A_41 = arith.constant 0 : i32
      %dma_wait3A_42 = tpu.memref_slice %arg3[%mul3A_3, %dma_wait3A_40, %dma_wait3A_41] : memref<1280x2x128xi32, #tpu.memory_space<hbm>> -> memref<1x2x128xi32, #tpu.memory_space<hbm>>
      %dma_wait3A_43 = tpu.memref_squeeze %dma_wait3A_42 : memref<1x2x128xi32, #tpu.memory_space<hbm>> -> memref<2x128xi32, #tpu.memory_space<hbm>>
      tpu.wait_dma2 semaphore(%arg11 : memref<!tpu.dma_semaphore, #tpu.memory_space<semaphore_mem>>) src(%dma_wait3A_43 : memref<2x128xi32, #tpu.memory_space<hbm>>) dst(%arg6 : memref<2x128xi32, #tpu.memory_space<vmem>>)
      %dma_start3A_44 = arith.constant 0 : i32
      %dma_start3A_45 = arith.constant 0 : i32
      %dma_start3A_46 = tpu.memref_slice %arg6[%dma_start3A_44, %dma_start3A_45] : memref<2x128xi32, #tpu.memory_space<vmem>> -> memref<1x128xi32, #tpu.memory_space<vmem>>
      %dma_start3A_47 = tpu.memref_squeeze %dma_start3A_46 : memref<1x128xi32, #tpu.memory_space<vmem>> -> memref<128xi32, #tpu.memory_space<vmem>>
      %dma_start3A_48 = arith.constant 0 : i32
      %dma_start3A_49 = arith.constant 0 : i32
      %dma_start3A_50 = tpu.memref_slice %arg2[%add3A_4, %dma_start3A_48, %dma_start3A_49] : memref<3x10000x128xf32, #tpu.memory_space<hbm>> -> memref<1x10000x128xf32, #tpu.memory_space<hbm>>
      %dma_start3A_51 = tpu.memref_squeeze %dma_start3A_50 : memref<1x10000x128xf32, #tpu.memory_space<hbm>> -> memref<10000x128xf32, #tpu.memory_space<hbm>>
      %dma_start3A_52 = arith.constant 0 : i32
      %dma_start3A_53 = arith.constant 0 : i32
      %dma_start3A_54 = tpu.memref_slice %dma_start3A_51[%dma_start3A_52, %dma_start3A_53] : memref<10000x128xf32, #tpu.memory_space<hbm>> -> memref<10000x128xf32, #tpu.memory_space<hbm>>
      tpu.enqueue_indirect_dma source(%dma_start3A_54 : memref<10000x128xf32, #tpu.memory_space<hbm>>) target(%arg8 : memref<128x128xf32, #tpu.memory_space<vmem>>) offsets(%dma_start3A_47 : memref<128xi32, #tpu.memory_space<vmem>>) semaphore(%arg13 : memref<!tpu.dma_semaphore, #tpu.memory_space<semaphore_mem>>)
      %gt3A = arith.constant 0 : i32
      %gt3A_55 = arith.cmpi sgt, %scan3A_32, %gt3A : i32
      %convert_element_type3A_56 = arith.extui %gt3A_55 : i1 to i32
      %cond3A_57 = arith.constant 0 : i32
      %cond3A_58 = arith.cmpi ne, %convert_element_type3A_56, %cond3A_57 : i32
      scf.if %cond3A_58 {
        %dma_wait3A_107 = arith.constant 0 : i32
        %dma_wait3A_108 = arith.constant 0 : i32
        %dma_wait3A_109 = tpu.memref_slice %arg7[%dma_wait3A_107, %dma_wait3A_108] : memref<2x128xi32, #tpu.memory_space<vmem>> -> memref<1x128xi32, #tpu.memory_space<vmem>>
        %dma_wait3A_110 = tpu.memref_squeeze %dma_wait3A_109 : memref<1x128xi32, #tpu.memory_space<vmem>> -> memref<128xi32, #tpu.memory_space<vmem>>
        %dma_wait3A_111 = arith.constant 0 : i32
        %dma_wait3A_112 = arith.constant 0 : i32
        %dma_wait3A_113 = tpu.memref_slice %arg2[%add3A_4, %dma_wait3A_111, %dma_wait3A_112] : memref<3x10000x128xf32, #tpu.memory_space<hbm>> -> memref<1x10000x128xf32, #tpu.memory_space<hbm>>
        %dma_wait3A_114 = tpu.memref_squeeze %dma_wait3A_113 : memref<1x10000x128xf32, #tpu.memory_space<hbm>> -> memref<10000x128xf32, #tpu.memory_space<hbm>>
        %dma_wait3A_115 = arith.constant 0 : i32
        %dma_wait3A_116 = arith.constant 0 : i32
        %dma_wait3A_117 = tpu.memref_slice %dma_wait3A_114[%dma_wait3A_115, %dma_wait3A_116] : memref<10000x128xf32, #tpu.memory_space<hbm>> -> memref<10000x128xf32, #tpu.memory_space<hbm>>
        tpu.wait_indirect_dma semaphore(%arg14 : memref<!tpu.dma_semaphore, #tpu.memory_space<semaphore_mem>>) src(%dma_wait3A_117 : memref<10000x128xf32, #tpu.memory_space<hbm>>) dst(%arg9 : memref<128x128xf32, #tpu.memory_space<vmem>>)
        %run_scoped3A_118 = arith.constant 1 : i32
        "tpu.region"() ({
          %run_scoped3A_119 = tpu.sem_alloc : memref<!tpu.dma_semaphore, #tpu.memory_space<semaphore_mem>>
          %dma_start3A_120 = arith.constant 0 : i32
          %dma_start3A_121 = tpu.memref_slice %arg7[%run_scoped3A_118, %dma_start3A_120] : memref<2x128xi32, #tpu.memory_space<vmem>> -> memref<1x128xi32, #tpu.memory_space<vmem>>
          %dma_start3A_122 = tpu.memref_squeeze %dma_start3A_121 : memref<1x128xi32, #tpu.memory_space<vmem>> -> memref<128xi32, #tpu.memory_space<vmem>>
          %dma_start3A_123 = arith.constant 0 : i32
          %dma_start3A_124 = arith.constant 0 : i32
          %dma_start3A_125 = tpu.memref_slice %arg10[%dma_start3A_123, %dma_start3A_124] : memref<10008x128xf32, #tpu.memory_space<vmem_shared>> -> memref<10008x128xf32, #tpu.memory_space<vmem_shared>>
          tpu.enqueue_indirect_dma source(%arg9 : memref<128x128xf32, #tpu.memory_space<vmem>>) target(%dma_start3A_125 : memref<10008x128xf32, #tpu.memory_space<vmem_shared>>) offsets(%dma_start3A_122 : memref<128xi32, #tpu.memory_space<vmem>>) semaphore(%run_scoped3A_119 : memref<!tpu.dma_semaphore, #tpu.memory_space<semaphore_mem>>) {add = true}
          %dma_wait3A_126 = arith.constant 0 : i32
          %dma_wait3A_127 = tpu.memref_slice %arg7[%run_scoped3A_118, %dma_wait3A_126] : memref<2x128xi32, #tpu.memory_space<vmem>> -> memref<1x128xi32, #tpu.memory_space<vmem>>
          %dma_wait3A_128 = tpu.memref_squeeze %dma_wait3A_127 : memref<1x128xi32, #tpu.memory_space<vmem>> -> memref<128xi32, #tpu.memory_space<vmem>>
          %dma_wait3A_129 = arith.constant 0 : i32
          %dma_wait3A_130 = arith.constant 0 : i32
          %dma_wait3A_131 = tpu.memref_slice %arg10[%dma_wait3A_129, %dma_wait3A_130] : memref<10008x128xf32, #tpu.memory_space<vmem_shared>> -> memref<10008x128xf32, #tpu.memory_space<vmem_shared>>
          tpu.wait_indirect_dma semaphore(%run_scoped3A_119 : memref<!tpu.dma_semaphore, #tpu.memory_space<semaphore_mem>>) src(%arg9 : memref<128x128xf32, #tpu.memory_space<vmem>>) dst(%dma_wait3A_131 : memref<10008x128xf32, #tpu.memory_space<vmem_shared>>)
          tpu.yield
        }) : () -> ()
      } else {
      }
      %add3A_59 = arith.constant 1 : i32
      %add3A_60 = arith.addi %add3A_35, %add3A_59 : i32
      %dma_start3A_61 = arith.constant 0 : i32
      %dma_start3A_62 = arith.constant 0 : i32
      %dma_start3A_63 = tpu.memref_slice %arg3[%add3A_60, %dma_start3A_61, %dma_start3A_62] : memref<1280x2x128xi32, #tpu.memory_space<hbm>> -> memref<1x2x128xi32, #tpu.memory_space<hbm>>
      %dma_start3A_64 = tpu.memref_squeeze %dma_start3A_63 : memref<1x2x128xi32, #tpu.memory_space<hbm>> -> memref<2x128xi32, #tpu.memory_space<hbm>>
      %dma_start3A_65 = arith.constant 0 : i32
      %dma_start3A_66 = arith.constant 0 : i32
      %dma_start3A_67 = tpu.memref_slice %arg3[%add3A_60, %dma_start3A_65, %dma_start3A_66] : memref<1280x2x128xi32, #tpu.memory_space<hbm>> -> memref<1x2x128xi32, #tpu.memory_space<hbm>>
      %dma_start3A_68 = tpu.memref_squeeze %dma_start3A_67 : memref<1x2x128xi32, #tpu.memory_space<hbm>> -> memref<2x128xi32, #tpu.memory_space<hbm>>
      tpu.enqueue_dma source(%dma_start3A_68 : memref<2x128xi32, #tpu.memory_space<hbm>>) target(%arg7 : memref<2x128xi32, #tpu.memory_space<vmem>>) target_semaphore(%arg12 : memref<!tpu.dma_semaphore, #tpu.memory_space<semaphore_mem>>)
      %dma_wait3A_69 = arith.constant 0 : i32
      %dma_wait3A_70 = arith.constant 0 : i32
      %dma_wait3A_71 = tpu.memref_slice %arg3[%mul3A_3, %dma_wait3A_69, %dma_wait3A_70] : memref<1280x2x128xi32, #tpu.memory_space<hbm>> -> memref<1x2x128xi32, #tpu.memory_space<hbm>>
      %dma_wait3A_72 = tpu.memref_squeeze %dma_wait3A_71 : memref<1x2x128xi32, #tpu.memory_space<hbm>> -> memref<2x128xi32, #tpu.memory_space<hbm>>
      %dma_wait3A_73 = arith.constant 0 : i32
      %dma_wait3A_74 = arith.constant 0 : i32
      %dma_wait3A_75 = tpu.memref_slice %arg3[%mul3A_3, %dma_wait3A_73, %dma_wait3A_74] : memref<1280x2x128xi32, #tpu.memory_space<hbm>> -> memref<1x2x128xi32, #tpu.memory_space<hbm>>
      %dma_wait3A_76 = tpu.memref_squeeze %dma_wait3A_75 : memref<1x2x128xi32, #tpu.memory_space<hbm>> -> memref<2x128xi32, #tpu.memory_space<hbm>>
      tpu.wait_dma2 semaphore(%arg12 : memref<!tpu.dma_semaphore, #tpu.memory_space<semaphore_mem>>) src(%dma_wait3A_76 : memref<2x128xi32, #tpu.memory_space<hbm>>) dst(%arg7 : memref<2x128xi32, #tpu.memory_space<vmem>>)
      %dma_wait3A_77 = arith.constant 0 : i32
      %dma_wait3A_78 = arith.constant 0 : i32
      %dma_wait3A_79 = tpu.memref_slice %arg6[%dma_wait3A_77, %dma_wait3A_78] : memref<2x128xi32, #tpu.memory_space<vmem>> -> memref<1x128xi32, #tpu.memory_space<vmem>>
      %dma_wait3A_80 = tpu.memref_squeeze %dma_wait3A_79 : memref<1x128xi32, #tpu.memory_space<vmem>> -> memref<128xi32, #tpu.memory_space<vmem>>
      %dma_wait3A_81 = arith.constant 0 : i32
      %dma_wait3A_82 = arith.constant 0 : i32
      %dma_wait3A_83 = tpu.memref_slice %arg2[%add3A_4, %dma_wait3A_81, %dma_wait3A_82] : memref<3x10000x128xf32, #tpu.memory_space<hbm>> -> memref<1x10000x128xf32, #tpu.memory_space<hbm>>
      %dma_wait3A_84 = tpu.memref_squeeze %dma_wait3A_83 : memref<1x10000x128xf32, #tpu.memory_space<hbm>> -> memref<10000x128xf32, #tpu.memory_space<hbm>>
      %dma_wait3A_85 = arith.constant 0 : i32
      %dma_wait3A_86 = arith.constant 0 : i32
      %dma_wait3A_87 = tpu.memref_slice %dma_wait3A_84[%dma_wait3A_85, %dma_wait3A_86] : memref<10000x128xf32, #tpu.memory_space<hbm>> -> memref<10000x128xf32, #tpu.memory_space<hbm>>
      tpu.wait_indirect_dma semaphore(%arg13 : memref<!tpu.dma_semaphore, #tpu.memory_space<semaphore_mem>>) src(%dma_wait3A_87 : memref<10000x128xf32, #tpu.memory_space<hbm>>) dst(%arg8 : memref<128x128xf32, #tpu.memory_space<vmem>>)
      %dma_start3A_88 = arith.constant 0 : i32
      %dma_start3A_89 = arith.constant 0 : i32
      %dma_start3A_90 = tpu.memref_slice %arg7[%dma_start3A_88, %dma_start3A_89] : memref<2x128xi32, #tpu.memory_space<vmem>> -> memref<1x128xi32, #tpu.memory_space<vmem>>
      %dma_start3A_91 = tpu.memref_squeeze %dma_start3A_90 : memref<1x128xi32, #tpu.memory_space<vmem>> -> memref<128xi32, #tpu.memory_space<vmem>>
      %dma_start3A_92 = arith.constant 0 : i32
      %dma_start3A_93 = arith.constant 0 : i32
      %dma_start3A_94 = tpu.memref_slice %arg2[%add3A_4, %dma_start3A_92, %dma_start3A_93] : memref<3x10000x128xf32, #tpu.memory_space<hbm>> -> memref<1x10000x128xf32, #tpu.memory_space<hbm>>
      %dma_start3A_95 = tpu.memref_squeeze %dma_start3A_94 : memref<1x10000x128xf32, #tpu.memory_space<hbm>> -> memref<10000x128xf32, #tpu.memory_space<hbm>>
      %dma_start3A_96 = arith.constant 0 : i32
      %dma_start3A_97 = arith.constant 0 : i32
      %dma_start3A_98 = tpu.memref_slice %dma_start3A_95[%dma_start3A_96, %dma_start3A_97] : memref<10000x128xf32, #tpu.memory_space<hbm>> -> memref<10000x128xf32, #tpu.memory_space<hbm>>
      tpu.enqueue_indirect_dma source(%dma_start3A_98 : memref<10000x128xf32, #tpu.memory_space<hbm>>) target(%arg9 : memref<128x128xf32, #tpu.memory_space<vmem>>) offsets(%dma_start3A_91 : memref<128xi32, #tpu.memory_space<vmem>>) semaphore(%arg14 : memref<!tpu.dma_semaphore, #tpu.memory_space<semaphore_mem>>)
      %run_scoped3A_99 = arith.constant 1 : i32
      "tpu.region"() ({
        %run_scoped3A_107 = tpu.sem_alloc : memref<!tpu.dma_semaphore, #tpu.memory_space<semaphore_mem>>
        %dma_start3A_108 = arith.constant 0 : i32
        %dma_start3A_109 = tpu.memref_slice %arg6[%run_scoped3A_99, %dma_start3A_108] : memref<2x128xi32, #tpu.memory_space<vmem>> -> memref<1x128xi32, #tpu.memory_space<vmem>>
        %dma_start3A_110 = tpu.memref_squeeze %dma_start3A_109 : memref<1x128xi32, #tpu.memory_space<vmem>> -> memref<128xi32, #tpu.memory_space<vmem>>
        %dma_start3A_111 = arith.constant 0 : i32
        %dma_start3A_112 = arith.constant 0 : i32
        %dma_start3A_113 = tpu.memref_slice %arg10[%dma_start3A_111, %dma_start3A_112] : memref<10008x128xf32, #tpu.memory_space<vmem_shared>> -> memref<10008x128xf32, #tpu.memory_space<vmem_shared>>
        tpu.enqueue_indirect_dma source(%arg8 : memref<128x128xf32, #tpu.memory_space<vmem>>) target(%dma_start3A_113 : memref<10008x128xf32, #tpu.memory_space<vmem_shared>>) offsets(%dma_start3A_110 : memref<128xi32, #tpu.memory_space<vmem>>) semaphore(%run_scoped3A_107 : memref<!tpu.dma_semaphore, #tpu.memory_space<semaphore_mem>>) {add = true}
        %dma_wait3A_114 = arith.constant 0 : i32
        %dma_wait3A_115 = tpu.memref_slice %arg6[%run_scoped3A_99, %dma_wait3A_114] : memref<2x128xi32, #tpu.memory_space<vmem>> -> memref<1x128xi32, #tpu.memory_space<vmem>>
        %dma_wait3A_116 = tpu.memref_squeeze %dma_wait3A_115 : memref<1x128xi32, #tpu.memory_space<vmem>> -> memref<128xi32, #tpu.memory_space<vmem>>
        %dma_wait3A_117 = arith.constant 0 : i32
        %dma_wait3A_118 = arith.constant 0 : i32
        %dma_wait3A_119 = tpu.memref_slice %arg10[%dma_wait3A_117, %dma_wait3A_118] : memref<10008x128xf32, #tpu.memory_space<vmem_shared>> -> memref<10008x128xf32, #tpu.memory_space<vmem_shared>>
        tpu.wait_indirect_dma semaphore(%run_scoped3A_107 : memref<!tpu.dma_semaphore, #tpu.memory_space<semaphore_mem>>) src(%arg8 : memref<128x128xf32, #tpu.memory_space<vmem>>) dst(%dma_wait3A_119 : memref<10008x128xf32, #tpu.memory_space<vmem_shared>>)
        tpu.yield
      }) : () -> ()
      %add3A_100 = arith.constant 1 : i32
      %add3A_101 = arith.addi %scan3A_32, %add3A_100 : i32
      %lt3A_102 = arith.constant 40 : i32
      %lt3A_103 = arith.cmpi slt, %add3A_101, %lt3A_102 : i32
      %convert_element_type3A_104 = arith.extui %lt3A_103 : i1 to i32
      %cond3A_105 = arith.constant 0 : i32
      %cond3A_106 = arith.cmpi ne, %convert_element_type3A_104, %cond3A_105 : i32
      scf.if %cond3A_106 {
        %add3A_107 = arith.constant 2 : i32
        %add3A_108 = arith.addi %add3A_35, %add3A_107 : i32
        %dma_start3A_109 = arith.constant 0 : i32
        %dma_start3A_110 = arith.constant 0 : i32
        %dma_start3A_111 = tpu.memref_slice %arg3[%add3A_108, %dma_start3A_109, %dma_start3A_110] : memref<1280x2x128xi32, #tpu.memory_space<hbm>> -> memref<1x2x128xi32, #tpu.memory_space<hbm>>
        %dma_start3A_112 = tpu.memref_squeeze %dma_start3A_111 : memref<1x2x128xi32, #tpu.memory_space<hbm>> -> memref<2x128xi32, #tpu.memory_space<hbm>>
        %dma_start3A_113 = arith.constant 0 : i32
        %dma_start3A_114 = arith.constant 0 : i32
        %dma_start3A_115 = tpu.memref_slice %arg3[%add3A_108, %dma_start3A_113, %dma_start3A_114] : memref<1280x2x128xi32, #tpu.memory_space<hbm>> -> memref<1x2x128xi32, #tpu.memory_space<hbm>>
        %dma_start3A_116 = tpu.memref_squeeze %dma_start3A_115 : memref<1x2x128xi32, #tpu.memory_space<hbm>> -> memref<2x128xi32, #tpu.memory_space<hbm>>
        tpu.enqueue_dma source(%dma_start3A_116 : memref<2x128xi32, #tpu.memory_space<hbm>>) target(%arg6 : memref<2x128xi32, #tpu.memory_space<vmem>>) target_semaphore(%arg11 : memref<!tpu.dma_semaphore, #tpu.memory_space<semaphore_mem>>)
      } else {
      }
    }
    %scan3A_15 = arith.constant 40 : i32
    %dma_wait3A = arith.constant 0 : i32
    %dma_wait3A_16 = arith.constant 0 : i32
    %dma_wait3A_17 = tpu.memref_slice %arg7[%dma_wait3A, %dma_wait3A_16] : memref<2x128xi32, #tpu.memory_space<vmem>> -> memref<1x128xi32, #tpu.memory_space<vmem>>
    %dma_wait3A_18 = tpu.memref_squeeze %dma_wait3A_17 : memref<1x128xi32, #tpu.memory_space<vmem>> -> memref<128xi32, #tpu.memory_space<vmem>>
    %dma_wait3A_19 = arith.constant 0 : i32
    %dma_wait3A_20 = arith.constant 0 : i32
    %dma_wait3A_21 = tpu.memref_slice %arg2[%add3A_4, %dma_wait3A_19, %dma_wait3A_20] : memref<3x10000x128xf32, #tpu.memory_space<hbm>> -> memref<1x10000x128xf32, #tpu.memory_space<hbm>>
    %dma_wait3A_22 = tpu.memref_squeeze %dma_wait3A_21 : memref<1x10000x128xf32, #tpu.memory_space<hbm>> -> memref<10000x128xf32, #tpu.memory_space<hbm>>
    %dma_wait3A_23 = arith.constant 0 : i32
    %dma_wait3A_24 = arith.constant 0 : i32
    %dma_wait3A_25 = tpu.memref_slice %dma_wait3A_22[%dma_wait3A_23, %dma_wait3A_24] : memref<10000x128xf32, #tpu.memory_space<hbm>> -> memref<10000x128xf32, #tpu.memory_space<hbm>>
    tpu.wait_indirect_dma semaphore(%arg14 : memref<!tpu.dma_semaphore, #tpu.memory_space<semaphore_mem>>) src(%dma_wait3A_25 : memref<10000x128xf32, #tpu.memory_space<hbm>>) dst(%arg9 : memref<128x128xf32, #tpu.memory_space<vmem>>)
    %run_scoped3A = arith.constant 1 : i32
    "tpu.region"() ({
      %run_scoped3A_32 = tpu.sem_alloc : memref<!tpu.dma_semaphore, #tpu.memory_space<semaphore_mem>>
      %dma_start3A_33 = arith.constant 0 : i32
      %dma_start3A_34 = tpu.memref_slice %arg7[%run_scoped3A, %dma_start3A_33] : memref<2x128xi32, #tpu.memory_space<vmem>> -> memref<1x128xi32, #tpu.memory_space<vmem>>
      %dma_start3A_35 = tpu.memref_squeeze %dma_start3A_34 : memref<1x128xi32, #tpu.memory_space<vmem>> -> memref<128xi32, #tpu.memory_space<vmem>>
      %dma_start3A_36 = arith.constant 0 : i32
      %dma_start3A_37 = arith.constant 0 : i32
      %dma_start3A_38 = tpu.memref_slice %arg10[%dma_start3A_36, %dma_start3A_37] : memref<10008x128xf32, #tpu.memory_space<vmem_shared>> -> memref<10008x128xf32, #tpu.memory_space<vmem_shared>>
      tpu.enqueue_indirect_dma source(%arg9 : memref<128x128xf32, #tpu.memory_space<vmem>>) target(%dma_start3A_38 : memref<10008x128xf32, #tpu.memory_space<vmem_shared>>) offsets(%dma_start3A_35 : memref<128xi32, #tpu.memory_space<vmem>>) semaphore(%run_scoped3A_32 : memref<!tpu.dma_semaphore, #tpu.memory_space<semaphore_mem>>) {add = true}
      %dma_wait3A_39 = arith.constant 0 : i32
      %dma_wait3A_40 = tpu.memref_slice %arg7[%run_scoped3A, %dma_wait3A_39] : memref<2x128xi32, #tpu.memory_space<vmem>> -> memref<1x128xi32, #tpu.memory_space<vmem>>
      %dma_wait3A_41 = tpu.memref_squeeze %dma_wait3A_40 : memref<1x128xi32, #tpu.memory_space<vmem>> -> memref<128xi32, #tpu.memory_space<vmem>>
      %dma_wait3A_42 = arith.constant 0 : i32
      %dma_wait3A_43 = arith.constant 0 : i32
      %dma_wait3A_44 = tpu.memref_slice %arg10[%dma_wait3A_42, %dma_wait3A_43] : memref<10008x128xf32, #tpu.memory_space<vmem_shared>> -> memref<10008x128xf32, #tpu.memory_space<vmem_shared>>
      tpu.wait_indirect_dma semaphore(%run_scoped3A_32 : memref<!tpu.dma_semaphore, #tpu.memory_space<semaphore_mem>>) src(%arg9 : memref<128x128xf32, #tpu.memory_space<vmem>>) dst(%dma_wait3A_44 : memref<10008x128xf32, #tpu.memory_space<vmem_shared>>)
      tpu.yield
    }) : () -> ()
    %barrier3A_26 = arith.constant 0 : index
    tpu.barrier barrier_id(%barrier3A_26)
    "tpu.region"() ({
      %run_scoped3A_32 = tpu.sem_alloc : memref<!tpu.dma_semaphore, #tpu.memory_space<semaphore_mem>>
      %dma_start3A_33 = arith.constant 0 : i32
      %dma_start3A_34 = tpu.memref_slice %arg5[%add3A_4, %multiple_of3A, %dma_start3A_33] : memref<3x10000x128xf32, #tpu.memory_space<hbm>> -> memref<1x632x128xf32, #tpu.memory_space<hbm>>
      %dma_start3A_35 = tpu.memref_squeeze %dma_start3A_34 : memref<1x632x128xf32, #tpu.memory_space<hbm>> -> memref<632x128xf32, #tpu.memory_space<hbm>>
      %dma_start3A_36 = arith.constant 0 : i32
      %dma_start3A_37 = tpu.memref_slice %arg10[%multiple_of3A, %dma_start3A_36] : memref<10008x128xf32, #tpu.memory_space<vmem_shared>> -> memref<632x128xf32, #tpu.memory_space<vmem_shared>>
      tpu.enqueue_dma source(%dma_start3A_37 : memref<632x128xf32, #tpu.memory_space<vmem_shared>>) target(%dma_start3A_35 : memref<632x128xf32, #tpu.memory_space<hbm>>) target_semaphore(%run_scoped3A_32 : memref<!tpu.dma_semaphore, #tpu.memory_space<semaphore_mem>>)
      %dma_wait3A_38 = arith.constant 0 : i32
      %dma_wait3A_39 = tpu.memref_slice %arg5[%add3A_4, %multiple_of3A, %dma_wait3A_38] : memref<3x10000x128xf32, #tpu.memory_space<hbm>> -> memref<1x632x128xf32, #tpu.memory_space<hbm>>
      %dma_wait3A_40 = tpu.memref_squeeze %dma_wait3A_39 : memref<1x632x128xf32, #tpu.memory_space<hbm>> -> memref<632x128xf32, #tpu.memory_space<hbm>>
      %dma_wait3A_41 = arith.constant 0 : i32
      %dma_wait3A_42 = tpu.memref_slice %arg10[%multiple_of3A, %dma_wait3A_41] : memref<10008x128xf32, #tpu.memory_space<vmem_shared>> -> memref<632x128xf32, #tpu.memory_space<vmem_shared>>
      tpu.wait_dma2 semaphore(%run_scoped3A_32 : memref<!tpu.dma_semaphore, #tpu.memory_space<semaphore_mem>>) src(%dma_wait3A_42 : memref<632x128xf32, #tpu.memory_space<vmem_shared>>) dst(%dma_wait3A_40 : memref<632x128xf32, #tpu.memory_space<hbm>>)
      tpu.yield
    }) : () -> ()
    %barrier3A_27 = arith.constant 0 : index
    tpu.barrier barrier_id(%barrier3A_27)
    %add3A_28 = arith.constant 2 : i32
    %add3A_29 = arith.addi %add3A_28, %arg0 : i32
    %lt3A = arith.constant 3 : i32
    %lt3A_30 = arith.cmpi slt, %add3A_29, %lt3A : i32
    %convert_element_type3A = arith.extui %lt3A_30 : i1 to i32
    %cond3A = arith.constant 0 : i32
    %cond3A_31 = arith.cmpi ne, %convert_element_type3A, %cond3A : i32
    scf.if %cond3A_31 {
      "tpu.region"() ({
        %run_scoped3A_60 = tpu.sem_alloc : memref<!tpu.dma_semaphore, #tpu.memory_space<semaphore_mem>>
        %dma_start3A_61 = arith.constant 0 : i32
        %dma_start3A_62 = tpu.memref_slice %arg10[%multiple_of3A, %dma_start3A_61] : memref<10008x128xf32, #tpu.memory_space<vmem_shared>> -> memref<632x128xf32, #tpu.memory_space<vmem_shared>>
        tpu.enqueue_dma source(%arg4 : memref<632x128xf32, #tpu.memory_space<hbm>>) target(%dma_start3A_62 : memref<632x128xf32, #tpu.memory_space<vmem_shared>>) target_semaphore(%run_scoped3A_60 : memref<!tpu.dma_semaphore, #tpu.memory_space<semaphore_mem>>)
        %dma_wait3A_63 = arith.constant 0 : i32
        %dma_wait3A_64 = tpu.memref_slice %arg10[%multiple_of3A, %dma_wait3A_63] : memref<10008x128xf32, #tpu.memory_space<vmem_shared>> -> memref<632x128xf32, #tpu.memory_space<vmem_shared>>
        tpu.wait_dma2 semaphore(%run_scoped3A_60 : memref<!tpu.dma_semaphore, #tpu.memory_space<semaphore_mem>>) src(%arg4 : memref<632x128xf32, #tpu.memory_space<hbm>>) dst(%dma_wait3A_64 : memref<632x128xf32, #tpu.memory_space<vmem_shared>>)
        tpu.yield
      }) : () -> ()
      %barrier3A_32 = arith.constant 0 : index
      tpu.barrier barrier_id(%barrier3A_32)
      %dma_start3A_33 = arith.constant 0 : i32
      %dma_start3A_34 = arith.constant 0 : i32
      %dma_start3A_35 = tpu.memref_slice %arg3[%mul3A_3, %dma_start3A_33, %dma_start3A_34] : memref<1280x2x128xi32, #tpu.memory_space<hbm>> -> memref<1x2x128xi32, #tpu.memory_space<hbm>>
      %dma_start3A_36 = tpu.memref_squeeze %dma_start3A_35 : memref<1x2x128xi32, #tpu.memory_space<hbm>> -> memref<2x128xi32, #tpu.memory_space<hbm>>
      %dma_start3A_37 = arith.constant 0 : i32
      %dma_start3A_38 = arith.constant 0 : i32
      %dma_start3A_39 = tpu.memref_slice %arg3[%mul3A_3, %dma_start3A_37, %dma_start3A_38] : memref<1280x2x128xi32, #tpu.memory_space<hbm>> -> memref<1x2x128xi32, #tpu.memory_space<hbm>>
      %dma_start3A_40 = tpu.memref_squeeze %dma_start3A_39 : memref<1x2x128xi32, #tpu.memory_space<hbm>> -> memref<2x128xi32, #tpu.memory_space<hbm>>
      tpu.enqueue_dma source(%dma_start3A_40 : memref<2x128xi32, #tpu.memory_space<hbm>>) target(%arg6 : memref<2x128xi32, #tpu.memory_space<vmem>>) target_semaphore(%arg11 : memref<!tpu.dma_semaphore, #tpu.memory_space<semaphore_mem>>)
      %scan3A_41 = arith.constant 0 : i32
      %scan3A_42 = arith.constant 40 : i32
      %scan3A_43 = arith.addi %scan3A_41, %scan3A_42 : i32
      %scan3A_44 = arith.constant 1 : i32
      scf.for %scan3A_60 = %scan3A_41 to %scan3A_43 step %scan3A_44  : i32 {
        %mul3A_61 = arith.constant 2 : i32
        %mul3A_62 = arith.muli %mul3A_61, %scan3A_60 : i32
        %add3A_63 = arith.addi %mul3A_3, %mul3A_62 : i32
        %dma_wait3A_64 = arith.constant 0 : i32
        %dma_wait3A_65 = arith.constant 0 : i32
        %dma_wait3A_66 = tpu.memref_slice %arg3[%mul3A_3, %dma_wait3A_64, %dma_wait3A_65] : memref<1280x2x128xi32, #tpu.memory_space<hbm>> -> memref<1x2x128xi32, #tpu.memory_space<hbm>>
        %dma_wait3A_67 = tpu.memref_squeeze %dma_wait3A_66 : memref<1x2x128xi32, #tpu.memory_space<hbm>> -> memref<2x128xi32, #tpu.memory_space<hbm>>
        %dma_wait3A_68 = arith.constant 0 : i32
        %dma_wait3A_69 = arith.constant 0 : i32
        %dma_wait3A_70 = tpu.memref_slice %arg3[%mul3A_3, %dma_wait3A_68, %dma_wait3A_69] : memref<1280x2x128xi32, #tpu.memory_space<hbm>> -> memref<1x2x128xi32, #tpu.memory_space<hbm>>
        %dma_wait3A_71 = tpu.memref_squeeze %dma_wait3A_70 : memref<1x2x128xi32, #tpu.memory_space<hbm>> -> memref<2x128xi32, #tpu.memory_space<hbm>>
        tpu.wait_dma2 semaphore(%arg11 : memref<!tpu.dma_semaphore, #tpu.memory_space<semaphore_mem>>) src(%dma_wait3A_71 : memref<2x128xi32, #tpu.memory_space<hbm>>) dst(%arg6 : memref<2x128xi32, #tpu.memory_space<vmem>>)
        %dma_start3A_72 = arith.constant 0 : i32
        %dma_start3A_73 = arith.constant 0 : i32
        %dma_start3A_74 = tpu.memref_slice %arg6[%dma_start3A_72, %dma_start3A_73] : memref<2x128xi32, #tpu.memory_space<vmem>> -> memref<1x128xi32, #tpu.memory_space<vmem>>
        %dma_start3A_75 = tpu.memref_squeeze %dma_start3A_74 : memref<1x128xi32, #tpu.memory_space<vmem>> -> memref<128xi32, #tpu.memory_space<vmem>>
        %dma_start3A_76 = arith.constant 0 : i32
        %dma_start3A_77 = arith.constant 0 : i32
        %dma_start3A_78 = tpu.memref_slice %arg2[%add3A_29, %dma_start3A_76, %dma_start3A_77] : memref<3x10000x128xf32, #tpu.memory_space<hbm>> -> memref<1x10000x128xf32, #tpu.memory_space<hbm>>
        %dma_start3A_79 = tpu.memref_squeeze %dma_start3A_78 : memref<1x10000x128xf32, #tpu.memory_space<hbm>> -> memref<10000x128xf32, #tpu.memory_space<hbm>>
        %dma_start3A_80 = arith.constant 0 : i32
        %dma_start3A_81 = arith.constant 0 : i32
        %dma_start3A_82 = tpu.memref_slice %dma_start3A_79[%dma_start3A_80, %dma_start3A_81] : memref<10000x128xf32, #tpu.memory_space<hbm>> -> memref<10000x128xf32, #tpu.memory_space<hbm>>
        tpu.enqueue_indirect_dma source(%dma_start3A_82 : memref<10000x128xf32, #tpu.memory_space<hbm>>) target(%arg8 : memref<128x128xf32, #tpu.memory_space<vmem>>) offsets(%dma_start3A_75 : memref<128xi32, #tpu.memory_space<vmem>>) semaphore(%arg13 : memref<!tpu.dma_semaphore, #tpu.memory_space<semaphore_mem>>)
        %gt3A = arith.constant 0 : i32
        %gt3A_83 = arith.cmpi sgt, %scan3A_60, %gt3A : i32
        %convert_element_type3A_84 = arith.extui %gt3A_83 : i1 to i32
        %cond3A_85 = arith.constant 0 : i32
        %cond3A_86 = arith.cmpi ne, %convert_element_type3A_84, %cond3A_85 : i32
        scf.if %cond3A_86 {
          %dma_wait3A_135 = arith.constant 0 : i32
          %dma_wait3A_136 = arith.constant 0 : i32
          %dma_wait3A_137 = tpu.memref_slice %arg7[%dma_wait3A_135, %dma_wait3A_136] : memref<2x128xi32, #tpu.memory_space<vmem>> -> memref<1x128xi32, #tpu.memory_space<vmem>>
          %dma_wait3A_138 = tpu.memref_squeeze %dma_wait3A_137 : memref<1x128xi32, #tpu.memory_space<vmem>> -> memref<128xi32, #tpu.memory_space<vmem>>
          %dma_wait3A_139 = arith.constant 0 : i32
          %dma_wait3A_140 = arith.constant 0 : i32
          %dma_wait3A_141 = tpu.memref_slice %arg2[%add3A_29, %dma_wait3A_139, %dma_wait3A_140] : memref<3x10000x128xf32, #tpu.memory_space<hbm>> -> memref<1x10000x128xf32, #tpu.memory_space<hbm>>
          %dma_wait3A_142 = tpu.memref_squeeze %dma_wait3A_141 : memref<1x10000x128xf32, #tpu.memory_space<hbm>> -> memref<10000x128xf32, #tpu.memory_space<hbm>>
          %dma_wait3A_143 = arith.constant 0 : i32
          %dma_wait3A_144 = arith.constant 0 : i32
          %dma_wait3A_145 = tpu.memref_slice %dma_wait3A_142[%dma_wait3A_143, %dma_wait3A_144] : memref<10000x128xf32, #tpu.memory_space<hbm>> -> memref<10000x128xf32, #tpu.memory_space<hbm>>
          tpu.wait_indirect_dma semaphore(%arg14 : memref<!tpu.dma_semaphore, #tpu.memory_space<semaphore_mem>>) src(%dma_wait3A_145 : memref<10000x128xf32, #tpu.memory_space<hbm>>) dst(%arg9 : memref<128x128xf32, #tpu.memory_space<vmem>>)
          %run_scoped3A_146 = arith.constant 1 : i32
          "tpu.region"() ({
            %run_scoped3A_147 = tpu.sem_alloc : memref<!tpu.dma_semaphore, #tpu.memory_space<semaphore_mem>>
            %dma_start3A_148 = arith.constant 0 : i32
            %dma_start3A_149 = tpu.memref_slice %arg7[%run_scoped3A_146, %dma_start3A_148] : memref<2x128xi32, #tpu.memory_space<vmem>> -> memref<1x128xi32, #tpu.memory_space<vmem>>
            %dma_start3A_150 = tpu.memref_squeeze %dma_start3A_149 : memref<1x128xi32, #tpu.memory_space<vmem>> -> memref<128xi32, #tpu.memory_space<vmem>>
            %dma_start3A_151 = arith.constant 0 : i32
            %dma_start3A_152 = arith.constant 0 : i32
            %dma_start3A_153 = tpu.memref_slice %arg10[%dma_start3A_151, %dma_start3A_152] : memref<10008x128xf32, #tpu.memory_space<vmem_shared>> -> memref<10008x128xf32, #tpu.memory_space<vmem_shared>>
            tpu.enqueue_indirect_dma source(%arg9 : memref<128x128xf32, #tpu.memory_space<vmem>>) target(%dma_start3A_153 : memref<10008x128xf32, #tpu.memory_space<vmem_shared>>) offsets(%dma_start3A_150 : memref<128xi32, #tpu.memory_space<vmem>>) semaphore(%run_scoped3A_147 : memref<!tpu.dma_semaphore, #tpu.memory_space<semaphore_mem>>) {add = true}
            %dma_wait3A_154 = arith.constant 0 : i32
            %dma_wait3A_155 = tpu.memref_slice %arg7[%run_scoped3A_146, %dma_wait3A_154] : memref<2x128xi32, #tpu.memory_space<vmem>> -> memref<1x128xi32, #tpu.memory_space<vmem>>
            %dma_wait3A_156 = tpu.memref_squeeze %dma_wait3A_155 : memref<1x128xi32, #tpu.memory_space<vmem>> -> memref<128xi32, #tpu.memory_space<vmem>>
            %dma_wait3A_157 = arith.constant 0 : i32
            %dma_wait3A_158 = arith.constant 0 : i32
            %dma_wait3A_159 = tpu.memref_slice %arg10[%dma_wait3A_157, %dma_wait3A_158] : memref<10008x128xf32, #tpu.memory_space<vmem_shared>> -> memref<10008x128xf32, #tpu.memory_space<vmem_shared>>
            tpu.wait_indirect_dma semaphore(%run_scoped3A_147 : memref<!tpu.dma_semaphore, #tpu.memory_space<semaphore_mem>>) src(%arg9 : memref<128x128xf32, #tpu.memory_space<vmem>>) dst(%dma_wait3A_159 : memref<10008x128xf32, #tpu.memory_space<vmem_shared>>)
            tpu.yield
          }) : () -> ()
        } else {
        }
        %add3A_87 = arith.constant 1 : i32
        %add3A_88 = arith.addi %add3A_63, %add3A_87 : i32
        %dma_start3A_89 = arith.constant 0 : i32
        %dma_start3A_90 = arith.constant 0 : i32
        %dma_start3A_91 = tpu.memref_slice %arg3[%add3A_88, %dma_start3A_89, %dma_start3A_90] : memref<1280x2x128xi32, #tpu.memory_space<hbm>> -> memref<1x2x128xi32, #tpu.memory_space<hbm>>
        %dma_start3A_92 = tpu.memref_squeeze %dma_start3A_91 : memref<1x2x128xi32, #tpu.memory_space<hbm>> -> memref<2x128xi32, #tpu.memory_space<hbm>>
        %dma_start3A_93 = arith.constant 0 : i32
        %dma_start3A_94 = arith.constant 0 : i32
        %dma_start3A_95 = tpu.memref_slice %arg3[%add3A_88, %dma_start3A_93, %dma_start3A_94] : memref<1280x2x128xi32, #tpu.memory_space<hbm>> -> memref<1x2x128xi32, #tpu.memory_space<hbm>>
        %dma_start3A_96 = tpu.memref_squeeze %dma_start3A_95 : memref<1x2x128xi32, #tpu.memory_space<hbm>> -> memref<2x128xi32, #tpu.memory_space<hbm>>
        tpu.enqueue_dma source(%dma_start3A_96 : memref<2x128xi32, #tpu.memory_space<hbm>>) target(%arg7 : memref<2x128xi32, #tpu.memory_space<vmem>>) target_semaphore(%arg12 : memref<!tpu.dma_semaphore, #tpu.memory_space<semaphore_mem>>)
        %dma_wait3A_97 = arith.constant 0 : i32
        %dma_wait3A_98 = arith.constant 0 : i32
        %dma_wait3A_99 = tpu.memref_slice %arg3[%mul3A_3, %dma_wait3A_97, %dma_wait3A_98] : memref<1280x2x128xi32, #tpu.memory_space<hbm>> -> memref<1x2x128xi32, #tpu.memory_space<hbm>>
        %dma_wait3A_100 = tpu.memref_squeeze %dma_wait3A_99 : memref<1x2x128xi32, #tpu.memory_space<hbm>> -> memref<2x128xi32, #tpu.memory_space<hbm>>
        %dma_wait3A_101 = arith.constant 0 : i32
        %dma_wait3A_102 = arith.constant 0 : i32
        %dma_wait3A_103 = tpu.memref_slice %arg3[%mul3A_3, %dma_wait3A_101, %dma_wait3A_102] : memref<1280x2x128xi32, #tpu.memory_space<hbm>> -> memref<1x2x128xi32, #tpu.memory_space<hbm>>
        %dma_wait3A_104 = tpu.memref_squeeze %dma_wait3A_103 : memref<1x2x128xi32, #tpu.memory_space<hbm>> -> memref<2x128xi32, #tpu.memory_space<hbm>>
        tpu.wait_dma2 semaphore(%arg12 : memref<!tpu.dma_semaphore, #tpu.memory_space<semaphore_mem>>) src(%dma_wait3A_104 : memref<2x128xi32, #tpu.memory_space<hbm>>) dst(%arg7 : memref<2x128xi32, #tpu.memory_space<vmem>>)
        %dma_wait3A_105 = arith.constant 0 : i32
        %dma_wait3A_106 = arith.constant 0 : i32
        %dma_wait3A_107 = tpu.memref_slice %arg6[%dma_wait3A_105, %dma_wait3A_106] : memref<2x128xi32, #tpu.memory_space<vmem>> -> memref<1x128xi32, #tpu.memory_space<vmem>>
        %dma_wait3A_108 = tpu.memref_squeeze %dma_wait3A_107 : memref<1x128xi32, #tpu.memory_space<vmem>> -> memref<128xi32, #tpu.memory_space<vmem>>
        %dma_wait3A_109 = arith.constant 0 : i32
        %dma_wait3A_110 = arith.constant 0 : i32
        %dma_wait3A_111 = tpu.memref_slice %arg2[%add3A_29, %dma_wait3A_109, %dma_wait3A_110] : memref<3x10000x128xf32, #tpu.memory_space<hbm>> -> memref<1x10000x128xf32, #tpu.memory_space<hbm>>
        %dma_wait3A_112 = tpu.memref_squeeze %dma_wait3A_111 : memref<1x10000x128xf32, #tpu.memory_space<hbm>> -> memref<10000x128xf32, #tpu.memory_space<hbm>>
        %dma_wait3A_113 = arith.constant 0 : i32
        %dma_wait3A_114 = arith.constant 0 : i32
        %dma_wait3A_115 = tpu.memref_slice %dma_wait3A_112[%dma_wait3A_113, %dma_wait3A_114] : memref<10000x128xf32, #tpu.memory_space<hbm>> -> memref<10000x128xf32, #tpu.memory_space<hbm>>
        tpu.wait_indirect_dma semaphore(%arg13 : memref<!tpu.dma_semaphore, #tpu.memory_space<semaphore_mem>>) src(%dma_wait3A_115 : memref<10000x128xf32, #tpu.memory_space<hbm>>) dst(%arg8 : memref<128x128xf32, #tpu.memory_space<vmem>>)
        %dma_start3A_116 = arith.constant 0 : i32
        %dma_start3A_117 = arith.constant 0 : i32
        %dma_start3A_118 = tpu.memref_slice %arg7[%dma_start3A_116, %dma_start3A_117] : memref<2x128xi32, #tpu.memory_space<vmem>> -> memref<1x128xi32, #tpu.memory_space<vmem>>
        %dma_start3A_119 = tpu.memref_squeeze %dma_start3A_118 : memref<1x128xi32, #tpu.memory_space<vmem>> -> memref<128xi32, #tpu.memory_space<vmem>>
        %dma_start3A_120 = arith.constant 0 : i32
        %dma_start3A_121 = arith.constant 0 : i32
        %dma_start3A_122 = tpu.memref_slice %arg2[%add3A_29, %dma_start3A_120, %dma_start3A_121] : memref<3x10000x128xf32, #tpu.memory_space<hbm>> -> memref<1x10000x128xf32, #tpu.memory_space<hbm>>
        %dma_start3A_123 = tpu.memref_squeeze %dma_start3A_122 : memref<1x10000x128xf32, #tpu.memory_space<hbm>> -> memref<10000x128xf32, #tpu.memory_space<hbm>>
        %dma_start3A_124 = arith.constant 0 : i32
        %dma_start3A_125 = arith.constant 0 : i32
        %dma_start3A_126 = tpu.memref_slice %dma_start3A_123[%dma_start3A_124, %dma_start3A_125] : memref<10000x128xf32, #tpu.memory_space<hbm>> -> memref<10000x128xf32, #tpu.memory_space<hbm>>
        tpu.enqueue_indirect_dma source(%dma_start3A_126 : memref<10000x128xf32, #tpu.memory_space<hbm>>) target(%arg9 : memref<128x128xf32, #tpu.memory_space<vmem>>) offsets(%dma_start3A_119 : memref<128xi32, #tpu.memory_space<vmem>>) semaphore(%arg14 : memref<!tpu.dma_semaphore, #tpu.memory_space<semaphore_mem>>)
        %run_scoped3A_127 = arith.constant 1 : i32
        "tpu.region"() ({
          %run_scoped3A_135 = tpu.sem_alloc : memref<!tpu.dma_semaphore, #tpu.memory_space<semaphore_mem>>
          %dma_start3A_136 = arith.constant 0 : i32
          %dma_start3A_137 = tpu.memref_slice %arg6[%run_scoped3A_127, %dma_start3A_136] : memref<2x128xi32, #tpu.memory_space<vmem>> -> memref<1x128xi32, #tpu.memory_space<vmem>>
          %dma_start3A_138 = tpu.memref_squeeze %dma_start3A_137 : memref<1x128xi32, #tpu.memory_space<vmem>> -> memref<128xi32, #tpu.memory_space<vmem>>
          %dma_start3A_139 = arith.constant 0 : i32
          %dma_start3A_140 = arith.constant 0 : i32
          %dma_start3A_141 = tpu.memref_slice %arg10[%dma_start3A_139, %dma_start3A_140] : memref<10008x128xf32, #tpu.memory_space<vmem_shared>> -> memref<10008x128xf32, #tpu.memory_space<vmem_shared>>
          tpu.enqueue_indirect_dma source(%arg8 : memref<128x128xf32, #tpu.memory_space<vmem>>) target(%dma_start3A_141 : memref<10008x128xf32, #tpu.memory_space<vmem_shared>>) offsets(%dma_start3A_138 : memref<128xi32, #tpu.memory_space<vmem>>) semaphore(%run_scoped3A_135 : memref<!tpu.dma_semaphore, #tpu.memory_space<semaphore_mem>>) {add = true}
          %dma_wait3A_142 = arith.constant 0 : i32
          %dma_wait3A_143 = tpu.memref_slice %arg6[%run_scoped3A_127, %dma_wait3A_142] : memref<2x128xi32, #tpu.memory_space<vmem>> -> memref<1x128xi32, #tpu.memory_space<vmem>>
          %dma_wait3A_144 = tpu.memref_squeeze %dma_wait3A_143 : memref<1x128xi32, #tpu.memory_space<vmem>> -> memref<128xi32, #tpu.memory_space<vmem>>
          %dma_wait3A_145 = arith.constant 0 : i32
          %dma_wait3A_146 = arith.constant 0 : i32
          %dma_wait3A_147 = tpu.memref_slice %arg10[%dma_wait3A_145, %dma_wait3A_146] : memref<10008x128xf32, #tpu.memory_space<vmem_shared>> -> memref<10008x128xf32, #tpu.memory_space<vmem_shared>>
          tpu.wait_indirect_dma semaphore(%run_scoped3A_135 : memref<!tpu.dma_semaphore, #tpu.memory_space<semaphore_mem>>) src(%arg8 : memref<128x128xf32, #tpu.memory_space<vmem>>) dst(%dma_wait3A_147 : memref<10008x128xf32, #tpu.memory_space<vmem_shared>>)
          tpu.yield
        }) : () -> ()
        %add3A_128 = arith.constant 1 : i32
        %add3A_129 = arith.addi %scan3A_60, %add3A_128 : i32
        %lt3A_130 = arith.constant 40 : i32
        %lt3A_131 = arith.cmpi slt, %add3A_129, %lt3A_130 : i32
        %convert_element_type3A_132 = arith.extui %lt3A_131 : i1 to i32
        %cond3A_133 = arith.constant 0 : i32
        %cond3A_134 = arith.cmpi ne, %convert_element_type3A_132, %cond3A_133 : i32
        scf.if %cond3A_134 {
          %add3A_135 = arith.constant 2 : i32
          %add3A_136 = arith.addi %add3A_63, %add3A_135 : i32
          %dma_start3A_137 = arith.constant 0 : i32
          %dma_start3A_138 = arith.constant 0 : i32
          %dma_start3A_139 = tpu.memref_slice %arg3[%add3A_136, %dma_start3A_137, %dma_start3A_138] : memref<1280x2x128xi32, #tpu.memory_space<hbm>> -> memref<1x2x128xi32, #tpu.memory_space<hbm>>
          %dma_start3A_140 = tpu.memref_squeeze %dma_start3A_139 : memref<1x2x128xi32, #tpu.memory_space<hbm>> -> memref<2x128xi32, #tpu.memory_space<hbm>>
          %dma_start3A_141 = arith.constant 0 : i32
          %dma_start3A_142 = arith.constant 0 : i32
          %dma_start3A_143 = tpu.memref_slice %arg3[%add3A_136, %dma_start3A_141, %dma_start3A_142] : memref<1280x2x128xi32, #tpu.memory_space<hbm>> -> memref<1x2x128xi32, #tpu.memory_space<hbm>>
          %dma_start3A_144 = tpu.memref_squeeze %dma_start3A_143 : memref<1x2x128xi32, #tpu.memory_space<hbm>> -> memref<2x128xi32, #tpu.memory_space<hbm>>
          tpu.enqueue_dma source(%dma_start3A_144 : memref<2x128xi32, #tpu.memory_space<hbm>>) target(%arg6 : memref<2x128xi32, #tpu.memory_space<vmem>>) target_semaphore(%arg11 : memref<!tpu.dma_semaphore, #tpu.memory_space<semaphore_mem>>)
        } else {
        }
      }
      %scan3A_45 = arith.constant 40 : i32
      %dma_wait3A_46 = arith.constant 0 : i32
      %dma_wait3A_47 = arith.constant 0 : i32
      %dma_wait3A_48 = tpu.memref_slice %arg7[%dma_wait3A_46, %dma_wait3A_47] : memref<2x128xi32, #tpu.memory_space<vmem>> -> memref<1x128xi32, #tpu.memory_space<vmem>>
      %dma_wait3A_49 = tpu.memref_squeeze %dma_wait3A_48 : memref<1x128xi32, #tpu.memory_space<vmem>> -> memref<128xi32, #tpu.memory_space<vmem>>
      %dma_wait3A_50 = arith.constant 0 : i32
      %dma_wait3A_51 = arith.constant 0 : i32
      %dma_wait3A_52 = tpu.memref_slice %arg2[%add3A_29, %dma_wait3A_50, %dma_wait3A_51] : memref<3x10000x128xf32, #tpu.memory_space<hbm>> -> memref<1x10000x128xf32, #tpu.memory_space<hbm>>
      %dma_wait3A_53 = tpu.memref_squeeze %dma_wait3A_52 : memref<1x10000x128xf32, #tpu.memory_space<hbm>> -> memref<10000x128xf32, #tpu.memory_space<hbm>>
      %dma_wait3A_54 = arith.constant 0 : i32
      %dma_wait3A_55 = arith.constant 0 : i32
      %dma_wait3A_56 = tpu.memref_slice %dma_wait3A_53[%dma_wait3A_54, %dma_wait3A_55] : memref<10000x128xf32, #tpu.memory_space<hbm>> -> memref<10000x128xf32, #tpu.memory_space<hbm>>
      tpu.wait_indirect_dma semaphore(%arg14 : memref<!tpu.dma_semaphore, #tpu.memory_space<semaphore_mem>>) src(%dma_wait3A_56 : memref<10000x128xf32, #tpu.memory_space<hbm>>) dst(%arg9 : memref<128x128xf32, #tpu.memory_space<vmem>>)
      %run_scoped3A_57 = arith.constant 1 : i32
      "tpu.region"() ({
        %run_scoped3A_60 = tpu.sem_alloc : memref<!tpu.dma_semaphore, #tpu.memory_space<semaphore_mem>>
        %dma_start3A_61 = arith.constant 0 : i32
        %dma_start3A_62 = tpu.memref_slice %arg7[%run_scoped3A_57, %dma_start3A_61] : memref<2x128xi32, #tpu.memory_space<vmem>> -> memref<1x128xi32, #tpu.memory_space<vmem>>
        %dma_start3A_63 = tpu.memref_squeeze %dma_start3A_62 : memref<1x128xi32, #tpu.memory_space<vmem>> -> memref<128xi32, #tpu.memory_space<vmem>>
        %dma_start3A_64 = arith.constant 0 : i32
        %dma_start3A_65 = arith.constant 0 : i32
        %dma_start3A_66 = tpu.memref_slice %arg10[%dma_start3A_64, %dma_start3A_65] : memref<10008x128xf32, #tpu.memory_space<vmem_shared>> -> memref<10008x128xf32, #tpu.memory_space<vmem_shared>>
        tpu.enqueue_indirect_dma source(%arg9 : memref<128x128xf32, #tpu.memory_space<vmem>>) target(%dma_start3A_66 : memref<10008x128xf32, #tpu.memory_space<vmem_shared>>) offsets(%dma_start3A_63 : memref<128xi32, #tpu.memory_space<vmem>>) semaphore(%run_scoped3A_60 : memref<!tpu.dma_semaphore, #tpu.memory_space<semaphore_mem>>) {add = true}
        %dma_wait3A_67 = arith.constant 0 : i32
        %dma_wait3A_68 = tpu.memref_slice %arg7[%run_scoped3A_57, %dma_wait3A_67] : memref<2x128xi32, #tpu.memory_space<vmem>> -> memref<1x128xi32, #tpu.memory_space<vmem>>
        %dma_wait3A_69 = tpu.memref_squeeze %dma_wait3A_68 : memref<1x128xi32, #tpu.memory_space<vmem>> -> memref<128xi32, #tpu.memory_space<vmem>>
        %dma_wait3A_70 = arith.constant 0 : i32
        %dma_wait3A_71 = arith.constant 0 : i32
        %dma_wait3A_72 = tpu.memref_slice %arg10[%dma_wait3A_70, %dma_wait3A_71] : memref<10008x128xf32, #tpu.memory_space<vmem_shared>> -> memref<10008x128xf32, #tpu.memory_space<vmem_shared>>
        tpu.wait_indirect_dma semaphore(%run_scoped3A_60 : memref<!tpu.dma_semaphore, #tpu.memory_space<semaphore_mem>>) src(%arg9 : memref<128x128xf32, #tpu.memory_space<vmem>>) dst(%dma_wait3A_72 : memref<10008x128xf32, #tpu.memory_space<vmem_shared>>)
        tpu.yield
      }) : () -> ()
      %barrier3A_58 = arith.constant 0 : index
      tpu.barrier barrier_id(%barrier3A_58)
      "tpu.region"() ({
        %run_scoped3A_60 = tpu.sem_alloc : memref<!tpu.dma_semaphore, #tpu.memory_space<semaphore_mem>>
        %dma_start3A_61 = arith.constant 0 : i32
        %dma_start3A_62 = tpu.memref_slice %arg5[%add3A_29, %multiple_of3A, %dma_start3A_61] : memref<3x10000x128xf32, #tpu.memory_space<hbm>> -> memref<1x632x128xf32, #tpu.memory_space<hbm>>
        %dma_start3A_63 = tpu.memref_squeeze %dma_start3A_62 : memref<1x632x128xf32, #tpu.memory_space<hbm>> -> memref<632x128xf32, #tpu.memory_space<hbm>>
        %dma_start3A_64 = arith.constant 0 : i32
        %dma_start3A_65 = tpu.memref_slice %arg10[%multiple_of3A, %dma_start3A_64] : memref<10008x128xf32, #tpu.memory_space<vmem_shared>> -> memref<632x128xf32, #tpu.memory_space<vmem_shared>>
        tpu.enqueue_dma source(%dma_start3A_65 : memref<632x128xf32, #tpu.memory_space<vmem_shared>>) target(%dma_start3A_63 : memref<632x128xf32, #tpu.memory_space<hbm>>) target_semaphore(%run_scoped3A_60 : memref<!tpu.dma_semaphore, #tpu.memory_space<semaphore_mem>>)
        %dma_wait3A_66 = arith.constant 0 : i32
        %dma_wait3A_67 = tpu.memref_slice %arg5[%add3A_29, %multiple_of3A, %dma_wait3A_66] : memref<3x10000x128xf32, #tpu.memory_space<hbm>> -> memref<1x632x128xf32, #tpu.memory_space<hbm>>
        %dma_wait3A_68 = tpu.memref_squeeze %dma_wait3A_67 : memref<1x632x128xf32, #tpu.memory_space<hbm>> -> memref<632x128xf32, #tpu.memory_space<hbm>>
        %dma_wait3A_69 = arith.constant 0 : i32
        %dma_wait3A_70 = tpu.memref_slice %arg10[%multiple_of3A, %dma_wait3A_69] : memref<10008x128xf32, #tpu.memory_space<vmem_shared>> -> memref<632x128xf32, #tpu.memory_space<vmem_shared>>
        tpu.wait_dma2 semaphore(%run_scoped3A_60 : memref<!tpu.dma_semaphore, #tpu.memory_space<semaphore_mem>>) src(%dma_wait3A_70 : memref<632x128xf32, #tpu.memory_space<vmem_shared>>) dst(%dma_wait3A_68 : memref<632x128xf32, #tpu.memory_space<hbm>>)
        tpu.yield
      }) : () -> ()
      %barrier3A_59 = arith.constant 0 : index
      tpu.barrier barrier_id(%barrier3A_59)
    } else {
    }
    return
  }
}

#map = affine_map<(d0, d1) -> (0, 0)>
#map1 = affine_map<(d0, d1) -> (0)>
module attributes {stable_mosaic.version = 14 : i64} {
  func.func @k(%arg0: i32, %arg1: i32, %arg2: memref<10000x512xf32, #tpu.memory_space<hbm>>, %arg3: memref<8192xi32, #tpu.memory_space<hbm>>, %arg4: memref<8192x512xf32, #tpu.memory_space<hbm>>, %arg5: memref<128xi32, #tpu.memory_space<vmem>>, %arg6: memref<128x512xf32, #tpu.memory_space<vmem>>, %arg7: memref<!tpu.dma_semaphore, #tpu.memory_space<semaphore_mem>>) attributes {dimension_semantics = [#tpu.dimension_semantics<core_parallel>, #tpu.dimension_semantics<subcore_parallel>], iteration_bounds = array<i64: 2, 16>, scalar_prefetch = 0 : i64, scratch_operands = 3 : i64, tpu.core_type = #tpu.core_type<sc_vector_subcore>, window_params = [{transform_indices = #map}, {transform_indices = #map1}, {transform_indices = #map}]} {
    %mul3A = arith.constant 2 : i32
    %mul3A_0 = arith.muli %arg1, %mul3A : i32
    %add3A = arith.addi %mul3A_0, %arg0 : i32
    %mul3A_1 = arith.constant 256 : i32
    %mul3A_2 = arith.muli %add3A, %mul3A_1 : i32
    %add3A_3 = arith.constant 0 : i32
    %add3A_4 = arith.addi %mul3A_2, %add3A_3 : i32
    %multiple_of3A = tpu.assume_multiple %add3A_4, 128 : i32
    "tpu.region"() ({
      %run_scoped3A = tpu.sem_alloc : memref<!tpu.dma_semaphore, #tpu.memory_space<semaphore_mem>>
      %dma_start3A_20 = tpu.memref_slice %arg3[%multiple_of3A] : memref<8192xi32, #tpu.memory_space<hbm>> -> memref<128xi32, #tpu.memory_space<hbm>>
      %dma_start3A_21 = tpu.memref_slice %arg3[%multiple_of3A] : memref<8192xi32, #tpu.memory_space<hbm>> -> memref<128xi32, #tpu.memory_space<hbm>>
      tpu.enqueue_dma source(%dma_start3A_21 : memref<128xi32, #tpu.memory_space<hbm>>) target(%arg5 : memref<128xi32, #tpu.memory_space<vmem>>) target_semaphore(%run_scoped3A : memref<!tpu.dma_semaphore, #tpu.memory_space<semaphore_mem>>)
      %dma_wait3A_22 = tpu.memref_slice %arg3[%multiple_of3A] : memref<8192xi32, #tpu.memory_space<hbm>> -> memref<128xi32, #tpu.memory_space<hbm>>
      %dma_wait3A_23 = tpu.memref_slice %arg3[%multiple_of3A] : memref<8192xi32, #tpu.memory_space<hbm>> -> memref<128xi32, #tpu.memory_space<hbm>>
      tpu.wait_dma2 semaphore(%run_scoped3A : memref<!tpu.dma_semaphore, #tpu.memory_space<semaphore_mem>>) src(%dma_wait3A_23 : memref<128xi32, #tpu.memory_space<hbm>>) dst(%arg5 : memref<128xi32, #tpu.memory_space<vmem>>)
      tpu.yield
    }) : () -> ()
    %dma_start3A = arith.constant 0 : i32
    %dma_start3A_5 = arith.constant 0 : i32
    %dma_start3A_6 = tpu.memref_slice %arg2[%dma_start3A, %dma_start3A_5] : memref<10000x512xf32, #tpu.memory_space<hbm>> -> memref<10000x512xf32, #tpu.memory_space<hbm>>
    tpu.enqueue_indirect_dma source(%dma_start3A_6 : memref<10000x512xf32, #tpu.memory_space<hbm>>) target(%arg6 : memref<128x512xf32, #tpu.memory_space<vmem>>) offsets(%arg5 : memref<128xi32, #tpu.memory_space<vmem>>) semaphore(%arg7 : memref<!tpu.dma_semaphore, #tpu.memory_space<semaphore_mem>>)
    %dma_wait3A = arith.constant 0 : i32
    %dma_wait3A_7 = arith.constant 0 : i32
    %dma_wait3A_8 = tpu.memref_slice %arg2[%dma_wait3A, %dma_wait3A_7] : memref<10000x512xf32, #tpu.memory_space<hbm>> -> memref<10000x512xf32, #tpu.memory_space<hbm>>
    tpu.wait_indirect_dma semaphore(%arg7 : memref<!tpu.dma_semaphore, #tpu.memory_space<semaphore_mem>>) src(%dma_wait3A_8 : memref<10000x512xf32, #tpu.memory_space<hbm>>) dst(%arg6 : memref<128x512xf32, #tpu.memory_space<vmem>>)
    "tpu.region"() ({
      %run_scoped3A = tpu.sem_alloc : memref<!tpu.dma_semaphore, #tpu.memory_space<semaphore_mem>>
      %dma_start3A_20 = arith.constant 0 : i32
      %dma_start3A_21 = tpu.memref_slice %arg4[%multiple_of3A, %dma_start3A_20] : memref<8192x512xf32, #tpu.memory_space<hbm>> -> memref<128x512xf32, #tpu.memory_space<hbm>>
      %dma_start3A_22 = arith.constant 0 : i32
      %dma_start3A_23 = tpu.memref_slice %arg4[%multiple_of3A, %dma_start3A_22] : memref<8192x512xf32, #tpu.memory_space<hbm>> -> memref<128x512xf32, #tpu.memory_space<hbm>>
      tpu.enqueue_dma source(%arg6 : memref<128x512xf32, #tpu.memory_space<vmem>>) target(%dma_start3A_23 : memref<128x512xf32, #tpu.memory_space<hbm>>) target_semaphore(%run_scoped3A : memref<!tpu.dma_semaphore, #tpu.memory_space<semaphore_mem>>)
      %dma_wait3A_24 = arith.constant 0 : i32
      %dma_wait3A_25 = tpu.memref_slice %arg4[%multiple_of3A, %dma_wait3A_24] : memref<8192x512xf32, #tpu.memory_space<hbm>> -> memref<128x512xf32, #tpu.memory_space<hbm>>
      %dma_wait3A_26 = arith.constant 0 : i32
      %dma_wait3A_27 = tpu.memref_slice %arg4[%multiple_of3A, %dma_wait3A_26] : memref<8192x512xf32, #tpu.memory_space<hbm>> -> memref<128x512xf32, #tpu.memory_space<hbm>>
      tpu.wait_dma2 semaphore(%run_scoped3A : memref<!tpu.dma_semaphore, #tpu.memory_space<semaphore_mem>>) src(%arg6 : memref<128x512xf32, #tpu.memory_space<vmem>>) dst(%dma_wait3A_27 : memref<128x512xf32, #tpu.memory_space<hbm>>)
      tpu.yield
    }) : () -> ()
    %mul3A_9 = arith.constant 256 : i32
    %mul3A_10 = arith.muli %add3A, %mul3A_9 : i32
    %add3A_11 = arith.constant 128 : i32
    %add3A_12 = arith.addi %mul3A_10, %add3A_11 : i32
    %multiple_of3A_13 = tpu.assume_multiple %add3A_12, 128 : i32
    "tpu.region"() ({
      %run_scoped3A = tpu.sem_alloc : memref<!tpu.dma_semaphore, #tpu.memory_space<semaphore_mem>>
      %dma_start3A_20 = tpu.memref_slice %arg3[%multiple_of3A_13] : memref<8192xi32, #tpu.memory_space<hbm>> -> memref<128xi32, #tpu.memory_space<hbm>>
      %dma_start3A_21 = tpu.memref_slice %arg3[%multiple_of3A_13] : memref<8192xi32, #tpu.memory_space<hbm>> -> memref<128xi32, #tpu.memory_space<hbm>>
      tpu.enqueue_dma source(%dma_start3A_21 : memref<128xi32, #tpu.memory_space<hbm>>) target(%arg5 : memref<128xi32, #tpu.memory_space<vmem>>) target_semaphore(%run_scoped3A : memref<!tpu.dma_semaphore, #tpu.memory_space<semaphore_mem>>)
      %dma_wait3A_22 = tpu.memref_slice %arg3[%multiple_of3A_13] : memref<8192xi32, #tpu.memory_space<hbm>> -> memref<128xi32, #tpu.memory_space<hbm>>
      %dma_wait3A_23 = tpu.memref_slice %arg3[%multiple_of3A_13] : memref<8192xi32, #tpu.memory_space<hbm>> -> memref<128xi32, #tpu.memory_space<hbm>>
      tpu.wait_dma2 semaphore(%run_scoped3A : memref<!tpu.dma_semaphore, #tpu.memory_space<semaphore_mem>>) src(%dma_wait3A_23 : memref<128xi32, #tpu.memory_space<hbm>>) dst(%arg5 : memref<128xi32, #tpu.memory_space<vmem>>)
      tpu.yield
    }) : () -> ()
    %dma_start3A_14 = arith.constant 0 : i32
    %dma_start3A_15 = arith.constant 0 : i32
    %dma_start3A_16 = tpu.memref_slice %arg2[%dma_start3A_14, %dma_start3A_15] : memref<10000x512xf32, #tpu.memory_space<hbm>> -> memref<10000x512xf32, #tpu.memory_space<hbm>>
    tpu.enqueue_indirect_dma source(%dma_start3A_16 : memref<10000x512xf32, #tpu.memory_space<hbm>>) target(%arg6 : memref<128x512xf32, #tpu.memory_space<vmem>>) offsets(%arg5 : memref<128xi32, #tpu.memory_space<vmem>>) semaphore(%arg7 : memref<!tpu.dma_semaphore, #tpu.memory_space<semaphore_mem>>)
    %dma_wait3A_17 = arith.constant 0 : i32
    %dma_wait3A_18 = arith.constant 0 : i32
    %dma_wait3A_19 = tpu.memref_slice %arg2[%dma_wait3A_17, %dma_wait3A_18] : memref<10000x512xf32, #tpu.memory_space<hbm>> -> memref<10000x512xf32, #tpu.memory_space<hbm>>
    tpu.wait_indirect_dma semaphore(%arg7 : memref<!tpu.dma_semaphore, #tpu.memory_space<semaphore_mem>>) src(%dma_wait3A_19 : memref<10000x512xf32, #tpu.memory_space<hbm>>) dst(%arg6 : memref<128x512xf32, #tpu.memory_space<vmem>>)
    "tpu.region"() ({
      %run_scoped3A = tpu.sem_alloc : memref<!tpu.dma_semaphore, #tpu.memory_space<semaphore_mem>>
      %dma_start3A_20 = arith.constant 0 : i32
      %dma_start3A_21 = tpu.memref_slice %arg4[%multiple_of3A_13, %dma_start3A_20] : memref<8192x512xf32, #tpu.memory_space<hbm>> -> memref<128x512xf32, #tpu.memory_space<hbm>>
      %dma_start3A_22 = arith.constant 0 : i32
      %dma_start3A_23 = tpu.memref_slice %arg4[%multiple_of3A_13, %dma_start3A_22] : memref<8192x512xf32, #tpu.memory_space<hbm>> -> memref<128x512xf32, #tpu.memory_space<hbm>>
      tpu.enqueue_dma source(%arg6 : memref<128x512xf32, #tpu.memory_space<vmem>>) target(%dma_start3A_23 : memref<128x512xf32, #tpu.memory_space<hbm>>) target_semaphore(%run_scoped3A : memref<!tpu.dma_semaphore, #tpu.memory_space<semaphore_mem>>)
      %dma_wait3A_24 = arith.constant 0 : i32
      %dma_wait3A_25 = tpu.memref_slice %arg4[%multiple_of3A_13, %dma_wait3A_24] : memref<8192x512xf32, #tpu.memory_space<hbm>> -> memref<128x512xf32, #tpu.memory_space<hbm>>
      %dma_wait3A_26 = arith.constant 0 : i32
      %dma_wait3A_27 = tpu.memref_slice %arg4[%multiple_of3A_13, %dma_wait3A_26] : memref<8192x512xf32, #tpu.memory_space<hbm>> -> memref<128x512xf32, #tpu.memory_space<hbm>>
      tpu.wait_dma2 semaphore(%run_scoped3A : memref<!tpu.dma_semaphore, #tpu.memory_space<semaphore_mem>>) src(%arg6 : memref<128x512xf32, #tpu.memory_space<vmem>>) dst(%dma_wait3A_27 : memref<128x512xf32, #tpu.memory_space<hbm>>)
      tpu.yield
    }) : () -> ()
    return
  }
}

module attributes {stable_mosaic.version = 14 : i64} {
  func.func @body(%arg0: memref<2000x256xf32, #tpu.memory_space<vmem>>, %arg1: memref<256x32xf32, #tpu.memory_space<vmem>>, %arg2: memref<256x32xf32, #tpu.memory_space<vmem>>, %arg3: memref<256x32xf32, #tpu.memory_space<vmem>>, %arg4: memref<256x32xf32, #tpu.memory_space<vmem>>, %arg5: memref<256x256xf32, #tpu.memory_space<vmem>>, %arg6: memref<2000x64xf32, #tpu.memory_space<vmem>>, %arg7: memref<2000x256xf32, #tpu.memory_space<vmem>>) attributes {dimension_semantics = [], scalar_prefetch = 0 : i64, scratch_operands = 0 : i64, tpu.core_type = #tpu.core_type<tc>} {
    %get3A = arith.constant 0 : index
    %get3A_0 = arith.constant 0 : index
    %get3A_1 = vector.load %arg0[%get3A, %get3A_0] : memref<2000x256xf32, #tpu.memory_space<vmem>>, vector<2000x256xf32>
    %get3A_2 = arith.constant 0 : index
    %get3A_3 = arith.constant 0 : index
    %get3A_4 = vector.load %arg1[%get3A_2, %get3A_3] : memref<256x32xf32, #tpu.memory_space<vmem>>, vector<256x32xf32>
    %dot_general3A = arith.constant dense<0.000000e+00> : vector<2000x32xf32>
    %dot_general3A_5 = tpu.matmul %get3A_1, %get3A_4, %dot_general3A {dimension_numbers = #tpu.dot_dimension_numbers<[1], [0], [0], [1], [0, 0, 1, 1], [], []>, transpose_lhs_hint = false} : vector<2000x256xf32>, vector<256x32xf32>, vector<2000x32xf32> -> vector<2000x32xf32>
    %get3A_6 = arith.constant 0 : index
    %get3A_7 = arith.constant 0 : index
    %get3A_8 = vector.load %arg2[%get3A_6, %get3A_7] : memref<256x32xf32, #tpu.memory_space<vmem>>, vector<256x32xf32>
    %dot_general3A_9 = arith.constant dense<0.000000e+00> : vector<2000x32xf32>
    %dot_general3A_10 = tpu.matmul %get3A_1, %get3A_8, %dot_general3A_9 {dimension_numbers = #tpu.dot_dimension_numbers<[1], [0], [0], [1], [0, 0, 1, 1], [], []>, transpose_lhs_hint = false} : vector<2000x256xf32>, vector<256x32xf32>, vector<2000x32xf32> -> vector<2000x32xf32>
    %get3A_11 = arith.constant 0 : index
    %get3A_12 = arith.constant 0 : index
    %get3A_13 = vector.load %arg3[%get3A_11, %get3A_12] : memref<256x32xf32, #tpu.memory_space<vmem>>, vector<256x32xf32>
    %dot_general3A_14 = arith.constant dense<0.000000e+00> : vector<2000x32xf32>
    %dot_general3A_15 = tpu.matmul %get3A_1, %get3A_13, %dot_general3A_14 {dimension_numbers = #tpu.dot_dimension_numbers<[1], [0], [0], [1], [0, 0, 1, 1], [], []>, transpose_lhs_hint = false} : vector<2000x256xf32>, vector<256x32xf32>, vector<2000x32xf32> -> vector<2000x32xf32>
    %get3A_16 = arith.constant 0 : index
    %get3A_17 = arith.constant 0 : index
    %get3A_18 = vector.load %arg4[%get3A_16, %get3A_17] : memref<256x32xf32, #tpu.memory_space<vmem>>, vector<256x32xf32>
    %dot_general3A_19 = arith.constant dense<0.000000e+00> : vector<2000x32xf32>
    %dot_general3A_20 = tpu.matmul %get3A_1, %get3A_18, %dot_general3A_19 {dimension_numbers = #tpu.dot_dimension_numbers<[1], [0], [0], [1], [0, 0, 1, 1], [], []>, transpose_lhs_hint = false} : vector<2000x256xf32>, vector<256x32xf32>, vector<2000x32xf32> -> vector<2000x32xf32>
    %dot_general3A_21 = arith.constant dense<0.000000e+00> : vector<32x32xf32>
    %dot_general3A_22 = tpu.matmul %dot_general3A_10, %dot_general3A_15, %dot_general3A_21 {dimension_numbers = #tpu.dot_dimension_numbers<[0], [0], [1], [1], [0, 1, 1, 1], [], []>, transpose_lhs_hint = false} : vector<2000x32xf32>, vector<2000x32xf32>, vector<32x32xf32> -> vector<32x32xf32>
    %dot_general3A_23 = arith.constant dense<0.000000e+00> : vector<2000x32xf32>
    %dot_general3A_24 = tpu.matmul %dot_general3A_5, %dot_general3A_22, %dot_general3A_23 {dimension_numbers = #tpu.dot_dimension_numbers<[1], [0], [0], [1], [0, 0, 1, 1], [], []>, transpose_lhs_hint = false} : vector<2000x32xf32>, vector<32x32xf32>, vector<2000x32xf32> -> vector<2000x32xf32>
    %mul3A = arith.constant 5.000000e-04 : f32
    %mul3A_25 = vector.broadcast %mul3A : f32 to vector<2000x32xf32>
    %mul3A_26 = arith.mulf %dot_general3A_24, %mul3A_25 : vector<2000x32xf32>
    %get3A_27 = arith.constant 0 : index
    %get3A_28 = arith.constant 0 : index
    %get3A_29 = vector.load %arg5[%get3A_27, %get3A_28] : memref<256x256xf32, #tpu.memory_space<vmem>>, vector<256x256xf32>
    %dot_general3A_30 = arith.constant dense<0.000000e+00> : vector<2000x256xf32>
    %dot_general3A_31 = tpu.matmul %get3A_1, %get3A_29, %dot_general3A_30 {dimension_numbers = #tpu.dot_dimension_numbers<[1], [0], [0], [1], [0, 0, 1, 1], [], []>, transpose_lhs_hint = false} : vector<2000x256xf32>, vector<256x256xf32>, vector<2000x256xf32> -> vector<2000x256xf32>
    %swap3A = arith.constant 0 : index
    %swap3A_32 = arith.constant 0 : index
    %swap3A_33 = vector.load %arg7[%swap3A, %swap3A_32] : memref<2000x256xf32, #tpu.memory_space<vmem>>, vector<2000x256xf32>
    tpu.vector_store %arg7[%swap3A, %swap3A_32], %dot_general3A_31 {strides = array<i32>} : memref<2000x256xf32, #tpu.memory_space<vmem>>, vector<2000x256xf32>,
    %concatenate3A = tpu.concatenate %mul3A_26, %dot_general3A_20 in 1 : vector<2000x32xf32>, vector<2000x32xf32> -> vector<2000x64xf32>
    %swap3A_34 = arith.constant 0 : index
    %swap3A_35 = arith.constant 0 : index
    %swap3A_36 = vector.load %arg6[%swap3A_34, %swap3A_35] : memref<2000x64xf32, #tpu.memory_space<vmem>>, vector<2000x64xf32>
    tpu.vector_store %arg6[%swap3A_34, %swap3A_35], %concatenate3A {strides = array<i32>} : memref<2000x64xf32, #tpu.memory_space<vmem>>, vector<2000x64xf32>,
    return
  }
}

module attributes {stable_mosaic.version = 14 : i64} {
  func.func @body(%arg0: i32, %arg1: memref<1000x256xf32, #tpu.memory_space<vmem>>, %arg2: memref<256x256xf32, #tpu.memory_space<vmem>>, %arg3: memref<1000x256xf32, #tpu.memory_space<vmem>>) attributes {dimension_semantics = [#tpu.dimension_semantics<arbitrary>], iteration_bounds = array<i64: 8>, scalar_prefetch = 0 : i64, scratch_operands = 0 : i64, tpu.core_type = #tpu.core_type<tc>, window_params = [{transform_indices = @transform_0, window_bounds = array<i64: 1000, 256>}, {pipeline_mode = #tpu.pipeline_mode<synchronous>, transform_indices = @transform_1, window_bounds = array<i64: 256, 256>}, {transform_indices = @transform_2, window_bounds = array<i64: 1000, 256>}]} {
    %get3A = arith.constant 0 : index
    %get3A_0 = arith.constant 0 : index
    %get3A_1 = vector.load %arg1[%get3A, %get3A_0] : memref<1000x256xf32, #tpu.memory_space<vmem>>, vector<1000x256xf32>
    %get3A_2 = arith.constant 0 : index
    %get3A_3 = arith.constant 0 : index
    %get3A_4 = vector.load %arg2[%get3A_2, %get3A_3] : memref<256x256xf32, #tpu.memory_space<vmem>>, vector<256x256xf32>
    %dot_general3A = arith.constant dense<0.000000e+00> : vector<1000x256xf32>
    %dot_general3A_5 = tpu.matmul %get3A_1, %get3A_4, %dot_general3A {dimension_numbers = #tpu.dot_dimension_numbers<[1], [0], [0], [1], [0, 0, 1, 1], [], []>, transpose_lhs_hint = false} : vector<1000x256xf32>, vector<256x256xf32>, vector<1000x256xf32> -> vector<1000x256xf32>
    %swap3A = arith.constant 0 : index
    %swap3A_6 = arith.constant 0 : index
    %swap3A_7 = vector.load %arg3[%swap3A, %swap3A_6] : memref<1000x256xf32, #tpu.memory_space<vmem>>, vector<1000x256xf32>
    tpu.vector_store %arg3[%swap3A, %swap3A_6], %dot_general3A_5 {strides = array<i32>} : memref<1000x256xf32, #tpu.memory_space<vmem>>, vector<1000x256xf32>,
    return
  }
  func.func @transform_0(%arg0: i32) -> (i32, i32) {
    %c0_i32 = arith.constant 0 : i32
    %c0_i32_0 = arith.constant 0 : i32
    return %arg0, %c0_i32 : i32, i32
  }
  func.func @transform_1(%arg0: i32) -> (i32, i32) {
    %c0_i32 = arith.constant 0 : i32
    %c0_i32_0 = arith.constant 0 : i32
    %c0_i32_1 = arith.constant 0 : i32
    return %c0_i32, %c0_i32_0 : i32, i32
  }
  func.func @transform_2(%arg0: i32) -> (i32, i32) {
    %c0_i32 = arith.constant 0 : i32
    %c0_i32_0 = arith.constant 0 : i32
    return %arg0, %c0_i32 : i32, i32
  }
}

module attributes {stable_mosaic.version = 14 : i64} {
  func.func @body(%arg0: i32, %arg1: memref<1000x256xf32, #tpu.memory_space<vmem>>, %arg2: memref<1000x256xf32, #tpu.memory_space<vmem>>, %arg3: memref<4x1000x128xf32, #tpu.memory_space<vmem>>, %arg4: memref<1000x64xf32, #tpu.memory_space<vmem>>, %arg5: memref<256x256xf32, #tpu.memory_space<vmem>>, %arg6: memref<256x256xf32, #tpu.memory_space<vmem>>, %arg7: memref<320x256xf32, #tpu.memory_space<vmem>>, %arg8: memref<256x320xf32, #tpu.memory_space<vmem>>, %arg9: memref<1000x320xf32, #tpu.memory_space<vmem>>, %arg10: memref<1000x256xf32, #tpu.memory_space<vmem>>, %arg11: memref<5x1000x128xf32, #tpu.memory_space<vmem>>) attributes {dimension_semantics = [#tpu.dimension_semantics<arbitrary>], iteration_bounds = array<i64: 10>, scalar_prefetch = 0 : i64, scratch_operands = 0 : i64, tpu.core_type = #tpu.core_type<tc>, window_params = [{transform_indices = @transform_0, window_bounds = array<i64: 1000, 256>}, {transform_indices = @transform_1, window_bounds = array<i64: 1000, 256>}, {transform_indices = @transform_2, window_bounds = array<i64: 4, 1000, 128>}, {transform_indices = @transform_3, window_bounds = array<i64: 1000, 64>}, {pipeline_mode = #tpu.pipeline_mode<synchronous>, transform_indices = @transform_4, window_bounds = array<i64: 256, 256>}, {pipeline_mode = #tpu.pipeline_mode<synchronous>, transform_indices = @transform_5, window_bounds = array<i64: 256, 256>}, {pipeline_mode = #tpu.pipeline_mode<synchronous>, transform_indices = @transform_6, window_bounds = array<i64: 320, 256>}, {pipeline_mode = #tpu.pipeline_mode<synchronous>, transform_indices = @transform_7, window_bounds = array<i64: 256, 320>}, {transform_indices = @transform_8, window_bounds = array<i64: 1000, 320>}, {transform_indices = @transform_9, window_bounds = array<i64: 1000, 256>}, {transform_indices = @transform_10, window_bounds = array<i64: 5, 1000, 128>}]} {
    %get3A = arith.constant 0 : index
    %get3A_0 = arith.constant 0 : index
    %get3A_1 = vector.load %arg1[%get3A, %get3A_0] : memref<1000x256xf32, #tpu.memory_space<vmem>>, vector<1000x256xf32>
    %get3A_2 = arith.constant 2 : index
    %get3A_3 = arith.constant 0 : index
    %get3A_4 = arith.constant 0 : index
    %get3A_5 = vector.load %arg3[%get3A_2, %get3A_3, %get3A_4] : memref<4x1000x128xf32, #tpu.memory_space<vmem>>, vector<1x1000x128xf32>
    %get3A_6 = vector.shape_cast %get3A_5 : vector<1x1000x128xf32> to vector<1000x128xf32>
    %get3A_7 = arith.constant 3 : index
    %get3A_8 = arith.constant 0 : index
    %get3A_9 = arith.constant 0 : index
    %get3A_10 = vector.load %arg3[%get3A_7, %get3A_8, %get3A_9] : memref<4x1000x128xf32, #tpu.memory_space<vmem>>, vector<1x1000x128xf32>
    %get3A_11 = vector.shape_cast %get3A_10 : vector<1x1000x128xf32> to vector<1000x128xf32>
    %concatenate3A = tpu.concatenate %get3A_6, %get3A_11 in 1 : vector<1000x128xf32>, vector<1000x128xf32> -> vector<1000x256xf32>
    %get3A_12 = arith.constant 0 : index
    %get3A_13 = arith.constant 0 : index
    %get3A_14 = vector.load %arg5[%get3A_12, %get3A_13] : memref<256x256xf32, #tpu.memory_space<vmem>>, vector<256x256xf32>
    %dot_general3A = arith.constant dense<0.000000e+00> : vector<1000x256xf32>
    %dot_general3A_15 = tpu.matmul %get3A_1, %get3A_14, %dot_general3A {dimension_numbers = #tpu.dot_dimension_numbers<[1], [0], [0], [1], [0, 0, 1, 1], [], []>, transpose_lhs_hint = false} : vector<1000x256xf32>, vector<256x256xf32>, vector<1000x256xf32> -> vector<1000x256xf32>
    %add3A = arith.addf %dot_general3A_15, %concatenate3A : vector<1000x256xf32>
    %max3A = arith.constant 0.000000e+00 : f32
    %max3A_16 = vector.broadcast %max3A : f32 to vector<1000x256xf32>
    %max3A_17 = arith.maximumf %add3A, %max3A_16 : vector<1000x256xf32>
    %get3A_18 = arith.constant 0 : index
    %get3A_19 = arith.constant 0 : index
    %get3A_20 = vector.load %arg4[%get3A_18, %get3A_19] : memref<1000x64xf32, #tpu.memory_space<vmem>>, vector<1000x64xf32>
    %max3A_21 = arith.constant 0.000000e+00 : f32
    %max3A_22 = vector.broadcast %max3A_21 : f32 to vector<1000x64xf32>
    %max3A_23 = arith.maximumf %get3A_20, %max3A_22 : vector<1000x64xf32>
    %concatenate3A_24 = tpu.concatenate %max3A_17, %max3A_23 in 1 : vector<1000x256xf32>, vector<1000x64xf32> -> vector<1000x320xf32>
    %swap3A = arith.constant 0 : index
    %swap3A_25 = arith.constant 0 : index
    %swap3A_26 = vector.load %arg9[%swap3A, %swap3A_25] : memref<1000x320xf32, #tpu.memory_space<vmem>>, vector<1000x320xf32>
    tpu.vector_store %arg9[%swap3A, %swap3A_25], %concatenate3A_24 {strides = array<i32>} : memref<1000x320xf32, #tpu.memory_space<vmem>>, vector<1000x320xf32>,
    %get3A_27 = arith.constant 0 : index
    %get3A_28 = arith.constant 0 : index
    %get3A_29 = vector.load %arg2[%get3A_27, %get3A_28] : memref<1000x256xf32, #tpu.memory_space<vmem>>, vector<1000x256xf32>
    %get3A_30 = arith.constant 0 : index
    %get3A_31 = arith.constant 0 : index
    %get3A_32 = vector.load %arg6[%get3A_30, %get3A_31] : memref<256x256xf32, #tpu.memory_space<vmem>>, vector<256x256xf32>
    %dot_general3A_33 = arith.constant dense<0.000000e+00> : vector<1000x256xf32>
    %dot_general3A_34 = tpu.matmul %get3A_29, %get3A_32, %dot_general3A_33 {dimension_numbers = #tpu.dot_dimension_numbers<[1], [0], [0], [1], [0, 0, 1, 1], [], []>, transpose_lhs_hint = false} : vector<1000x256xf32>, vector<256x256xf32>, vector<1000x256xf32> -> vector<1000x256xf32>
    %get3A_35 = arith.constant 0 : index
    %get3A_36 = arith.constant 0 : index
    %get3A_37 = arith.constant 0 : index
    %get3A_38 = vector.load %arg3[%get3A_35, %get3A_36, %get3A_37] : memref<4x1000x128xf32, #tpu.memory_space<vmem>>, vector<1x1000x128xf32>
    %get3A_39 = vector.shape_cast %get3A_38 : vector<1x1000x128xf32> to vector<1000x128xf32>
    %get3A_40 = arith.constant 1 : index
    %get3A_41 = arith.constant 0 : index
    %get3A_42 = arith.constant 0 : index
    %get3A_43 = vector.load %arg3[%get3A_40, %get3A_41, %get3A_42] : memref<4x1000x128xf32, #tpu.memory_space<vmem>>, vector<1x1000x128xf32>
    %get3A_44 = vector.shape_cast %get3A_43 : vector<1x1000x128xf32> to vector<1000x128xf32>
    %concatenate3A_45 = tpu.concatenate %get3A_39, %get3A_44 in 1 : vector<1000x128xf32>, vector<1000x128xf32> -> vector<1000x256xf32>
    %add3A_46 = arith.addf %dot_general3A_34, %concatenate3A_45 : vector<1000x256xf32>
    %max3A_47 = arith.constant 0.000000e+00 : f32
    %max3A_48 = vector.broadcast %max3A_47 : f32 to vector<1000x256xf32>
    %max3A_49 = arith.maximumf %add3A_46, %max3A_48 : vector<1000x256xf32>
    %swap3A_50 = arith.constant 0 : index
    %swap3A_51 = arith.constant 0 : index
    %swap3A_52 = vector.load %arg10[%swap3A_50, %swap3A_51] : memref<1000x256xf32, #tpu.memory_space<vmem>>, vector<1000x256xf32>
    tpu.vector_store %arg10[%swap3A_50, %swap3A_51], %max3A_49 {strides = array<i32>} : memref<1000x256xf32, #tpu.memory_space<vmem>>, vector<1000x256xf32>,
    %get3A_53 = arith.constant 0 : index
    %get3A_54 = arith.constant 0 : index
    %get3A_55 = vector.load %arg7[%get3A_53, %get3A_54] : memref<320x256xf32, #tpu.memory_space<vmem>>, vector<320x256xf32>
    %dot_general3A_56 = arith.constant dense<0.000000e+00> : vector<1000x256xf32>
    %dot_general3A_57 = tpu.matmul %concatenate3A_24, %get3A_55, %dot_general3A_56 {dimension_numbers = #tpu.dot_dimension_numbers<[1], [0], [0], [1], [0, 0, 1, 1], [], []>, transpose_lhs_hint = false} : vector<1000x320xf32>, vector<320x256xf32>, vector<1000x256xf32> -> vector<1000x256xf32>
    %slice3A = vector.extract_strided_slice %dot_general3A_57 {offsets = [0, 0], sizes = [1000, 128], strides = [1, 1]} : vector<1000x256xf32> to vector<1000x128xf32>
    %swap3A_58 = arith.constant 0 : index
    %swap3A_59 = arith.constant 0 : index
    %swap3A_60 = arith.constant 0 : index
    %swap3A_61 = vector.load %arg11[%swap3A_58, %swap3A_59, %swap3A_60] : memref<5x1000x128xf32, #tpu.memory_space<vmem>>, vector<1x1000x128xf32>
    %swap3A_62 = vector.shape_cast %swap3A_61 : vector<1x1000x128xf32> to vector<1000x128xf32>
    %swap3A_63 = vector.shape_cast %slice3A : vector<1000x128xf32> to vector<1x1000x128xf32>
    tpu.vector_store %arg11[%swap3A_58, %swap3A_59, %swap3A_60], %swap3A_63 {strides = array<i32>} : memref<5x1000x128xf32, #tpu.memory_space<vmem>>, vector<1x1000x128xf32>,
    %slice3A_64 = vector.extract_strided_slice %dot_general3A_57 {offsets = [0, 128], sizes = [1000, 128], strides = [1, 1]} : vector<1000x256xf32> to vector<1000x128xf32>
    %swap3A_65 = arith.constant 1 : index
    %swap3A_66 = arith.constant 0 : index
    %swap3A_67 = arith.constant 0 : index
    %swap3A_68 = vector.load %arg11[%swap3A_65, %swap3A_66, %swap3A_67] : memref<5x1000x128xf32, #tpu.memory_space<vmem>>, vector<1x1000x128xf32>
    %swap3A_69 = vector.shape_cast %swap3A_68 : vector<1x1000x128xf32> to vector<1000x128xf32>
    %swap3A_70 = vector.shape_cast %slice3A_64 : vector<1000x128xf32> to vector<1x1000x128xf32>
    tpu.vector_store %arg11[%swap3A_65, %swap3A_66, %swap3A_67], %swap3A_70 {strides = array<i32>} : memref<5x1000x128xf32, #tpu.memory_space<vmem>>, vector<1x1000x128xf32>,
    %get3A_71 = arith.constant 0 : index
    %get3A_72 = arith.constant 0 : index
    %get3A_73 = vector.load %arg8[%get3A_71, %get3A_72] : memref<256x320xf32, #tpu.memory_space<vmem>>, vector<256x320xf32>
    %dot_general3A_74 = arith.constant dense<0.000000e+00> : vector<1000x320xf32>
    %dot_general3A_75 = tpu.matmul %max3A_49, %get3A_73, %dot_general3A_74 {dimension_numbers = #tpu.dot_dimension_numbers<[1], [0], [0], [1], [0, 0, 1, 1], [], []>, transpose_lhs_hint = false} : vector<1000x256xf32>, vector<256x320xf32>, vector<1000x320xf32> -> vector<1000x320xf32>
    %broadcast_in_dim3A = arith.constant 0.000000e+00 : f32
    %broadcast_in_dim3A_76 = vector.broadcast %broadcast_in_dim3A : f32 to vector<1000x64xf32>
    %concatenate3A_77 = tpu.concatenate %dot_general3A_75, %broadcast_in_dim3A_76 in 1 : vector<1000x320xf32>, vector<1000x64xf32> -> vector<1000x384xf32>
    %slice3A_78 = vector.extract_strided_slice %concatenate3A_77 {offsets = [0, 0], sizes = [1000, 128], strides = [1, 1]} : vector<1000x384xf32> to vector<1000x128xf32>
    %swap3A_79 = arith.constant 2 : index
    %swap3A_80 = arith.constant 0 : index
    %swap3A_81 = arith.constant 0 : index
    %swap3A_82 = vector.load %arg11[%swap3A_79, %swap3A_80, %swap3A_81] : memref<5x1000x128xf32, #tpu.memory_space<vmem>>, vector<1x1000x128xf32>
    %swap3A_83 = vector.shape_cast %swap3A_82 : vector<1x1000x128xf32> to vector<1000x128xf32>
    %swap3A_84 = vector.shape_cast %slice3A_78 : vector<1000x128xf32> to vector<1x1000x128xf32>
    tpu.vector_store %arg11[%swap3A_79, %swap3A_80, %swap3A_81], %swap3A_84 {strides = array<i32>} : memref<5x1000x128xf32, #tpu.memory_space<vmem>>, vector<1x1000x128xf32>,
    %slice3A_85 = vector.extract_strided_slice %concatenate3A_77 {offsets = [0, 128], sizes = [1000, 128], strides = [1, 1]} : vector<1000x384xf32> to vector<1000x128xf32>
    %swap3A_86 = arith.constant 3 : index
    %swap3A_87 = arith.constant 0 : index
    %swap3A_88 = arith.constant 0 : index
    %swap3A_89 = vector.load %arg11[%swap3A_86, %swap3A_87, %swap3A_88] : memref<5x1000x128xf32, #tpu.memory_space<vmem>>, vector<1x1000x128xf32>
    %swap3A_90 = vector.shape_cast %swap3A_89 : vector<1x1000x128xf32> to vector<1000x128xf32>
    %swap3A_91 = vector.shape_cast %slice3A_85 : vector<1000x128xf32> to vector<1x1000x128xf32>
    tpu.vector_store %arg11[%swap3A_86, %swap3A_87, %swap3A_88], %swap3A_91 {strides = array<i32>} : memref<5x1000x128xf32, #tpu.memory_space<vmem>>, vector<1x1000x128xf32>,
    %slice3A_92 = vector.extract_strided_slice %concatenate3A_77 {offsets = [0, 256], sizes = [1000, 128], strides = [1, 1]} : vector<1000x384xf32> to vector<1000x128xf32>
    %swap3A_93 = arith.constant 4 : index
    %swap3A_94 = arith.constant 0 : index
    %swap3A_95 = arith.constant 0 : index
    %swap3A_96 = vector.load %arg11[%swap3A_93, %swap3A_94, %swap3A_95] : memref<5x1000x128xf32, #tpu.memory_space<vmem>>, vector<1x1000x128xf32>
    %swap3A_97 = vector.shape_cast %swap3A_96 : vector<1x1000x128xf32> to vector<1000x128xf32>
    %swap3A_98 = vector.shape_cast %slice3A_92 : vector<1000x128xf32> to vector<1x1000x128xf32>
    tpu.vector_store %arg11[%swap3A_93, %swap3A_94, %swap3A_95], %swap3A_98 {strides = array<i32>} : memref<5x1000x128xf32, #tpu.memory_space<vmem>>, vector<1x1000x128xf32>,
    return
  }
  func.func @transform_0(%arg0: i32) -> (i32, i32) {
    %c0_i32 = arith.constant 0 : i32
    %c0_i32_0 = arith.constant 0 : i32
    return %arg0, %c0_i32 : i32, i32
  }
  func.func @transform_1(%arg0: i32) -> (i32, i32) {
    %c0_i32 = arith.constant 0 : i32
    %c0_i32_0 = arith.constant 0 : i32
    return %arg0, %c0_i32 : i32, i32
  }
  func.func @transform_2(%arg0: i32) -> (i32, i32, i32) {
    %c0_i32 = arith.constant 0 : i32
    %c0_i32_0 = arith.constant 0 : i32
    %c0_i32_1 = arith.constant 0 : i32
    return %c0_i32, %arg0, %c0_i32_0 : i32, i32, i32
  }
  func.func @transform_3(%arg0: i32) -> (i32, i32) {
    %c0_i32 = arith.constant 0 : i32
    %c0_i32_0 = arith.constant 0 : i32
    return %arg0, %c0_i32 : i32, i32
  }
  func.func @transform_4(%arg0: i32) -> (i32, i32) {
    %c0_i32 = arith.constant 0 : i32
    %c0_i32_0 = arith.constant 0 : i32
    %c0_i32_1 = arith.constant 0 : i32
    return %c0_i32, %c0_i32_0 : i32, i32
  }
  func.func @transform_5(%arg0: i32) -> (i32, i32) {
    %c0_i32 = arith.constant 0 : i32
    %c0_i32_0 = arith.constant 0 : i32
    %c0_i32_1 = arith.constant 0 : i32
    return %c0_i32, %c0_i32_0 : i32, i32
  }
  func.func @transform_6(%arg0: i32) -> (i32, i32) {
    %c0_i32 = arith.constant 0 : i32
    %c0_i32_0 = arith.constant 0 : i32
    %c0_i32_1 = arith.constant 0 : i32
    return %c0_i32, %c0_i32_0 : i32, i32
  }
  func.func @transform_7(%arg0: i32) -> (i32, i32) {
    %c0_i32 = arith.constant 0 : i32
    %c0_i32_0 = arith.constant 0 : i32
    %c0_i32_1 = arith.constant 0 : i32
    return %c0_i32, %c0_i32_0 : i32, i32
  }
  func.func @transform_8(%arg0: i32) -> (i32, i32) {
    %c0_i32 = arith.constant 0 : i32
    %c0_i32_0 = arith.constant 0 : i32
    return %arg0, %c0_i32 : i32, i32
  }
  func.func @transform_9(%arg0: i32) -> (i32, i32) {
    %c0_i32 = arith.constant 0 : i32
    %c0_i32_0 = arith.constant 0 : i32
    return %arg0, %c0_i32 : i32, i32
  }
  func.func @transform_10(%arg0: i32) -> (i32, i32, i32) {
    %c0_i32 = arith.constant 0 : i32
    %c0_i32_0 = arith.constant 0 : i32
    %c0_i32_1 = arith.constant 0 : i32
    return %c0_i32, %arg0, %c0_i32_0 : i32, i32, i32
  }
}

module attributes {stable_mosaic.version = 14 : i64} {
  func.func @body(%arg0: memref<2000x320xf32, #tpu.memory_space<vmem>>, %arg1: memref<320x32xf32, #tpu.memory_space<vmem>>, %arg2: memref<320x32xf32, #tpu.memory_space<vmem>>, %arg3: memref<320x32xf32, #tpu.memory_space<vmem>>, %arg4: memref<320x32xf32, #tpu.memory_space<vmem>>, %arg5: memref<2000x64xf32, #tpu.memory_space<vmem>>) attributes {dimension_semantics = [], scalar_prefetch = 0 : i64, scratch_operands = 0 : i64, tpu.core_type = #tpu.core_type<tc>} {
    %get3A = arith.constant 0 : index
    %get3A_0 = arith.constant 0 : index
    %get3A_1 = vector.load %arg0[%get3A, %get3A_0] : memref<2000x320xf32, #tpu.memory_space<vmem>>, vector<2000x320xf32>
    %get3A_2 = arith.constant 0 : index
    %get3A_3 = arith.constant 0 : index
    %get3A_4 = vector.load %arg1[%get3A_2, %get3A_3] : memref<320x32xf32, #tpu.memory_space<vmem>>, vector<320x32xf32>
    %dot_general3A = arith.constant dense<0.000000e+00> : vector<2000x32xf32>
    %dot_general3A_5 = tpu.matmul %get3A_1, %get3A_4, %dot_general3A {dimension_numbers = #tpu.dot_dimension_numbers<[1], [0], [0], [1], [0, 0, 1, 1], [], []>, transpose_lhs_hint = false} : vector<2000x320xf32>, vector<320x32xf32>, vector<2000x32xf32> -> vector<2000x32xf32>
    %get3A_6 = arith.constant 0 : index
    %get3A_7 = arith.constant 0 : index
    %get3A_8 = vector.load %arg2[%get3A_6, %get3A_7] : memref<320x32xf32, #tpu.memory_space<vmem>>, vector<320x32xf32>
    %dot_general3A_9 = arith.constant dense<0.000000e+00> : vector<2000x32xf32>
    %dot_general3A_10 = tpu.matmul %get3A_1, %get3A_8, %dot_general3A_9 {dimension_numbers = #tpu.dot_dimension_numbers<[1], [0], [0], [1], [0, 0, 1, 1], [], []>, transpose_lhs_hint = false} : vector<2000x320xf32>, vector<320x32xf32>, vector<2000x32xf32> -> vector<2000x32xf32>
    %get3A_11 = arith.constant 0 : index
    %get3A_12 = arith.constant 0 : index
    %get3A_13 = vector.load %arg3[%get3A_11, %get3A_12] : memref<320x32xf32, #tpu.memory_space<vmem>>, vector<320x32xf32>
    %dot_general3A_14 = arith.constant dense<0.000000e+00> : vector<2000x32xf32>
    %dot_general3A_15 = tpu.matmul %get3A_1, %get3A_13, %dot_general3A_14 {dimension_numbers = #tpu.dot_dimension_numbers<[1], [0], [0], [1], [0, 0, 1, 1], [], []>, transpose_lhs_hint = false} : vector<2000x320xf32>, vector<320x32xf32>, vector<2000x32xf32> -> vector<2000x32xf32>
    %get3A_16 = arith.constant 0 : index
    %get3A_17 = arith.constant 0 : index
    %get3A_18 = vector.load %arg4[%get3A_16, %get3A_17] : memref<320x32xf32, #tpu.memory_space<vmem>>, vector<320x32xf32>
    %dot_general3A_19 = arith.constant dense<0.000000e+00> : vector<2000x32xf32>
    %dot_general3A_20 = tpu.matmul %get3A_1, %get3A_18, %dot_general3A_19 {dimension_numbers = #tpu.dot_dimension_numbers<[1], [0], [0], [1], [0, 0, 1, 1], [], []>, transpose_lhs_hint = false} : vector<2000x320xf32>, vector<320x32xf32>, vector<2000x32xf32> -> vector<2000x32xf32>
    %dot_general3A_21 = arith.constant dense<0.000000e+00> : vector<32x32xf32>
    %dot_general3A_22 = tpu.matmul %dot_general3A_10, %dot_general3A_15, %dot_general3A_21 {dimension_numbers = #tpu.dot_dimension_numbers<[0], [0], [1], [1], [0, 1, 1, 1], [], []>, transpose_lhs_hint = false} : vector<2000x32xf32>, vector<2000x32xf32>, vector<32x32xf32> -> vector<32x32xf32>
    %dot_general3A_23 = arith.constant dense<0.000000e+00> : vector<2000x32xf32>
    %dot_general3A_24 = tpu.matmul %dot_general3A_5, %dot_general3A_22, %dot_general3A_23 {dimension_numbers = #tpu.dot_dimension_numbers<[1], [0], [0], [1], [0, 0, 1, 1], [], []>, transpose_lhs_hint = false} : vector<2000x32xf32>, vector<32x32xf32>, vector<2000x32xf32> -> vector<2000x32xf32>
    %mul3A = arith.constant 5.000000e-04 : f32
    %mul3A_25 = vector.broadcast %mul3A : f32 to vector<2000x32xf32>
    %mul3A_26 = arith.mulf %dot_general3A_24, %mul3A_25 : vector<2000x32xf32>
    %concatenate3A = tpu.concatenate %mul3A_26, %dot_general3A_20 in 1 : vector<2000x32xf32>, vector<2000x32xf32> -> vector<2000x64xf32>
    %swap3A = arith.constant 0 : index
    %swap3A_27 = arith.constant 0 : index
    %swap3A_28 = vector.load %arg5[%swap3A, %swap3A_27] : memref<2000x64xf32, #tpu.memory_space<vmem>>, vector<2000x64xf32>
    tpu.vector_store %arg5[%swap3A, %swap3A_27], %concatenate3A {strides = array<i32>} : memref<2000x64xf32, #tpu.memory_space<vmem>>, vector<2000x64xf32>,
    return
  }
}

module attributes {stable_mosaic.version = 14 : i64} {
  func.func @body(%arg0: i32, %arg1: memref<1000x320xf32, #tpu.memory_space<vmem>>, %arg2: memref<1000x256xf32, #tpu.memory_space<vmem>>, %arg3: memref<5x1000x128xf32, #tpu.memory_space<vmem>>, %arg4: memref<1000x64xf32, #tpu.memory_space<vmem>>, %arg5: memref<320x320xf32, #tpu.memory_space<vmem>>, %arg6: memref<256x256xf32, #tpu.memory_space<vmem>>, %arg7: memref<256x384xf32, #tpu.memory_space<vmem>>, %arg8: memref<1000x384xf32, #tpu.memory_space<vmem>>, %arg9: memref<3x1000x128xf32, #tpu.memory_space<vmem>>) attributes {dimension_semantics = [#tpu.dimension_semantics<arbitrary>], iteration_bounds = array<i64: 10>, scalar_prefetch = 0 : i64, scratch_operands = 0 : i64, tpu.core_type = #tpu.core_type<tc>, window_params = [{transform_indices = @transform_0, window_bounds = array<i64: 1000, 320>}, {transform_indices = @transform_1, window_bounds = array<i64: 1000, 256>}, {transform_indices = @transform_2, window_bounds = array<i64: 5, 1000, 128>}, {transform_indices = @transform_3, window_bounds = array<i64: 1000, 64>}, {pipeline_mode = #tpu.pipeline_mode<synchronous>, transform_indices = @transform_4, window_bounds = array<i64: 320, 320>}, {pipeline_mode = #tpu.pipeline_mode<synchronous>, transform_indices = @transform_5, window_bounds = array<i64: 256, 256>}, {pipeline_mode = #tpu.pipeline_mode<synchronous>, transform_indices = @transform_6, window_bounds = array<i64: 256, 384>}, {transform_indices = @transform_7, window_bounds = array<i64: 1000, 384>}, {transform_indices = @transform_8, window_bounds = array<i64: 3, 1000, 128>}]} {
    %get3A = arith.constant 0 : index
    %get3A_0 = arith.constant 0 : index
    %get3A_1 = vector.load %arg1[%get3A, %get3A_0] : memref<1000x320xf32, #tpu.memory_space<vmem>>, vector<1000x320xf32>
    %get3A_2 = arith.constant 2 : index
    %get3A_3 = arith.constant 0 : index
    %get3A_4 = arith.constant 0 : index
    %get3A_5 = vector.load %arg3[%get3A_2, %get3A_3, %get3A_4] : memref<5x1000x128xf32, #tpu.memory_space<vmem>>, vector<1x1000x128xf32>
    %get3A_6 = vector.shape_cast %get3A_5 : vector<1x1000x128xf32> to vector<1000x128xf32>
    %get3A_7 = arith.constant 3 : index
    %get3A_8 = arith.constant 0 : index
    %get3A_9 = arith.constant 0 : index
    %get3A_10 = vector.load %arg3[%get3A_7, %get3A_8, %get3A_9] : memref<5x1000x128xf32, #tpu.memory_space<vmem>>, vector<1x1000x128xf32>
    %get3A_11 = vector.shape_cast %get3A_10 : vector<1x1000x128xf32> to vector<1000x128xf32>
    %get3A_12 = arith.constant 4 : index
    %get3A_13 = arith.constant 0 : index
    %get3A_14 = arith.constant 0 : index
    %get3A_15 = vector.load %arg3[%get3A_12, %get3A_13, %get3A_14] : memref<5x1000x128xf32, #tpu.memory_space<vmem>>, vector<1x1000x128xf32>
    %get3A_16 = vector.shape_cast %get3A_15 : vector<1x1000x128xf32> to vector<1000x128xf32>
    %concatenate3A = tpu.concatenate %get3A_6, %get3A_11, %get3A_16 in 1 : vector<1000x128xf32>, vector<1000x128xf32>, vector<1000x128xf32> -> vector<1000x384xf32>
    %slice3A = vector.extract_strided_slice %concatenate3A {offsets = [0, 0], sizes = [1000, 320], strides = [1, 1]} : vector<1000x384xf32> to vector<1000x320xf32>
    %get3A_17 = arith.constant 0 : index
    %get3A_18 = arith.constant 0 : index
    %get3A_19 = vector.load %arg5[%get3A_17, %get3A_18] : memref<320x320xf32, #tpu.memory_space<vmem>>, vector<320x320xf32>
    %dot_general3A = arith.constant dense<0.000000e+00> : vector<1000x320xf32>
    %dot_general3A_20 = tpu.matmul %get3A_1, %get3A_19, %dot_general3A {dimension_numbers = #tpu.dot_dimension_numbers<[1], [0], [0], [1], [0, 0, 1, 1], [], []>, transpose_lhs_hint = false} : vector<1000x320xf32>, vector<320x320xf32>, vector<1000x320xf32> -> vector<1000x320xf32>
    %add3A = arith.addf %dot_general3A_20, %slice3A : vector<1000x320xf32>
    %add3A_21 = arith.addf %add3A, %get3A_1 : vector<1000x320xf32>
    %max3A = arith.constant 0.000000e+00 : f32
    %max3A_22 = vector.broadcast %max3A : f32 to vector<1000x320xf32>
    %max3A_23 = arith.maximumf %add3A_21, %max3A_22 : vector<1000x320xf32>
    %get3A_24 = arith.constant 0 : index
    %get3A_25 = arith.constant 0 : index
    %get3A_26 = vector.load %arg4[%get3A_24, %get3A_25] : memref<1000x64xf32, #tpu.memory_space<vmem>>, vector<1000x64xf32>
    %max3A_27 = arith.constant 0.000000e+00 : f32
    %max3A_28 = vector.broadcast %max3A_27 : f32 to vector<1000x64xf32>
    %max3A_29 = arith.maximumf %get3A_26, %max3A_28 : vector<1000x64xf32>
    %concatenate3A_30 = tpu.concatenate %max3A_23, %max3A_29 in 1 : vector<1000x320xf32>, vector<1000x64xf32> -> vector<1000x384xf32>
    %swap3A = arith.constant 0 : index
    %swap3A_31 = arith.constant 0 : index
    %swap3A_32 = vector.load %arg8[%swap3A, %swap3A_31] : memref<1000x384xf32, #tpu.memory_space<vmem>>, vector<1000x384xf32>
    tpu.vector_store %arg8[%swap3A, %swap3A_31], %concatenate3A_30 {strides = array<i32>} : memref<1000x384xf32, #tpu.memory_space<vmem>>, vector<1000x384xf32>,
    %get3A_33 = arith.constant 0 : index
    %get3A_34 = arith.constant 0 : index
    %get3A_35 = vector.load %arg2[%get3A_33, %get3A_34] : memref<1000x256xf32, #tpu.memory_space<vmem>>, vector<1000x256xf32>
    %get3A_36 = arith.constant 0 : index
    %get3A_37 = arith.constant 0 : index
    %get3A_38 = vector.load %arg6[%get3A_36, %get3A_37] : memref<256x256xf32, #tpu.memory_space<vmem>>, vector<256x256xf32>
    %dot_general3A_39 = arith.constant dense<0.000000e+00> : vector<1000x256xf32>
    %dot_general3A_40 = tpu.matmul %get3A_35, %get3A_38, %dot_general3A_39 {dimension_numbers = #tpu.dot_dimension_numbers<[1], [0], [0], [1], [0, 0, 1, 1], [], []>, transpose_lhs_hint = false} : vector<1000x256xf32>, vector<256x256xf32>, vector<1000x256xf32> -> vector<1000x256xf32>
    %get3A_41 = arith.constant 0 : index
    %get3A_42 = arith.constant 0 : index
    %get3A_43 = arith.constant 0 : index
    %get3A_44 = vector.load %arg3[%get3A_41, %get3A_42, %get3A_43] : memref<5x1000x128xf32, #tpu.memory_space<vmem>>, vector<1x1000x128xf32>
    %get3A_45 = vector.shape_cast %get3A_44 : vector<1x1000x128xf32> to vector<1000x128xf32>
    %get3A_46 = arith.constant 1 : index
    %get3A_47 = arith.constant 0 : index
    %get3A_48 = arith.constant 0 : index
    %get3A_49 = vector.load %arg3[%get3A_46, %get3A_47, %get3A_48] : memref<5x1000x128xf32, #tpu.memory_space<vmem>>, vector<1x1000x128xf32>
    %get3A_50 = vector.shape_cast %get3A_49 : vector<1x1000x128xf32> to vector<1000x128xf32>
    %concatenate3A_51 = tpu.concatenate %get3A_45, %get3A_50 in 1 : vector<1000x128xf32>, vector<1000x128xf32> -> vector<1000x256xf32>
    %add3A_52 = arith.addf %dot_general3A_40, %concatenate3A_51 : vector<1000x256xf32>
    %add3A_53 = arith.addf %add3A_52, %get3A_35 : vector<1000x256xf32>
    %max3A_54 = arith.constant 0.000000e+00 : f32
    %max3A_55 = vector.broadcast %max3A_54 : f32 to vector<1000x256xf32>
    %max3A_56 = arith.maximumf %add3A_53, %max3A_55 : vector<1000x256xf32>
    %get3A_57 = arith.constant 0 : index
    %get3A_58 = arith.constant 0 : index
    %get3A_59 = vector.load %arg7[%get3A_57, %get3A_58] : memref<256x384xf32, #tpu.memory_space<vmem>>, vector<256x384xf32>
    %dot_general3A_60 = arith.constant dense<0.000000e+00> : vector<1000x384xf32>
    %dot_general3A_61 = tpu.matmul %max3A_56, %get3A_59, %dot_general3A_60 {dimension_numbers = #tpu.dot_dimension_numbers<[1], [0], [0], [1], [0, 0, 1, 1], [], []>, transpose_lhs_hint = false} : vector<1000x256xf32>, vector<256x384xf32>, vector<1000x384xf32> -> vector<1000x384xf32>
    %slice3A_62 = vector.extract_strided_slice %dot_general3A_61 {offsets = [0, 0], sizes = [1000, 128], strides = [1, 1]} : vector<1000x384xf32> to vector<1000x128xf32>
    %swap3A_63 = arith.constant 0 : index
    %swap3A_64 = arith.constant 0 : index
    %swap3A_65 = arith.constant 0 : index
    %swap3A_66 = vector.load %arg9[%swap3A_63, %swap3A_64, %swap3A_65] : memref<3x1000x128xf32, #tpu.memory_space<vmem>>, vector<1x1000x128xf32>
    %swap3A_67 = vector.shape_cast %swap3A_66 : vector<1x1000x128xf32> to vector<1000x128xf32>
    %swap3A_68 = vector.shape_cast %slice3A_62 : vector<1000x128xf32> to vector<1x1000x128xf32>
    tpu.vector_store %arg9[%swap3A_63, %swap3A_64, %swap3A_65], %swap3A_68 {strides = array<i32>} : memref<3x1000x128xf32, #tpu.memory_space<vmem>>, vector<1x1000x128xf32>,
    %slice3A_69 = vector.extract_strided_slice %dot_general3A_61 {offsets = [0, 128], sizes = [1000, 128], strides = [1, 1]} : vector<1000x384xf32> to vector<1000x128xf32>
    %swap3A_70 = arith.constant 1 : index
    %swap3A_71 = arith.constant 0 : index
    %swap3A_72 = arith.constant 0 : index
    %swap3A_73 = vector.load %arg9[%swap3A_70, %swap3A_71, %swap3A_72] : memref<3x1000x128xf32, #tpu.memory_space<vmem>>, vector<1x1000x128xf32>
    %swap3A_74 = vector.shape_cast %swap3A_73 : vector<1x1000x128xf32> to vector<1000x128xf32>
    %swap3A_75 = vector.shape_cast %slice3A_69 : vector<1000x128xf32> to vector<1x1000x128xf32>
    tpu.vector_store %arg9[%swap3A_70, %swap3A_71, %swap3A_72], %swap3A_75 {strides = array<i32>} : memref<3x1000x128xf32, #tpu.memory_space<vmem>>, vector<1x1000x128xf32>,
    %slice3A_76 = vector.extract_strided_slice %dot_general3A_61 {offsets = [0, 256], sizes = [1000, 128], strides = [1, 1]} : vector<1000x384xf32> to vector<1000x128xf32>
    %swap3A_77 = arith.constant 2 : index
    %swap3A_78 = arith.constant 0 : index
    %swap3A_79 = arith.constant 0 : index
    %swap3A_80 = vector.load %arg9[%swap3A_77, %swap3A_78, %swap3A_79] : memref<3x1000x128xf32, #tpu.memory_space<vmem>>, vector<1x1000x128xf32>
    %swap3A_81 = vector.shape_cast %swap3A_80 : vector<1x1000x128xf32> to vector<1000x128xf32>
    %swap3A_82 = vector.shape_cast %slice3A_76 : vector<1000x128xf32> to vector<1x1000x128xf32>
    tpu.vector_store %arg9[%swap3A_77, %swap3A_78, %swap3A_79], %swap3A_82 {strides = array<i32>} : memref<3x1000x128xf32, #tpu.memory_space<vmem>>, vector<1x1000x128xf32>,
    return
  }
  func.func @transform_0(%arg0: i32) -> (i32, i32) {
    %c0_i32 = arith.constant 0 : i32
    %c0_i32_0 = arith.constant 0 : i32
    return %arg0, %c0_i32 : i32, i32
  }
  func.func @transform_1(%arg0: i32) -> (i32, i32) {
    %c0_i32 = arith.constant 0 : i32
    %c0_i32_0 = arith.constant 0 : i32
    return %arg0, %c0_i32 : i32, i32
  }
  func.func @transform_2(%arg0: i32) -> (i32, i32, i32) {
    %c0_i32 = arith.constant 0 : i32
    %c0_i32_0 = arith.constant 0 : i32
    %c0_i32_1 = arith.constant 0 : i32
    return %c0_i32, %arg0, %c0_i32_0 : i32, i32, i32
  }
  func.func @transform_3(%arg0: i32) -> (i32, i32) {
    %c0_i32 = arith.constant 0 : i32
    %c0_i32_0 = arith.constant 0 : i32
    return %arg0, %c0_i32 : i32, i32
  }
  func.func @transform_4(%arg0: i32) -> (i32, i32) {
    %c0_i32 = arith.constant 0 : i32
    %c0_i32_0 = arith.constant 0 : i32
    %c0_i32_1 = arith.constant 0 : i32
    return %c0_i32, %c0_i32_0 : i32, i32
  }
  func.func @transform_5(%arg0: i32) -> (i32, i32) {
    %c0_i32 = arith.constant 0 : i32
    %c0_i32_0 = arith.constant 0 : i32
    %c0_i32_1 = arith.constant 0 : i32
    return %c0_i32, %c0_i32_0 : i32, i32
  }
  func.func @transform_6(%arg0: i32) -> (i32, i32) {
    %c0_i32 = arith.constant 0 : i32
    %c0_i32_0 = arith.constant 0 : i32
    %c0_i32_1 = arith.constant 0 : i32
    return %c0_i32, %c0_i32_0 : i32, i32
  }
  func.func @transform_7(%arg0: i32) -> (i32, i32) {
    %c0_i32 = arith.constant 0 : i32
    %c0_i32_0 = arith.constant 0 : i32
    return %arg0, %c0_i32 : i32, i32
  }
  func.func @transform_8(%arg0: i32) -> (i32, i32, i32) {
    %c0_i32 = arith.constant 0 : i32
    %c0_i32_0 = arith.constant 0 : i32
    %c0_i32_1 = arith.constant 0 : i32
    return %c0_i32, %arg0, %c0_i32_0 : i32, i32, i32
  }
}

module attributes {stable_mosaic.version = 14 : i64} {
  func.func @body(%arg0: memref<2000x384xf32, #tpu.memory_space<vmem>>, %arg1: memref<384x32xf32, #tpu.memory_space<vmem>>, %arg2: memref<384x32xf32, #tpu.memory_space<vmem>>, %arg3: memref<384x32xf32, #tpu.memory_space<vmem>>, %arg4: memref<384x32xf32, #tpu.memory_space<vmem>>, %arg5: memref<2000x64xf32, #tpu.memory_space<vmem>>) attributes {dimension_semantics = [], scalar_prefetch = 0 : i64, scratch_operands = 0 : i64, tpu.core_type = #tpu.core_type<tc>} {
    %get3A = arith.constant 0 : index
    %get3A_0 = arith.constant 0 : index
    %get3A_1 = vector.load %arg0[%get3A, %get3A_0] : memref<2000x384xf32, #tpu.memory_space<vmem>>, vector<2000x384xf32>
    %get3A_2 = arith.constant 0 : index
    %get3A_3 = arith.constant 0 : index
    %get3A_4 = vector.load %arg1[%get3A_2, %get3A_3] : memref<384x32xf32, #tpu.memory_space<vmem>>, vector<384x32xf32>
    %dot_general3A = arith.constant dense<0.000000e+00> : vector<2000x32xf32>
    %dot_general3A_5 = tpu.matmul %get3A_1, %get3A_4, %dot_general3A {dimension_numbers = #tpu.dot_dimension_numbers<[1], [0], [0], [1], [0, 0, 1, 1], [], []>, transpose_lhs_hint = false} : vector<2000x384xf32>, vector<384x32xf32>, vector<2000x32xf32> -> vector<2000x32xf32>
    %get3A_6 = arith.constant 0 : index
    %get3A_7 = arith.constant 0 : index
    %get3A_8 = vector.load %arg2[%get3A_6, %get3A_7] : memref<384x32xf32, #tpu.memory_space<vmem>>, vector<384x32xf32>
    %dot_general3A_9 = arith.constant dense<0.000000e+00> : vector<2000x32xf32>
    %dot_general3A_10 = tpu.matmul %get3A_1, %get3A_8, %dot_general3A_9 {dimension_numbers = #tpu.dot_dimension_numbers<[1], [0], [0], [1], [0, 0, 1, 1], [], []>, transpose_lhs_hint = false} : vector<2000x384xf32>, vector<384x32xf32>, vector<2000x32xf32> -> vector<2000x32xf32>
    %get3A_11 = arith.constant 0 : index
    %get3A_12 = arith.constant 0 : index
    %get3A_13 = vector.load %arg3[%get3A_11, %get3A_12] : memref<384x32xf32, #tpu.memory_space<vmem>>, vector<384x32xf32>
    %dot_general3A_14 = arith.constant dense<0.000000e+00> : vector<2000x32xf32>
    %dot_general3A_15 = tpu.matmul %get3A_1, %get3A_13, %dot_general3A_14 {dimension_numbers = #tpu.dot_dimension_numbers<[1], [0], [0], [1], [0, 0, 1, 1], [], []>, transpose_lhs_hint = false} : vector<2000x384xf32>, vector<384x32xf32>, vector<2000x32xf32> -> vector<2000x32xf32>
    %get3A_16 = arith.constant 0 : index
    %get3A_17 = arith.constant 0 : index
    %get3A_18 = vector.load %arg4[%get3A_16, %get3A_17] : memref<384x32xf32, #tpu.memory_space<vmem>>, vector<384x32xf32>
    %dot_general3A_19 = arith.constant dense<0.000000e+00> : vector<2000x32xf32>
    %dot_general3A_20 = tpu.matmul %get3A_1, %get3A_18, %dot_general3A_19 {dimension_numbers = #tpu.dot_dimension_numbers<[1], [0], [0], [1], [0, 0, 1, 1], [], []>, transpose_lhs_hint = false} : vector<2000x384xf32>, vector<384x32xf32>, vector<2000x32xf32> -> vector<2000x32xf32>
    %dot_general3A_21 = arith.constant dense<0.000000e+00> : vector<32x32xf32>
    %dot_general3A_22 = tpu.matmul %dot_general3A_10, %dot_general3A_15, %dot_general3A_21 {dimension_numbers = #tpu.dot_dimension_numbers<[0], [0], [1], [1], [0, 1, 1, 1], [], []>, transpose_lhs_hint = false} : vector<2000x32xf32>, vector<2000x32xf32>, vector<32x32xf32> -> vector<32x32xf32>
    %dot_general3A_23 = arith.constant dense<0.000000e+00> : vector<2000x32xf32>
    %dot_general3A_24 = tpu.matmul %dot_general3A_5, %dot_general3A_22, %dot_general3A_23 {dimension_numbers = #tpu.dot_dimension_numbers<[1], [0], [0], [1], [0, 0, 1, 1], [], []>, transpose_lhs_hint = false} : vector<2000x32xf32>, vector<32x32xf32>, vector<2000x32xf32> -> vector<2000x32xf32>
    %mul3A = arith.constant 5.000000e-04 : f32
    %mul3A_25 = vector.broadcast %mul3A : f32 to vector<2000x32xf32>
    %mul3A_26 = arith.mulf %dot_general3A_24, %mul3A_25 : vector<2000x32xf32>
    %concatenate3A = tpu.concatenate %mul3A_26, %dot_general3A_20 in 1 : vector<2000x32xf32>, vector<2000x32xf32> -> vector<2000x64xf32>
    %swap3A = arith.constant 0 : index
    %swap3A_27 = arith.constant 0 : index
    %swap3A_28 = vector.load %arg5[%swap3A, %swap3A_27] : memref<2000x64xf32, #tpu.memory_space<vmem>>, vector<2000x64xf32>
    tpu.vector_store %arg5[%swap3A, %swap3A_27], %concatenate3A {strides = array<i32>} : memref<2000x64xf32, #tpu.memory_space<vmem>>, vector<2000x64xf32>,
    return
  }
}

module attributes {stable_mosaic.version = 14 : i64} {
  func.func @body(%arg0: i32, %arg1: memref<1000x384xf32, #tpu.memory_space<vmem>>, %arg2: memref<3x1000x128xf32, #tpu.memory_space<vmem>>, %arg3: memref<1000x64xf32, #tpu.memory_space<vmem>>, %arg4: memref<384x384xf32, #tpu.memory_space<vmem>>, %arg5: memref<1000x512xf32, #tpu.memory_space<vmem>>) attributes {dimension_semantics = [#tpu.dimension_semantics<arbitrary>], iteration_bounds = array<i64: 10>, scalar_prefetch = 0 : i64, scratch_operands = 0 : i64, tpu.core_type = #tpu.core_type<tc>, window_params = [{transform_indices = @transform_0, window_bounds = array<i64: 1000, 384>}, {transform_indices = @transform_1, window_bounds = array<i64: 3, 1000, 128>}, {transform_indices = @transform_2, window_bounds = array<i64: 1000, 64>}, {pipeline_mode = #tpu.pipeline_mode<synchronous>, transform_indices = @transform_3, window_bounds = array<i64: 384, 384>}, {transform_indices = @transform_4, window_bounds = array<i64: 1000, 512>}]} {
    %get3A = arith.constant 0 : index
    %get3A_0 = arith.constant 0 : index
    %get3A_1 = vector.load %arg1[%get3A, %get3A_0] : memref<1000x384xf32, #tpu.memory_space<vmem>>, vector<1000x384xf32>
    %get3A_2 = arith.constant 0 : index
    %get3A_3 = arith.constant 0 : index
    %get3A_4 = arith.constant 0 : index
    %get3A_5 = vector.load %arg2[%get3A_2, %get3A_3, %get3A_4] : memref<3x1000x128xf32, #tpu.memory_space<vmem>>, vector<1x1000x128xf32>
    %get3A_6 = vector.shape_cast %get3A_5 : vector<1x1000x128xf32> to vector<1000x128xf32>
    %get3A_7 = arith.constant 1 : index
    %get3A_8 = arith.constant 0 : index
    %get3A_9 = arith.constant 0 : index
    %get3A_10 = vector.load %arg2[%get3A_7, %get3A_8, %get3A_9] : memref<3x1000x128xf32, #tpu.memory_space<vmem>>, vector<1x1000x128xf32>
    %get3A_11 = vector.shape_cast %get3A_10 : vector<1x1000x128xf32> to vector<1000x128xf32>
    %get3A_12 = arith.constant 2 : index
    %get3A_13 = arith.constant 0 : index
    %get3A_14 = arith.constant 0 : index
    %get3A_15 = vector.load %arg2[%get3A_12, %get3A_13, %get3A_14] : memref<3x1000x128xf32, #tpu.memory_space<vmem>>, vector<1x1000x128xf32>
    %get3A_16 = vector.shape_cast %get3A_15 : vector<1x1000x128xf32> to vector<1000x128xf32>
    %concatenate3A = tpu.concatenate %get3A_6, %get3A_11, %get3A_16 in 1 : vector<1000x128xf32>, vector<1000x128xf32>, vector<1000x128xf32> -> vector<1000x384xf32>
    %get3A_17 = arith.constant 0 : index
    %get3A_18 = arith.constant 0 : index
    %get3A_19 = vector.load %arg4[%get3A_17, %get3A_18] : memref<384x384xf32, #tpu.memory_space<vmem>>, vector<384x384xf32>
    %dot_general3A = arith.constant dense<0.000000e+00> : vector<1000x384xf32>
    %dot_general3A_20 = tpu.matmul %get3A_1, %get3A_19, %dot_general3A {dimension_numbers = #tpu.dot_dimension_numbers<[1], [0], [0], [1], [0, 0, 1, 1], [], []>, transpose_lhs_hint = false} : vector<1000x384xf32>, vector<384x384xf32>, vector<1000x384xf32> -> vector<1000x384xf32>
    %add3A = arith.addf %dot_general3A_20, %concatenate3A : vector<1000x384xf32>
    %add3A_21 = arith.addf %add3A, %get3A_1 : vector<1000x384xf32>
    %max3A = arith.constant 0.000000e+00 : f32
    %max3A_22 = vector.broadcast %max3A : f32 to vector<1000x384xf32>
    %max3A_23 = arith.maximumf %add3A_21, %max3A_22 : vector<1000x384xf32>
    %get3A_24 = arith.constant 0 : index
    %get3A_25 = arith.constant 0 : index
    %get3A_26 = vector.load %arg3[%get3A_24, %get3A_25] : memref<1000x64xf32, #tpu.memory_space<vmem>>, vector<1000x64xf32>
    %max3A_27 = arith.constant 0.000000e+00 : f32
    %max3A_28 = vector.broadcast %max3A_27 : f32 to vector<1000x64xf32>
    %max3A_29 = arith.maximumf %get3A_26, %max3A_28 : vector<1000x64xf32>
    %broadcast_in_dim3A = arith.constant 0.000000e+00 : f32
    %broadcast_in_dim3A_30 = vector.broadcast %broadcast_in_dim3A : f32 to vector<1000x64xf32>
    %concatenate3A_31 = tpu.concatenate %max3A_23, %max3A_29, %broadcast_in_dim3A_30 in 1 : vector<1000x384xf32>, vector<1000x64xf32>, vector<1000x64xf32> -> vector<1000x512xf32>
    %swap3A = arith.constant 0 : index
    %swap3A_32 = arith.constant 0 : index
    %swap3A_33 = vector.load %arg5[%swap3A, %swap3A_32] : memref<1000x512xf32, #tpu.memory_space<vmem>>, vector<1000x512xf32>
    tpu.vector_store %arg5[%swap3A, %swap3A_32], %concatenate3A_31 {strides = array<i32>} : memref<1000x512xf32, #tpu.memory_space<vmem>>, vector<1000x512xf32>,
    return
  }
  func.func @transform_0(%arg0: i32) -> (i32, i32) {
    %c0_i32 = arith.constant 0 : i32
    %c0_i32_0 = arith.constant 0 : i32
    return %arg0, %c0_i32 : i32, i32
  }
  func.func @transform_1(%arg0: i32) -> (i32, i32, i32) {
    %c0_i32 = arith.constant 0 : i32
    %c0_i32_0 = arith.constant 0 : i32
    %c0_i32_1 = arith.constant 0 : i32
    return %c0_i32, %arg0, %c0_i32_0 : i32, i32, i32
  }
  func.func @transform_2(%arg0: i32) -> (i32, i32) {
    %c0_i32 = arith.constant 0 : i32
    %c0_i32_0 = arith.constant 0 : i32
    return %arg0, %c0_i32 : i32, i32
  }
  func.func @transform_3(%arg0: i32) -> (i32, i32) {
    %c0_i32 = arith.constant 0 : i32
    %c0_i32_0 = arith.constant 0 : i32
    %c0_i32_1 = arith.constant 0 : i32
    return %c0_i32, %c0_i32_0 : i32, i32
  }
  func.func @transform_4(%arg0: i32) -> (i32, i32) {
    %c0_i32 = arith.constant 0 : i32
    %c0_i32_0 = arith.constant 0 : i32
    return %arg0, %c0_i32 : i32, i32
  }
}

module attributes {stable_mosaic.version = 14 : i64} {
  func.func @body(%arg0: i32, %arg1: memref<512x512xf32, #tpu.memory_space<vmem>>, %arg2: memref<512x512xf32, #tpu.memory_space<vmem>>, %arg3: memref<512x16xf32, #tpu.memory_space<vmem>>, %arg4: memref<512x512xf32, #tpu.memory_space<vmem>>, %arg5: memref<512x512xf32, #tpu.memory_space<vmem>>, %arg6: memref<16x512xf32, #tpu.memory_space<vmem>>, %arg7: memref<1x512xf32, #tpu.memory_space<vmem>>, %arg8: memref<512x1xf32, #tpu.memory_space<vmem>>, %arg9: memref<1x1xf32, #tpu.memory_space<vmem>>, %arg10: memref<512x1xf32, #tpu.memory_space<vmem>>) attributes {dimension_semantics = [#tpu.dimension_semantics<arbitrary>], iteration_bounds = array<i64: 8>, scalar_prefetch = 0 : i64, scratch_operands = 0 : i64, tpu.core_type = #tpu.core_type<tc>, window_params = [{transform_indices = @transform_0, window_bounds = array<i64: 512, 512>}, {transform_indices = @transform_1, window_bounds = array<i64: 512, 512>}, {transform_indices = @transform_2, window_bounds = array<i64: 512, 16>}, {pipeline_mode = #tpu.pipeline_mode<synchronous>, transform_indices = @transform_3, window_bounds = array<i64: 512, 512>}, {pipeline_mode = #tpu.pipeline_mode<synchronous>, transform_indices = @transform_4, window_bounds = array<i64: 512, 512>}, {pipeline_mode = #tpu.pipeline_mode<synchronous>, transform_indices = @transform_5, window_bounds = array<i64: 16, 512>}, {pipeline_mode = #tpu.pipeline_mode<synchronous>, transform_indices = @transform_6, window_bounds = array<i64: 1, 512>}, {pipeline_mode = #tpu.pipeline_mode<synchronous>, transform_indices = @transform_7, window_bounds = array<i64: 512, 1>}, {pipeline_mode = #tpu.pipeline_mode<synchronous>, transform_indices = @transform_8, window_bounds = array<i64: 1, 1>}, {transform_indices = @transform_9, window_bounds = array<i64: 512, 1>}]} {
    %get3A = arith.constant 0 : index
    %get3A_0 = arith.constant 0 : index
    %get3A_1 = vector.load %arg1[%get3A, %get3A_0] : memref<512x512xf32, #tpu.memory_space<vmem>>, vector<512x512xf32>
    %get3A_2 = arith.constant 0 : index
    %get3A_3 = arith.constant 0 : index
    %get3A_4 = vector.load %arg4[%get3A_2, %get3A_3] : memref<512x512xf32, #tpu.memory_space<vmem>>, vector<512x512xf32>
    %dot_general3A = arith.constant dense<0.000000e+00> : vector<512x512xf32>
    %dot_general3A_5 = tpu.matmul %get3A_1, %get3A_4, %dot_general3A {dimension_numbers = #tpu.dot_dimension_numbers<[1], [0], [0], [1], [0, 0, 1, 1], [], []>, transpose_lhs_hint = false} : vector<512x512xf32>, vector<512x512xf32>, vector<512x512xf32> -> vector<512x512xf32>
    %get3A_6 = arith.constant 0 : index
    %get3A_7 = arith.constant 0 : index
    %get3A_8 = vector.load %arg2[%get3A_6, %get3A_7] : memref<512x512xf32, #tpu.memory_space<vmem>>, vector<512x512xf32>
    %get3A_9 = arith.constant 0 : index
    %get3A_10 = arith.constant 0 : index
    %get3A_11 = vector.load %arg5[%get3A_9, %get3A_10] : memref<512x512xf32, #tpu.memory_space<vmem>>, vector<512x512xf32>
    %dot_general3A_12 = arith.constant dense<0.000000e+00> : vector<512x512xf32>
    %dot_general3A_13 = tpu.matmul %get3A_8, %get3A_11, %dot_general3A_12 {dimension_numbers = #tpu.dot_dimension_numbers<[1], [0], [0], [1], [0, 0, 1, 1], [], []>, transpose_lhs_hint = false} : vector<512x512xf32>, vector<512x512xf32>, vector<512x512xf32> -> vector<512x512xf32>
    %add3A = arith.addf %dot_general3A_5, %dot_general3A_13 : vector<512x512xf32>
    %get3A_14 = arith.constant 0 : index
    %get3A_15 = arith.constant 0 : index
    %get3A_16 = vector.load %arg3[%get3A_14, %get3A_15] : memref<512x16xf32, #tpu.memory_space<vmem>>, vector<512x16xf32>
    %get3A_17 = arith.constant 0 : index
    %get3A_18 = arith.constant 0 : index
    %get3A_19 = vector.load %arg6[%get3A_17, %get3A_18] : memref<16x512xf32, #tpu.memory_space<vmem>>, vector<16x512xf32>
    %dot_general3A_20 = arith.constant dense<0.000000e+00> : vector<512x512xf32>
    %dot_general3A_21 = tpu.matmul %get3A_16, %get3A_19, %dot_general3A_20 {dimension_numbers = #tpu.dot_dimension_numbers<[1], [0], [0], [1], [0, 0, 1, 1], [], []>, transpose_lhs_hint = false} : vector<512x16xf32>, vector<16x512xf32>, vector<512x512xf32> -> vector<512x512xf32>
    %add3A_22 = arith.addf %add3A, %dot_general3A_21 : vector<512x512xf32>
    %get3A_23 = arith.constant 0 : index
    %get3A_24 = arith.constant 0 : index
    %get3A_25 = vector.load %arg7[%get3A_23, %get3A_24] : memref<1x512xf32, #tpu.memory_space<vmem>>, vector<1x512xf32>
    %add3A_26 = vector.broadcast %get3A_25 : vector<1x512xf32> to vector<512x512xf32>
    %add3A_27 = arith.addf %add3A_22, %add3A_26 : vector<512x512xf32>
    %max3A = arith.constant 0.000000e+00 : f32
    %max3A_28 = vector.broadcast %max3A : f32 to vector<512x512xf32>
    %max3A_29 = arith.maximumf %add3A_27, %max3A_28 : vector<512x512xf32>
    %get3A_30 = arith.constant 0 : index
    %get3A_31 = arith.constant 0 : index
    %get3A_32 = vector.load %arg8[%get3A_30, %get3A_31] : memref<512x1xf32, #tpu.memory_space<vmem>>, vector<512x1xf32>
    %dot_general3A_33 = arith.constant dense<0.000000e+00> : vector<512x1xf32>
    %dot_general3A_34 = tpu.matmul %max3A_29, %get3A_32, %dot_general3A_33 {dimension_numbers = #tpu.dot_dimension_numbers<[1], [0], [0], [1], [0, 0, 1, 1], [], []>, transpose_lhs_hint = false} : vector<512x512xf32>, vector<512x1xf32>, vector<512x1xf32> -> vector<512x1xf32>
    %get3A_35 = arith.constant 0 : index
    %get3A_36 = arith.constant 0 : index
    %get3A_37 = vector.load %arg9[%get3A_35, %get3A_36] : memref<1x1xf32, #tpu.memory_space<vmem>>, vector<1x1xf32>
    %add3A_38 = vector.broadcast %get3A_37 : vector<1x1xf32> to vector<512x1xf32>
    %add3A_39 = arith.addf %dot_general3A_34, %add3A_38 : vector<512x1xf32>
    %swap3A = arith.constant 0 : index
    %swap3A_40 = arith.constant 0 : index
    %swap3A_41 = vector.load %arg10[%swap3A, %swap3A_40] : memref<512x1xf32, #tpu.memory_space<vmem>>, vector<512x1xf32>
    tpu.vector_store %arg10[%swap3A, %swap3A_40], %add3A_39 {strides = array<i32>} : memref<512x1xf32, #tpu.memory_space<vmem>>, vector<512x1xf32>,
    return
  }
  func.func @transform_0(%arg0: i32) -> (i32, i32) {
    %c0_i32 = arith.constant 0 : i32
    %c0_i32_0 = arith.constant 0 : i32
    return %arg0, %c0_i32 : i32, i32
  }
  func.func @transform_1(%arg0: i32) -> (i32, i32) {
    %add3A = arith.constant 8 : i32
    %add3A_0 = arith.addi %arg0, %add3A : i32
    %c0_i32 = arith.constant 0 : i32
    %c0_i32_1 = arith.constant 0 : i32
    return %add3A_0, %c0_i32 : i32, i32
  }
  func.func @transform_2(%arg0: i32) -> (i32, i32) {
    %c0_i32 = arith.constant 0 : i32
    %c0_i32_0 = arith.constant 0 : i32
    return %arg0, %c0_i32 : i32, i32
  }
  func.func @transform_3(%arg0: i32) -> (i32, i32) {
    %c0_i32 = arith.constant 0 : i32
    %c0_i32_0 = arith.constant 0 : i32
    %c0_i32_1 = arith.constant 0 : i32
    return %c0_i32, %c0_i32_0 : i32, i32
  }
  func.func @transform_4(%arg0: i32) -> (i32, i32) {
    %c0_i32 = arith.constant 0 : i32
    %c0_i32_0 = arith.constant 0 : i32
    %c0_i32_1 = arith.constant 0 : i32
    return %c0_i32, %c0_i32_0 : i32, i32
  }
  func.func @transform_5(%arg0: i32) -> (i32, i32) {
    %c0_i32 = arith.constant 0 : i32
    %c0_i32_0 = arith.constant 0 : i32
    %c0_i32_1 = arith.constant 0 : i32
    return %c0_i32, %c0_i32_0 : i32, i32
  }
  func.func @transform_6(%arg0: i32) -> (i32, i32) {
    %c0_i32 = arith.constant 0 : i32
    %c0_i32_0 = arith.constant 0 : i32
    %c0_i32_1 = arith.constant 0 : i32
    return %c0_i32, %c0_i32_0 : i32, i32
  }
  func.func @transform_7(%arg0: i32) -> (i32, i32) {
    %c0_i32 = arith.constant 0 : i32
    %c0_i32_0 = arith.constant 0 : i32
    %c0_i32_1 = arith.constant 0 : i32
    return %c0_i32, %c0_i32_0 : i32, i32
  }
  func.func @transform_8(%arg0: i32) -> (i32, i32) {
    %c0_i32 = arith.constant 0 : i32
    %c0_i32_0 = arith.constant 0 : i32
    %c0_i32_1 = arith.constant 0 : i32
    return %c0_i32, %c0_i32_0 : i32, i32
  }
  func.func @transform_9(%arg0: i32) -> (i32, i32) {
    %c0_i32 = arith.constant 0 : i32
    %c0_i32_0 = arith.constant 0 : i32
    return %arg0, %c0_i32 : i32, i32
  }
}

</mosaic_0001>

<sc_bundles>
// kernel: kernel.14.cloned.1.call-start
scs
__scs_entry_jumppad:
0x0: {  	(pc) =	sbr.rel $0x88, $3  }
0x1: {  	(tag) =	ssettag $0x0;
	lr =	simm.s32 $0x1  }
0x2: {  	[smem:$0x3F82] =	sst lr;
	_ =	strace $0xD0000000  }
0x3: {  	_ = 	snop  }
0x4: {  	_ = 	snop  }
0x5: {  	_ = 	snop  }
0x6: {  	_ = 	snop  }
0x7: {  	_ = 	snop  }
__scs_overlays_trampoline_lowered:
0x8: {  	[smem:$0x3F91] =	sst s0  }
0x9: {  	[smem:$0x3F92] =	sst s1  }
0xa: {  	[smem:$0x3F93] =	sst s2  }
0xb: {  	[smem:$0x3F94] =	sst s3  }
0xc: {  	[smem:$0x3F95] =	sst s4  }
0xd: {  	[smem:$0x3F96] =	sst s5  }
0xe: {  	[smem:$0x3F97] =	sst s6  }
0xf: {  	[smem:$0x3F98] =	sst s7  }
0x10: {  	[smem:$0x3F99] =	sst s8  }
0x11: {  	[smem:$0x3F9A] =	sst s9;
	s0 =	simm.s32 @!p0 $0x0  }
0x12: {  	s1 =	sld [smem:$0x3F80];
	s0 =	simm.s32 @p0 $0x1  }
0x13: {  	[smem:$0x3F9B] =	sst s0;
	s0 =	simm.s32 @!p1 $0x0  }
0x14: {  	s2 =	sld [smem:$0x3F7F];
	s0 =	simm.s32 @p1 $0x1  }
0x15: {  	[smem:$0x3F9C] =	sst s0;
	s0 =	simm.s32 @!p2 $0x0  }
0x16: {  	s3 =	sld [smem:$0x3FDB];
	s0 =	simm.s32 @p2 $0x1  }
0x17: {  	s4 =	simm.s32 $0x1BF5;
	[smem:$0x3F9E] =	sst s0  }
0x18: {  	s0 =	sld [smem:$0x3F81];
	_ =	swait.ge [sflag:s4], $0x0  }
0x19: {  	s7 =	sld [smem:$0x3F82]  }
0x1a: {  	s8 =	sadd.s32 $0xFFFFE003, lr  }
0x1b: {  	s9 =	sadd.s32 $0xFFFFFEF7, lr;
	s5 =	simm.s32 $0xFFFFFFFF;
	p2 =	slt.u32 s8, $0xFFFFF086  }
0x1c: {  	p1 =	slt.u32 s9, $0xF7A;
	s5 =	simm.s32 @!p2 $0x0  }
0x1d: {  	s5 =	simm.s32 @p1 $0x1;
	p0 =	seq.s32 s7, s2  }
0x1e: {  	s7 =	smul.u32 @!p0 $0xF7A, s2;
	p2 =	seq.s32 @!p0 s5, $0x0  }
0x1f: {  	s9 =	smul.u32 $0xF7A, s1;
	s8 =	simm.s32 @!p0 $0x1BF5;
	p2 =	por !p2, p0  }
0x20: {  	[sflag:s8] =	ssyncset.s32 @!p0 $0xFFFFF086;
	s6 =	sadd.s32 @!p0 s3, s7;
	s7 =	simm.s32 @!p0 $0x108  }
0x21: {  	s3 =	sadd.s32 s3, s9;
	s6 =	sadd.s32 @!p0 $0x88, s6;
	s7 =	simm.s32 @p2 $0x1082  }
0x22: {  	[simem:s7], [sflag:s8] =	dma.local @!p0 [hbm:s6], $0xF7A  }
0x23: {  	s9 =	sor.u32 $0xD0000000, s2;
	s6 =	simm.s32 $0x108;
	_ =	swait.ge @!p0 [sflag:s8], $0x0  }
0x24: {  	s3 =	sadd.s32 $0x88, s3;
	s6 =	simm.s32 @!p1 $0x1082;
	[sflag:s4] =	ssyncset.s32 $0xFFFFF086  }
0x25: {  	[simem:s6], [sflag:s4] =	dma.local [hbm:s3], $0xF7A  }
0x26: {  	[smem:$0x3F82] =	sst s1;
	(tag) =	ssettag s2;
	_ =	strace s9  }
0x27: {  	s1 =	sld [smem:$0x3F92]  }
0x28: {  	s2 =	sld [smem:$0x3F93]  }
0x29: {  	s4 =	sld [smem:$0x3F95]  }
0x2a: {  	p0 =	seq.s32 s5, $0x0;
	s5 =	sld [smem:$0x3F96]  }
0x2b: {  	s6 =	sld [smem:$0x3F97]  }
0x2c: {  	s7 =	sld [smem:$0x3F98]  }
0x2d: {  	s3 =	simm.s32 $0x108;
	s8 =	sld [smem:$0x3F99]  }
0x2e: {  	s3 =	simm.s32 @!p0 $0x1082;
	s9 =	sld [smem:$0x3F9A]  }
0x2f: {  	lr =	sadd.s32 s0, s3;
	s0 =	sld [smem:$0x3F91]  }
0x30: {  	s3 =	sld [smem:$0x3F94]  }
0x31: {  	[smem:$0x3F9D] =	sst s10  }
0x32: {  	s10 =	sld [smem:$0x3F9B];
	_ =	sdelay $0x3  }
0x33: {  	p0 =	seq.s32 s10, $0x1;
	s10 =	sld [smem:$0x3F9D];
	_ =	sdelay $0x3  }
0x34: {  	[smem:$0x3F9D] =	sst s10  }
0x35: {  	s10 =	sld [smem:$0x3F9C];
	_ =	sdelay $0x3  }
0x36: {  	p1 =	seq.s32 s10, $0x1;
	s10 =	sld [smem:$0x3F9D];
	_ =	sdelay $0x3  }
0x37: {  	[smem:$0x3F9D] =	sst s10  }
0x38: {  	s10 =	sld [smem:$0x3F9E]  }
0x39: {  	_ = 	snop;
	(pc) =	sbr.ind lr, $3  }
0x3a: {  	_ = 	snop  }
0x3b: {  	_ = 	snop  }
0x3c: {  	p2 =	seq.s32 s10, $0x1;
	s10 =	sld [smem:$0x3F9D]  }
0x3d: {  	_ =	shalt  }
0x3e: {  	_ =	shalt  }
0x3f: {  	_ =	shalt  }
0x40: {  	_ =	shalt  }
0x41: {  	_ =	shalt  }
0x42: {  	_ =	shalt  }
0x43: {  	_ =	shalt  }
0x44: {  	_ =	shalt  }
0x45: {  	_ =	shalt  }
0x46: {  	_ =	shalt  }
0x47: {  	_ =	shalt  }
0x48: {  	_ =	shalt  }
0x49: {  	_ =	shalt  }
0x4a: {  	_ =	shalt  }
0x4b: {  	_ =	shalt  }
0x4c: {  	_ =	shalt  }
0x4d: {  	_ =	shalt  }
0x4e: {  	_ =	shalt  }
0x4f: {  	_ =	shalt  }
0x50: {  	_ =	shalt  }
0x51: {  	_ =	shalt  }
0x52: {  	_ =	shalt  }
0x53: {  	_ =	shalt  }
0x54: {  	_ =	shalt  }
0x55: {  	_ =	shalt  }
0x56: {  	_ =	shalt  }
0x57: {  	_ =	shalt  }
0x58: {  	_ =	shalt  }
0x59: {  	_ =	shalt  }
0x5a: {  	_ =	shalt  }
0x5b: {  	_ =	shalt  }
0x5c: {  	_ =	shalt  }
0x5d: {  	_ =	shalt  }
0x5e: {  	_ =	shalt  }
0x5f: {  	_ =	shalt  }
0x60: {  	_ =	shalt  }
0x61: {  	_ =	shalt  }
0x62: {  	_ =	shalt  }
0x63: {  	_ =	shalt  }
0x64: {  	_ =	shalt  }
0x65: {  	_ =	shalt  }
0x66: {  	_ =	shalt  }
0x67: {  	_ =	shalt  }
0x68: {  	_ =	shalt  }
0x69: {  	_ =	shalt  }
0x6a: {  	_ =	shalt  }
0x6b: {  	_ =	shalt  }
0x6c: {  	_ =	shalt  }
0x6d: {  	_ =	shalt  }
0x6e: {  	_ =	shalt  }
0x6f: {  	_ =	shalt  }
0x70: {  	_ =	shalt  }
0x71: {  	_ =	shalt  }
0x72: {  	_ =	shalt  }
0x73: {  	_ =	shalt  }
0x74: {  	_ =	shalt  }
0x75: {  	_ =	shalt  }
0x76: {  	_ =	shalt  }
0x77: {  	_ =	shalt  }
0x78: {  	_ =	shalt  }
0x79: {  	_ =	shalt  }
0x7a: {  	_ =	shalt  }
0x7b: {  	_ =	shalt  }
0x7c: {  	_ =	shalt  }
0x7d: {  	_ =	shalt  }
0x7e: {  	_ =	shalt  }
0x7f: {  	_ =	shalt  }
0x80: {  	_ =	shalt  }
0x81: {  	_ =	shalt  }
0x82: {  	_ =	shalt  }
0x83: {  	_ =	shalt  }
0x84: {  	_ =	shalt  }
0x85: {  	_ =	shalt  }
0x86: {  	_ =	shalt  }
0x87: {  	_ =	shalt  }
.Lfunc_end0:
.L_simem_size_0:
called_computation_lowered:
.L_overlay_start_0:
0x88: {  	s2 =	sld [smem:$0x3FD9]  }
0x89: {  	s3 =	sld [smem:$0x3FFE];
	_ =	sdelay $0x1  }
0x8a: {  	s1 =	srdreg.scid  }
0x8b: {  	s0 =	sand.u32 $0x1, s1  }
0x8c: {  	s16 =	sshll.u32 s0, $0xA;
	s2 =	sadd.s32 s3, s2  }
0x8d: {  	s2 =	sadd.s32 s2, s16  }
0x8e: {  	[smem:$0x3FA9] =	sst s2  }
0x8f: {  	_ = 	snop  }
0x90: {  	(tm) =	ssettm $0x1  }
0x91: {  	s17 =	sld [smem:$0x3FFB];
	_ =	sdelay $0x3  }
0x92: {  	_ =	strace s17  }
0x93: {  	s2 =	sld [smem:$0x3FFC];
	_ =	sdelay $0x3  }
0x94: {  	_ =	strace s2  }
0x95: {  	s2 =	sld [smem:$0x3FFD];
	_ =	sdelay $0x3  }
0x96: {  	_ =	strace s2  }
0x97: {  	_ =	strace $0x8FFFFFFF  }
0x98: {  	s18 =	sld [smem:$0x3FDB];
	_ =	sdelay $0x1  }
0x99: {  	s19 =	simm.s32 $_scs_section_size  }
0x9a: {  	s4 =	simm.s32 $_size__tile_overlayer_lowered;
	s5 =	simm.s32 $_tile_overlayer_lowered  }
0x9b: {  	s22 =	simm.s32 $0x1BFF;
	s21 =	sshll.u32 s5, $0x1;
	s2 =	sadd.s32 s19, s18  }
0x9c: {  	s6 =	simm.s32 $0x0;
	s20 =	sshll.u32 s4, $0x1;
	s4 =	sadd.s32 s21, s2  }
0x9d: {  	[timem:s6], [sflag:s22] =	dma.local [hbm:s4], s20  }
0x9e: {  	_ =	swait.ge [sflag:s22], s20  }
0x9f: {  	s3 =	ssub.s32 $0x0, s20;
	[sflag:s22] =	ssyncset.done $0x0  }
0xa0: {  	[sflag:s22] =	ssyncadd.s32 s3;
	_ =	sdelay $0x1  }
0xa1: {  	s23 =	simm.s32 $0x1B8B  }
0xa2: {  	_ =	swait.ge [sflag:s23], $0x1  }
0xa3: {  	[sflag:s23] =	ssyncset.done $0x0  }
0xa4: {  	s25 =	simm.s32 $0x1B8E;
	s24 =	sld [smem:$0x3FFE];
	[sflag:s23] =	ssyncadd.s32 $0xFFFFFFFF  }
0xa5: {  	s26 =	simm.s32 $execute0_lowered;
	[smem:$0x3FD2] =	sst s25  }
0xa6: {  	s4 =	sshll.u32 s26, $0x1;
	_ =	strace $0x80000046;
	[dreg:$0x1] =	wrdreg $0xFFFFFFFF  }
0xa7: {  	s28 =	simm.s32 $_size_execute0_lowered;
	s2 =	sadd.s32 s2, s4;
	[dreg:$0x0] =	wrdreg $0x0  }
0xa8: {  	s4 =	sshll.u32 s28, $0x1;
	[dreg:$0x2] =	wrdreg s2  }
0xa9: {  	[dreg:$0x3] =	wrdreg s4  }
0xaa: {  	[dreg:$0x4] =	wrdreg $0xC0  }
0xab: {  	_ =	task [dreg:s6], $0x5FFFF  }
0xac: {  	[dreg:$0x1] =	wrdreg $0xFFFFFFFF  }
0xad: {  	[dreg:$0x0] =	wrdreg $0x60  }
0xae: {  	[dreg:$0x2] =	wrdreg s24  }
0xaf: {  	[dreg:$0x3] =	wrdreg $0x82000  }
0xb0: {  	[dreg:$0x4] =	wrdreg $0x9  }
0xb1: {  	_ =	task.clear_ibuf [dreg:s6], $0x5FFFF;
	_ =	strace $0x90000046  }
0xb2: {  	s29 =	simm.s32 $0x9;
	_ =	strace $0x80000048  }
0xb3: {  	_ =	swait.ge [sflag:s29], $0x1  }
0xb4: {  	[sflag:s29] =	ssyncadd.s32 $0xFFFFFFFF  }
0xb5: {  	_ =	strace $0x90000048  }
0xb6: {  	_ =	sfence  }
0xb7: {  	s30 =	sld [smem:$0x0];
	_ =	sdelay $0x2  }
0xb8: {  	s31 =	sshll.u32 s1, $0xD;
	s1 =	sshrl.u32 s1, $0x2  }
0xb9: {  	s3 =	sand.u32 $0x4000, s31;
	s1 =	sadd.s32 s1, s30  }
0xba: {  	s0 =	sor.u32 s3, s0;
	s1 =	sshll.u32 s1, $0x11  }
0xbb: {  	s0 =	sor.u32 s1, s0  }
0xbc: {  	s0 =	sadd.s32 $0x8F2B, s0  }
0xbd: {  	[sflag:s0] =	ssyncadd.remote.s32 $0x1  }
0xbe: {  	_ =	sfence.sel $0xFFFF  }
0xbf: {  	[dreg:$0x0] =	wrdreg $0xFFFFFFFF;
	(pc) =	sbr.abs _section_cstart, $3  }
0xc0: {  	[dreg:$0x1] =	wrdreg $0xFFFFFFFF  }
0xc1: {  	_ =	task.clear_ibuf [dreg:s6], $0x2FFFF;
	_ =	strace $0x9FFFFFFF  }
0xc2: {  	(tm) =	ssettm $0x7FFFFFFF  }
0xc3: {  	_ =	shalt  }
tec
execute0_lowered:
.L_overlay_start_1:
0x0: {  	(tag) =	ssettag $0x1  }
0x1: {  	s5 =	rddreg [dreg:$0x0]  }
0x2: {  	s2 =	rddreg [dreg:$0x1]  }
0x3: {  	s0 =	rddreg [dreg:$0x2];
	s3 =	simm.s32 $0x0  }
0x4: {  	s1 =	stileid.u32;
	s4 =	srdreg.scid;
	s17 =	simm.s32 $0x80  }
0x5: {  	s18 =	simm.s32 $0x200;
	s19 =	simm.s32 $0x100;
	s20 =	simm.s32 $0x2  }
0x6: {  	s21 =	simm.s32 $0x3;
	s22 =	simm.s32 $0x4200;
	s23 =	simm.s32 $0x4  }
0x7: {  	s24 =	simm.s32 $0x180;
	s25 =	simm.s32 $0x0;
	[smem:$0x7FF] =	sst s3  }
0x8: {  	s6 =	smul.u32 $0xA00, s1;
	s7 =	sand.u32 $0x1, s4;
	s9 =	sadd.s32 $0xFC00, s5  }
0x9: {  	s10 =	smul.u32 $0x278, s1;
	s4 =	sadd.s32 $0xAC000, s5;
	s11 =	sadd.s32 $0xAE800, s5  }
0xa: {  	s31 =	sshll.u32 s1, $0x6;
	_ =	strace $0x80000047;
	s30 =	smul.u32 $0x138800, s7  }
0xb: {  	s8 =	ssub.s32 $0x2, s7;
	s14 =	sor.u32 $0x2, s7;
	s7 =	smul.u32 $0x27100, s7  }
0xc: {  	s13 =	sadd.s32 s6, s5;
	s26 =	sshrl.u32 s8, $0x1;
	s16 =	smul.u32 $0x138800, s14  }
0xd: {  	s28 =	smin.u32 s10, $0x2498;
	s5 =	sor.u32 $0x1C05, s31;
	s14 =	smul.u32 $0x27100, s14  }
0xe: {  	s12 =	ssub.s32 s8, s26;
	s29 =	sshll.u32 s28, $0x7;
	s6 =	sadd.s32 $0x5C00, s13  }
0xf: {  	s7 =	sadd.s32 s9, s7;
	s15 =	sadd.s32 s29, s2;
	s10 =	sadd.s32 s30, s29  }
0x10: {  	s8 =	sadd.s32 s16, s29;
	s9 =	sadd.s32 s9, s14;
	s10 =	sshrl.u32 s10, $0x3  }
0x11: {  	s16 =	sshrl.u32 s8, $0x3;
	s14 =	sshrl.u32 s15, $0x3;
	s15 =	simm.s32 $0x5  }
0x12: {  	s8 =	sadd.s32 s11, s10;
	s10 =	sadd.s32 s11, s16;
	s11 =	smax.u32 s12, $0x1  }
0x13: {  	s12 =	sadd.s32 $0x5C20, s13;
	s13 =	sadd.s32 $0x5C40, s13;
	s16 =	simm.s32 $0x1  }
.LBB2_1:
0x14: {  	[spmem:s14], [sflag:s5] =	dma.local [hbm:s4], $0x2780  }
0x15: {  	_ =	swait.ge [sflag:s15], $0x2780  }
0x16: {  	[sflag:s15] =	ssyncset.done $0x0  }
0x17: {  	[sflag:s15] =	ssyncadd.s32 $0xFFFFD880  }
0x18: {  	[bflag:$0x0] =	sbarrier.arrive $0xFFFF  }
0x19: {  	[tilespmem:s3], [sflag:$0x1] =	stream.linear.gather [hbm4b:s6+s3], $0x100, $0x38;
	[tilespmem:$0x1BAC0] =	vst v63  }
0x1a: {  	_ =	swait.ge [sflag:s16], $0x100  }
0x1b: {  	[sflag:s16] =	ssyncset.done $0x0  }
0x1c: {  	[sflag:s16] =	ssyncadd.s32 $0xFFFFFF00  }
0x1d: {  	[tilespmem:s18], [sflag:$0x3] =	stream.indirect.gather [hbm4b:s7+s17], $0x80, s3, s17, $0xb8;
	[tilespmem:$0x1BAC0] =	vst v63  }
0x1e: {  	_ = 	snop  }
0x1f: {  	[tilespmem:s19], [sflag:$0x2] =	stream.linear.gather [hbm4b:s12+s3], $0x100, $0x38;
	[tilespmem:$0x1BAC0] =	vst v63  }
0x20: {  	_ =	swait.ge [sflag:s20], $0x100  }
0x21: {  	[sflag:s20] =	ssyncset.done $0x0  }
0x22: {  	[sflag:s20] =	ssyncadd.s32 $0xFFFFFF00  }
0x23: {  	_ =	swait.ge [sflag:s21], $0x4000  }
0x24: {  	[sflag:s21] =	ssyncset.done $0x0  }
0x25: {  	[sflag:s21] =	ssyncadd.s32 $0xFFFFC000  }
0x26: {  	[tilespmem:s22], [sflag:$0x4] =	stream.indirect.gather [hbm4b:s7+s17], $0x80, s19, s17, $0xb8;
	[tilespmem:$0x1BAC0] =	vst v63  }
0x27: {  	_ = 	snop  }
0x28: {  	[spmem:s2] =	stream.indirect.scatter.add.f32 [tilespmem:s18], [sflag:$0x5], $0x80, s17, s17, $0xb8;
	[tilespmem:$0x1BAC0] =	vst v63  }
0x29: {  	_ =	swait.ge [sflag:s15], $0x4000  }
0x2a: {  	[sflag:s15] =	ssyncset.done $0x0  }
0x2b: {  	s26 =	simm.s32 $0xFFFFF640;
	[sflag:s15] =	ssyncadd.s32 $0xFFFFC000  }
0x2c: {  	[tilespmem:s3], [sflag:$0x1] =	stream.linear.gather [hbm4b:s13+s3], $0x100, $0x38;
	[tilespmem:$0x1BAC0] =	vst v63  }
.LBB2_2:
0x2d: {  	_ =	swait.ge [sflag:s16], $0x100  }
0x2e: {  	[sflag:s16] =	ssyncset.done $0x0  }
0x2f: {  	[sflag:s16] =	ssyncadd.s32 $0xFFFFFF00  }
0x30: {  	[tilespmem:s18], [sflag:$0x3] =	stream.indirect.gather [hbm4b:s7+s17], $0x80, s3, s17, $0xb8;
	[tilespmem:$0x1BAC0] =	vst v63  }
0x31: {  	_ =	swait.ge [sflag:s23], $0x4000  }
0x32: {  	[sflag:s23] =	ssyncset.done $0x0  }
0x33: {  	[sflag:s23] =	ssyncadd.s32 $0xFFFFC000  }
0x34: {  	[spmem:s2] =	stream.indirect.scatter.add.f32 [tilespmem:s22], [sflag:$0x5], $0x80, s24, s17, $0xb8;
	[tilespmem:$0x1BAC0] =	vst v63  }
0x35: {  	_ =	swait.ge [sflag:s15], $0x4000  }
0x36: {  	s28 =	sadd.s32 s26, s6;
	[sflag:s15] =	ssyncset.done $0x0  }
0x37: {  	s28 =	sadd.s32 $0xA20, s28;
	[sflag:s15] =	ssyncadd.s32 $0xFFFFC000  }
0x38: {  	[tilespmem:s19], [sflag:$0x2] =	stream.linear.gather [hbm4b:s28+s3], $0x100, $0x38;
	[tilespmem:$0x1BAC0] =	vst v63  }
0x39: {  	_ =	swait.ge [sflag:s20], $0x100  }
0x3a: {  	[sflag:s20] =	ssyncset.done $0x0  }
0x3b: {  	[sflag:s20] =	ssyncadd.s32 $0xFFFFFF00  }
0x3c: {  	_ =	swait.ge [sflag:s21], $0x4000  }
0x3d: {  	[sflag:s21] =	ssyncset.done $0x0  }
0x3e: {  	[sflag:s21] =	ssyncadd.s32 $0xFFFFC000  }
0x3f: {  	[tilespmem:s22], [sflag:$0x4] =	stream.indirect.gather [hbm4b:s7+s17], $0x80, s19, s17, $0xb8;
	[tilespmem:$0x1BAC0] =	vst v63  }
0x40: {  	p0 =	seq.s32 s26, $0xFFFFFFC0  }
0x41: {  	[spmem:s2] =	stream.indirect.scatter.add.f32 [tilespmem:s18], [sflag:$0x5], $0x80, s17, s17, $0xb8;
	[tilespmem:$0x1BAC0] =	vst v63  }
0x42: {  	s29 =	simm.s32 @!p0 $0x0;
	_ =	swait.ge [sflag:s15], $0x4000  }
0x43: {  	s28 =	sadd.s32 @!p0 s26, s6;
	s26 =	sadd.s32 @!p0 $0x40, s26;
	[sflag:s15] =	ssyncset.done $0x0  }
0x44: {  	s28 =	sadd.s32 @!p0 $0xA40, s28;
	p1 =	sne.s32 @!p0 s26, $0x0;
	[sflag:s15] =	ssyncadd.s32 $0xFFFFC000  }
0x45: {  	[tilespmem:s29], [sflag:$0x1] =	stream.linear.gather @!p0 [hbm4b:s28+s29], $0x100, $0x38;
	[tilespmem:$0x1BAC0] =	vst v63  }
0x46: {  	p0 =	por p0, !p1  }
.Ltmp0:
0x47: {  	_ = 	snop;
	(pc) =	sbr.rel @!p0 .LBB2_2-.Ltmp0, $1  }
0x48: {  	_ =	sdelay $0x3  }
0x49: {  	_ =	swait.ge [sflag:s23], $0x4000  }
0x4a: {  	[sflag:s23] =	ssyncset.done $0x0  }
0x4b: {  	[sflag:s23] =	ssyncadd.s32 $0xFFFFC000  }
0x4c: {  	[spmem:s2] =	stream.indirect.scatter.add.f32 [tilespmem:s22], [sflag:$0x5], $0x80, s24, s17, $0xb8;
	[tilespmem:$0x1BAC0] =	vst v63  }
0x4d: {  	_ =	swait.ge [sflag:s15], $0x4000  }
0x4e: {  	[sflag:s15] =	ssyncset.done $0x0  }
0x4f: {  	[sflag:s15] =	ssyncadd.s32 $0xFFFFC000  }
0x50: {  	[bflag:$0x0] =	sbarrier.arrive $0xFFFF  }
0x51: {  	[hbm:s8], [sflag:s5] =	dma.local [spmem:s14], $0x2780  }
0x52: {  	_ =	swait.ge [sflag:s15], $0x2780  }
0x53: {  	[sflag:s15] =	ssyncset.done $0x0  }
0x54: {  	[sflag:s15] =	ssyncadd.s32 $0xFFFFD880  }
0x55: {  	[bflag:$0x0] =	sbarrier.arrive $0xFFFF  }
0x56: {  	[spmem:s14], [sflag:s5] =	dma.local [hbm:s4], $0x2780  }
0x57: {  	_ =	swait.ge [sflag:s15], $0x2780  }
0x58: {  	[sflag:s15] =	ssyncset.done $0x0  }
0x59: {  	[sflag:s15] =	ssyncadd.s32 $0xFFFFD880  }
0x5a: {  	[bflag:$0x0] =	sbarrier.arrive $0xFFFF  }
0x5b: {  	[tilespmem:s3], [sflag:$0x1] =	stream.linear.gather [hbm4b:s6+s3], $0x100, $0x38;
	[tilespmem:$0x1BAC0] =	vst v63  }
0x5c: {  	_ =	swait.ge [sflag:s16], $0x100  }
0x5d: {  	[sflag:s16] =	ssyncset.done $0x0  }
0x5e: {  	[sflag:s16] =	ssyncadd.s32 $0xFFFFFF00  }
0x5f: {  	[tilespmem:s18], [sflag:$0x3] =	stream.indirect.gather [hbm4b:s9+s17], $0x80, s3, s17, $0xb8;
	[tilespmem:$0x1BAC0] =	vst v63  }
0x60: {  	_ = 	snop  }
0x61: {  	[tilespmem:s19], [sflag:$0x2] =	stream.linear.gather [hbm4b:s12+s3], $0x100, $0x38;
	[tilespmem:$0x1BAC0] =	vst v63  }
0x62: {  	_ =	swait.ge [sflag:s20], $0x100  }
0x63: {  	[sflag:s20] =	ssyncset.done $0x0  }
0x64: {  	[sflag:s20] =	ssyncadd.s32 $0xFFFFFF00  }
0x65: {  	_ =	swait.ge [sflag:s21], $0x4000  }
0x66: {  	[sflag:s21] =	ssyncset.done $0x0  }
0x67: {  	[sflag:s21] =	ssyncadd.s32 $0xFFFFC000  }
0x68: {  	[tilespmem:s22], [sflag:$0x4] =	stream.indirect.gather [hbm4b:s9+s17], $0x80, s19, s17, $0xb8;
	[tilespmem:$0x1BAC0] =	vst v63  }
0x69: {  	_ = 	snop  }
0x6a: {  	[spmem:s2] =	stream.indirect.scatter.add.f32 [tilespmem:s18], [sflag:$0x5], $0x80, s17, s17, $0xb8;
	[tilespmem:$0x1BAC0] =	vst v63  }
0x6b: {  	_ =	swait.ge [sflag:s15], $0x4000  }
0x6c: {  	[sflag:s15] =	ssyncset.done $0x0  }
0x6d: {  	s26 =	simm.s32 $0xFFFFF640;
	[sflag:s15] =	ssyncadd.s32 $0xFFFFC000  }
0x6e: {  	[tilespmem:s3], [sflag:$0x1] =	stream.linear.gather [hbm4b:s13+s3], $0x100, $0x38;
	[tilespmem:$0x1BAC0] =	vst v63  }
.LBB2_4:
0x6f: {  	_ =	swait.ge [sflag:s16], $0x100  }
0x70: {  	[sflag:s16] =	ssyncset.done $0x0  }
0x71: {  	[sflag:s16] =	ssyncadd.s32 $0xFFFFFF00  }
0x72: {  	[tilespmem:s18], [sflag:$0x3] =	stream.indirect.gather [hbm4b:s9+s17], $0x80, s3, s17, $0xb8;
	[tilespmem:$0x1BAC0] =	vst v63  }
0x73: {  	_ =	swait.ge [sflag:s23], $0x4000  }
0x74: {  	[sflag:s23] =	ssyncset.done $0x0  }
0x75: {  	[sflag:s23] =	ssyncadd.s32 $0xFFFFC000  }
0x76: {  	[spmem:s2] =	stream.indirect.scatter.add.f32 [tilespmem:s22], [sflag:$0x5], $0x80, s24, s17, $0xb8;
	[tilespmem:$0x1BAC0] =	vst v63  }
0x77: {  	_ =	swait.ge [sflag:s15], $0x4000  }
0x78: {  	s28 =	sadd.s32 s26, s6;
	[sflag:s15] =	ssyncset.done $0x0  }
0x79: {  	s28 =	sadd.s32 $0xA20, s28;
	[sflag:s15] =	ssyncadd.s32 $0xFFFFC000  }
0x7a: {  	[tilespmem:s19], [sflag:$0x2] =	stream.linear.gather [hbm4b:s28+s3], $0x100, $0x38;
	[tilespmem:$0x1BAC0] =	vst v63  }
0x7b: {  	_ =	swait.ge [sflag:s20], $0x100  }
0x7c: {  	[sflag:s20] =	ssyncset.done $0x0  }
0x7d: {  	[sflag:s20] =	ssyncadd.s32 $0xFFFFFF00  }
0x7e: {  	_ =	swait.ge [sflag:s21], $0x4000  }
0x7f: {  	[sflag:s21] =	ssyncset.done $0x0  }
0x80: {  	[sflag:s21] =	ssyncadd.s32 $0xFFFFC000  }
0x81: {  	[tilespmem:s22], [sflag:$0x4] =	stream.indirect.gather [hbm4b:s9+s17], $0x80, s19, s17, $0xb8;
	[tilespmem:$0x1BAC0] =	vst v63  }
0x82: {  	p0 =	seq.s32 s26, $0xFFFFFFC0  }
0x83: {  	[spmem:s2] =	stream.indirect.scatter.add.f32 [tilespmem:s18], [sflag:$0x5], $0x80, s17, s17, $0xb8;
	[tilespmem:$0x1BAC0] =	vst v63  }
0x84: {  	s29 =	simm.s32 @!p0 $0x0;
	_ =	swait.ge [sflag:s15], $0x4000  }
0x85: {  	s28 =	sadd.s32 @!p0 s26, s6;
	s26 =	sadd.s32 @!p0 $0x40, s26;
	[sflag:s15] =	ssyncset.done $0x0  }
0x86: {  	s28 =	sadd.s32 @!p0 $0xA40, s28;
	p1 =	sne.s32 @!p0 s26, $0x0;
	[sflag:s15] =	ssyncadd.s32 $0xFFFFC000  }
0x87: {  	[tilespmem:s29], [sflag:$0x1] =	stream.linear.gather @!p0 [hbm4b:s28+s29], $0x100, $0x38;
	[tilespmem:$0x1BAC0] =	vst v63  }
0x88: {  	p0 =	por p0, !p1  }
.Ltmp1:
0x89: {  	_ = 	snop;
	(pc) =	sbr.rel @!p0 .LBB2_4-.Ltmp1, $1  }
0x8a: {  	_ =	sdelay $0x3  }
0x8b: {  	_ =	swait.ge [sflag:s23], $0x4000  }
0x8c: {  	[sflag:s23] =	ssyncset.done $0x0  }
0x8d: {  	[sflag:s23] =	ssyncadd.s32 $0xFFFFC000  }
0x8e: {  	[spmem:s2] =	stream.indirect.scatter.add.f32 [tilespmem:s22], [sflag:$0x5], $0x80, s24, s17, $0xb8;
	[tilespmem:$0x1BAC0] =	vst v63  }
0x8f: {  	_ =	swait.ge [sflag:s15], $0x4000  }
0x90: {  	[sflag:s15] =	ssyncset.done $0x0  }
0x91: {  	s25 =	sadd.s32 $0x1, s25;
	[sflag:s15] =	ssyncadd.s32 $0xFFFFC000  }
0x92: {  	p0 =	sne.s32 s25, s11;
	[bflag:$0x0] =	sbarrier.arrive $0xFFFF  }
0x93: {  	[hbm:s10], [sflag:s5] =	dma.local [spmem:s14], $0x2780  }
.Ltmp2:
0x94: {  	_ =	swait.ge [sflag:s15], $0x2780;
	(pc) =	sbr.rel @p0 .LBB2_1-.Ltmp2, $3  }
0x95: {  	[sflag:s15] =	ssyncset.done $0x0  }
0x96: {  	[sflag:s15] =	ssyncadd.s32 $0xFFFFD880  }
0x97: {  	[bflag:$0x0] =	sbarrier.arrive $0xFFFF;
	_ =	sdelay $0x1  }
0x98: {  	_ =	sfence.sel $0x180000  }
0x99: {  	[bflag:$0x0] =	sbarrier.arrive $0xFFFF  }
0x9a: {  	p0 =	sne.s32 s1, $0x0;
	_ =	strace $0x90000047  }
0x9b: {  	s0 =	sadd.s32 @!p0 $0x100000, s0;
	[bflag:$0x2] =	sbarrier.arrive $0xFFFF  }
0x9c: {  	[sflag:s0] =	ssyncadd.tile.s32 @!p0 $0x1;
	_ =	shalt  }
.Lfunc_end2:
_tile_overlayer_lowered:
.L_overlay_start_2:
0x9d: {  	(tag) =	ssettag $0x2  }
0x9e: {  	s0 =	rddreg [dreg:$0x0];
	s2 =	stileid.u32  }
0x9f: {  	s1 =	rddreg [dreg:$0x1];
	p0 =	sne.s32 s2, $0x0  }
0xa0: {  	s3 =	rddreg [dreg:$0x2];
	[bflag:$0x3] =	sbarrier.arrive $0xFFFF;
	s2 =	simm.s32 @!p0 $0x1C05  }
0xa1: {  	[timem:s3], [sflag:s2] =	dma.local @!p0 [hbm:s0], s1  }
0xa2: {  	s0 =	simm.s32 @!p0 $0x5  }
0xa3: {  	_ =	swait.ge @!p0 [sflag:s0], s1  }
0xa4: {  	s1 =	ssub.s32 @!p0 $0x0, s1;
	[sflag:s0] =	ssyncset.done @!p0 $0x0  }
0xa5: {  	[sflag:s0] =	ssyncadd.s32 @!p0 s1  }
0xa6: {  	[bflag:$0x3] =	sbarrier.arrive $0xFFFF  }
0xa7: {  	_ =	shalt  }

// kernel: kernel.17.cloned.1.call-start
scs
__scs_entry_jumppad:
0x0: {  	(pc) =	sbr.rel $0x88, $3  }
0x1: {  	(tag) =	ssettag $0x0;
	lr =	simm.s32 $0x1  }
0x2: {  	[smem:$0x3F82] =	sst lr;
	_ =	strace $0xD0000000  }
0x3: {  	_ = 	snop  }
0x4: {  	_ = 	snop  }
0x5: {  	_ = 	snop  }
0x6: {  	_ = 	snop  }
0x7: {  	_ = 	snop  }
__scs_overlays_trampoline_lowered:
0x8: {  	[smem:$0x3F91] =	sst s0  }
0x9: {  	[smem:$0x3F92] =	sst s1  }
0xa: {  	[smem:$0x3F93] =	sst s2  }
0xb: {  	[smem:$0x3F94] =	sst s3  }
0xc: {  	[smem:$0x3F95] =	sst s4  }
0xd: {  	[smem:$0x3F96] =	sst s5  }
0xe: {  	[smem:$0x3F97] =	sst s6  }
0xf: {  	[smem:$0x3F98] =	sst s7  }
0x10: {  	[smem:$0x3F99] =	sst s8  }
0x11: {  	[smem:$0x3F9A] =	sst s9;
	s0 =	simm.s32 @!p0 $0x0  }
0x12: {  	s1 =	sld [smem:$0x3F80];
	s0 =	simm.s32 @p0 $0x1  }
0x13: {  	[smem:$0x3F9B] =	sst s0;
	s0 =	simm.s32 @!p1 $0x0  }
0x14: {  	s2 =	sld [smem:$0x3F7F];
	s0 =	simm.s32 @p1 $0x1  }
0x15: {  	[smem:$0x3F9C] =	sst s0;
	s0 =	simm.s32 @!p2 $0x0  }
0x16: {  	s3 =	sld [smem:$0x3FDB];
	s0 =	simm.s32 @p2 $0x1  }
0x17: {  	s4 =	simm.s32 $0x1BF5;
	[smem:$0x3F9E] =	sst s0  }
0x18: {  	s0 =	sld [smem:$0x3F81];
	_ =	swait.ge [sflag:s4], $0x0  }
0x19: {  	s7 =	sld [smem:$0x3F82]  }
0x1a: {  	s8 =	sadd.s32 $0xFFFFE003, lr  }
0x1b: {  	s9 =	sadd.s32 $0xFFFFFEF7, lr;
	s5 =	simm.s32 $0xFFFFFFFF;
	p2 =	slt.u32 s8, $0xFFFFF086  }
0x1c: {  	p1 =	slt.u32 s9, $0xF7A;
	s5 =	simm.s32 @!p2 $0x0  }
0x1d: {  	s5 =	simm.s32 @p1 $0x1;
	p0 =	seq.s32 s7, s2  }
0x1e: {  	s7 =	smul.u32 @!p0 $0xF7A, s2;
	p2 =	seq.s32 @!p0 s5, $0x0  }
0x1f: {  	s9 =	smul.u32 $0xF7A, s1;
	s8 =	simm.s32 @!p0 $0x1BF5;
	p2 =	por !p2, p0  }
0x20: {  	[sflag:s8] =	ssyncset.s32 @!p0 $0xFFFFF086;
	s6 =	sadd.s32 @!p0 s3, s7;
	s7 =	simm.s32 @!p0 $0x108  }
0x21: {  	s3 =	sadd.s32 s3, s9;
	s6 =	sadd.s32 @!p0 $0x88, s6;
	s7 =	simm.s32 @p2 $0x1082  }
0x22: {  	[simem:s7], [sflag:s8] =	dma.local @!p0 [hbm:s6], $0xF7A  }
0x23: {  	s9 =	sor.u32 $0xD0000000, s2;
	s6 =	simm.s32 $0x108;
	_ =	swait.ge @!p0 [sflag:s8], $0x0  }
0x24: {  	s3 =	sadd.s32 $0x88, s3;
	s6 =	simm.s32 @!p1 $0x1082;
	[sflag:s4] =	ssyncset.s32 $0xFFFFF086  }
0x25: {  	[simem:s6], [sflag:s4] =	dma.local [hbm:s3], $0xF7A  }
0x26: {  	[smem:$0x3F82] =	sst s1;
	(tag) =	ssettag s2;
	_ =	strace s9  }
0x27: {  	s1 =	sld [smem:$0x3F92]  }
0x28: {  	s2 =	sld [smem:$0x3F93]  }
0x29: {  	s4 =	sld [smem:$0x3F95]  }
0x2a: {  	p0 =	seq.s32 s5, $0x0;
	s5 =	sld [smem:$0x3F96]  }
0x2b: {  	s6 =	sld [smem:$0x3F97]  }
0x2c: {  	s7 =	sld [smem:$0x3F98]  }
0x2d: {  	s3 =	simm.s32 $0x108;
	s8 =	sld [smem:$0x3F99]  }
0x2e: {  	s3 =	simm.s32 @!p0 $0x1082;
	s9 =	sld [smem:$0x3F9A]  }
0x2f: {  	lr =	sadd.s32 s0, s3;
	s0 =	sld [smem:$0x3F91]  }
0x30: {  	s3 =	sld [smem:$0x3F94]  }
0x31: {  	[smem:$0x3F9D] =	sst s10  }
0x32: {  	s10 =	sld [smem:$0x3F9B];
	_ =	sdelay $0x3  }
0x33: {  	p0 =	seq.s32 s10, $0x1;
	s10 =	sld [smem:$0x3F9D];
	_ =	sdelay $0x3  }
0x34: {  	[smem:$0x3F9D] =	sst s10  }
0x35: {  	s10 =	sld [smem:$0x3F9C];
	_ =	sdelay $0x3  }
0x36: {  	p1 =	seq.s32 s10, $0x1;
	s10 =	sld [smem:$0x3F9D];
	_ =	sdelay $0x3  }
0x37: {  	[smem:$0x3F9D] =	sst s10  }
0x38: {  	s10 =	sld [smem:$0x3F9E]  }
0x39: {  	_ = 	snop;
	(pc) =	sbr.ind lr, $3  }
0x3a: {  	_ = 	snop  }
0x3b: {  	_ = 	snop  }
0x3c: {  	p2 =	seq.s32 s10, $0x1;
	s10 =	sld [smem:$0x3F9D]  }
0x3d: {  	_ =	shalt  }
0x3e: {  	_ =	shalt  }
0x3f: {  	_ =	shalt  }
0x40: {  	_ =	shalt  }
0x41: {  	_ =	shalt  }
0x42: {  	_ =	shalt  }
0x43: {  	_ =	shalt  }
0x44: {  	_ =	shalt  }
0x45: {  	_ =	shalt  }
0x46: {  	_ =	shalt  }
0x47: {  	_ =	shalt  }
0x48: {  	_ =	shalt  }
0x49: {  	_ =	shalt  }
0x4a: {  	_ =	shalt  }
0x4b: {  	_ =	shalt  }
0x4c: {  	_ =	shalt  }
0x4d: {  	_ =	shalt  }
0x4e: {  	_ =	shalt  }
0x4f: {  	_ =	shalt  }
0x50: {  	_ =	shalt  }
0x51: {  	_ =	shalt  }
0x52: {  	_ =	shalt  }
0x53: {  	_ =	shalt  }
0x54: {  	_ =	shalt  }
0x55: {  	_ =	shalt  }
0x56: {  	_ =	shalt  }
0x57: {  	_ =	shalt  }
0x58: {  	_ =	shalt  }
0x59: {  	_ =	shalt  }
0x5a: {  	_ =	shalt  }
0x5b: {  	_ =	shalt  }
0x5c: {  	_ =	shalt  }
0x5d: {  	_ =	shalt  }
0x5e: {  	_ =	shalt  }
0x5f: {  	_ =	shalt  }
0x60: {  	_ =	shalt  }
0x61: {  	_ =	shalt  }
0x62: {  	_ =	shalt  }
0x63: {  	_ =	shalt  }
0x64: {  	_ =	shalt  }
0x65: {  	_ =	shalt  }
0x66: {  	_ =	shalt  }
0x67: {  	_ =	shalt  }
0x68: {  	_ =	shalt  }
0x69: {  	_ =	shalt  }
0x6a: {  	_ =	shalt  }
0x6b: {  	_ =	shalt  }
0x6c: {  	_ =	shalt  }
0x6d: {  	_ =	shalt  }
0x6e: {  	_ =	shalt  }
0x6f: {  	_ =	shalt  }
0x70: {  	_ =	shalt  }
0x71: {  	_ =	shalt  }
0x72: {  	_ =	shalt  }
0x73: {  	_ =	shalt  }
0x74: {  	_ =	shalt  }
0x75: {  	_ =	shalt  }
0x76: {  	_ =	shalt  }
0x77: {  	_ =	shalt  }
0x78: {  	_ =	shalt  }
0x79: {  	_ =	shalt  }
0x7a: {  	_ =	shalt  }
0x7b: {  	_ =	shalt  }
0x7c: {  	_ =	shalt  }
0x7d: {  	_ =	shalt  }
0x7e: {  	_ =	shalt  }
0x7f: {  	_ =	shalt  }
0x80: {  	_ =	shalt  }
0x81: {  	_ =	shalt  }
0x82: {  	_ =	shalt  }
0x83: {  	_ =	shalt  }
0x84: {  	_ =	shalt  }
0x85: {  	_ =	shalt  }
0x86: {  	_ =	shalt  }
0x87: {  	_ =	shalt  }
.Lfunc_end0:
.L_simem_size_0:
called_computation.1_lowered:
.L_overlay_start_0:
0x88: {  	s2 =	sld [smem:$0x3FD9]  }
0x89: {  	s3 =	sld [smem:$0x3FFE];
	_ =	sdelay $0x1  }
0x8a: {  	s1 =	srdreg.scid  }
0x8b: {  	s0 =	sand.u32 $0x1, s1  }
0x8c: {  	s16 =	sshll.u32 s0, $0xA;
	s2 =	sadd.s32 s3, s2  }
0x8d: {  	s2 =	sadd.s32 s2, s16  }
0x8e: {  	[smem:$0x3FA9] =	sst s2  }
0x8f: {  	_ = 	snop  }
0x90: {  	(tm) =	ssettm $0x1  }
0x91: {  	s17 =	sld [smem:$0x3FFB];
	_ =	sdelay $0x3  }
0x92: {  	_ =	strace s17  }
0x93: {  	s2 =	sld [smem:$0x3FFC];
	_ =	sdelay $0x3  }
0x94: {  	_ =	strace s2  }
0x95: {  	s2 =	sld [smem:$0x3FFD];
	_ =	sdelay $0x3  }
0x96: {  	_ =	strace s2  }
0x97: {  	_ =	strace $0x8FFFFFFF  }
0x98: {  	s18 =	sld [smem:$0x3FDB];
	_ =	sdelay $0x1  }
0x99: {  	s19 =	simm.s32 $_scs_section_size  }
0x9a: {  	s4 =	simm.s32 $_size__tile_overlayer_lowered;
	s5 =	simm.s32 $_tile_overlayer_lowered  }
0x9b: {  	s22 =	simm.s32 $0x1BFF;
	s21 =	sshll.u32 s5, $0x1;
	s2 =	sadd.s32 s19, s18  }
0x9c: {  	s6 =	simm.s32 $0x0;
	s20 =	sshll.u32 s4, $0x1;
	s4 =	sadd.s32 s21, s2  }
0x9d: {  	[timem:s6], [sflag:s22] =	dma.local [hbm:s4], s20  }
0x9e: {  	_ =	swait.ge [sflag:s22], s20  }
0x9f: {  	s3 =	ssub.s32 $0x0, s20;
	[sflag:s22] =	ssyncset.done $0x0  }
0xa0: {  	[sflag:s22] =	ssyncadd.s32 s3;
	_ =	sdelay $0x1  }
0xa1: {  	s23 =	simm.s32 $0x1B8B  }
0xa2: {  	_ =	swait.ge [sflag:s23], $0x1  }
0xa3: {  	[sflag:s23] =	ssyncset.done $0x0  }
0xa4: {  	s25 =	simm.s32 $0x1B8E;
	s24 =	sld [smem:$0x3FFE];
	[sflag:s23] =	ssyncadd.s32 $0xFFFFFFFF  }
0xa5: {  	s26 =	simm.s32 $execute0_lowered;
	[smem:$0x3FD2] =	sst s25  }
0xa6: {  	s4 =	sshll.u32 s26, $0x1;
	_ =	strace $0x80000049;
	[dreg:$0x1] =	wrdreg $0xFFFFFFFF  }
0xa7: {  	s28 =	simm.s32 $_size_execute0_lowered;
	s2 =	sadd.s32 s2, s4;
	[dreg:$0x0] =	wrdreg $0x0  }
0xa8: {  	s4 =	sshll.u32 s28, $0x1;
	[dreg:$0x2] =	wrdreg s2  }
0xa9: {  	[dreg:$0x3] =	wrdreg s4  }
0xaa: {  	[dreg:$0x4] =	wrdreg $0xC0  }
0xab: {  	_ =	task [dreg:s6], $0x5FFFF  }
0xac: {  	[dreg:$0x1] =	wrdreg $0xFFFFFFFF  }
0xad: {  	[dreg:$0x0] =	wrdreg $0x60  }
0xae: {  	[dreg:$0x2] =	wrdreg s24  }
0xaf: {  	[dreg:$0x3] =	wrdreg $0x82000  }
0xb0: {  	[dreg:$0x4] =	wrdreg $0x9  }
0xb1: {  	_ =	task.clear_ibuf [dreg:s6], $0x5FFFF;
	_ =	strace $0x90000049  }
0xb2: {  	s29 =	simm.s32 $0x9;
	_ =	strace $0x8000004B  }
0xb3: {  	_ =	swait.ge [sflag:s29], $0x1  }
0xb4: {  	[sflag:s29] =	ssyncadd.s32 $0xFFFFFFFF  }
0xb5: {  	_ =	strace $0x9000004B  }
0xb6: {  	_ =	sfence  }
0xb7: {  	s30 =	sld [smem:$0x0];
	_ =	sdelay $0x2  }
0xb8: {  	s31 =	sshll.u32 s1, $0xD;
	s1 =	sshrl.u32 s1, $0x2  }
0xb9: {  	s3 =	sand.u32 $0x4000, s31;
	s1 =	sadd.s32 s1, s30  }
0xba: {  	s0 =	sor.u32 s3, s0;
	s1 =	sshll.u32 s1, $0x11  }
0xbb: {  	s0 =	sor.u32 s1, s0  }
0xbc: {  	s0 =	sadd.s32 $0x8F2B, s0  }
0xbd: {  	[sflag:s0] =	ssyncadd.remote.s32 $0x1  }
0xbe: {  	_ =	sfence.sel $0xFFFF  }
0xbf: {  	[dreg:$0x0] =	wrdreg $0xFFFFFFFF;
	(pc) =	sbr.abs _section_cstart, $3  }
0xc0: {  	[dreg:$0x1] =	wrdreg $0xFFFFFFFF  }
0xc1: {  	_ =	task.clear_ibuf [dreg:s6], $0x2FFFF;
	_ =	strace $0x9FFFFFFF  }
0xc2: {  	(tm) =	ssettm $0x7FFFFFFF  }
0xc3: {  	_ =	shalt  }
tec
execute0_lowered:
.L_overlay_start_1:
0x0: {  	(tag) =	ssettag $0x1  }
0x1: {  	s11 =	rddreg [dreg:$0x0]  }
0x2: {  	s2 =	rddreg [dreg:$0x1]  }
0x3: {  	s0 =	rddreg [dreg:$0x2];
	s3 =	simm.s32 $0x0  }
0x4: {  	s1 =	stileid.u32;
	s5 =	srdreg.scid;
	s19 =	simm.s32 $0x80  }
0x5: {  	s20 =	simm.s32 $0x200;
	s21 =	simm.s32 $0x100;
	s22 =	simm.s32 $0x2  }
0x6: {  	s23 =	simm.s32 $0x3;
	s24 =	simm.s32 $0x4200;
	s26 =	simm.s32 $0x180  }
0x7: {  	s28 =	simm.s32 $0x0;
	[smem:$0x7FF] =	sst s3;
	s4 =	smul.u32 $0xA00, s1  }
0x8: {  	s9 =	sadd.s32 $0x1E7000, s11;
	s25 =	sand.u32 $0x1, s5;
	s29 =	smul.u32 $0x278, s1  }
0x9: {  	s12 =	sadd.s32 $0xAE800, s11;
	s31 =	sshll.u32 s1, $0x6;
	s30 =	smul.u32 $0x27100, s25  }
0xa: {  	_ =	strace $0x8000004A;
	s6 =	ssub.s32 $0x2, s25;
	s8 =	smul.u32 $0x138800, s25  }
0xb: {  	s14 =	sor.u32 $0x2, s25;
	p0 =	sne.s32 s25, $0x0;
	s25 =	simm.s32 $0x4  }
0xc: {  	s15 =	sadd.s32 s4, s11;
	s4 =	sadd.s32 $0xAC000, s11;
	s17 =	smul.u32 $0x138800, s14  }
0xd: {  	s7 =	sshrl.u32 s6, $0x1;
	s5 =	smin.u32 s29, $0x2498;
	s14 =	smul.u32 $0x27100, s14  }
0xe: {  	s11 =	sadd.s32 $0x283400, s11;
	s13 =	ssub.s32 s6, s7;
	s10 =	sshll.u32 s5, $0x7  }
0xf: {  	s5 =	sor.u32 $0x1C05, s31;
	s6 =	sadd.s32 $0x5C00, s15;
	s7 =	sadd.s32 s9, s30  }
0x10: {  	s16 =	sadd.s32 s10, s2;
	s8 =	sadd.s32 s8, s10;
	s17 =	sadd.s32 s17, s10  }
.Ltmp0:
0x11: {  	s18 =	sshrl.u32 s10, $0x3;
	s9 =	sadd.s32 s9, s14;
	(pc) =	sbr.rel .LBB2_1-.Ltmp0, $4  }
0x12: {  	s13 =	smax.u32 s13, $0x1;
	s14 =	sadd.s32 $0x5C20, s15;
	s15 =	sadd.s32 $0x5C40, s15  }
0x13: {  	s8 =	sshrl.u32 s8, $0x3;
	s17 =	sshrl.u32 s17, $0x3;
	s16 =	sshrl.u32 s16, $0x3  }
0x14: {  	s8 =	sadd.s32 s12, s8;
	s10 =	sadd.s32 s12, s17;
	s12 =	sadd.s32 s12, s18  }
0x15: {  	s17 =	simm.s32 $0x5;
	s18 =	simm.s32 $0x1;
	s12 =	sadd.s32 $0x9C400, s12  }
.LBB2_9:
0x16: {  	s28 =	sadd.s32 $0x1, s28  }
0x17: {  	p1 =	sne.s32 s28, s13  }
.Ltmp1:
0x18: {  	_ = 	snop;
	(pc) =	sbr.rel @!p1 .LBB2_10-.Ltmp1, $1  }
0x19: {  	_ =	sdelay $0x3  }
.LBB2_1:
0x1a: {  	[spmem:s16], [sflag:s5] =	dma.local [hbm:s4], $0x2780  }
0x1b: {  	_ =	swait.ge [sflag:s17], $0x2780  }
0x1c: {  	[sflag:s17] =	ssyncset.done $0x0  }
0x1d: {  	[sflag:s17] =	ssyncadd.s32 $0xFFFFD880  }
0x1e: {  	[bflag:$0x0] =	sbarrier.arrive $0xFFFF  }
0x1f: {  	[tilespmem:s3], [sflag:$0x1] =	stream.linear.gather [hbm4b:s6+s3], $0x100, $0x38;
	[tilespmem:$0x1BAC0] =	vst v63  }
0x20: {  	_ =	swait.ge [sflag:s18], $0x100  }
0x21: {  	[sflag:s18] =	ssyncset.done $0x0  }
0x22: {  	[sflag:s18] =	ssyncadd.s32 $0xFFFFFF00  }
0x23: {  	[tilespmem:s20], [sflag:$0x3] =	stream.indirect.gather [hbm4b:s7+s19], $0x80, s3, s19, $0xb8;
	[tilespmem:$0x1BAC0] =	vst v63  }
0x24: {  	_ = 	snop  }
0x25: {  	[tilespmem:s21], [sflag:$0x2] =	stream.linear.gather [hbm4b:s14+s3], $0x100, $0x38;
	[tilespmem:$0x1BAC0] =	vst v63  }
0x26: {  	_ =	swait.ge [sflag:s22], $0x100  }
0x27: {  	[sflag:s22] =	ssyncset.done $0x0  }
0x28: {  	[sflag:s22] =	ssyncadd.s32 $0xFFFFFF00  }
0x29: {  	_ =	swait.ge [sflag:s23], $0x4000  }
0x2a: {  	[sflag:s23] =	ssyncset.done $0x0  }
0x2b: {  	[sflag:s23] =	ssyncadd.s32 $0xFFFFC000  }
0x2c: {  	[tilespmem:s24], [sflag:$0x4] =	stream.indirect.gather [hbm4b:s7+s19], $0x80, s21, s19, $0xb8;
	[tilespmem:$0x1BAC0] =	vst v63  }
0x2d: {  	_ = 	snop  }
0x2e: {  	[spmem:s2] =	stream.indirect.scatter.add.f32 [tilespmem:s20], [sflag:$0x5], $0x80, s19, s19, $0xb8;
	[tilespmem:$0x1BAC0] =	vst v63  }
0x2f: {  	_ =	swait.ge [sflag:s17], $0x4000  }
0x30: {  	[sflag:s17] =	ssyncset.done $0x0  }
0x31: {  	s29 =	simm.s32 $0xFFFFF640;
	[sflag:s17] =	ssyncadd.s32 $0xFFFFC000  }
0x32: {  	[tilespmem:s3], [sflag:$0x1] =	stream.linear.gather [hbm4b:s15+s3], $0x100, $0x38;
	[tilespmem:$0x1BAC0] =	vst v63  }
.LBB2_2:
0x33: {  	_ =	swait.ge [sflag:s18], $0x100  }
0x34: {  	[sflag:s18] =	ssyncset.done $0x0  }
0x35: {  	[sflag:s18] =	ssyncadd.s32 $0xFFFFFF00  }
0x36: {  	[tilespmem:s20], [sflag:$0x3] =	stream.indirect.gather [hbm4b:s7+s19], $0x80, s3, s19, $0xb8;
	[tilespmem:$0x1BAC0] =	vst v63  }
0x37: {  	_ =	swait.ge [sflag:s25], $0x4000  }
0x38: {  	[sflag:s25] =	ssyncset.done $0x0  }
0x39: {  	[sflag:s25] =	ssyncadd.s32 $0xFFFFC000  }
0x3a: {  	[spmem:s2] =	stream.indirect.scatter.add.f32 [tilespmem:s24], [sflag:$0x5], $0x80, s26, s19, $0xb8;
	[tilespmem:$0x1BAC0] =	vst v63  }
0x3b: {  	_ =	swait.ge [sflag:s17], $0x4000  }
0x3c: {  	s30 =	sadd.s32 s29, s6;
	[sflag:s17] =	ssyncset.done $0x0  }
0x3d: {  	s30 =	sadd.s32 $0xA20, s30;
	[sflag:s17] =	ssyncadd.s32 $0xFFFFC000  }
0x3e: {  	[tilespmem:s21], [sflag:$0x2] =	stream.linear.gather [hbm4b:s30+s3], $0x100, $0x38;
	[tilespmem:$0x1BAC0] =	vst v63  }
0x3f: {  	_ =	swait.ge [sflag:s22], $0x100  }
0x40: {  	[sflag:s22] =	ssyncset.done $0x0  }
0x41: {  	[sflag:s22] =	ssyncadd.s32 $0xFFFFFF00  }
0x42: {  	_ =	swait.ge [sflag:s23], $0x4000  }
0x43: {  	[sflag:s23] =	ssyncset.done $0x0  }
0x44: {  	[sflag:s23] =	ssyncadd.s32 $0xFFFFC000  }
0x45: {  	[tilespmem:s24], [sflag:$0x4] =	stream.indirect.gather [hbm4b:s7+s19], $0x80, s21, s19, $0xb8;
	[tilespmem:$0x1BAC0] =	vst v63  }
0x46: {  	p1 =	seq.s32 s29, $0xFFFFFFC0  }
0x47: {  	[spmem:s2] =	stream.indirect.scatter.add.f32 [tilespmem:s20], [sflag:$0x5], $0x80, s19, s19, $0xb8;
	[tilespmem:$0x1BAC0] =	vst v63  }
0x48: {  	s31 =	simm.s32 @!p1 $0x0;
	_ =	swait.ge [sflag:s17], $0x4000  }
0x49: {  	s30 =	sadd.s32 @!p1 s29, s6;
	s29 =	sadd.s32 @!p1 $0x40, s29;
	[sflag:s17] =	ssyncset.done $0x0  }
0x4a: {  	s30 =	sadd.s32 @!p1 $0xA40, s30;
	p2 =	sne.s32 @!p1 s29, $0x0;
	[sflag:s17] =	ssyncadd.s32 $0xFFFFC000  }
0x4b: {  	[tilespmem:s31], [sflag:$0x1] =	stream.linear.gather @!p1 [hbm4b:s30+s31], $0x100, $0x38;
	[tilespmem:$0x1BAC0] =	vst v63  }
0x4c: {  	p1 =	por p1, !p2  }
.Ltmp2:
0x4d: {  	_ = 	snop;
	(pc) =	sbr.rel @!p1 .LBB2_2-.Ltmp2, $1  }
0x4e: {  	_ =	sdelay $0x3  }
0x4f: {  	_ =	swait.ge [sflag:s25], $0x4000  }
0x50: {  	[sflag:s25] =	ssyncset.done $0x0  }
0x51: {  	[sflag:s25] =	ssyncadd.s32 $0xFFFFC000  }
0x52: {  	[spmem:s2] =	stream.indirect.scatter.add.f32 [tilespmem:s24], [sflag:$0x5], $0x80, s26, s19, $0xb8;
	[tilespmem:$0x1BAC0] =	vst v63  }
0x53: {  	_ =	swait.ge [sflag:s17], $0x4000  }
0x54: {  	[sflag:s17] =	ssyncset.done $0x0  }
0x55: {  	[sflag:s17] =	ssyncadd.s32 $0xFFFFC000  }
0x56: {  	[bflag:$0x0] =	sbarrier.arrive $0xFFFF  }
0x57: {  	[hbm:s8], [sflag:s5] =	dma.local [spmem:s16], $0x2780  }
0x58: {  	_ =	swait.ge [sflag:s17], $0x2780  }
0x59: {  	[sflag:s17] =	ssyncset.done $0x0  }
0x5a: {  	[sflag:s17] =	ssyncadd.s32 $0xFFFFD880  }
0x5b: {  	[bflag:$0x0] =	sbarrier.arrive $0xFFFF  }
0x5c: {  	[spmem:s16], [sflag:s5] =	dma.local [hbm:s4], $0x2780  }
0x5d: {  	_ =	swait.ge [sflag:s17], $0x2780  }
0x5e: {  	[sflag:s17] =	ssyncset.done $0x0  }
0x5f: {  	[sflag:s17] =	ssyncadd.s32 $0xFFFFD880  }
0x60: {  	[bflag:$0x0] =	sbarrier.arrive $0xFFFF  }
0x61: {  	[tilespmem:s3], [sflag:$0x1] =	stream.linear.gather [hbm4b:s6+s3], $0x100, $0x38;
	[tilespmem:$0x1BAC0] =	vst v63  }
0x62: {  	_ =	swait.ge [sflag:s18], $0x100  }
0x63: {  	[sflag:s18] =	ssyncset.done $0x0  }
0x64: {  	[sflag:s18] =	ssyncadd.s32 $0xFFFFFF00  }
0x65: {  	[tilespmem:s20], [sflag:$0x3] =	stream.indirect.gather [hbm4b:s9+s19], $0x80, s3, s19, $0xb8;
	[tilespmem:$0x1BAC0] =	vst v63  }
0x66: {  	_ = 	snop  }
0x67: {  	[tilespmem:s21], [sflag:$0x2] =	stream.linear.gather [hbm4b:s14+s3], $0x100, $0x38;
	[tilespmem:$0x1BAC0] =	vst v63  }
0x68: {  	_ =	swait.ge [sflag:s22], $0x100  }
0x69: {  	[sflag:s22] =	ssyncset.done $0x0  }
0x6a: {  	[sflag:s22] =	ssyncadd.s32 $0xFFFFFF00  }
0x6b: {  	_ =	swait.ge [sflag:s23], $0x4000  }
0x6c: {  	[sflag:s23] =	ssyncset.done $0x0  }
0x6d: {  	[sflag:s23] =	ssyncadd.s32 $0xFFFFC000  }
0x6e: {  	[tilespmem:s24], [sflag:$0x4] =	stream.indirect.gather [hbm4b:s9+s19], $0x80, s21, s19, $0xb8;
	[tilespmem:$0x1BAC0] =	vst v63  }
0x6f: {  	_ = 	snop  }
0x70: {  	[spmem:s2] =	stream.indirect.scatter.add.f32 [tilespmem:s20], [sflag:$0x5], $0x80, s19, s19, $0xb8;
	[tilespmem:$0x1BAC0] =	vst v63  }
0x71: {  	_ =	swait.ge [sflag:s17], $0x4000  }
0x72: {  	[sflag:s17] =	ssyncset.done $0x0  }
0x73: {  	s29 =	simm.s32 $0xFFFFF640;
	[sflag:s17] =	ssyncadd.s32 $0xFFFFC000  }
0x74: {  	[tilespmem:s3], [sflag:$0x1] =	stream.linear.gather [hbm4b:s15+s3], $0x100, $0x38;
	[tilespmem:$0x1BAC0] =	vst v63  }
.LBB2_4:
0x75: {  	_ =	swait.ge [sflag:s18], $0x100  }
0x76: {  	[sflag:s18] =	ssyncset.done $0x0  }
0x77: {  	[sflag:s18] =	ssyncadd.s32 $0xFFFFFF00  }
0x78: {  	[tilespmem:s20], [sflag:$0x3] =	stream.indirect.gather [hbm4b:s9+s19], $0x80, s3, s19, $0xb8;
	[tilespmem:$0x1BAC0] =	vst v63  }
0x79: {  	_ =	swait.ge [sflag:s25], $0x4000  }
0x7a: {  	[sflag:s25] =	ssyncset.done $0x0  }
0x7b: {  	[sflag:s25] =	ssyncadd.s32 $0xFFFFC000  }
0x7c: {  	[spmem:s2] =	stream.indirect.scatter.add.f32 [tilespmem:s24], [sflag:$0x5], $0x80, s26, s19, $0xb8;
	[tilespmem:$0x1BAC0] =	vst v63  }
0x7d: {  	_ =	swait.ge [sflag:s17], $0x4000  }
0x7e: {  	s30 =	sadd.s32 s29, s6;
	[sflag:s17] =	ssyncset.done $0x0  }
0x7f: {  	s30 =	sadd.s32 $0xA20, s30;
	[sflag:s17] =	ssyncadd.s32 $0xFFFFC000  }
0x80: {  	[tilespmem:s21], [sflag:$0x2] =	stream.linear.gather [hbm4b:s30+s3], $0x100, $0x38;
	[tilespmem:$0x1BAC0] =	vst v63  }
0x81: {  	_ =	swait.ge [sflag:s22], $0x100  }
0x82: {  	[sflag:s22] =	ssyncset.done $0x0  }
0x83: {  	[sflag:s22] =	ssyncadd.s32 $0xFFFFFF00  }
0x84: {  	_ =	swait.ge [sflag:s23], $0x4000  }
0x85: {  	[sflag:s23] =	ssyncset.done $0x0  }
0x86: {  	[sflag:s23] =	ssyncadd.s32 $0xFFFFC000  }
0x87: {  	[tilespmem:s24], [sflag:$0x4] =	stream.indirect.gather [hbm4b:s9+s19], $0x80, s21, s19, $0xb8;
	[tilespmem:$0x1BAC0] =	vst v63  }
0x88: {  	p1 =	seq.s32 s29, $0xFFFFFFC0  }
0x89: {  	[spmem:s2] =	stream.indirect.scatter.add.f32 [tilespmem:s20], [sflag:$0x5], $0x80, s19, s19, $0xb8;
	[tilespmem:$0x1BAC0] =	vst v63  }
0x8a: {  	s31 =	simm.s32 @!p1 $0x0;
	_ =	swait.ge [sflag:s17], $0x4000  }
0x8b: {  	s30 =	sadd.s32 @!p1 s29, s6;
	s29 =	sadd.s32 @!p1 $0x40, s29;
	[sflag:s17] =	ssyncset.done $0x0  }
0x8c: {  	s30 =	sadd.s32 @!p1 $0xA40, s30;
	p2 =	sne.s32 @!p1 s29, $0x0;
	[sflag:s17] =	ssyncadd.s32 $0xFFFFC000  }
0x8d: {  	[tilespmem:s31], [sflag:$0x1] =	stream.linear.gather @!p1 [hbm4b:s30+s31], $0x100, $0x38;
	[tilespmem:$0x1BAC0] =	vst v63  }
0x8e: {  	p1 =	por p1, !p2  }
.Ltmp3:
0x8f: {  	_ = 	snop;
	(pc) =	sbr.rel @!p1 .LBB2_4-.Ltmp3, $1  }
0x90: {  	_ =	sdelay $0x3  }
0x91: {  	_ =	swait.ge [sflag:s25], $0x4000  }
0x92: {  	[sflag:s25] =	ssyncset.done $0x0  }
0x93: {  	[sflag:s25] =	ssyncadd.s32 $0xFFFFC000  }
0x94: {  	[spmem:s2] =	stream.indirect.scatter.add.f32 [tilespmem:s24], [sflag:$0x5], $0x80, s26, s19, $0xb8;
	[tilespmem:$0x1BAC0] =	vst v63  }
0x95: {  	_ =	swait.ge [sflag:s17], $0x4000  }
0x96: {  	[sflag:s17] =	ssyncset.done $0x0  }
0x97: {  	[sflag:s17] =	ssyncadd.s32 $0xFFFFC000  }
0x98: {  	[bflag:$0x0] =	sbarrier.arrive $0xFFFF  }
0x99: {  	[hbm:s10], [sflag:s5] =	dma.local [spmem:s16], $0x2780  }
.Ltmp4:
0x9a: {  	_ =	swait.ge [sflag:s17], $0x2780;
	(pc) =	sbr.rel @p0 .LBB2_9-.Ltmp4, $3  }
0x9b: {  	[sflag:s17] =	ssyncset.done $0x0  }
0x9c: {  	[sflag:s17] =	ssyncadd.s32 $0xFFFFD880  }
0x9d: {  	[bflag:$0x0] =	sbarrier.arrive $0xFFFF;
	_ =	sdelay $0x1  }
0x9e: {  	[spmem:s16], [sflag:s5] =	dma.local [hbm:s4], $0x2780  }
0x9f: {  	_ =	swait.ge [sflag:s17], $0x2780  }
0xa0: {  	[sflag:s17] =	ssyncset.done $0x0  }
0xa1: {  	[sflag:s17] =	ssyncadd.s32 $0xFFFFD880  }
0xa2: {  	[bflag:$0x0] =	sbarrier.arrive $0xFFFF  }
0xa3: {  	[tilespmem:s3], [sflag:$0x1] =	stream.linear.gather [hbm4b:s6+s3], $0x100, $0x38;
	[tilespmem:$0x1BAC0] =	vst v63  }
0xa4: {  	_ =	swait.ge [sflag:s18], $0x100  }
0xa5: {  	[sflag:s18] =	ssyncset.done $0x0  }
0xa6: {  	[sflag:s18] =	ssyncadd.s32 $0xFFFFFF00  }
0xa7: {  	[tilespmem:s20], [sflag:$0x3] =	stream.indirect.gather [hbm4b:s11+s19], $0x80, s3, s19, $0xb8;
	[tilespmem:$0x1BAC0] =	vst v63  }
0xa8: {  	_ = 	snop  }
0xa9: {  	[tilespmem:s21], [sflag:$0x2] =	stream.linear.gather [hbm4b:s14+s3], $0x100, $0x38;
	[tilespmem:$0x1BAC0] =	vst v63  }
0xaa: {  	_ =	swait.ge [sflag:s22], $0x100  }
0xab: {  	[sflag:s22] =	ssyncset.done $0x0  }
0xac: {  	[sflag:s22] =	ssyncadd.s32 $0xFFFFFF00  }
0xad: {  	_ =	swait.ge [sflag:s23], $0x4000  }
0xae: {  	[sflag:s23] =	ssyncset.done $0x0  }
0xaf: {  	[sflag:s23] =	ssyncadd.s32 $0xFFFFC000  }
0xb0: {  	[tilespmem:s24], [sflag:$0x4] =	stream.indirect.gather [hbm4b:s11+s19], $0x80, s21, s19, $0xb8;
	[tilespmem:$0x1BAC0] =	vst v63  }
0xb1: {  	_ = 	snop  }
0xb2: {  	[spmem:s2] =	stream.indirect.scatter.add.f32 [tilespmem:s20], [sflag:$0x5], $0x80, s19, s19, $0xb8;
	[tilespmem:$0x1BAC0] =	vst v63  }
0xb3: {  	_ =	swait.ge [sflag:s17], $0x4000  }
0xb4: {  	[sflag:s17] =	ssyncset.done $0x0  }
0xb5: {  	s29 =	simm.s32 $0xFFFFF640;
	[sflag:s17] =	ssyncadd.s32 $0xFFFFC000  }
0xb6: {  	[tilespmem:s3], [sflag:$0x1] =	stream.linear.gather [hbm4b:s15+s3], $0x100, $0x38;
	[tilespmem:$0x1BAC0] =	vst v63  }
.LBB2_7:
0xb7: {  	_ =	swait.ge [sflag:s18], $0x100  }
0xb8: {  	[sflag:s18] =	ssyncset.done $0x0  }
0xb9: {  	[sflag:s18] =	ssyncadd.s32 $0xFFFFFF00  }
0xba: {  	[tilespmem:s20], [sflag:$0x3] =	stream.indirect.gather [hbm4b:s11+s19], $0x80, s3, s19, $0xb8;
	[tilespmem:$0x1BAC0] =	vst v63  }
0xbb: {  	_ =	swait.ge [sflag:s25], $0x4000  }
0xbc: {  	[sflag:s25] =	ssyncset.done $0x0  }
0xbd: {  	[sflag:s25] =	ssyncadd.s32 $0xFFFFC000  }
0xbe: {  	[spmem:s2] =	stream.indirect.scatter.add.f32 [tilespmem:s24], [sflag:$0x5], $0x80, s26, s19, $0xb8;
	[tilespmem:$0x1BAC0] =	vst v63  }
0xbf: {  	_ =	swait.ge [sflag:s17], $0x4000  }
0xc0: {  	s30 =	sadd.s32 s29, s6;
	[sflag:s17] =	ssyncset.done $0x0  }
0xc1: {  	s30 =	sadd.s32 $0xA20, s30;
	[sflag:s17] =	ssyncadd.s32 $0xFFFFC000  }
0xc2: {  	[tilespmem:s21], [sflag:$0x2] =	stream.linear.gather [hbm4b:s30+s3], $0x100, $0x38;
	[tilespmem:$0x1BAC0] =	vst v63  }
0xc3: {  	_ =	swait.ge [sflag:s22], $0x100  }
0xc4: {  	[sflag:s22] =	ssyncset.done $0x0  }
0xc5: {  	[sflag:s22] =	ssyncadd.s32 $0xFFFFFF00  }
0xc6: {  	_ =	swait.ge [sflag:s23], $0x4000  }
0xc7: {  	[sflag:s23] =	ssyncset.done $0x0  }
0xc8: {  	[sflag:s23] =	ssyncadd.s32 $0xFFFFC000  }
0xc9: {  	[tilespmem:s24], [sflag:$0x4] =	stream.indirect.gather [hbm4b:s11+s19], $0x80, s21, s19, $0xb8;
	[tilespmem:$0x1BAC0] =	vst v63  }
0xca: {  	p1 =	seq.s32 s29, $0xFFFFFFC0  }
0xcb: {  	[spmem:s2] =	stream.indirect.scatter.add.f32 [tilespmem:s20], [sflag:$0x5], $0x80, s19, s19, $0xb8;
	[tilespmem:$0x1BAC0] =	vst v63  }
0xcc: {  	s31 =	simm.s32 @!p1 $0x0;
	_ =	swait.ge [sflag:s17], $0x4000  }
0xcd: {  	s30 =	sadd.s32 @!p1 s29, s6;
	s29 =	sadd.s32 @!p1 $0x40, s29;
	[sflag:s17] =	ssyncset.done $0x0  }
0xce: {  	s30 =	sadd.s32 @!p1 $0xA40, s30;
	p2 =	sne.s32 @!p1 s29, $0x0;
	[sflag:s17] =	ssyncadd.s32 $0xFFFFC000  }
0xcf: {  	[tilespmem:s31], [sflag:$0x1] =	stream.linear.gather @!p1 [hbm4b:s30+s31], $0x100, $0x38;
	[tilespmem:$0x1BAC0] =	vst v63  }
0xd0: {  	p1 =	por p1, !p2  }
.Ltmp5:
0xd1: {  	_ = 	snop;
	(pc) =	sbr.rel @!p1 .LBB2_7-.Ltmp5, $1  }
0xd2: {  	_ =	sdelay $0x3  }
0xd3: {  	_ =	swait.ge [sflag:s25], $0x4000  }
0xd4: {  	[sflag:s25] =	ssyncset.done $0x0  }
0xd5: {  	[sflag:s25] =	ssyncadd.s32 $0xFFFFC000  }
0xd6: {  	[spmem:s2] =	stream.indirect.scatter.add.f32 [tilespmem:s24], [sflag:$0x5], $0x80, s26, s19, $0xb8;
	[tilespmem:$0x1BAC0] =	vst v63  }
0xd7: {  	_ =	swait.ge [sflag:s17], $0x4000  }
0xd8: {  	[sflag:s17] =	ssyncset.done $0x0  }
0xd9: {  	[sflag:s17] =	ssyncadd.s32 $0xFFFFC000  }
0xda: {  	[bflag:$0x0] =	sbarrier.arrive $0xFFFF  }
0xdb: {  	[hbm:s12], [sflag:s5] =	dma.local [spmem:s16], $0x2780  }
.Ltmp6:
0xdc: {  	_ =	swait.ge [sflag:s17], $0x2780;
	(pc) =	sbr.rel .LBB2_9-.Ltmp6, $3  }
0xdd: {  	[sflag:s17] =	ssyncset.done $0x0  }
0xde: {  	[sflag:s17] =	ssyncadd.s32 $0xFFFFD880  }
0xdf: {  	[bflag:$0x0] =	sbarrier.arrive $0xFFFF;
	_ =	sdelay $0x1  }
.LBB2_10:
0xe0: {  	_ =	sfence.sel $0x180000  }
0xe1: {  	[bflag:$0x0] =	sbarrier.arrive $0xFFFF  }
0xe2: {  	p0 =	sne.s32 s1, $0x0;
	_ =	strace $0x9000004A  }
0xe3: {  	s0 =	sadd.s32 @!p0 $0x100000, s0;
	[bflag:$0x2] =	sbarrier.arrive $0xFFFF  }
0xe4: {  	[sflag:s0] =	ssyncadd.tile.s32 @!p0 $0x1;
	_ =	shalt  }
.Lfunc_end2:
_tile_overlayer_lowered:
.L_overlay_start_2:
0xe5: {  	(tag) =	ssettag $0x2  }
0xe6: {  	s0 =	rddreg [dreg:$0x0];
	s2 =	stileid.u32  }
0xe7: {  	s1 =	rddreg [dreg:$0x1];
	p0 =	sne.s32 s2, $0x0  }
0xe8: {  	s3 =	rddreg [dreg:$0x2];
	[bflag:$0x3] =	sbarrier.arrive $0xFFFF;
	s2 =	simm.s32 @!p0 $0x1C05  }
0xe9: {  	[timem:s3], [sflag:s2] =	dma.local @!p0 [hbm:s0], s1  }
0xea: {  	s0 =	simm.s32 @!p0 $0x5  }
0xeb: {  	_ =	swait.ge @!p0 [sflag:s0], s1  }
0xec: {  	s1 =	ssub.s32 @!p0 $0x0, s1;
	[sflag:s0] =	ssyncset.done @!p0 $0x0  }
0xed: {  	[sflag:s0] =	ssyncadd.s32 @!p0 s1  }
0xee: {  	[bflag:$0x3] =	sbarrier.arrive $0xFFFF  }
0xef: {  	_ =	shalt  }

// kernel: kernel.20.cloned.1.call-start
scs
__scs_entry_jumppad:
0x0: {  	(pc) =	sbr.rel $0x88, $3  }
0x1: {  	(tag) =	ssettag $0x0;
	lr =	simm.s32 $0x1  }
0x2: {  	[smem:$0x3F82] =	sst lr;
	_ =	strace $0xD0000000  }
0x3: {  	_ = 	snop  }
0x4: {  	_ = 	snop  }
0x5: {  	_ = 	snop  }
0x6: {  	_ = 	snop  }
0x7: {  	_ = 	snop  }
__scs_overlays_trampoline_lowered:
0x8: {  	[smem:$0x3F91] =	sst s0  }
0x9: {  	[smem:$0x3F92] =	sst s1  }
0xa: {  	[smem:$0x3F93] =	sst s2  }
0xb: {  	[smem:$0x3F94] =	sst s3  }
0xc: {  	[smem:$0x3F95] =	sst s4  }
0xd: {  	[smem:$0x3F96] =	sst s5  }
0xe: {  	[smem:$0x3F97] =	sst s6  }
0xf: {  	[smem:$0x3F98] =	sst s7  }
0x10: {  	[smem:$0x3F99] =	sst s8  }
0x11: {  	[smem:$0x3F9A] =	sst s9;
	s0 =	simm.s32 @!p0 $0x0  }
0x12: {  	s1 =	sld [smem:$0x3F80];
	s0 =	simm.s32 @p0 $0x1  }
0x13: {  	[smem:$0x3F9B] =	sst s0;
	s0 =	simm.s32 @!p1 $0x0  }
0x14: {  	s2 =	sld [smem:$0x3F7F];
	s0 =	simm.s32 @p1 $0x1  }
0x15: {  	[smem:$0x3F9C] =	sst s0;
	s0 =	simm.s32 @!p2 $0x0  }
0x16: {  	s3 =	sld [smem:$0x3FDB];
	s0 =	simm.s32 @p2 $0x1  }
0x17: {  	s4 =	simm.s32 $0x1BF5;
	[smem:$0x3F9E] =	sst s0  }
0x18: {  	s0 =	sld [smem:$0x3F81];
	_ =	swait.ge [sflag:s4], $0x0  }
0x19: {  	s7 =	sld [smem:$0x3F82]  }
0x1a: {  	s8 =	sadd.s32 $0xFFFFE003, lr  }
0x1b: {  	s9 =	sadd.s32 $0xFFFFFEF7, lr;
	s5 =	simm.s32 $0xFFFFFFFF;
	p2 =	slt.u32 s8, $0xFFFFF086  }
0x1c: {  	p1 =	slt.u32 s9, $0xF7A;
	s5 =	simm.s32 @!p2 $0x0  }
0x1d: {  	s5 =	simm.s32 @p1 $0x1;
	p0 =	seq.s32 s7, s2  }
0x1e: {  	s7 =	smul.u32 @!p0 $0xF7A, s2;
	p2 =	seq.s32 @!p0 s5, $0x0  }
0x1f: {  	s9 =	smul.u32 $0xF7A, s1;
	s8 =	simm.s32 @!p0 $0x1BF5;
	p2 =	por !p2, p0  }
0x20: {  	[sflag:s8] =	ssyncset.s32 @!p0 $0xFFFFF086;
	s6 =	sadd.s32 @!p0 s3, s7;
	s7 =	simm.s32 @!p0 $0x108  }
0x21: {  	s3 =	sadd.s32 s3, s9;
	s6 =	sadd.s32 @!p0 $0x88, s6;
	s7 =	simm.s32 @p2 $0x1082  }
0x22: {  	[simem:s7], [sflag:s8] =	dma.local @!p0 [hbm:s6], $0xF7A  }
0x23: {  	s9 =	sor.u32 $0xD0000000, s2;
	s6 =	simm.s32 $0x108;
	_ =	swait.ge @!p0 [sflag:s8], $0x0  }
0x24: {  	s3 =	sadd.s32 $0x88, s3;
	s6 =	simm.s32 @!p1 $0x1082;
	[sflag:s4] =	ssyncset.s32 $0xFFFFF086  }
0x25: {  	[simem:s6], [sflag:s4] =	dma.local [hbm:s3], $0xF7A  }
0x26: {  	[smem:$0x3F82] =	sst s1;
	(tag) =	ssettag s2;
	_ =	strace s9  }
0x27: {  	s1 =	sld [smem:$0x3F92]  }
0x28: {  	s2 =	sld [smem:$0x3F93]  }
0x29: {  	s4 =	sld [smem:$0x3F95]  }
0x2a: {  	p0 =	seq.s32 s5, $0x0;
	s5 =	sld [smem:$0x3F96]  }
0x2b: {  	s6 =	sld [smem:$0x3F97]  }
0x2c: {  	s7 =	sld [smem:$0x3F98]  }
0x2d: {  	s3 =	simm.s32 $0x108;
	s8 =	sld [smem:$0x3F99]  }
0x2e: {  	s3 =	simm.s32 @!p0 $0x1082;
	s9 =	sld [smem:$0x3F9A]  }
0x2f: {  	lr =	sadd.s32 s0, s3;
	s0 =	sld [smem:$0x3F91]  }
0x30: {  	s3 =	sld [smem:$0x3F94]  }
0x31: {  	[smem:$0x3F9D] =	sst s10  }
0x32: {  	s10 =	sld [smem:$0x3F9B];
	_ =	sdelay $0x3  }
0x33: {  	p0 =	seq.s32 s10, $0x1;
	s10 =	sld [smem:$0x3F9D];
	_ =	sdelay $0x3  }
0x34: {  	[smem:$0x3F9D] =	sst s10  }
0x35: {  	s10 =	sld [smem:$0x3F9C];
	_ =	sdelay $0x3  }
0x36: {  	p1 =	seq.s32 s10, $0x1;
	s10 =	sld [smem:$0x3F9D];
	_ =	sdelay $0x3  }
0x37: {  	[smem:$0x3F9D] =	sst s10  }
0x38: {  	s10 =	sld [smem:$0x3F9E]  }
0x39: {  	_ = 	snop;
	(pc) =	sbr.ind lr, $3  }
0x3a: {  	_ = 	snop  }
0x3b: {  	_ = 	snop  }
0x3c: {  	p2 =	seq.s32 s10, $0x1;
	s10 =	sld [smem:$0x3F9D]  }
0x3d: {  	_ =	shalt  }
0x3e: {  	_ =	shalt  }
0x3f: {  	_ =	shalt  }
0x40: {  	_ =	shalt  }
0x41: {  	_ =	shalt  }
0x42: {  	_ =	shalt  }
0x43: {  	_ =	shalt  }
0x44: {  	_ =	shalt  }
0x45: {  	_ =	shalt  }
0x46: {  	_ =	shalt  }
0x47: {  	_ =	shalt  }
0x48: {  	_ =	shalt  }
0x49: {  	_ =	shalt  }
0x4a: {  	_ =	shalt  }
0x4b: {  	_ =	shalt  }
0x4c: {  	_ =	shalt  }
0x4d: {  	_ =	shalt  }
0x4e: {  	_ =	shalt  }
0x4f: {  	_ =	shalt  }
0x50: {  	_ =	shalt  }
0x51: {  	_ =	shalt  }
0x52: {  	_ =	shalt  }
0x53: {  	_ =	shalt  }
0x54: {  	_ =	shalt  }
0x55: {  	_ =	shalt  }
0x56: {  	_ =	shalt  }
0x57: {  	_ =	shalt  }
0x58: {  	_ =	shalt  }
0x59: {  	_ =	shalt  }
0x5a: {  	_ =	shalt  }
0x5b: {  	_ =	shalt  }
0x5c: {  	_ =	shalt  }
0x5d: {  	_ =	shalt  }
0x5e: {  	_ =	shalt  }
0x5f: {  	_ =	shalt  }
0x60: {  	_ =	shalt  }
0x61: {  	_ =	shalt  }
0x62: {  	_ =	shalt  }
0x63: {  	_ =	shalt  }
0x64: {  	_ =	shalt  }
0x65: {  	_ =	shalt  }
0x66: {  	_ =	shalt  }
0x67: {  	_ =	shalt  }
0x68: {  	_ =	shalt  }
0x69: {  	_ =	shalt  }
0x6a: {  	_ =	shalt  }
0x6b: {  	_ =	shalt  }
0x6c: {  	_ =	shalt  }
0x6d: {  	_ =	shalt  }
0x6e: {  	_ =	shalt  }
0x6f: {  	_ =	shalt  }
0x70: {  	_ =	shalt  }
0x71: {  	_ =	shalt  }
0x72: {  	_ =	shalt  }
0x73: {  	_ =	shalt  }
0x74: {  	_ =	shalt  }
0x75: {  	_ =	shalt  }
0x76: {  	_ =	shalt  }
0x77: {  	_ =	shalt  }
0x78: {  	_ =	shalt  }
0x79: {  	_ =	shalt  }
0x7a: {  	_ =	shalt  }
0x7b: {  	_ =	shalt  }
0x7c: {  	_ =	shalt  }
0x7d: {  	_ =	shalt  }
0x7e: {  	_ =	shalt  }
0x7f: {  	_ =	shalt  }
0x80: {  	_ =	shalt  }
0x81: {  	_ =	shalt  }
0x82: {  	_ =	shalt  }
0x83: {  	_ =	shalt  }
0x84: {  	_ =	shalt  }
0x85: {  	_ =	shalt  }
0x86: {  	_ =	shalt  }
0x87: {  	_ =	shalt  }
.Lfunc_end0:
.L_simem_size_0:
called_computation.2_lowered:
.L_overlay_start_0:
0x88: {  	s2 =	sld [smem:$0x3FD9]  }
0x89: {  	s3 =	sld [smem:$0x3FFE];
	_ =	sdelay $0x1  }
0x8a: {  	s1 =	srdreg.scid  }
0x8b: {  	s0 =	sand.u32 $0x1, s1  }
0x8c: {  	s16 =	sshll.u32 s0, $0xA;
	s2 =	sadd.s32 s3, s2  }
0x8d: {  	s2 =	sadd.s32 s2, s16  }
0x8e: {  	[smem:$0x3FA9] =	sst s2  }
0x8f: {  	_ = 	snop  }
0x90: {  	(tm) =	ssettm $0x1  }
0x91: {  	s17 =	sld [smem:$0x3FFB];
	_ =	sdelay $0x3  }
0x92: {  	_ =	strace s17  }
0x93: {  	s2 =	sld [smem:$0x3FFC];
	_ =	sdelay $0x3  }
0x94: {  	_ =	strace s2  }
0x95: {  	s2 =	sld [smem:$0x3FFD];
	_ =	sdelay $0x3  }
0x96: {  	_ =	strace s2  }
0x97: {  	_ =	strace $0x8FFFFFFF  }
0x98: {  	s18 =	sld [smem:$0x3FDB];
	_ =	sdelay $0x1  }
0x99: {  	s19 =	simm.s32 $_scs_section_size  }
0x9a: {  	s4 =	simm.s32 $_size__tile_overlayer_lowered;
	s5 =	simm.s32 $_tile_overlayer_lowered  }
0x9b: {  	s22 =	simm.s32 $0x1BFF;
	s21 =	sshll.u32 s5, $0x1;
	s2 =	sadd.s32 s19, s18  }
0x9c: {  	s6 =	simm.s32 $0x0;
	s20 =	sshll.u32 s4, $0x1;
	s4 =	sadd.s32 s21, s2  }
0x9d: {  	[timem:s6], [sflag:s22] =	dma.local [hbm:s4], s20  }
0x9e: {  	_ =	swait.ge [sflag:s22], s20  }
0x9f: {  	s3 =	ssub.s32 $0x0, s20;
	[sflag:s22] =	ssyncset.done $0x0  }
0xa0: {  	[sflag:s22] =	ssyncadd.s32 s3;
	_ =	sdelay $0x1  }
0xa1: {  	s23 =	simm.s32 $0x1B8B  }
0xa2: {  	_ =	swait.ge [sflag:s23], $0x1  }
0xa3: {  	[sflag:s23] =	ssyncset.done $0x0  }
0xa4: {  	s25 =	simm.s32 $0x1B8E;
	s24 =	sld [smem:$0x3FFE];
	[sflag:s23] =	ssyncadd.s32 $0xFFFFFFFF  }
0xa5: {  	s26 =	simm.s32 $execute0_lowered;
	[smem:$0x3FD2] =	sst s25  }
0xa6: {  	s4 =	sshll.u32 s26, $0x1;
	_ =	strace $0x8000004C;
	[dreg:$0x1] =	wrdreg $0xFFFFFFFF  }
0xa7: {  	s28 =	simm.s32 $_size_execute0_lowered;
	s2 =	sadd.s32 s2, s4;
	[dreg:$0x0] =	wrdreg $0x0  }
0xa8: {  	s4 =	sshll.u32 s28, $0x1;
	[dreg:$0x2] =	wrdreg s2  }
0xa9: {  	[dreg:$0x3] =	wrdreg s4  }
0xaa: {  	[dreg:$0x4] =	wrdreg $0xC0  }
0xab: {  	_ =	task [dreg:s6], $0x5FFFF  }
0xac: {  	[dreg:$0x1] =	wrdreg $0xFFFFFFFF  }
0xad: {  	[dreg:$0x0] =	wrdreg $0x60  }
0xae: {  	[dreg:$0x2] =	wrdreg s24  }
0xaf: {  	[dreg:$0x3] =	wrdreg $0x82000  }
0xb0: {  	[dreg:$0x4] =	wrdreg $0x9  }
0xb1: {  	_ =	task.clear_ibuf [dreg:s6], $0x5FFFF;
	_ =	strace $0x9000004C  }
0xb2: {  	s29 =	simm.s32 $0x9;
	_ =	strace $0x8000004E  }
0xb3: {  	_ =	swait.ge [sflag:s29], $0x1  }
0xb4: {  	[sflag:s29] =	ssyncadd.s32 $0xFFFFFFFF  }
0xb5: {  	_ =	strace $0x9000004E  }
0xb6: {  	_ =	sfence  }
0xb7: {  	s30 =	sld [smem:$0x0];
	_ =	sdelay $0x2  }
0xb8: {  	s31 =	sshll.u32 s1, $0xD;
	s1 =	sshrl.u32 s1, $0x2  }
0xb9: {  	s3 =	sand.u32 $0x4000, s31;
	s1 =	sadd.s32 s1, s30  }
0xba: {  	s0 =	sor.u32 s3, s0;
	s1 =	sshll.u32 s1, $0x11  }
0xbb: {  	s0 =	sor.u32 s1, s0  }
0xbc: {  	s0 =	sadd.s32 $0x8F2B, s0  }
0xbd: {  	[sflag:s0] =	ssyncadd.remote.s32 $0x1  }
0xbe: {  	_ =	sfence.sel $0xFFFF  }
0xbf: {  	[dreg:$0x0] =	wrdreg $0xFFFFFFFF;
	(pc) =	sbr.abs _section_cstart, $3  }
0xc0: {  	[dreg:$0x1] =	wrdreg $0xFFFFFFFF  }
0xc1: {  	_ =	task.clear_ibuf [dreg:s6], $0x2FFFF;
	_ =	strace $0x9FFFFFFF  }
0xc2: {  	(tm) =	ssettm $0x7FFFFFFF  }
0xc3: {  	_ =	shalt  }
tec
execute0_lowered:
.L_overlay_start_1:
0x0: {  	(tag) =	ssettag $0x1  }
0x1: {  	s9 =	rddreg [dreg:$0x0]  }
0x2: {  	s1 =	rddreg [dreg:$0x1];
	s2 =	srdreg.scid  }
0x3: {  	s0 =	rddreg [dreg:$0x2];
	s3 =	simm.s32 $0x0;
	s16 =	simm.s32 $0x1  }
0x4: {  	s17 =	simm.s32 $0x80;
	s18 =	simm.s32 $0x200;
	s19 =	simm.s32 $0x100  }
0x5: {  	s20 =	simm.s32 $0x2;
	s21 =	simm.s32 $0x3;
	s25 =	sand.u32 $0x1, s2  }
0x6: {  	s22 =	simm.s32 $0x4200;
	s2 =	stileid.u32;
	s4 =	smul.u32 $0x27100, s25  }
0x7: {  	s23 =	simm.s32 $0x4;
	s24 =	simm.s32 $0x180;
	s5 =	smul.u32 $0xA00, s2  }
0x8: {  	[smem:$0x7FF] =	sst s3;
	s10 =	sadd.s32 $0xFC00, s9;
	s29 =	smul.u32 $0x278, s2  }
0x9: {  	_ =	strace $0x8000004D;
	s6 =	ssub.s32 $0x2, s25;
	s11 =	smul.u32 $0x138800, s25  }
0xa: {  	s31 =	sshll.u32 s2, $0x6;
	p0 =	sne.s32 s25, $0x0;
	s25 =	simm.s32 $0x0  }
0xb: {  	s8 =	sshrl.u32 s6, $0x1;
	s7 =	sadd.s32 s4, s9;
	s13 =	sadd.s32 s5, s9  }
0xc: {  	s4 =	sadd.s32 $0xAC000, s9;
	s5 =	smin.u32 s29, $0x2498;
	s12 =	ssub.s32 s6, s8  }
0xd: {  	s9 =	sadd.s32 $0x1C0000, s9;
	s30 =	sshll.u32 s5, $0x7;
	s5 =	sor.u32 $0x1C05, s31  }
.Ltmp0:
0xe: {  	s6 =	sadd.s32 $0x5C00, s13;
	s11 =	sadd.s32 s11, s30;
	(pc) =	sbr.rel .LBB2_1-.Ltmp0, $4  }
0xf: {  	s7 =	sadd.s32 $0x171E00, s7;
	s14 =	sadd.s32 s30, s1;
	s11 =	sshrl.u32 s11, $0x3  }
0x10: {  	s15 =	sshrl.u32 s30, $0x3;
	s14 =	sshrl.u32 s14, $0x3;
	s8 =	sadd.s32 s10, s11  }
0x11: {  	s10 =	sadd.s32 s10, s15;
	s11 =	smax.u32 s12, $0x1;
	s12 =	sadd.s32 $0x5C20, s13  }
0x12: {  	s13 =	sadd.s32 $0x5C40, s13;
	s15 =	simm.s32 $0x5;
	s10 =	sadd.s32 $0x4E200, s10  }
.LBB2_7:
0x13: {  	s25 =	sadd.s32 $0x1, s25  }
0x14: {  	p1 =	sne.s32 s25, s11  }
.Ltmp1:
0x15: {  	_ = 	snop;
	(pc) =	sbr.rel @!p1 .LBB2_8-.Ltmp1, $1  }
0x16: {  	_ =	sdelay $0x3  }
.LBB2_1:
0x17: {  	[spmem:s14], [sflag:s5] =	dma.local [hbm:s4], $0x2780  }
0x18: {  	_ =	swait.ge [sflag:s15], $0x2780  }
0x19: {  	[sflag:s15] =	ssyncset.done $0x0  }
0x1a: {  	[sflag:s15] =	ssyncadd.s32 $0xFFFFD880  }
0x1b: {  	[bflag:$0x0] =	sbarrier.arrive $0xFFFF  }
0x1c: {  	[tilespmem:s3], [sflag:$0x1] =	stream.linear.gather [hbm4b:s6+s3], $0x100, $0x38;
	[tilespmem:$0x1BAC0] =	vst v63  }
0x1d: {  	_ =	swait.ge [sflag:s16], $0x100  }
0x1e: {  	[sflag:s16] =	ssyncset.done $0x0  }
0x1f: {  	[sflag:s16] =	ssyncadd.s32 $0xFFFFFF00  }
0x20: {  	[tilespmem:s18], [sflag:$0x3] =	stream.indirect.gather [hbm4b:s7+s17], $0x80, s3, s17, $0xb8;
	[tilespmem:$0x1BAC0] =	vst v63  }
0x21: {  	_ = 	snop  }
0x22: {  	[tilespmem:s19], [sflag:$0x2] =	stream.linear.gather [hbm4b:s12+s3], $0x100, $0x38;
	[tilespmem:$0x1BAC0] =	vst v63  }
0x23: {  	_ =	swait.ge [sflag:s20], $0x100  }
0x24: {  	[sflag:s20] =	ssyncset.done $0x0  }
0x25: {  	[sflag:s20] =	ssyncadd.s32 $0xFFFFFF00  }
0x26: {  	_ =	swait.ge [sflag:s21], $0x4000  }
0x27: {  	[sflag:s21] =	ssyncset.done $0x0  }
0x28: {  	[sflag:s21] =	ssyncadd.s32 $0xFFFFC000  }
0x29: {  	[tilespmem:s22], [sflag:$0x4] =	stream.indirect.gather [hbm4b:s7+s17], $0x80, s19, s17, $0xb8;
	[tilespmem:$0x1BAC0] =	vst v63  }
0x2a: {  	_ = 	snop  }
0x2b: {  	[spmem:s1] =	stream.indirect.scatter.add.f32 [tilespmem:s18], [sflag:$0x5], $0x80, s17, s17, $0xb8;
	[tilespmem:$0x1BAC0] =	vst v63  }
0x2c: {  	_ =	swait.ge [sflag:s15], $0x4000  }
0x2d: {  	[sflag:s15] =	ssyncset.done $0x0  }
0x2e: {  	s26 =	simm.s32 $0xFFFFF640;
	[sflag:s15] =	ssyncadd.s32 $0xFFFFC000  }
0x2f: {  	[tilespmem:s3], [sflag:$0x1] =	stream.linear.gather [hbm4b:s13+s3], $0x100, $0x38;
	[tilespmem:$0x1BAC0] =	vst v63  }
.LBB2_2:
0x30: {  	_ =	swait.ge [sflag:s16], $0x100  }
0x31: {  	[sflag:s16] =	ssyncset.done $0x0  }
0x32: {  	[sflag:s16] =	ssyncadd.s32 $0xFFFFFF00  }
0x33: {  	[tilespmem:s18], [sflag:$0x3] =	stream.indirect.gather [hbm4b:s7+s17], $0x80, s3, s17, $0xb8;
	[tilespmem:$0x1BAC0] =	vst v63  }
0x34: {  	_ =	swait.ge [sflag:s23], $0x4000  }
0x35: {  	[sflag:s23] =	ssyncset.done $0x0  }
0x36: {  	[sflag:s23] =	ssyncadd.s32 $0xFFFFC000  }
0x37: {  	[spmem:s1] =	stream.indirect.scatter.add.f32 [tilespmem:s22], [sflag:$0x5], $0x80, s24, s17, $0xb8;
	[tilespmem:$0x1BAC0] =	vst v63  }
0x38: {  	_ =	swait.ge [sflag:s15], $0x4000  }
0x39: {  	s28 =	sadd.s32 s26, s6;
	[sflag:s15] =	ssyncset.done $0x0  }
0x3a: {  	s28 =	sadd.s32 $0xA20, s28;
	[sflag:s15] =	ssyncadd.s32 $0xFFFFC000  }
0x3b: {  	[tilespmem:s19], [sflag:$0x2] =	stream.linear.gather [hbm4b:s28+s3], $0x100, $0x38;
	[tilespmem:$0x1BAC0] =	vst v63  }
0x3c: {  	_ =	swait.ge [sflag:s20], $0x100  }
0x3d: {  	[sflag:s20] =	ssyncset.done $0x0  }
0x3e: {  	[sflag:s20] =	ssyncadd.s32 $0xFFFFFF00  }
0x3f: {  	_ =	swait.ge [sflag:s21], $0x4000  }
0x40: {  	[sflag:s21] =	ssyncset.done $0x0  }
0x41: {  	[sflag:s21] =	ssyncadd.s32 $0xFFFFC000  }
0x42: {  	[tilespmem:s22], [sflag:$0x4] =	stream.indirect.gather [hbm4b:s7+s17], $0x80, s19, s17, $0xb8;
	[tilespmem:$0x1BAC0] =	vst v63  }
0x43: {  	p1 =	seq.s32 s26, $0xFFFFFFC0  }
0x44: {  	[spmem:s1] =	stream.indirect.scatter.add.f32 [tilespmem:s18], [sflag:$0x5], $0x80, s17, s17, $0xb8;
	[tilespmem:$0x1BAC0] =	vst v63  }
0x45: {  	s29 =	simm.s32 @!p1 $0x0;
	_ =	swait.ge [sflag:s15], $0x4000  }
0x46: {  	s28 =	sadd.s32 @!p1 s26, s6;
	s26 =	sadd.s32 @!p1 $0x40, s26;
	[sflag:s15] =	ssyncset.done $0x0  }
0x47: {  	s28 =	sadd.s32 @!p1 $0xA40, s28;
	p2 =	sne.s32 @!p1 s26, $0x0;
	[sflag:s15] =	ssyncadd.s32 $0xFFFFC000  }
0x48: {  	[tilespmem:s29], [sflag:$0x1] =	stream.linear.gather @!p1 [hbm4b:s28+s29], $0x100, $0x38;
	[tilespmem:$0x1BAC0] =	vst v63  }
0x49: {  	p1 =	por p1, !p2  }
.Ltmp2:
0x4a: {  	_ = 	snop;
	(pc) =	sbr.rel @!p1 .LBB2_2-.Ltmp2, $1  }
0x4b: {  	_ =	sdelay $0x3  }
0x4c: {  	_ =	swait.ge [sflag:s23], $0x4000  }
0x4d: {  	[sflag:s23] =	ssyncset.done $0x0  }
0x4e: {  	[sflag:s23] =	ssyncadd.s32 $0xFFFFC000  }
0x4f: {  	[spmem:s1] =	stream.indirect.scatter.add.f32 [tilespmem:s22], [sflag:$0x5], $0x80, s24, s17, $0xb8;
	[tilespmem:$0x1BAC0] =	vst v63  }
0x50: {  	_ =	swait.ge [sflag:s15], $0x4000  }
0x51: {  	[sflag:s15] =	ssyncset.done $0x0  }
0x52: {  	[sflag:s15] =	ssyncadd.s32 $0xFFFFC000  }
0x53: {  	[bflag:$0x0] =	sbarrier.arrive $0xFFFF  }
0x54: {  	[hbm:s8], [sflag:s5] =	dma.local [spmem:s14], $0x2780  }
.Ltmp3:
0x55: {  	_ =	swait.ge [sflag:s15], $0x2780;
	(pc) =	sbr.rel @p0 .LBB2_7-.Ltmp3, $3  }
0x56: {  	[sflag:s15] =	ssyncset.done $0x0  }
0x57: {  	[sflag:s15] =	ssyncadd.s32 $0xFFFFD880  }
0x58: {  	[bflag:$0x0] =	sbarrier.arrive $0xFFFF;
	_ =	sdelay $0x1  }
0x59: {  	[spmem:s14], [sflag:s5] =	dma.local [hbm:s4], $0x2780  }
0x5a: {  	_ =	swait.ge [sflag:s15], $0x2780  }
0x5b: {  	[sflag:s15] =	ssyncset.done $0x0  }
0x5c: {  	[sflag:s15] =	ssyncadd.s32 $0xFFFFD880  }
0x5d: {  	[bflag:$0x0] =	sbarrier.arrive $0xFFFF  }
0x5e: {  	[tilespmem:s3], [sflag:$0x1] =	stream.linear.gather [hbm4b:s6+s3], $0x100, $0x38;
	[tilespmem:$0x1BAC0] =	vst v63  }
0x5f: {  	_ =	swait.ge [sflag:s16], $0x100  }
0x60: {  	[sflag:s16] =	ssyncset.done $0x0  }
0x61: {  	[sflag:s16] =	ssyncadd.s32 $0xFFFFFF00  }
0x62: {  	[tilespmem:s18], [sflag:$0x3] =	stream.indirect.gather [hbm4b:s9+s17], $0x80, s3, s17, $0xb8;
	[tilespmem:$0x1BAC0] =	vst v63  }
0x63: {  	_ = 	snop  }
0x64: {  	[tilespmem:s19], [sflag:$0x2] =	stream.linear.gather [hbm4b:s12+s3], $0x100, $0x38;
	[tilespmem:$0x1BAC0] =	vst v63  }
0x65: {  	_ =	swait.ge [sflag:s20], $0x100  }
0x66: {  	[sflag:s20] =	ssyncset.done $0x0  }
0x67: {  	[sflag:s20] =	ssyncadd.s32 $0xFFFFFF00  }
0x68: {  	_ =	swait.ge [sflag:s21], $0x4000  }
0x69: {  	[sflag:s21] =	ssyncset.done $0x0  }
0x6a: {  	[sflag:s21] =	ssyncadd.s32 $0xFFFFC000  }
0x6b: {  	[tilespmem:s22], [sflag:$0x4] =	stream.indirect.gather [hbm4b:s9+s17], $0x80, s19, s17, $0xb8;
	[tilespmem:$0x1BAC0] =	vst v63  }
0x6c: {  	_ = 	snop  }
0x6d: {  	[spmem:s1] =	stream.indirect.scatter.add.f32 [tilespmem:s18], [sflag:$0x5], $0x80, s17, s17, $0xb8;
	[tilespmem:$0x1BAC0] =	vst v63  }
0x6e: {  	_ =	swait.ge [sflag:s15], $0x4000  }
0x6f: {  	[sflag:s15] =	ssyncset.done $0x0  }
0x70: {  	s26 =	simm.s32 $0xFFFFF640;
	[sflag:s15] =	ssyncadd.s32 $0xFFFFC000  }
0x71: {  	[tilespmem:s3], [sflag:$0x1] =	stream.linear.gather [hbm4b:s13+s3], $0x100, $0x38;
	[tilespmem:$0x1BAC0] =	vst v63  }
.LBB2_5:
0x72: {  	_ =	swait.ge [sflag:s16], $0x100  }
0x73: {  	[sflag:s16] =	ssyncset.done $0x0  }
0x74: {  	[sflag:s16] =	ssyncadd.s32 $0xFFFFFF00  }
0x75: {  	[tilespmem:s18], [sflag:$0x3] =	stream.indirect.gather [hbm4b:s9+s17], $0x80, s3, s17, $0xb8;
	[tilespmem:$0x1BAC0] =	vst v63  }
0x76: {  	_ =	swait.ge [sflag:s23], $0x4000  }
0x77: {  	[sflag:s23] =	ssyncset.done $0x0  }
0x78: {  	[sflag:s23] =	ssyncadd.s32 $0xFFFFC000  }
0x79: {  	[spmem:s1] =	stream.indirect.scatter.add.f32 [tilespmem:s22], [sflag:$0x5], $0x80, s24, s17, $0xb8;
	[tilespmem:$0x1BAC0] =	vst v63  }
0x7a: {  	_ =	swait.ge [sflag:s15], $0x4000  }
0x7b: {  	s28 =	sadd.s32 s26, s6;
	[sflag:s15] =	ssyncset.done $0x0  }
0x7c: {  	s28 =	sadd.s32 $0xA20, s28;
	[sflag:s15] =	ssyncadd.s32 $0xFFFFC000  }
0x7d: {  	[tilespmem:s19], [sflag:$0x2] =	stream.linear.gather [hbm4b:s28+s3], $0x100, $0x38;
	[tilespmem:$0x1BAC0] =	vst v63  }
0x7e: {  	_ =	swait.ge [sflag:s20], $0x100  }
0x7f: {  	[sflag:s20] =	ssyncset.done $0x0  }
0x80: {  	[sflag:s20] =	ssyncadd.s32 $0xFFFFFF00  }
0x81: {  	_ =	swait.ge [sflag:s21], $0x4000  }
0x82: {  	[sflag:s21] =	ssyncset.done $0x0  }
0x83: {  	[sflag:s21] =	ssyncadd.s32 $0xFFFFC000  }
0x84: {  	[tilespmem:s22], [sflag:$0x4] =	stream.indirect.gather [hbm4b:s9+s17], $0x80, s19, s17, $0xb8;
	[tilespmem:$0x1BAC0] =	vst v63  }
0x85: {  	p1 =	seq.s32 s26, $0xFFFFFFC0  }
0x86: {  	[spmem:s1] =	stream.indirect.scatter.add.f32 [tilespmem:s18], [sflag:$0x5], $0x80, s17, s17, $0xb8;
	[tilespmem:$0x1BAC0] =	vst v63  }
0x87: {  	s29 =	simm.s32 @!p1 $0x0;
	_ =	swait.ge [sflag:s15], $0x4000  }
0x88: {  	s28 =	sadd.s32 @!p1 s26, s6;
	s26 =	sadd.s32 @!p1 $0x40, s26;
	[sflag:s15] =	ssyncset.done $0x0  }
0x89: {  	s28 =	sadd.s32 @!p1 $0xA40, s28;
	p2 =	sne.s32 @!p1 s26, $0x0;
	[sflag:s15] =	ssyncadd.s32 $0xFFFFC000  }
0x8a: {  	[tilespmem:s29], [sflag:$0x1] =	stream.linear.gather @!p1 [hbm4b:s28+s29], $0x100, $0x38;
	[tilespmem:$0x1BAC0] =	vst v63  }
0x8b: {  	p1 =	por p1, !p2  }
.Ltmp4:
0x8c: {  	_ = 	snop;
	(pc) =	sbr.rel @!p1 .LBB2_5-.Ltmp4, $1  }
0x8d: {  	_ =	sdelay $0x3  }
0x8e: {  	_ =	swait.ge [sflag:s23], $0x4000  }
0x8f: {  	[sflag:s23] =	ssyncset.done $0x0  }
0x90: {  	[sflag:s23] =	ssyncadd.s32 $0xFFFFC000  }
0x91: {  	[spmem:s1] =	stream.indirect.scatter.add.f32 [tilespmem:s22], [sflag:$0x5], $0x80, s24, s17, $0xb8;
	[tilespmem:$0x1BAC0] =	vst v63  }
0x92: {  	_ =	swait.ge [sflag:s15], $0x4000  }
0x93: {  	[sflag:s15] =	ssyncset.done $0x0  }
0x94: {  	[sflag:s15] =	ssyncadd.s32 $0xFFFFC000  }
0x95: {  	[bflag:$0x0] =	sbarrier.arrive $0xFFFF  }
0x96: {  	[hbm:s10], [sflag:s5] =	dma.local [spmem:s14], $0x2780  }
.Ltmp5:
0x97: {  	_ =	swait.ge [sflag:s15], $0x2780;
	(pc) =	sbr.rel .LBB2_7-.Ltmp5, $3  }
0x98: {  	[sflag:s15] =	ssyncset.done $0x0  }
0x99: {  	[sflag:s15] =	ssyncadd.s32 $0xFFFFD880  }
0x9a: {  	[bflag:$0x0] =	sbarrier.arrive $0xFFFF;
	_ =	sdelay $0x1  }
.LBB2_8:
0x9b: {  	_ =	sfence.sel $0x180000  }
0x9c: {  	[bflag:$0x0] =	sbarrier.arrive $0xFFFF  }
0x9d: {  	p0 =	sne.s32 s2, $0x0;
	_ =	strace $0x9000004D  }
0x9e: {  	s0 =	sadd.s32 @!p0 $0x100000, s0;
	[bflag:$0x2] =	sbarrier.arrive $0xFFFF  }
0x9f: {  	[sflag:s0] =	ssyncadd.tile.s32 @!p0 $0x1;
	_ =	shalt  }
.Lfunc_end2:
_tile_overlayer_lowered:
.L_overlay_start_2:
0xa0: {  	(tag) =	ssettag $0x2  }
0xa1: {  	s0 =	rddreg [dreg:$0x0];
	s2 =	stileid.u32  }
0xa2: {  	s1 =	rddreg [dreg:$0x1];
	p0 =	sne.s32 s2, $0x0  }
0xa3: {  	s3 =	rddreg [dreg:$0x2];
	[bflag:$0x3] =	sbarrier.arrive $0xFFFF;
	s2 =	simm.s32 @!p0 $0x1C05  }
0xa4: {  	[timem:s3], [sflag:s2] =	dma.local @!p0 [hbm:s0], s1  }
0xa5: {  	s0 =	simm.s32 @!p0 $0x5  }
0xa6: {  	_ =	swait.ge @!p0 [sflag:s0], s1  }
0xa7: {  	s1 =	ssub.s32 @!p0 $0x0, s1;
	[sflag:s0] =	ssyncset.done @!p0 $0x0  }
0xa8: {  	[sflag:s0] =	ssyncadd.s32 @!p0 s1  }
0xa9: {  	[bflag:$0x3] =	sbarrier.arrive $0xFFFF  }
0xaa: {  	_ =	shalt  }

// kernel: kernel.23.cloned.1.call-start
scs
__scs_entry_jumppad:
0x0: {  	(pc) =	sbr.rel $0x88, $3  }
0x1: {  	(tag) =	ssettag $0x0;
	lr =	simm.s32 $0x1  }
0x2: {  	[smem:$0x3F82] =	sst lr;
	_ =	strace $0xD0000000  }
0x3: {  	_ = 	snop  }
0x4: {  	_ = 	snop  }
0x5: {  	_ = 	snop  }
0x6: {  	_ = 	snop  }
0x7: {  	_ = 	snop  }
__scs_overlays_trampoline_lowered:
0x8: {  	[smem:$0x3F91] =	sst s0  }
0x9: {  	[smem:$0x3F92] =	sst s1  }
0xa: {  	[smem:$0x3F93] =	sst s2  }
0xb: {  	[smem:$0x3F94] =	sst s3  }
0xc: {  	[smem:$0x3F95] =	sst s4  }
0xd: {  	[smem:$0x3F96] =	sst s5  }
0xe: {  	[smem:$0x3F97] =	sst s6  }
0xf: {  	[smem:$0x3F98] =	sst s7  }
0x10: {  	[smem:$0x3F99] =	sst s8  }
0x11: {  	[smem:$0x3F9A] =	sst s9;
	s0 =	simm.s32 @!p0 $0x0  }
0x12: {  	s1 =	sld [smem:$0x3F80];
	s0 =	simm.s32 @p0 $0x1  }
0x13: {  	[smem:$0x3F9B] =	sst s0;
	s0 =	simm.s32 @!p1 $0x0  }
0x14: {  	s2 =	sld [smem:$0x3F7F];
	s0 =	simm.s32 @p1 $0x1  }
0x15: {  	[smem:$0x3F9C] =	sst s0;
	s0 =	simm.s32 @!p2 $0x0  }
0x16: {  	s3 =	sld [smem:$0x3FDB];
	s0 =	simm.s32 @p2 $0x1  }
0x17: {  	s4 =	simm.s32 $0x1BF5;
	[smem:$0x3F9E] =	sst s0  }
0x18: {  	s0 =	sld [smem:$0x3F81];
	_ =	swait.ge [sflag:s4], $0x0  }
0x19: {  	s7 =	sld [smem:$0x3F82]  }
0x1a: {  	s8 =	sadd.s32 $0xFFFFE003, lr  }
0x1b: {  	s9 =	sadd.s32 $0xFFFFFEF7, lr;
	s5 =	simm.s32 $0xFFFFFFFF;
	p2 =	slt.u32 s8, $0xFFFFF086  }
0x1c: {  	p1 =	slt.u32 s9, $0xF7A;
	s5 =	simm.s32 @!p2 $0x0  }
0x1d: {  	s5 =	simm.s32 @p1 $0x1;
	p0 =	seq.s32 s7, s2  }
0x1e: {  	s7 =	smul.u32 @!p0 $0xF7A, s2;
	p2 =	seq.s32 @!p0 s5, $0x0  }
0x1f: {  	s9 =	smul.u32 $0xF7A, s1;
	s8 =	simm.s32 @!p0 $0x1BF5;
	p2 =	por !p2, p0  }
0x20: {  	[sflag:s8] =	ssyncset.s32 @!p0 $0xFFFFF086;
	s6 =	sadd.s32 @!p0 s3, s7;
	s7 =	simm.s32 @!p0 $0x108  }
0x21: {  	s3 =	sadd.s32 s3, s9;
	s6 =	sadd.s32 @!p0 $0x88, s6;
	s7 =	simm.s32 @p2 $0x1082  }
0x22: {  	[simem:s7], [sflag:s8] =	dma.local @!p0 [hbm:s6], $0xF7A  }
0x23: {  	s9 =	sor.u32 $0xD0000000, s2;
	s6 =	simm.s32 $0x108;
	_ =	swait.ge @!p0 [sflag:s8], $0x0  }
0x24: {  	s3 =	sadd.s32 $0x88, s3;
	s6 =	simm.s32 @!p1 $0x1082;
	[sflag:s4] =	ssyncset.s32 $0xFFFFF086  }
0x25: {  	[simem:s6], [sflag:s4] =	dma.local [hbm:s3], $0xF7A  }
0x26: {  	[smem:$0x3F82] =	sst s1;
	(tag) =	ssettag s2;
	_ =	strace s9  }
0x27: {  	s1 =	sld [smem:$0x3F92]  }
0x28: {  	s2 =	sld [smem:$0x3F93]  }
0x29: {  	s4 =	sld [smem:$0x3F95]  }
0x2a: {  	p0 =	seq.s32 s5, $0x0;
	s5 =	sld [smem:$0x3F96]  }
0x2b: {  	s6 =	sld [smem:$0x3F97]  }
0x2c: {  	s7 =	sld [smem:$0x3F98]  }
0x2d: {  	s3 =	simm.s32 $0x108;
	s8 =	sld [smem:$0x3F99]  }
0x2e: {  	s3 =	simm.s32 @!p0 $0x1082;
	s9 =	sld [smem:$0x3F9A]  }
0x2f: {  	lr =	sadd.s32 s0, s3;
	s0 =	sld [smem:$0x3F91]  }
0x30: {  	s3 =	sld [smem:$0x3F94]  }
0x31: {  	[smem:$0x3F9D] =	sst s10  }
0x32: {  	s10 =	sld [smem:$0x3F9B];
	_ =	sdelay $0x3  }
0x33: {  	p0 =	seq.s32 s10, $0x1;
	s10 =	sld [smem:$0x3F9D];
	_ =	sdelay $0x3  }
0x34: {  	[smem:$0x3F9D] =	sst s10  }
0x35: {  	s10 =	sld [smem:$0x3F9C];
	_ =	sdelay $0x3  }
0x36: {  	p1 =	seq.s32 s10, $0x1;
	s10 =	sld [smem:$0x3F9D];
	_ =	sdelay $0x3  }
0x37: {  	[smem:$0x3F9D] =	sst s10  }
0x38: {  	s10 =	sld [smem:$0x3F9E]  }
0x39: {  	_ = 	snop;
	(pc) =	sbr.ind lr, $3  }
0x3a: {  	_ = 	snop  }
0x3b: {  	_ = 	snop  }
0x3c: {  	p2 =	seq.s32 s10, $0x1;
	s10 =	sld [smem:$0x3F9D]  }
0x3d: {  	_ =	shalt  }
0x3e: {  	_ =	shalt  }
0x3f: {  	_ =	shalt  }
0x40: {  	_ =	shalt  }
0x41: {  	_ =	shalt  }
0x42: {  	_ =	shalt  }
0x43: {  	_ =	shalt  }
0x44: {  	_ =	shalt  }
0x45: {  	_ =	shalt  }
0x46: {  	_ =	shalt  }
0x47: {  	_ =	shalt  }
0x48: {  	_ =	shalt  }
0x49: {  	_ =	shalt  }
0x4a: {  	_ =	shalt  }
0x4b: {  	_ =	shalt  }
0x4c: {  	_ =	shalt  }
0x4d: {  	_ =	shalt  }
0x4e: {  	_ =	shalt  }
0x4f: {  	_ =	shalt  }
0x50: {  	_ =	shalt  }
0x51: {  	_ =	shalt  }
0x52: {  	_ =	shalt  }
0x53: {  	_ =	shalt  }
0x54: {  	_ =	shalt  }
0x55: {  	_ =	shalt  }
0x56: {  	_ =	shalt  }
0x57: {  	_ =	shalt  }
0x58: {  	_ =	shalt  }
0x59: {  	_ =	shalt  }
0x5a: {  	_ =	shalt  }
0x5b: {  	_ =	shalt  }
0x5c: {  	_ =	shalt  }
0x5d: {  	_ =	shalt  }
0x5e: {  	_ =	shalt  }
0x5f: {  	_ =	shalt  }
0x60: {  	_ =	shalt  }
0x61: {  	_ =	shalt  }
0x62: {  	_ =	shalt  }
0x63: {  	_ =	shalt  }
0x64: {  	_ =	shalt  }
0x65: {  	_ =	shalt  }
0x66: {  	_ =	shalt  }
0x67: {  	_ =	shalt  }
0x68: {  	_ =	shalt  }
0x69: {  	_ =	shalt  }
0x6a: {  	_ =	shalt  }
0x6b: {  	_ =	shalt  }
0x6c: {  	_ =	shalt  }
0x6d: {  	_ =	shalt  }
0x6e: {  	_ =	shalt  }
0x6f: {  	_ =	shalt  }
0x70: {  	_ =	shalt  }
0x71: {  	_ =	shalt  }
0x72: {  	_ =	shalt  }
0x73: {  	_ =	shalt  }
0x74: {  	_ =	shalt  }
0x75: {  	_ =	shalt  }
0x76: {  	_ =	shalt  }
0x77: {  	_ =	shalt  }
0x78: {  	_ =	shalt  }
0x79: {  	_ =	shalt  }
0x7a: {  	_ =	shalt  }
0x7b: {  	_ =	shalt  }
0x7c: {  	_ =	shalt  }
0x7d: {  	_ =	shalt  }
0x7e: {  	_ =	shalt  }
0x7f: {  	_ =	shalt  }
0x80: {  	_ =	shalt  }
0x81: {  	_ =	shalt  }
0x82: {  	_ =	shalt  }
0x83: {  	_ =	shalt  }
0x84: {  	_ =	shalt  }
0x85: {  	_ =	shalt  }
0x86: {  	_ =	shalt  }
0x87: {  	_ =	shalt  }
.Lfunc_end0:
.L_simem_size_0:
called_computation.3_lowered:
.L_overlay_start_0:
0x88: {  	s2 =	sld [smem:$0x3FD9]  }
0x89: {  	s3 =	sld [smem:$0x3FFE];
	_ =	sdelay $0x1  }
0x8a: {  	s1 =	srdreg.scid  }
0x8b: {  	s0 =	sand.u32 $0x1, s1  }
0x8c: {  	s16 =	sshll.u32 s0, $0xA;
	s2 =	sadd.s32 s3, s2  }
0x8d: {  	s2 =	sadd.s32 s2, s16  }
0x8e: {  	[smem:$0x3FA9] =	sst s2  }
0x8f: {  	_ = 	snop  }
0x90: {  	(tm) =	ssettm $0x1  }
0x91: {  	s17 =	sld [smem:$0x3FFB];
	_ =	sdelay $0x3  }
0x92: {  	_ =	strace s17  }
0x93: {  	s2 =	sld [smem:$0x3FFC];
	_ =	sdelay $0x3  }
0x94: {  	_ =	strace s2  }
0x95: {  	s2 =	sld [smem:$0x3FFD];
	_ =	sdelay $0x3  }
0x96: {  	_ =	strace s2  }
0x97: {  	_ =	strace $0x8FFFFFFF  }
0x98: {  	s18 =	sld [smem:$0x3FDB];
	_ =	sdelay $0x1  }
0x99: {  	s19 =	simm.s32 $_scs_section_size  }
0x9a: {  	s4 =	simm.s32 $_size__tile_overlayer_lowered;
	s5 =	simm.s32 $_tile_overlayer_lowered  }
0x9b: {  	s22 =	simm.s32 $0x1BFF;
	s21 =	sshll.u32 s5, $0x1;
	s2 =	sadd.s32 s19, s18  }
0x9c: {  	s6 =	simm.s32 $0x0;
	s20 =	sshll.u32 s4, $0x1;
	s4 =	sadd.s32 s21, s2  }
0x9d: {  	[timem:s6], [sflag:s22] =	dma.local [hbm:s4], s20  }
0x9e: {  	_ =	swait.ge [sflag:s22], s20  }
0x9f: {  	s3 =	ssub.s32 $0x0, s20;
	[sflag:s22] =	ssyncset.done $0x0  }
0xa0: {  	[sflag:s22] =	ssyncadd.s32 s3;
	_ =	sdelay $0x1  }
0xa1: {  	s23 =	simm.s32 $0x1B8B  }
0xa2: {  	_ =	swait.ge [sflag:s23], $0x1  }
0xa3: {  	[sflag:s23] =	ssyncset.done $0x0  }
0xa4: {  	s25 =	simm.s32 $0x1B8E;
	s24 =	sld [smem:$0x3FFE];
	[sflag:s23] =	ssyncadd.s32 $0xFFFFFFFF  }
0xa5: {  	s26 =	simm.s32 $execute0_lowered;
	[smem:$0x3FD2] =	sst s25  }
0xa6: {  	s4 =	sshll.u32 s26, $0x1;
	_ =	strace $0x8000004F;
	[dreg:$0x1] =	wrdreg $0xFFFFFFFF  }
0xa7: {  	s28 =	simm.s32 $_size_execute0_lowered;
	s2 =	sadd.s32 s2, s4;
	[dreg:$0x0] =	wrdreg $0x0  }
0xa8: {  	s4 =	sshll.u32 s28, $0x1;
	[dreg:$0x2] =	wrdreg s2  }
0xa9: {  	[dreg:$0x3] =	wrdreg s4  }
0xaa: {  	[dreg:$0x4] =	wrdreg $0xC0  }
0xab: {  	_ =	task [dreg:s6], $0x5FFFF  }
0xac: {  	[dreg:$0x1] =	wrdreg $0xFFFFFFFF  }
0xad: {  	[dreg:$0x0] =	wrdreg $0x60  }
0xae: {  	[dreg:$0x2] =	wrdreg s24  }
0xaf: {  	[dreg:$0x3] =	wrdreg $0x9  }
0xb0: {  	_ =	task.clear_ibuf [dreg:s6], $0x4FFFF;
	_ =	strace $0x9000004F  }
0xb1: {  	s29 =	simm.s32 $0x9;
	_ =	strace $0x80000051  }
0xb2: {  	_ =	swait.ge [sflag:s29], $0x1  }
0xb3: {  	[sflag:s29] =	ssyncadd.s32 $0xFFFFFFFF  }
0xb4: {  	_ =	strace $0x90000051  }
0xb5: {  	_ =	sfence  }
0xb6: {  	s30 =	sld [smem:$0x0];
	_ =	sdelay $0x2  }
0xb7: {  	s31 =	sshll.u32 s1, $0xD;
	s1 =	sshrl.u32 s1, $0x2  }
0xb8: {  	s3 =	sand.u32 $0x4000, s31;
	s1 =	sadd.s32 s1, s30  }
0xb9: {  	s0 =	sor.u32 s3, s0;
	s1 =	sshll.u32 s1, $0x11  }
0xba: {  	s0 =	sor.u32 s1, s0  }
0xbb: {  	s0 =	sadd.s32 $0x8F2B, s0  }
0xbc: {  	[sflag:s0] =	ssyncadd.remote.s32 $0x1  }
0xbd: {  	_ =	sfence.sel $0xFFFF  }
0xbe: {  	[dreg:$0x0] =	wrdreg $0xFFFFFFFF;
	(pc) =	sbr.abs _section_cstart, $3  }
0xbf: {  	[dreg:$0x1] =	wrdreg $0xFFFFFFFF  }
0xc0: {  	_ =	task.clear_ibuf [dreg:s6], $0x2FFFF;
	_ =	strace $0x9FFFFFFF  }
0xc1: {  	(tm) =	ssettm $0x7FFFFFFF  }
tec
execute0_lowered:
.L_overlay_start_1:
0x0: {  	(tag) =	ssettag $0x1  }
0x1: {  	s0 =	rddreg [dreg:$0x0]  }
0x2: {  	s1 =	simm.s32 $0x0;
	s2 =	srdreg.scid;
	s5 =	stileid.u32  }
0x3: {  	s14 =	simm.s32 $0x1;
	s16 =	simm.s32 $0x880;
	s17 =	simm.s32 $0x1080  }
0x4: {  	s18 =	simm.s32 $0x1880;
	s19 =	simm.s32 $0x2080;
	s20 =	simm.s32 $0x2880  }
0x5: {  	s21 =	simm.s32 $0x3080;
	s28 =	simm.s32 $0x6080;
	s29 =	simm.s32 $0x6880  }
0x6: {  	s30 =	simm.s32 $0x7080;
	s31 =	simm.s32 $0x7880;
	s9 =	simm.s32 $0x9880  }
0x7: {  	s10 =	simm.s32 $0xA080;
	s11 =	simm.s32 $0xA880;
	s12 =	simm.s32 $0xB080  }
0x8: {  	s13 =	simm.s32 $0xB880;
	[smem:$0x7FF] =	sst s1;
	s3 =	sadd.s32 $0x85400, s0  }
0x9: {  	s2 =	sand.u32 $0x1, s2;
	s5 =	sshll.u32 s5, $0x9;
	s6 =	sadd.s32 $0x85000, s0  }
0xa: {  	s22 =	sadd.s32 $0x121800, s0;
	s4 =	ssub.s32 $0x2, s2;
	s2 =	sshll.u32 s2, $0x8  }
0xb: {  	_ =	strace $0x80000050;
	s7 =	sshrl.u32 s4, $0x1;
	s2 =	sor.u32 s2, s5  }
0xc: {  	s7 =	ssub.s32 s4, s7;
	s23 =	sshrl.u32 s2, $0x3;
	s8 =	sshll.u32 s2, $0x6  }
0xd: {  	s2 =	sor.u32 $0x80, s2;
	s4 =	sadd.s32 s6, s23;
	s24 =	sadd.s32 s22, s8  }
0xe: {  	s25 =	sshrl.u32 s2, $0x3;
	s2 =	sshll.u32 s2, $0x6;
	s5 =	smax.u32 s7, $0x1  }
0xf: {  	s23 =	simm.s32 $0x4080;
	s8 =	simm.s32 $0x9080;
	[dreg:$0x2] =	wrdreg s4  }
0x10: {  	s7 =	simm.s32 $0xC080;
	[dreg:$0x3] =	wrdreg s24;
	s6 =	sadd.s32 s6, s25  }
0x11: {  	v2 =	vlaneseq.u32;
	s4 =	sadd.s32 $0x85500, s0;
	s26 =	sadd.s32 s22, s2;
	s22 =	simm.s32 $0x3880  }
0x12: {  	vm0 =	vmmov $0xffff;
	v1 =	vshrl.u32 v2, $0x3;
	s24 =	simm.s32 $0x4880;
	s25 =	simm.s32 $0x5080;
	[dreg:$0x4] =	wrdreg s6  }
0x13: {  	v0 =	vand.u32 $0x7, v2;
	v2 =	vor.u32 $0x8, v2;
	v1 =	vmul.u32 $0x8, v1;
	[dreg:$0x5] =	wrdreg s26;
	s6 =	simm.s32 $0x2;
	s26 =	simm.s32 $0x5880  }
.LBB2_1:
0x14: {  	s15 =	rddreg [dreg:$0x2]  }
0x15: {  	[tilespmem:s1], [sflag:$0x2] =	stream.linear.gather [hbm4b:s15+s1], $0x80, $0x38;
	[tilespmem:$0x10080] =	vst v63  }
0x16: {  	_ =	swait.ge [sflag:s6], $0x80  }
0x17: {  	[sflag:s6] =	ssyncset.done $0x0  }
0x18: {  	[sflag:s6] =	ssyncadd.s32 $0xFFFFFF80  }
0x19: {  	v3 =	vld [tilespmem:$0x0];
	_ =	sdelay $0x4  }
0x1a: {  	v4 =	vshll.u32 v3, $0x2  }
0x1b: {  	v3 =	vand.u32 $0x7, v3;
	v4 =	vand.u32 $0xFFFFFFE0, v4  }
0x1c: {  	v3 =	vor.u32 v3, v4  }
0x1d: {  	v4 =	vperm.xlane v3, v0;
	_ =	sdelay $0x1  }
0x1e: {  	v4 =	vadd.s32 v1, v4;
	_ =	sdelay $0x1  }
0x1f: {  	v3 =	vperm.xlane v3, v2;
	_ =	sdelay $0x1  }
0x20: {  	s0 =	simm.s32 $0x80;
	v3 =	vadd.s32 v1, v3  }
0x21: {  	[tilespmem:s0], [sflag:$0x1] =	stream.indirect_vreg.gather [hbm4b:s3+s1], $0x80, v4, vm0, $0xb8;
	[tilespmem:$0x10080] =	vst v63  }
0x22: {  	_ = 	snop  }
0x23: {  	[tilespmem:s16], [sflag:$0x1] =	stream.indirect_vreg.gather [hbm4b:s4+s1], $0x80, v4, vm0, $0xb8;
	[tilespmem:$0x10080] =	vst v63  }
0x24: {  	_ = 	snop  }
0x25: {  	[tilespmem:s17], [sflag:$0x1] =	stream.indirect_vreg.gather [hbm4b:s3+s1], $0x80, v3, vm0, $0xb8;
	[tilespmem:$0x10080] =	vst v63  }
0x26: {  	_ = 	snop  }
0x27: {  	[tilespmem:s18], [sflag:$0x1] =	stream.indirect_vreg.gather [hbm4b:s4+s1], $0x80, v3, vm0, $0xb8;
	[tilespmem:$0x10080] =	vst v63  }
0x28: {  	v3 =	vld [tilespmem:$0x10];
	_ =	sdelay $0x4  }
0x29: {  	v49 =	vshll.u32 v3, $0x2  }
0x2a: {  	v3 =	vand.u32 $0x7, v3;
	v4 =	vand.u32 $0xFFFFFFE0, v49  }
0x2b: {  	v3 =	vor.u32 v3, v4  }
0x2c: {  	v4 =	vperm.xlane v3, v0;
	_ =	sdelay $0x1  }
0x2d: {  	v4 =	vadd.s32 v1, v4;
	_ =	sdelay $0x1  }
0x2e: {  	v3 =	vperm.xlane v3, v2;
	_ =	sdelay $0x1  }
0x2f: {  	v3 =	vadd.s32 v1, v3  }
0x30: {  	[tilespmem:s19], [sflag:$0x1] =	stream.indirect_vreg.gather [hbm4b:s3+s1], $0x80, v4, vm0, $0xb8;
	[tilespmem:$0x10080] =	vst v63  }
0x31: {  	_ = 	snop  }
0x32: {  	[tilespmem:s20], [sflag:$0x1] =	stream.indirect_vreg.gather [hbm4b:s4+s1], $0x80, v4, vm0, $0xb8;
	[tilespmem:$0x10080] =	vst v63  }
0x33: {  	_ = 	snop  }
0x34: {  	[tilespmem:s21], [sflag:$0x1] =	stream.indirect_vreg.gather [hbm4b:s3+s1], $0x80, v3, vm0, $0xb8;
	[tilespmem:$0x10080] =	vst v63  }
0x35: {  	_ = 	snop  }
0x36: {  	[tilespmem:s22], [sflag:$0x1] =	stream.indirect_vreg.gather [hbm4b:s4+s1], $0x80, v3, vm0, $0xb8;
	[tilespmem:$0x10080] =	vst v63  }
0x37: {  	v3 =	vld [tilespmem:$0x20];
	_ =	sdelay $0x4  }
0x38: {  	v50 =	vshll.u32 v3, $0x2  }
0x39: {  	v3 =	vand.u32 $0x7, v3;
	v4 =	vand.u32 $0xFFFFFFE0, v50  }
0x3a: {  	v3 =	vor.u32 v3, v4  }
0x3b: {  	v4 =	vperm.xlane v3, v0;
	_ =	sdelay $0x1  }
0x3c: {  	v4 =	vadd.s32 v1, v4;
	_ =	sdelay $0x1  }
0x3d: {  	v3 =	vperm.xlane v3, v2;
	_ =	sdelay $0x1  }
0x3e: {  	v3 =	vadd.s32 v1, v3  }
0x3f: {  	[tilespmem:s23], [sflag:$0x1] =	stream.indirect_vreg.gather [hbm4b:s3+s1], $0x80, v4, vm0, $0xb8;
	[tilespmem:$0x10080] =	vst v63  }
0x40: {  	_ = 	snop  }
0x41: {  	[tilespmem:s24], [sflag:$0x1] =	stream.indirect_vreg.gather [hbm4b:s4+s1], $0x80, v4, vm0, $0xb8;
	[tilespmem:$0x10080] =	vst v63  }
0x42: {  	_ = 	snop  }
0x43: {  	[tilespmem:s25], [sflag:$0x1] =	stream.indirect_vreg.gather [hbm4b:s3+s1], $0x80, v3, vm0, $0xb8;
	[tilespmem:$0x10080] =	vst v63  }
0x44: {  	_ = 	snop  }
0x45: {  	[tilespmem:s26], [sflag:$0x1] =	stream.indirect_vreg.gather [hbm4b:s4+s1], $0x80, v3, vm0, $0xb8;
	[tilespmem:$0x10080] =	vst v63  }
0x46: {  	v3 =	vld [tilespmem:$0x30];
	_ =	sdelay $0x4  }
0x47: {  	v51 =	vshll.u32 v3, $0x2  }
0x48: {  	v3 =	vand.u32 $0x7, v3;
	v4 =	vand.u32 $0xFFFFFFE0, v51  }
0x49: {  	v3 =	vor.u32 v3, v4  }
0x4a: {  	v4 =	vperm.xlane v3, v0;
	_ =	sdelay $0x1  }
0x4b: {  	v4 =	vadd.s32 v1, v4;
	_ =	sdelay $0x1  }
0x4c: {  	v3 =	vperm.xlane v3, v2;
	_ =	sdelay $0x1  }
0x4d: {  	v3 =	vadd.s32 v1, v3  }
0x4e: {  	[tilespmem:s28], [sflag:$0x1] =	stream.indirect_vreg.gather [hbm4b:s3+s1], $0x80, v4, vm0, $0xb8;
	[tilespmem:$0x10080] =	vst v63  }
0x4f: {  	_ = 	snop  }
0x50: {  	[tilespmem:s29], [sflag:$0x1] =	stream.indirect_vreg.gather [hbm4b:s4+s1], $0x80, v4, vm0, $0xb8;
	[tilespmem:$0x10080] =	vst v63  }
0x51: {  	_ = 	snop  }
0x52: {  	[tilespmem:s30], [sflag:$0x1] =	stream.indirect_vreg.gather [hbm4b:s3+s1], $0x80, v3, vm0, $0xb8;
	[tilespmem:$0x10080] =	vst v63  }
0x53: {  	_ = 	snop  }
0x54: {  	[tilespmem:s31], [sflag:$0x1] =	stream.indirect_vreg.gather [hbm4b:s4+s1], $0x80, v3, vm0, $0xb8;
	[tilespmem:$0x10080] =	vst v63  }
0x55: {  	v3 =	vld [tilespmem:$0x40];
	_ =	sdelay $0x4  }
0x56: {  	v52 =	vshll.u32 v3, $0x2  }
0x57: {  	v3 =	vand.u32 $0x7, v3;
	v4 =	vand.u32 $0xFFFFFFE0, v52  }
0x58: {  	v3 =	vor.u32 v3, v4  }
0x59: {  	v4 =	vperm.xlane v3, v0;
	_ =	sdelay $0x1  }
0x5a: {  	v4 =	vadd.s32 v1, v4;
	_ =	sdelay $0x1  }
0x5b: {  	v3 =	vperm.xlane v3, v2;
	_ =	sdelay $0x1  }
0x5c: {  	s2 =	simm.s32 $0x8080;
	v3 =	vadd.s32 v1, v3  }
0x5d: {  	[tilespmem:s2], [sflag:$0x1] =	stream.indirect_vreg.gather [hbm4b:s3+s1], $0x80, v4, vm0, $0xb8;
	[tilespmem:$0x10080] =	vst v63  }
0x5e: {  	s2 =	simm.s32 $0x8880  }
0x5f: {  	[tilespmem:s2], [sflag:$0x1] =	stream.indirect_vreg.gather [hbm4b:s4+s1], $0x80, v4, vm0, $0xb8;
	[tilespmem:$0x10080] =	vst v63  }
0x60: {  	_ = 	snop  }
0x61: {  	[tilespmem:s8], [sflag:$0x1] =	stream.indirect_vreg.gather [hbm4b:s3+s1], $0x80, v3, vm0, $0xb8;
	[tilespmem:$0x10080] =	vst v63  }
0x62: {  	_ = 	snop  }
0x63: {  	[tilespmem:s9], [sflag:$0x1] =	stream.indirect_vreg.gather [hbm4b:s4+s1], $0x80, v3, vm0, $0xb8;
	[tilespmem:$0x10080] =	vst v63  }
0x64: {  	v3 =	vld [tilespmem:$0x50];
	_ =	sdelay $0x4  }
0x65: {  	v53 =	vshll.u32 v3, $0x2  }
0x66: {  	v3 =	vand.u32 $0x7, v3;
	v4 =	vand.u32 $0xFFFFFFE0, v53  }
0x67: {  	v3 =	vor.u32 v3, v4  }
0x68: {  	v4 =	vperm.xlane v3, v0;
	_ =	sdelay $0x1  }
0x69: {  	v4 =	vadd.s32 v1, v4;
	_ =	sdelay $0x1  }
0x6a: {  	v3 =	vperm.xlane v3, v2;
	_ =	sdelay $0x1  }
0x6b: {  	v3 =	vadd.s32 v1, v3  }
0x6c: {  	[tilespmem:s10], [sflag:$0x1] =	stream.indirect_vreg.gather [hbm4b:s3+s1], $0x80, v4, vm0, $0xb8;
	[tilespmem:$0x10080] =	vst v63  }
0x6d: {  	_ = 	snop  }
0x6e: {  	[tilespmem:s11], [sflag:$0x1] =	stream.indirect_vreg.gather [hbm4b:s4+s1], $0x80, v4, vm0, $0xb8;
	[tilespmem:$0x10080] =	vst v63  }
0x6f: {  	_ = 	snop  }
0x70: {  	[tilespmem:s12], [sflag:$0x1] =	stream.indirect_vreg.gather [hbm4b:s3+s1], $0x80, v3, vm0, $0xb8;
	[tilespmem:$0x10080] =	vst v63  }
0x71: {  	_ = 	snop  }
0x72: {  	[tilespmem:s13], [sflag:$0x1] =	stream.indirect_vreg.gather [hbm4b:s4+s1], $0x80, v3, vm0, $0xb8;
	[tilespmem:$0x10080] =	vst v63  }
0x73: {  	v3 =	vld [tilespmem:$0x60];
	_ =	sdelay $0x4  }
0x74: {  	v54 =	vshll.u32 v3, $0x2  }
0x75: {  	v3 =	vand.u32 $0x7, v3;
	v4 =	vand.u32 $0xFFFFFFE0, v54  }
0x76: {  	v3 =	vor.u32 v3, v4  }
0x77: {  	v4 =	vperm.xlane v3, v0;
	_ =	sdelay $0x1  }
0x78: {  	v4 =	vadd.s32 v1, v4;
	_ =	sdelay $0x1  }
0x79: {  	v3 =	vperm.xlane v3, v2;
	_ =	sdelay $0x1  }
0x7a: {  	v3 =	vadd.s32 v1, v3  }
0x7b: {  	[tilespmem:s7], [sflag:$0x1] =	stream.indirect_vreg.gather [hbm4b:s3+s1], $0x80, v4, vm0, $0xb8;
	[tilespmem:$0x10080] =	vst v63  }
0x7c: {  	s15 =	simm.s32 $0xC880  }
0x7d: {  	[tilespmem:s15], [sflag:$0x1] =	stream.indirect_vreg.gather [hbm4b:s4+s1], $0x80, v4, vm0, $0xb8;
	[tilespmem:$0x10080] =	vst v63  }
0x7e: {  	s15 =	simm.s32 $0xD080  }
0x7f: {  	[tilespmem:s15], [sflag:$0x1] =	stream.indirect_vreg.gather [hbm4b:s3+s1], $0x80, v3, vm0, $0xb8;
	[tilespmem:$0x10080] =	vst v63  }
0x80: {  	s15 =	simm.s32 $0xD880  }
0x81: {  	[tilespmem:s15], [sflag:$0x1] =	stream.indirect_vreg.gather [hbm4b:s4+s1], $0x80, v3, vm0, $0xb8;
	[tilespmem:$0x10080] =	vst v63  }
0x82: {  	v3 =	vld [tilespmem:$0x70];
	_ =	sdelay $0x4  }
0x83: {  	v55 =	vshll.u32 v3, $0x2  }
0x84: {  	v3 =	vand.u32 $0x7, v3;
	v4 =	vand.u32 $0xFFFFFFE0, v55  }
0x85: {  	v3 =	vor.u32 v3, v4  }
0x86: {  	v4 =	vperm.xlane v3, v0;
	_ =	sdelay $0x1  }
0x87: {  	v4 =	vadd.s32 v1, v4;
	_ =	sdelay $0x1  }
0x88: {  	v3 =	vperm.xlane v3, v2;
	_ =	sdelay $0x1  }
0x89: {  	s15 =	simm.s32 $0xE080;
	v3 =	vadd.s32 v1, v3  }
0x8a: {  	[tilespmem:s15], [sflag:$0x1] =	stream.indirect_vreg.gather [hbm4b:s3+s1], $0x80, v4, vm0, $0xb8;
	[tilespmem:$0x10080] =	vst v63  }
0x8b: {  	s15 =	simm.s32 $0xE880  }
0x8c: {  	[tilespmem:s15], [sflag:$0x1] =	stream.indirect_vreg.gather [hbm4b:s4+s1], $0x80, v4, vm0, $0xb8;
	[tilespmem:$0x10080] =	vst v63  }
0x8d: {  	s15 =	simm.s32 $0xF080  }
0x8e: {  	[tilespmem:s15], [sflag:$0x1] =	stream.indirect_vreg.gather [hbm4b:s3+s1], $0x80, v3, vm0, $0xb8;
	[tilespmem:$0x10080] =	vst v63  }
0x8f: {  	s15 =	simm.s32 $0xF880  }
0x90: {  	[tilespmem:s15], [sflag:$0x1] =	stream.indirect_vreg.gather [hbm4b:s4+s1], $0x80, v3, vm0, $0xb8;
	[tilespmem:$0x10080] =	vst v63  }
0x91: {  	_ =	swait.ge [sflag:s14], $0x10000  }
0x92: {  	[sflag:s14] =	ssyncset.done $0x0  }
0x93: {  	s0 =	simm.s32 $0x80;
	s15 =	rddreg [dreg:$0x3];
	[sflag:s14] =	ssyncadd.s32 $0xFFFF0000  }
0x94: {  	[hbm4b:s15+s1] =	stream.linear.scatter [tilespmem:s0], [sflag:$0x2], $0x10000, $0x38;
	[tilespmem:$0x10080] =	vst v63  }
0x95: {  	_ =	swait.ge [sflag:s6], $0x10000  }
0x96: {  	[sflag:s6] =	ssyncset.done $0x0  }
0x97: {  	s15 =	rddreg [dreg:$0x4];
	[sflag:s6] =	ssyncadd.s32 $0xFFFF0000  }
0x98: {  	[tilespmem:s1], [sflag:$0x2] =	stream.linear.gather [hbm4b:s15+s1], $0x80, $0x38;
	[tilespmem:$0x10080] =	vst v63  }
0x99: {  	_ =	swait.ge [sflag:s6], $0x80  }
0x9a: {  	[sflag:s6] =	ssyncset.done $0x0  }
0x9b: {  	[sflag:s6] =	ssyncadd.s32 $0xFFFFFF80  }
0x9c: {  	v3 =	vld [tilespmem:$0x0];
	_ =	sdelay $0x4  }
0x9d: {  	v56 =	vshll.u32 v3, $0x2  }
0x9e: {  	v3 =	vand.u32 $0x7, v3;
	v4 =	vand.u32 $0xFFFFFFE0, v56  }
0x9f: {  	v3 =	vor.u32 v3, v4  }
0xa0: {  	v4 =	vperm.xlane v3, v0;
	_ =	sdelay $0x1  }
0xa1: {  	v4 =	vadd.s32 v1, v4;
	_ =	sdelay $0x1  }
0xa2: {  	v3 =	vperm.xlane v3, v2;
	_ =	sdelay $0x1  }
0xa3: {  	v3 =	vadd.s32 v1, v3  }
0xa4: {  	[tilespmem:s0], [sflag:$0x1] =	stream.indirect_vreg.gather [hbm4b:s3+s1], $0x80, v4, vm0, $0xb8;
	[tilespmem:$0x10080] =	vst v63  }
0xa5: {  	_ = 	snop  }
0xa6: {  	[tilespmem:s16], [sflag:$0x1] =	stream.indirect_vreg.gather [hbm4b:s4+s1], $0x80, v4, vm0, $0xb8;
	[tilespmem:$0x10080] =	vst v63  }
0xa7: {  	_ = 	snop  }
0xa8: {  	[tilespmem:s17], [sflag:$0x1] =	stream.indirect_vreg.gather [hbm4b:s3+s1], $0x80, v3, vm0, $0xb8;
	[tilespmem:$0x10080] =	vst v63  }
0xa9: {  	_ = 	snop  }
0xaa: {  	[tilespmem:s18], [sflag:$0x1] =	stream.indirect_vreg.gather [hbm4b:s4+s1], $0x80, v3, vm0, $0xb8;
	[tilespmem:$0x10080] =	vst v63  }
0xab: {  	v3 =	vld [tilespmem:$0x10];
	_ =	sdelay $0x4  }
0xac: {  	v57 =	vshll.u32 v3, $0x2  }
0xad: {  	v3 =	vand.u32 $0x7, v3;
	v4 =	vand.u32 $0xFFFFFFE0, v57  }
0xae: {  	v3 =	vor.u32 v3, v4  }
0xaf: {  	v4 =	vperm.xlane v3, v0;
	_ =	sdelay $0x1  }
0xb0: {  	v4 =	vadd.s32 v1, v4;
	_ =	sdelay $0x1  }
0xb1: {  	v3 =	vperm.xlane v3, v2;
	_ =	sdelay $0x1  }
0xb2: {  	v3 =	vadd.s32 v1, v3  }
0xb3: {  	[tilespmem:s19], [sflag:$0x1] =	stream.indirect_vreg.gather [hbm4b:s3+s1], $0x80, v4, vm0, $0xb8;
	[tilespmem:$0x10080] =	vst v63  }
0xb4: {  	_ = 	snop  }
0xb5: {  	[tilespmem:s20], [sflag:$0x1] =	stream.indirect_vreg.gather [hbm4b:s4+s1], $0x80, v4, vm0, $0xb8;
	[tilespmem:$0x10080] =	vst v63  }
0xb6: {  	_ = 	snop  }
0xb7: {  	[tilespmem:s21], [sflag:$0x1] =	stream.indirect_vreg.gather [hbm4b:s3+s1], $0x80, v3, vm0, $0xb8;
	[tilespmem:$0x10080] =	vst v63  }
0xb8: {  	_ = 	snop  }
0xb9: {  	[tilespmem:s22], [sflag:$0x1] =	stream.indirect_vreg.gather [hbm4b:s4+s1], $0x80, v3, vm0, $0xb8;
	[tilespmem:$0x10080] =	vst v63  }
0xba: {  	v3 =	vld [tilespmem:$0x20];
	_ =	sdelay $0x4  }
0xbb: {  	v58 =	vshll.u32 v3, $0x2  }
0xbc: {  	v3 =	vand.u32 $0x7, v3;
	v4 =	vand.u32 $0xFFFFFFE0, v58  }
0xbd: {  	v3 =	vor.u32 v3, v4  }
0xbe: {  	v4 =	vperm.xlane v3, v0;
	_ =	sdelay $0x1  }
0xbf: {  	v4 =	vadd.s32 v1, v4;
	_ =	sdelay $0x1  }
0xc0: {  	v3 =	vperm.xlane v3, v2;
	_ =	sdelay $0x1  }
0xc1: {  	v3 =	vadd.s32 v1, v3  }
0xc2: {  	[tilespmem:s23], [sflag:$0x1] =	stream.indirect_vreg.gather [hbm4b:s3+s1], $0x80, v4, vm0, $0xb8;
	[tilespmem:$0x10080] =	vst v63  }
0xc3: {  	_ = 	snop  }
0xc4: {  	[tilespmem:s24], [sflag:$0x1] =	stream.indirect_vreg.gather [hbm4b:s4+s1], $0x80, v4, vm0, $0xb8;
	[tilespmem:$0x10080] =	vst v63  }
0xc5: {  	_ = 	snop  }
0xc6: {  	[tilespmem:s25], [sflag:$0x1] =	stream.indirect_vreg.gather [hbm4b:s3+s1], $0x80, v3, vm0, $0xb8;
	[tilespmem:$0x10080] =	vst v63  }
0xc7: {  	_ = 	snop  }
0xc8: {  	[tilespmem:s26], [sflag:$0x1] =	stream.indirect_vreg.gather [hbm4b:s4+s1], $0x80, v3, vm0, $0xb8;
	[tilespmem:$0x10080] =	vst v63  }
0xc9: {  	v3 =	vld [tilespmem:$0x30];
	_ =	sdelay $0x4  }
0xca: {  	v59 =	vshll.u32 v3, $0x2  }
0xcb: {  	v3 =	vand.u32 $0x7, v3;
	v4 =	vand.u32 $0xFFFFFFE0, v59  }
0xcc: {  	v3 =	vor.u32 v3, v4  }
0xcd: {  	v4 =	vperm.xlane v3, v0;
	_ =	sdelay $0x1  }
0xce: {  	v4 =	vadd.s32 v1, v4;
	_ =	sdelay $0x1  }
0xcf: {  	v3 =	vperm.xlane v3, v2;
	_ =	sdelay $0x1  }
0xd0: {  	v3 =	vadd.s32 v1, v3  }
0xd1: {  	[tilespmem:s28], [sflag:$0x1] =	stream.indirect_vreg.gather [hbm4b:s3+s1], $0x80, v4, vm0, $0xb8;
	[tilespmem:$0x10080] =	vst v63  }
0xd2: {  	_ = 	snop  }
0xd3: {  	[tilespmem:s29], [sflag:$0x1] =	stream.indirect_vreg.gather [hbm4b:s4+s1], $0x80, v4, vm0, $0xb8;
	[tilespmem:$0x10080] =	vst v63  }
0xd4: {  	_ = 	snop  }
0xd5: {  	[tilespmem:s30], [sflag:$0x1] =	stream.indirect_vreg.gather [hbm4b:s3+s1], $0x80, v3, vm0, $0xb8;
	[tilespmem:$0x10080] =	vst v63  }
0xd6: {  	_ = 	snop  }
0xd7: {  	[tilespmem:s31], [sflag:$0x1] =	stream.indirect_vreg.gather [hbm4b:s4+s1], $0x80, v3, vm0, $0xb8;
	[tilespmem:$0x10080] =	vst v63  }
0xd8: {  	v3 =	vld [tilespmem:$0x40];
	_ =	sdelay $0x4  }
0xd9: {  	v60 =	vshll.u32 v3, $0x2  }
0xda: {  	v3 =	vand.u32 $0x7, v3;
	v4 =	vand.u32 $0xFFFFFFE0, v60  }
0xdb: {  	v3 =	vor.u32 v3, v4  }
0xdc: {  	v4 =	vperm.xlane v3, v0;
	_ =	sdelay $0x1  }
0xdd: {  	v4 =	vadd.s32 v1, v4;
	_ =	sdelay $0x1  }
0xde: {  	v3 =	vperm.xlane v3, v2;
	_ =	sdelay $0x1  }
0xdf: {  	s15 =	simm.s32 $0x8080;
	v3 =	vadd.s32 v1, v3  }
0xe0: {  	[tilespmem:s15], [sflag:$0x1] =	stream.indirect_vreg.gather [hbm4b:s3+s1], $0x80, v4, vm0, $0xb8;
	[tilespmem:$0x10080] =	vst v63  }
0xe1: {  	_ = 	snop  }
0xe2: {  	[tilespmem:s2], [sflag:$0x1] =	stream.indirect_vreg.gather [hbm4b:s4+s1], $0x80, v4, vm0, $0xb8;
	[tilespmem:$0x10080] =	vst v63  }
0xe3: {  	_ = 	snop  }
0xe4: {  	[tilespmem:s8], [sflag:$0x1] =	stream.indirect_vreg.gather [hbm4b:s3+s1], $0x80, v3, vm0, $0xb8;
	[tilespmem:$0x10080] =	vst v63  }
0xe5: {  	_ = 	snop  }
0xe6: {  	[tilespmem:s9], [sflag:$0x1] =	stream.indirect_vreg.gather [hbm4b:s4+s1], $0x80, v3, vm0, $0xb8;
	[tilespmem:$0x10080] =	vst v63  }
0xe7: {  	v3 =	vld [tilespmem:$0x50];
	_ =	sdelay $0x4  }
0xe8: {  	v61 =	vshll.u32 v3, $0x2  }
0xe9: {  	v3 =	vand.u32 $0x7, v3;
	v4 =	vand.u32 $0xFFFFFFE0, v61  }
0xea: {  	v3 =	vor.u32 v3, v4  }
0xeb: {  	v4 =	vperm.xlane v3, v0;
	_ =	sdelay $0x1  }
0xec: {  	v4 =	vadd.s32 v1, v4;
	_ =	sdelay $0x1  }
0xed: {  	v3 =	vperm.xlane v3, v2;
	_ =	sdelay $0x1  }
0xee: {  	v3 =	vadd.s32 v1, v3  }
0xef: {  	[tilespmem:s10], [sflag:$0x1] =	stream.indirect_vreg.gather [hbm4b:s3+s1], $0x80, v4, vm0, $0xb8;
	[tilespmem:$0x10080] =	vst v63  }
0xf0: {  	_ = 	snop  }
0xf1: {  	[tilespmem:s11], [sflag:$0x1] =	stream.indirect_vreg.gather [hbm4b:s4+s1], $0x80, v4, vm0, $0xb8;
	[tilespmem:$0x10080] =	vst v63  }
0xf2: {  	_ = 	snop  }
0xf3: {  	[tilespmem:s12], [sflag:$0x1] =	stream.indirect_vreg.gather [hbm4b:s3+s1], $0x80, v3, vm0, $0xb8;
	[tilespmem:$0x10080] =	vst v63  }
0xf4: {  	_ = 	snop  }
0xf5: {  	[tilespmem:s13], [sflag:$0x1] =	stream.indirect_vreg.gather [hbm4b:s4+s1], $0x80, v3, vm0, $0xb8;
	[tilespmem:$0x10080] =	vst v63  }
0xf6: {  	v3 =	vld [tilespmem:$0x60];
	_ =	sdelay $0x4  }
0xf7: {  	v62 =	vshll.u32 v3, $0x2  }
0xf8: {  	v3 =	vand.u32 $0x7, v3;
	v4 =	vand.u32 $0xFFFFFFE0, v62  }
0xf9: {  	v3 =	vor.u32 v3, v4  }
0xfa: {  	v4 =	vperm.xlane v3, v0;
	_ =	sdelay $0x1  }
0xfb: {  	v4 =	vadd.s32 v1, v4;
	_ =	sdelay $0x1  }
0xfc: {  	v3 =	vperm.xlane v3, v2;
	_ =	sdelay $0x1  }
0xfd: {  	v3 =	vadd.s32 v1, v3  }
0xfe: {  	[tilespmem:s7], [sflag:$0x1] =	stream.indirect_vreg.gather [hbm4b:s3+s1], $0x80, v4, vm0, $0xb8;
	[tilespmem:$0x10080] =	vst v63  }
0xff: {  	s15 =	simm.s32 $0xC880  }
0x100: {  	[tilespmem:s15], [sflag:$0x1] =	stream.indirect_vreg.gather [hbm4b:s4+s1], $0x80, v4, vm0, $0xb8;
	[tilespmem:$0x10080] =	vst v63  }
0x101: {  	s15 =	simm.s32 $0xD080  }
0x102: {  	[tilespmem:s15], [sflag:$0x1] =	stream.indirect_vreg.gather [hbm4b:s3+s1], $0x80, v3, vm0, $0xb8;
	[tilespmem:$0x10080] =	vst v63  }
0x103: {  	s15 =	simm.s32 $0xD880  }
0x104: {  	[tilespmem:s15], [sflag:$0x1] =	stream.indirect_vreg.gather [hbm4b:s4+s1], $0x80, v3, vm0, $0xb8;
	[tilespmem:$0x10080] =	vst v63  }
0x105: {  	v3 =	vld [tilespmem:$0x70];
	_ =	sdelay $0x4  }
0x106: {  	v63 =	vshll.u32 v3, $0x2  }
0x107: {  	v3 =	vand.u32 $0x7, v3;
	v4 =	vand.u32 $0xFFFFFFE0, v63  }
0x108: {  	v3 =	vor.u32 v3, v4  }
0x109: {  	v4 =	vperm.xlane v3, v0;
	_ =	sdelay $0x1  }
0x10a: {  	v4 =	vadd.s32 v1, v4;
	_ =	sdelay $0x1  }
0x10b: {  	v3 =	vperm.xlane v3, v2;
	_ =	sdelay $0x1  }
0x10c: {  	s15 =	simm.s32 $0xE080;
	v3 =	vadd.s32 v1, v3  }
0x10d: {  	[tilespmem:s15], [sflag:$0x1] =	stream.indirect_vreg.gather [hbm4b:s3+s1], $0x80, v4, vm0, $0xb8;
	[tilespmem:$0x10080] =	vst v63  }
0x10e: {  	s15 =	simm.s32 $0xE880  }
0x10f: {  	[tilespmem:s15], [sflag:$0x1] =	stream.indirect_vreg.gather [hbm4b:s4+s1], $0x80, v4, vm0, $0xb8;
	[tilespmem:$0x10080] =	vst v63  }
0x110: {  	s15 =	simm.s32 $0xF080  }
0x111: {  	[tilespmem:s15], [sflag:$0x1] =	stream.indirect_vreg.gather [hbm4b:s3+s1], $0x80, v3, vm0, $0xb8;
	[tilespmem:$0x10080] =	vst v63  }
0x112: {  	s15 =	simm.s32 $0xF880  }
0x113: {  	[tilespmem:s15], [sflag:$0x1] =	stream.indirect_vreg.gather [hbm4b:s4+s1], $0x80, v3, vm0, $0xb8;
	[tilespmem:$0x10080] =	vst v63  }
0x114: {  	_ =	swait.ge [sflag:s14], $0x10000  }
0x115: {  	p0 =	sne.s32 s5, $0x1;
	s0 =	simm.s32 $0x80;
	[sflag:s14] =	ssyncset.done $0x0  }
.Ltmp0:
0x116: {  	s2 =	rddreg [dreg:$0x5];
	[sflag:s14] =	ssyncadd.s32 $0xFFFF0000;
	(pc) =	sbr.rel @p0 .LBB2_1-.Ltmp0, $4  }
0x117: {  	[hbm4b:s2+s1] =	stream.linear.scatter [tilespmem:s0], [sflag:$0x2], $0x10000, $0x38;
	[tilespmem:$0x10080] =	vst v63  }
0x118: {  	_ =	swait.ge [sflag:s6], $0x10000  }
0x119: {  	[sflag:s6] =	ssyncset.done $0x0  }
0x11a: {  	s5 =	sadd.s32 $0xFFFFFFFF, s5;
	[sflag:s6] =	ssyncadd.s32 $0xFFFF0000  }
0x11b: {  	_ =	sfence.sel $0x180000  }
0x11c: {  	[bflag:$0x0] =	sbarrier.arrive $0xFFFF  }
0x11d: {  	_ =	strace $0x90000050  }
0x11e: {  	s0 =	stileid.u32;
	[bflag:$0x2] =	sbarrier.arrive $0xFFFF  }
0x11f: {  	p0 =	sne.s32 s0, $0x0;
	s0 =	rddreg [dreg:$0x1]  }
0x120: {  	s0 =	sadd.s32 @!p0 $0x100000, s0  }
0x121: {  	[sflag:s0] =	ssyncadd.tile.s32 @!p0 $0x1;
	_ =	shalt  }
.Lfunc_end2:
_tile_overlayer_lowered:
.L_overlay_start_2:
0x122: {  	(tag) =	ssettag $0x2  }
0x123: {  	s0 =	rddreg [dreg:$0x0];
	s2 =	stileid.u32  }
0x124: {  	s1 =	rddreg [dreg:$0x1];
	p0 =	sne.s32 s2, $0x0  }
0x125: {  	s3 =	rddreg [dreg:$0x2];
	[bflag:$0x3] =	sbarrier.arrive $0xFFFF;
	s2 =	simm.s32 @!p0 $0x1C02  }
0x126: {  	[timem:s3], [sflag:s2] =	dma.local @!p0 [hbm:s0], s1  }
0x127: {  	s0 =	simm.s32 @!p0 $0x2  }
0x128: {  	_ =	swait.ge @!p0 [sflag:s0], s1  }
0x129: {  	s1 =	ssub.s32 @!p0 $0x0, s1;
	[sflag:s0] =	ssyncset.done @!p0 $0x0  }
0x12a: {  	[sflag:s0] =	ssyncadd.s32 @!p0 s1  }
0x12b: {  	[bflag:$0x3] =	sbarrier.arrive $0xFFFF  }
0x12c: {  	_ =	shalt  }

</sc_bundles>
